<compile_context>
chip_gen: v7x
topology: tpu7x:2x2x1
jax: 0.10.2.dev20260603
libtpu: 0.0.44.dev20260713+nightly
codegen_flags: <defaults>
</compile_context>

<pallas_src>
import functools

import jax
import jax.numpy as jnp
from jax import lax
from jax.experimental import pallas as pl
from jax.experimental.pallas import tpu as pltpu
from jax.experimental.pallas import tpu_sc as plsc

BATCH = 4
SEQ = 2048
DIM = 1024
LANES = 16
NUM_CORES = 2
NUM_SUBCORES = 16
NW = NUM_CORES * NUM_SUBCORES
SEQ_PER_W = SEQ // NW
POS_PASS = 32
XCHUNK = 16
NBUF = 2
CHUNKS_PER_PASS = BATCH * (POS_PASS // XCHUNK)
N_OUTER = CHUNKS_PER_PASS // NBUF
VECS_PER_ROW = DIM // LANES


def _sc_add_kernel(x_hbm, pos_hbm, out_hbm, pos_v,
                   ib0, ib1, ob0, ob1, is0, is1, os0, os1):
    in_bufs = [ib0, ib1]
    out_bufs = [ob0, ob1]
    in_sems = [is0, is1]
    out_sems = [os0, os1]
    wid = lax.axis_index("s") * NUM_CORES + lax.axis_index("c")
    base = wid * SEQ_PER_W

    for p in range(SEQ_PER_W // POS_PASS):
        pbase = base + p * POS_PASS
        pltpu.sync_copy(pos_hbm.at[pl.ds(pbase, POS_PASS)], pos_v)

        def row0_of(t):
            b = t // (POS_PASS // XCHUNK)
            c = t % (POS_PASS // XCHUNK)
            return b * SEQ + pbase + c * XCHUNK

        for i in range(NBUF):
            pltpu.make_async_copy(
                x_hbm.at[pl.ds(row0_of(i), XCHUNK)], in_bufs[i], in_sems[i]
            ).start()

        def outer(o, carry):
            for i in range(NBUF):
                t = o * NBUF + i
                r0 = row0_of(t)
                pltpu.make_async_copy(
                    x_hbm.at[pl.ds(r0, XCHUNK)], in_bufs[i], in_sems[i]
                ).wait()

                @pl.when(t >= NBUF)
                def _():
                    pltpu.make_async_copy(
                        out_bufs[i], out_hbm.at[pl.ds(r0, XCHUNK)], out_sems[i]
                    ).wait()

                coff = (t % (POS_PASS // XCHUNK)) * XCHUNK

                def row_body(r, rc, i=i, coff=coff):
                    for j in range(VECS_PER_ROW):
                        sl = pl.ds(j * LANES, LANES)
                        out_bufs[i][r, sl] = in_bufs[i][r, sl] + pos_v[coff + r, sl]
                    return rc

                lax.fori_loop(0, XCHUNK, row_body, 0)
                pltpu.make_async_copy(
                    out_bufs[i], out_hbm.at[pl.ds(r0, XCHUNK)], out_sems[i]
                ).start()

                nt = t + NBUF

                @pl.when(nt < CHUNKS_PER_PASS)
                def _():
                    pltpu.make_async_copy(
                        x_hbm.at[pl.ds(row0_of(nt), XCHUNK)], in_bufs[i], in_sems[i]
                    ).start()

            return carry

        lax.fori_loop(0, N_OUTER, outer, 0)

        for i in range(NBUF):
            t = CHUNKS_PER_PASS - NBUF + i
            pltpu.make_async_copy(
                out_bufs[i], out_hbm.at[pl.ds(row0_of(t), XCHUNK)], out_sems[i]
            ).wait()


def kernel(x, pos_table):
    batch, seq_len, dim = x.shape
    x2 = x.reshape(batch * seq_len, dim)
    run = functools.partial(
        pl.kernel,
        mesh=plsc.VectorSubcoreMesh(core_axis_name="c", subcore_axis_name="s"),
        out_type=jax.ShapeDtypeStruct((batch * seq_len, dim), x.dtype),
        scratch_types=[
            pltpu.VMEM((POS_PASS, DIM), jnp.float32),
            pltpu.VMEM((XCHUNK, DIM), jnp.float32),
            pltpu.VMEM((XCHUNK, DIM), jnp.float32),
            pltpu.VMEM((XCHUNK, DIM), jnp.float32),
            pltpu.VMEM((XCHUNK, DIM), jnp.float32),
            pltpu.SemaphoreType.DMA,
            pltpu.SemaphoreType.DMA,
            pltpu.SemaphoreType.DMA,
            pltpu.SemaphoreType.DMA,
        ],
    )(_sc_add_kernel)
    out2 = run(x2, pos_table[:seq_len])
    return out2.reshape(batch, seq_len, dim)

# --- scband reference (transcript-rebuilt; emitter-appended) ---
"""Pipeline reference for scband-learnable-positional-embedding-10788957847622 (READ-ONLY COPY).

The authoritative reference and input builder live on the scoring server;
editing this copy changes nothing except your own understanding.
"""

import jax, jax.numpy as jnp
import numpy as np

DIM_MODEL = 1024
MAX_LEN = 2048
BATCH = 4
SEQ_LEN = 2048

def setup_inputs(seed: int = 0) -> dict:
    key = jax.random.key(seed)
    k1, k2 = jax.random.split(key)
    x = jax.random.normal(k1, (BATCH, SEQ_LEN, DIM_MODEL), dtype=jnp.float32)
    pos_table = jax.random.normal(k2, (MAX_LEN, DIM_MODEL), dtype=jnp.float32)
    return {"x": x, "pos_table": pos_table}

def reference(x, pos_table):
    # x.ndim == 3, so no unsqueeze needed (torch unsqueezes only for 2D input)
    positions = jnp.arange(x.shape[1])
    positions = jnp.broadcast_to(positions[None, :], (x.shape[0], x.shape[1]))
    positional_encodings = jnp.take(pos_table, positions, axis=0)
    return x + positional_encodings

if __name__ == "__main__":
    import jax
    _d = setup_inputs()
    print(jax.jit(kernel)(*tuple(_d.values())))

</pallas_src>

<mosaic_0001>
#map = affine_map<(d0, d1) -> (0, 0)>
module attributes {stable_mosaic.version = 14 : i64} {
  func.func @_sc_add_kernel(%arg0: i32, %arg1: i32, %arg2: memref<8192x1024xf32, #tpu.memory_space<hbm>>, %arg3: memref<2048x1024xf32, #tpu.memory_space<hbm>>, %arg4: memref<8192x1024xf32, #tpu.memory_space<hbm>>, %arg5: memref<32x1024xf32, #tpu.memory_space<vmem>>, %arg6: memref<16x1024xf32, #tpu.memory_space<vmem>>, %arg7: memref<16x1024xf32, #tpu.memory_space<vmem>>, %arg8: memref<16x1024xf32, #tpu.memory_space<vmem>>, %arg9: memref<16x1024xf32, #tpu.memory_space<vmem>>, %arg10: memref<!tpu.dma_semaphore, #tpu.memory_space<semaphore_mem>>, %arg11: memref<!tpu.dma_semaphore, #tpu.memory_space<semaphore_mem>>, %arg12: memref<!tpu.dma_semaphore, #tpu.memory_space<semaphore_mem>>, %arg13: memref<!tpu.dma_semaphore, #tpu.memory_space<semaphore_mem>>) attributes {dimension_semantics = [#tpu.dimension_semantics<core_parallel>, #tpu.dimension_semantics<subcore_parallel>], iteration_bounds = array<i64: 2, 16>, scalar_prefetch = 0 : i64, scratch_operands = 9 : i64, tpu.core_type = #tpu.core_type<sc_vector_subcore>, window_params = [{transform_indices = #map}, {transform_indices = #map}, {transform_indices = #map}]} {
    %mul3A = arith.constant 2 : i32
    %mul3A_0 = arith.muli %arg1, %mul3A : i32
    %add3A = arith.addi %mul3A_0, %arg0 : i32
    %mul3A_1 = arith.constant 64 : i32
    %mul3A_2 = arith.muli %add3A, %mul3A_1 : i32
    %add3A_3 = arith.constant 0 : i32
    %add3A_4 = arith.addi %mul3A_2, %add3A_3 : i32
    "tpu.region"() ({
      %run_scoped3A = tpu.sem_alloc : memref<!tpu.dma_semaphore, #tpu.memory_space<semaphore_mem>>
      %dma_start3A_80 = arith.constant 0 : i32
      %dma_start3A_81 = tpu.memref_slice %arg3[%add3A_4, %dma_start3A_80] : memref<2048x1024xf32, #tpu.memory_space<hbm>> -> memref<32x1024xf32, #tpu.memory_space<hbm>>
      %dma_start3A_82 = arith.constant 0 : i32
      %dma_start3A_83 = tpu.memref_slice %arg3[%add3A_4, %dma_start3A_82] : memref<2048x1024xf32, #tpu.memory_space<hbm>> -> memref<32x1024xf32, #tpu.memory_space<hbm>>
      tpu.enqueue_dma source(%dma_start3A_83 : memref<32x1024xf32, #tpu.memory_space<hbm>>) target(%arg5 : memref<32x1024xf32, #tpu.memory_space<vmem>>) target_semaphore(%run_scoped3A : memref<!tpu.dma_semaphore, #tpu.memory_space<semaphore_mem>>)
      %dma_wait3A_84 = arith.constant 0 : i32
      %dma_wait3A_85 = tpu.memref_slice %arg3[%add3A_4, %dma_wait3A_84] : memref<2048x1024xf32, #tpu.memory_space<hbm>> -> memref<32x1024xf32, #tpu.memory_space<hbm>>
      %dma_wait3A_86 = arith.constant 0 : i32
      %dma_wait3A_87 = tpu.memref_slice %arg3[%add3A_4, %dma_wait3A_86] : memref<2048x1024xf32, #tpu.memory_space<hbm>> -> memref<32x1024xf32, #tpu.memory_space<hbm>>
      tpu.wait_dma2 semaphore(%run_scoped3A : memref<!tpu.dma_semaphore, #tpu.memory_space<semaphore_mem>>) src(%dma_wait3A_87 : memref<32x1024xf32, #tpu.memory_space<hbm>>) dst(%arg5 : memref<32x1024xf32, #tpu.memory_space<vmem>>)
      tpu.yield
    }) : () -> ()
    %add3A_5 = arith.constant 0 : i32
    %add3A_6 = arith.addi %add3A_5, %add3A_4 : i32
    %add3A_7 = arith.constant 0 : i32
    %add3A_8 = arith.addi %add3A_6, %add3A_7 : i32
    %dma_start3A = arith.constant 0 : i32
    %dma_start3A_9 = tpu.memref_slice %arg2[%add3A_8, %dma_start3A] : memref<8192x1024xf32, #tpu.memory_space<hbm>> -> memref<16x1024xf32, #tpu.memory_space<hbm>>
    %dma_start3A_10 = arith.constant 0 : i32
    %dma_start3A_11 = tpu.memref_slice %arg2[%add3A_8, %dma_start3A_10] : memref<8192x1024xf32, #tpu.memory_space<hbm>> -> memref<16x1024xf32, #tpu.memory_space<hbm>>
    tpu.enqueue_dma source(%dma_start3A_11 : memref<16x1024xf32, #tpu.memory_space<hbm>>) target(%arg6 : memref<16x1024xf32, #tpu.memory_space<vmem>>) target_semaphore(%arg10 : memref<!tpu.dma_semaphore, #tpu.memory_space<semaphore_mem>>)
    %add3A_12 = arith.constant 0 : i32
    %add3A_13 = arith.addi %add3A_12, %add3A_4 : i32
    %add3A_14 = arith.constant 16 : i32
    %add3A_15 = arith.addi %add3A_13, %add3A_14 : i32
    %dma_start3A_16 = arith.constant 0 : i32
    %dma_start3A_17 = tpu.memref_slice %arg2[%add3A_15, %dma_start3A_16] : memref<8192x1024xf32, #tpu.memory_space<hbm>> -> memref<16x1024xf32, #tpu.memory_space<hbm>>
    %dma_start3A_18 = arith.constant 0 : i32
    %dma_start3A_19 = tpu.memref_slice %arg2[%add3A_15, %dma_start3A_18] : memref<8192x1024xf32, #tpu.memory_space<hbm>> -> memref<16x1024xf32, #tpu.memory_space<hbm>>
    tpu.enqueue_dma source(%dma_start3A_19 : memref<16x1024xf32, #tpu.memory_space<hbm>>) target(%arg7 : memref<16x1024xf32, #tpu.memory_space<vmem>>) target_semaphore(%arg11 : memref<!tpu.dma_semaphore, #tpu.memory_space<semaphore_mem>>)
    %scan3A = arith.constant 0 : i32
    %scan3A_20 = arith.constant 0 : i32
    %scan3A_21 = arith.constant 4 : i32
    %scan3A_22 = arith.addi %scan3A_20, %scan3A_21 : i32
    %scan3A_23 = arith.constant 1 : i32
    scf.for %scan3A_80 = %scan3A_20 to %scan3A_22 step %scan3A_23  : i32 {
      %mul3A_81 = arith.constant 2 : i32
      %mul3A_82 = arith.muli %scan3A_80, %mul3A_81 : i32
      %add3A_83 = arith.constant 0 : i32
      %add3A_84 = arith.addi %mul3A_82, %add3A_83 : i32
      %jit3A = arith.constant 2 : i32
      %div3A = arith.divsi %add3A_84, %jit3A : i32
      %sign3A = arith.constant 0 : i32
      %sign3A_85 = arith.cmpi sgt, %add3A_84, %sign3A : i32
      %sign3A_86 = arith.extui %sign3A_85 : i1 to i32
      %sign3A_87 = arith.constant 0 : i32
      %sign3A_88 = arith.cmpi slt, %add3A_84, %sign3A_87 : i32
      %sign3A_89 = arith.extui %sign3A_88 : i1 to i32
      %sign3A_90 = arith.subi %sign3A_86, %sign3A_89 : i32
      %sign3A_91 = arith.constant 0 : i32
      %sign3A_92 = arith.cmpi sgt, %jit3A, %sign3A_91 : i32
      %sign3A_93 = arith.extui %sign3A_92 : i1 to i32
      %sign3A_94 = arith.constant 0 : i32
      %sign3A_95 = arith.cmpi slt, %jit3A, %sign3A_94 : i32
      %sign3A_96 = arith.extui %sign3A_95 : i1 to i32
      %sign3A_97 = arith.subi %sign3A_93, %sign3A_96 : i32
      %ne3A = arith.cmpi ne, %sign3A_90, %sign3A_97 : i32
      %rem3A = arith.remsi %add3A_84, %jit3A : i32
      %ne3A_98 = arith.constant 0 : i32
      %ne3A_99 = arith.cmpi ne, %rem3A, %ne3A_98 : i32
      %and3A = arith.andi %ne3A, %ne3A_99 : i1
      %sub3A = arith.constant 1 : i32
      %sub3A_100 = arith.subi %div3A, %sub3A : i32
      %select_n3A = arith.select %and3A, %sub3A_100, %div3A : i32
      %jit3A_101 = arith.constant 2 : i32
      %eq3A = arith.constant 0 : i32
      %eq3A_102 = arith.cmpi eq, %jit3A_101, %eq3A : i32
      %jit3A_103 = arith.constant 1 : i32
      %select_n3A_104 = arith.select %eq3A_102, %jit3A_103, %jit3A_101 : i32
      %rem3A_105 = arith.remsi %add3A_84, %select_n3A_104 : i32
      %ne3A_106 = arith.constant 0 : i32
      %ne3A_107 = arith.cmpi ne, %rem3A_105, %ne3A_106 : i32
      %lt3A = arith.constant 0 : i32
      %lt3A_108 = arith.cmpi slt, %rem3A_105, %lt3A : i32
      %lt3A_109 = arith.constant 0 : i32
      %lt3A_110 = arith.cmpi slt, %select_n3A_104, %lt3A_109 : i32
      %ne3A_111 = arith.xori %lt3A_108, %lt3A_110 : i1
      %and3A_112 = arith.andi %ne3A_111, %ne3A_107 : i1
      %add3A_113 = arith.addi %rem3A_105, %select_n3A_104 : i32
      %select_n3A_114 = arith.select %and3A_112, %add3A_113, %rem3A_105 : i32
      %mul3A_115 = arith.constant 2048 : i32
      %mul3A_116 = arith.muli %select_n3A, %mul3A_115 : i32
      %add3A_117 = arith.addi %mul3A_116, %add3A_4 : i32
      %mul3A_118 = arith.constant 16 : i32
      %mul3A_119 = arith.muli %select_n3A_114, %mul3A_118 : i32
      %add3A_120 = arith.addi %add3A_117, %mul3A_119 : i32
      %dma_wait3A_121 = arith.constant 0 : i32
      %dma_wait3A_122 = tpu.memref_slice %arg2[%add3A_120, %dma_wait3A_121] : memref<8192x1024xf32, #tpu.memory_space<hbm>> -> memref<16x1024xf32, #tpu.memory_space<hbm>>
      %dma_wait3A_123 = arith.constant 0 : i32
      %dma_wait3A_124 = tpu.memref_slice %arg2[%add3A_120, %dma_wait3A_123] : memref<8192x1024xf32, #tpu.memory_space<hbm>> -> memref<16x1024xf32, #tpu.memory_space<hbm>>
      tpu.wait_dma2 semaphore(%arg10 : memref<!tpu.dma_semaphore, #tpu.memory_space<semaphore_mem>>) src(%dma_wait3A_124 : memref<16x1024xf32, #tpu.memory_space<hbm>>) dst(%arg6 : memref<16x1024xf32, #tpu.memory_space<vmem>>)
      %ge3A = arith.constant 2 : i32
      %ge3A_125 = arith.cmpi sge, %add3A_84, %ge3A : i32
      %convert_element_type3A = arith.extui %ge3A_125 : i1 to i32
      %cond3A = arith.constant 0 : i32
      %cond3A_126 = arith.cmpi ne, %convert_element_type3A, %cond3A : i32
      scf.if %cond3A_126 {
        %dma_wait3A_256 = arith.constant 0 : i32
        %dma_wait3A_257 = tpu.memref_slice %arg4[%add3A_120, %dma_wait3A_256] : memref<8192x1024xf32, #tpu.memory_space<hbm>> -> memref<16x1024xf32, #tpu.memory_space<hbm>>
        %dma_wait3A_258 = arith.constant 0 : i32
        %dma_wait3A_259 = tpu.memref_slice %arg4[%add3A_120, %dma_wait3A_258] : memref<8192x1024xf32, #tpu.memory_space<hbm>> -> memref<16x1024xf32, #tpu.memory_space<hbm>>
        tpu.wait_dma2 semaphore(%arg12 : memref<!tpu.dma_semaphore, #tpu.memory_space<semaphore_mem>>) src(%arg8 : memref<16x1024xf32, #tpu.memory_space<vmem>>) dst(%dma_wait3A_259 : memref<16x1024xf32, #tpu.memory_space<hbm>>)
      } else {
      }
      %jit3A_127 = arith.constant 2 : i32
      %eq3A_128 = arith.constant 0 : i32
      %eq3A_129 = arith.cmpi eq, %jit3A_127, %eq3A_128 : i32
      %jit3A_130 = arith.constant 1 : i32
      %select_n3A_131 = arith.select %eq3A_129, %jit3A_130, %jit3A_127 : i32
      %rem3A_132 = arith.remsi %add3A_84, %select_n3A_131 : i32
      %ne3A_133 = arith.constant 0 : i32
      %ne3A_134 = arith.cmpi ne, %rem3A_132, %ne3A_133 : i32
      %lt3A_135 = arith.constant 0 : i32
      %lt3A_136 = arith.cmpi slt, %rem3A_132, %lt3A_135 : i32
      %lt3A_137 = arith.constant 0 : i32
      %lt3A_138 = arith.cmpi slt, %select_n3A_131, %lt3A_137 : i32
      %ne3A_139 = arith.xori %lt3A_136, %lt3A_138 : i1
      %and3A_140 = arith.andi %ne3A_139, %ne3A_134 : i1
      %add3A_141 = arith.addi %rem3A_132, %select_n3A_131 : i32
      %select_n3A_142 = arith.select %and3A_140, %add3A_141, %rem3A_132 : i32
      %mul3A_143 = arith.constant 16 : i32
      %mul3A_144 = arith.muli %select_n3A_142, %mul3A_143 : i32
      %scan3A_145 = arith.constant 0 : i32
      %scan3A_146 = arith.constant 0 : i32
      %scan3A_147 = arith.constant 16 : i32
      %scan3A_148 = arith.addi %scan3A_146, %scan3A_147 : i32
      %scan3A_149 = arith.constant 1 : i32
      scf.for %scan3A_256 = %scan3A_146 to %scan3A_148 step %scan3A_149  : i32 {
        %get3A = arith.index_cast %scan3A_256 : i32 to index
        %get3A_257 = arith.constant 0 : index
        %get3A_258 = tpu.vector_load %arg6[%get3A, %get3A_257] {strides = array<i32>} : memref<16x1024xf32, #tpu.memory_space<vmem>>, vector<1x16xf32>,
        %get3A_259 = vector.shape_cast %get3A_258 : vector<1x16xf32> to vector<16xf32>
        %add3A_260 = arith.addi %mul3A_144, %scan3A_256 : i32
        %get3A_261 = arith.index_cast %add3A_260 : i32 to index
        %get3A_262 = arith.constant 0 : index
        %get3A_263 = tpu.vector_load %arg5[%get3A_261, %get3A_262] {strides = array<i32>} : memref<32x1024xf32, #tpu.memory_space<vmem>>, vector<1x16xf32>,
        %get3A_264 = vector.shape_cast %get3A_263 : vector<1x16xf32> to vector<16xf32>
        %add3A_265 = arith.addf %get3A_259, %get3A_264 : vector<16xf32>
        %swap3A = arith.index_cast %scan3A_256 : i32 to index
        %swap3A_266 = arith.constant 0 : index
        %swap3A_267 = tpu.vector_load %arg8[%swap3A, %swap3A_266] {strides = array<i32>} : memref<16x1024xf32, #tpu.memory_space<vmem>>, vector<1x16xf32>,
        %swap3A_268 = vector.shape_cast %swap3A_267 : vector<1x16xf32> to vector<16xf32>
        %swap3A_269 = vector.shape_cast %add3A_265 : vector<16xf32> to vector<1x16xf32>
        tpu.vector_store %arg8[%swap3A, %swap3A_266], %swap3A_269 {strides = array<i32>} : memref<16x1024xf32, #tpu.memory_space<vmem>>, vector<1x16xf32>,
        %get3A_270 = arith.index_cast %scan3A_256 : i32 to index
        %get3A_271 = arith.constant 16 : index
        %get3A_272 = tpu.vector_load %arg6[%get3A_270, %get3A_271] {strides = array<i32>} : memref<16x1024xf32, #tpu.memory_space<vmem>>, vector<1x16xf32>,
        %get3A_273 = vector.shape_cast %get3A_272 : vector<1x16xf32> to vector<16xf32>
        %add3A_274 = arith.addi %mul3A_144, %scan3A_256 : i32
        %get3A_275 = arith.index_cast %add3A_274 : i32 to index
        %get3A_276 = arith.constant 16 : index
        %get3A_277 = tpu.vector_load %arg5[%get3A_275, %get3A_276] {strides = array<i32>} : memref<32x1024xf32, #tpu.memory_space<vmem>>, vector<1x16xf32>,
        %get3A_278 = vector.shape_cast %get3A_277 : vector<1x16xf32> to vector<16xf32>
        %add3A_279 = arith.addf %get3A_273, %get3A_278 : vector<16xf32>
        %swap3A_280 = arith.index_cast %scan3A_256 : i32 to index
        %swap3A_281 = arith.constant 16 : index
        %swap3A_282 = tpu.vector_load %arg8[%swap3A_280, %swap3A_281] {strides = array<i32>} : memref<16x1024xf32, #tpu.memory_space<vmem>>, vector<1x16xf32>,
        %swap3A_283 = vector.shape_cast %swap3A_282 : vector<1x16xf32> to vector<16xf32>
        %swap3A_284 = vector.shape_cast %add3A_279 : vector<16xf32> to vector<1x16xf32>
        tpu.vector_store %arg8[%swap3A_280, %swap3A_281], %swap3A_284 {strides = array<i32>} : memref<16x1024xf32, #tpu.memory_space<vmem>>, vector<1x16xf32>,
        %get3A_285 = arith.index_cast %scan3A_256 : i32 to index
        %get3A_286 = arith.constant 32 : index
        %get3A_287 = tpu.vector_load %arg6[%get3A_285, %get3A_286] {strides = array<i32>} : memref<16x1024xf32, #tpu.memory_space<vmem>>, vector<1x16xf32>,
        %get3A_288 = vector.shape_cast %get3A_287 : vector<1x16xf32> to vector<16xf32>
        %add3A_289 = arith.addi %mul3A_144, %scan3A_256 : i32
        %get3A_290 = arith.index_cast %add3A_289 : i32 to index
        %get3A_291 = arith.constant 32 : index
        %get3A_292 = tpu.vector_load %arg5[%get3A_290, %get3A_291] {strides = array<i32>} : memref<32x1024xf32, #tpu.memory_space<vmem>>, vector<1x16xf32>,
        %get3A_293 = vector.shape_cast %get3A_292 : vector<1x16xf32> to vector<16xf32>
        %add3A_294 = arith.addf %get3A_288, %get3A_293 : vector<16xf32>
        %swap3A_295 = arith.index_cast %scan3A_256 : i32 to index
        %swap3A_296 = arith.constant 32 : index
        %swap3A_297 = tpu.vector_load %arg8[%swap3A_295, %swap3A_296] {strides = array<i32>} : memref<16x1024xf32, #tpu.memory_space<vmem>>, vector<1x16xf32>,
        %swap3A_298 = vector.shape_cast %swap3A_297 : vector<1x16xf32> to vector<16xf32>
        %swap3A_299 = vector.shape_cast %add3A_294 : vector<16xf32> to vector<1x16xf32>
        tpu.vector_store %arg8[%swap3A_295, %swap3A_296], %swap3A_299 {strides = array<i32>} : memref<16x1024xf32, #tpu.memory_space<vmem>>, vector<1x16xf32>,
        %get3A_300 = arith.index_cast %scan3A_256 : i32 to index
        %get3A_301 = arith.constant 48 : index
        %get3A_302 = tpu.vector_load %arg6[%get3A_300, %get3A_301] {strides = array<i32>} : memref<16x1024xf32, #tpu.memory_space<vmem>>, vector<1x16xf32>,
        %get3A_303 = vector.shape_cast %get3A_302 : vector<1x16xf32> to vector<16xf32>
        %add3A_304 = arith.addi %mul3A_144, %scan3A_256 : i32
        %get3A_305 = arith.index_cast %add3A_304 : i32 to index
        %get3A_306 = arith.constant 48 : index
        %get3A_307 = tpu.vector_load %arg5[%get3A_305, %get3A_306] {strides = array<i32>} : memref<32x1024xf32, #tpu.memory_space<vmem>>, vector<1x16xf32>,
        %get3A_308 = vector.shape_cast %get3A_307 : vector<1x16xf32> to vector<16xf32>
        %add3A_309 = arith.addf %get3A_303, %get3A_308 : vector<16xf32>
        %swap3A_310 = arith.index_cast %scan3A_256 : i32 to index
        %swap3A_311 = arith.constant 48 : index
        %swap3A_312 = tpu.vector_load %arg8[%swap3A_310, %swap3A_311] {strides = array<i32>} : memref<16x1024xf32, #tpu.memory_space<vmem>>, vector<1x16xf32>,
        %swap3A_313 = vector.shape_cast %swap3A_312 : vector<1x16xf32> to vector<16xf32>
        %swap3A_314 = vector.shape_cast %add3A_309 : vector<16xf32> to vector<1x16xf32>
        tpu.vector_store %arg8[%swap3A_310, %swap3A_311], %swap3A_314 {strides = array<i32>} : memref<16x1024xf32, #tpu.memory_space<vmem>>, vector<1x16xf32>,
        %get3A_315 = arith.index_cast %scan3A_256 : i32 to index
        %get3A_316 = arith.constant 64 : index
        %get3A_317 = tpu.vector_load %arg6[%get3A_315, %get3A_316] {strides = array<i32>} : memref<16x1024xf32, #tpu.memory_space<vmem>>, vector<1x16xf32>,
        %get3A_318 = vector.shape_cast %get3A_317 : vector<1x16xf32> to vector<16xf32>
        %add3A_319 = arith.addi %mul3A_144, %scan3A_256 : i32
        %get3A_320 = arith.index_cast %add3A_319 : i32 to index
        %get3A_321 = arith.constant 64 : index
        %get3A_322 = tpu.vector_load %arg5[%get3A_320, %get3A_321] {strides = array<i32>} : memref<32x1024xf32, #tpu.memory_space<vmem>>, vector<1x16xf32>,
        %get3A_323 = vector.shape_cast %get3A_322 : vector<1x16xf32> to vector<16xf32>
        %add3A_324 = arith.addf %get3A_318, %get3A_323 : vector<16xf32>
        %swap3A_325 = arith.index_cast %scan3A_256 : i32 to index
        %swap3A_326 = arith.constant 64 : index
        %swap3A_327 = tpu.vector_load %arg8[%swap3A_325, %swap3A_326] {strides = array<i32>} : memref<16x1024xf32, #tpu.memory_space<vmem>>, vector<1x16xf32>,
        %swap3A_328 = vector.shape_cast %swap3A_327 : vector<1x16xf32> to vector<16xf32>
        %swap3A_329 = vector.shape_cast %add3A_324 : vector<16xf32> to vector<1x16xf32>
        tpu.vector_store %arg8[%swap3A_325, %swap3A_326], %swap3A_329 {strides = array<i32>} : memref<16x1024xf32, #tpu.memory_space<vmem>>, vector<1x16xf32>,
        %get3A_330 = arith.index_cast %scan3A_256 : i32 to index
        %get3A_331 = arith.constant 80 : index
        %get3A_332 = tpu.vector_load %arg6[%get3A_330, %get3A_331] {strides = array<i32>} : memref<16x1024xf32, #tpu.memory_space<vmem>>, vector<1x16xf32>,
        %get3A_333 = vector.shape_cast %get3A_332 : vector<1x16xf32> to vector<16xf32>
        %add3A_334 = arith.addi %mul3A_144, %scan3A_256 : i32
        %get3A_335 = arith.index_cast %add3A_334 : i32 to index
        %get3A_336 = arith.constant 80 : index
        %get3A_337 = tpu.vector_load %arg5[%get3A_335, %get3A_336] {strides = array<i32>} : memref<32x1024xf32, #tpu.memory_space<vmem>>, vector<1x16xf32>,
        %get3A_338 = vector.shape_cast %get3A_337 : vector<1x16xf32> to vector<16xf32>
        %add3A_339 = arith.addf %get3A_333, %get3A_338 : vector<16xf32>
        %swap3A_340 = arith.index_cast %scan3A_256 : i32 to index
        %swap3A_341 = arith.constant 80 : index
        %swap3A_342 = tpu.vector_load %arg8[%swap3A_340, %swap3A_341] {strides = array<i32>} : memref<16x1024xf32, #tpu.memory_space<vmem>>, vector<1x16xf32>,
        %swap3A_343 = vector.shape_cast %swap3A_342 : vector<1x16xf32> to vector<16xf32>
        %swap3A_344 = vector.shape_cast %add3A_339 : vector<16xf32> to vector<1x16xf32>
        tpu.vector_store %arg8[%swap3A_340, %swap3A_341], %swap3A_344 {strides = array<i32>} : memref<16x1024xf32, #tpu.memory_space<vmem>>, vector<1x16xf32>,
        %get3A_345 = arith.index_cast %scan3A_256 : i32 to index
        %get3A_346 = arith.constant 96 : index
        %get3A_347 = tpu.vector_load %arg6[%get3A_345, %get3A_346] {strides = array<i32>} : memref<16x1024xf32, #tpu.memory_space<vmem>>, vector<1x16xf32>,
        %get3A_348 = vector.shape_cast %get3A_347 : vector<1x16xf32> to vector<16xf32>
        %add3A_349 = arith.addi %mul3A_144, %scan3A_256 : i32
        %get3A_350 = arith.index_cast %add3A_349 : i32 to index
        %get3A_351 = arith.constant 96 : index
        %get3A_352 = tpu.vector_load %arg5[%get3A_350, %get3A_351] {strides = array<i32>} : memref<32x1024xf32, #tpu.memory_space<vmem>>, vector<1x16xf32>,
        %get3A_353 = vector.shape_cast %get3A_352 : vector<1x16xf32> to vector<16xf32>
        %add3A_354 = arith.addf %get3A_348, %get3A_353 : vector<16xf32>
        %swap3A_355 = arith.index_cast %scan3A_256 : i32 to index
        %swap3A_356 = arith.constant 96 : index
        %swap3A_357 = tpu.vector_load %arg8[%swap3A_355, %swap3A_356] {strides = array<i32>} : memref<16x1024xf32, #tpu.memory_space<vmem>>, vector<1x16xf32>,
        %swap3A_358 = vector.shape_cast %swap3A_357 : vector<1x16xf32> to vector<16xf32>
        %swap3A_359 = vector.shape_cast %add3A_354 : vector<16xf32> to vector<1x16xf32>
        tpu.vector_store %arg8[%swap3A_355, %swap3A_356], %swap3A_359 {strides = array<i32>} : memref<16x1024xf32, #tpu.memory_space<vmem>>, vector<1x16xf32>,
        %get3A_360 = arith.index_cast %scan3A_256 : i32 to index
        %get3A_361 = arith.constant 112 : index
        %get3A_362 = tpu.vector_load %arg6[%get3A_360, %get3A_361] {strides = array<i32>} : memref<16x1024xf32, #tpu.memory_space<vmem>>, vector<1x16xf32>,
        %get3A_363 = vector.shape_cast %get3A_362 : vector<1x16xf32> to vector<16xf32>
        %add3A_364 = arith.addi %mul3A_144, %scan3A_256 : i32
        %get3A_365 = arith.index_cast %add3A_364 : i32 to index
        %get3A_366 = arith.constant 112 : index
        %get3A_367 = tpu.vector_load %arg5[%get3A_365, %get3A_366] {strides = array<i32>} : memref<32x1024xf32, #tpu.memory_space<vmem>>, vector<1x16xf32>,
        %get3A_368 = vector.shape_cast %get3A_367 : vector<1x16xf32> to vector<16xf32>
        %add3A_369 = arith.addf %get3A_363, %get3A_368 : vector<16xf32>
        %swap3A_370 = arith.index_cast %scan3A_256 : i32 to index
        %swap3A_371 = arith.constant 112 : index
        %swap3A_372 = tpu.vector_load %arg8[%swap3A_370, %swap3A_371] {strides = array<i32>} : memref<16x1024xf32, #tpu.memory_space<vmem>>, vector<1x16xf32>,
        %swap3A_373 = vector.shape_cast %swap3A_372 : vector<1x16xf32> to vector<16xf32>
        %swap3A_374 = vector.shape_cast %add3A_369 : vector<16xf32> to vector<1x16xf32>
        tpu.vector_store %arg8[%swap3A_370, %swap3A_371], %swap3A_374 {strides = array<i32>} : memref<16x1024xf32, #tpu.memory_space<vmem>>, vector<1x16xf32>,
        %get3A_375 = arith.index_cast %scan3A_256 : i32 to index
        %get3A_376 = arith.constant 128 : index
        %get3A_377 = tpu.vector_load %arg6[%get3A_375, %get3A_376] {strides = array<i32>} : memref<16x1024xf32, #tpu.memory_space<vmem>>, vector<1x16xf32>,
        %get3A_378 = vector.shape_cast %get3A_377 : vector<1x16xf32> to vector<16xf32>
        %add3A_379 = arith.addi %mul3A_144, %scan3A_256 : i32
        %get3A_380 = arith.index_cast %add3A_379 : i32 to index
        %get3A_381 = arith.constant 128 : index
        %get3A_382 = tpu.vector_load %arg5[%get3A_380, %get3A_381] {strides = array<i32>} : memref<32x1024xf32, #tpu.memory_space<vmem>>, vector<1x16xf32>,
        %get3A_383 = vector.shape_cast %get3A_382 : vector<1x16xf32> to vector<16xf32>
        %add3A_384 = arith.addf %get3A_378, %get3A_383 : vector<16xf32>
        %swap3A_385 = arith.index_cast %scan3A_256 : i32 to index
        %swap3A_386 = arith.constant 128 : index
        %swap3A_387 = tpu.vector_load %arg8[%swap3A_385, %swap3A_386] {strides = array<i32>} : memref<16x1024xf32, #tpu.memory_space<vmem>>, vector<1x16xf32>,
        %swap3A_388 = vector.shape_cast %swap3A_387 : vector<1x16xf32> to vector<16xf32>
        %swap3A_389 = vector.shape_cast %add3A_384 : vector<16xf32> to vector<1x16xf32>
        tpu.vector_store %arg8[%swap3A_385, %swap3A_386], %swap3A_389 {strides = array<i32>} : memref<16x1024xf32, #tpu.memory_space<vmem>>, vector<1x16xf32>,
        %get3A_390 = arith.index_cast %scan3A_256 : i32 to index
        %get3A_391 = arith.constant 144 : index
        %get3A_392 = tpu.vector_load %arg6[%get3A_390, %get3A_391] {strides = array<i32>} : memref<16x1024xf32, #tpu.memory_space<vmem>>, vector<1x16xf32>,
        %get3A_393 = vector.shape_cast %get3A_392 : vector<1x16xf32> to vector<16xf32>
        %add3A_394 = arith.addi %mul3A_144, %scan3A_256 : i32
        %get3A_395 = arith.index_cast %add3A_394 : i32 to index
        %get3A_396 = arith.constant 144 : index
        %get3A_397 = tpu.vector_load %arg5[%get3A_395, %get3A_396] {strides = array<i32>} : memref<32x1024xf32, #tpu.memory_space<vmem>>, vector<1x16xf32>,
        %get3A_398 = vector.shape_cast %get3A_397 : vector<1x16xf32> to vector<16xf32>
        %add3A_399 = arith.addf %get3A_393, %get3A_398 : vector<16xf32>
        %swap3A_400 = arith.index_cast %scan3A_256 : i32 to index
        %swap3A_401 = arith.constant 144 : index
        %swap3A_402 = tpu.vector_load %arg8[%swap3A_400, %swap3A_401] {strides = array<i32>} : memref<16x1024xf32, #tpu.memory_space<vmem>>, vector<1x16xf32>,
        %swap3A_403 = vector.shape_cast %swap3A_402 : vector<1x16xf32> to vector<16xf32>
        %swap3A_404 = vector.shape_cast %add3A_399 : vector<16xf32> to vector<1x16xf32>
        tpu.vector_store %arg8[%swap3A_400, %swap3A_401], %swap3A_404 {strides = array<i32>} : memref<16x1024xf32, #tpu.memory_space<vmem>>, vector<1x16xf32>,
        %get3A_405 = arith.index_cast %scan3A_256 : i32 to index
        %get3A_406 = arith.constant 160 : index
        %get3A_407 = tpu.vector_load %arg6[%get3A_405, %get3A_406] {strides = array<i32>} : memref<16x1024xf32, #tpu.memory_space<vmem>>, vector<1x16xf32>,
        %get3A_408 = vector.shape_cast %get3A_407 : vector<1x16xf32> to vector<16xf32>
        %add3A_409 = arith.addi %mul3A_144, %scan3A_256 : i32
        %get3A_410 = arith.index_cast %add3A_409 : i32 to index
        %get3A_411 = arith.constant 160 : index
        %get3A_412 = tpu.vector_load %arg5[%get3A_410, %get3A_411] {strides = array<i32>} : memref<32x1024xf32, #tpu.memory_space<vmem>>, vector<1x16xf32>,
        %get3A_413 = vector.shape_cast %get3A_412 : vector<1x16xf32> to vector<16xf32>
        %add3A_414 = arith.addf %get3A_408, %get3A_413 : vector<16xf32>
        %swap3A_415 = arith.index_cast %scan3A_256 : i32 to index
        %swap3A_416 = arith.constant 160 : index
        %swap3A_417 = tpu.vector_load %arg8[%swap3A_415, %swap3A_416] {strides = array<i32>} : memref<16x1024xf32, #tpu.memory_space<vmem>>, vector<1x16xf32>,
        %swap3A_418 = vector.shape_cast %swap3A_417 : vector<1x16xf32> to vector<16xf32>
        %swap3A_419 = vector.shape_cast %add3A_414 : vector<16xf32> to vector<1x16xf32>
        tpu.vector_store %arg8[%swap3A_415, %swap3A_416], %swap3A_419 {strides = array<i32>} : memref<16x1024xf32, #tpu.memory_space<vmem>>, vector<1x16xf32>,
        %get3A_420 = arith.index_cast %scan3A_256 : i32 to index
        %get3A_421 = arith.constant 176 : index
        %get3A_422 = tpu.vector_load %arg6[%get3A_420, %get3A_421] {strides = array<i32>} : memref<16x1024xf32, #tpu.memory_space<vmem>>, vector<1x16xf32>,
        %get3A_423 = vector.shape_cast %get3A_422 : vector<1x16xf32> to vector<16xf32>
        %add3A_424 = arith.addi %mul3A_144, %scan3A_256 : i32
        %get3A_425 = arith.index_cast %add3A_424 : i32 to index
        %get3A_426 = arith.constant 176 : index
        %get3A_427 = tpu.vector_load %arg5[%get3A_425, %get3A_426] {strides = array<i32>} : memref<32x1024xf32, #tpu.memory_space<vmem>>, vector<1x16xf32>,
        %get3A_428 = vector.shape_cast %get3A_427 : vector<1x16xf32> to vector<16xf32>
        %add3A_429 = arith.addf %get3A_423, %get3A_428 : vector<16xf32>
        %swap3A_430 = arith.index_cast %scan3A_256 : i32 to index
        %swap3A_431 = arith.constant 176 : index
        %swap3A_432 = tpu.vector_load %arg8[%swap3A_430, %swap3A_431] {strides = array<i32>} : memref<16x1024xf32, #tpu.memory_space<vmem>>, vector<1x16xf32>,
        %swap3A_433 = vector.shape_cast %swap3A_432 : vector<1x16xf32> to vector<16xf32>
        %swap3A_434 = vector.shape_cast %add3A_429 : vector<16xf32> to vector<1x16xf32>
        tpu.vector_store %arg8[%swap3A_430, %swap3A_431], %swap3A_434 {strides = array<i32>} : memref<16x1024xf32, #tpu.memory_space<vmem>>, vector<1x16xf32>,
        %get3A_435 = arith.index_cast %scan3A_256 : i32 to index
        %get3A_436 = arith.constant 192 : index
        %get3A_437 = tpu.vector_load %arg6[%get3A_435, %get3A_436] {strides = array<i32>} : memref<16x1024xf32, #tpu.memory_space<vmem>>, vector<1x16xf32>,
        %get3A_438 = vector.shape_cast %get3A_437 : vector<1x16xf32> to vector<16xf32>
        %add3A_439 = arith.addi %mul3A_144, %scan3A_256 : i32
        %get3A_440 = arith.index_cast %add3A_439 : i32 to index
        %get3A_441 = arith.constant 192 : index
        %get3A_442 = tpu.vector_load %arg5[%get3A_440, %get3A_441] {strides = array<i32>} : memref<32x1024xf32, #tpu.memory_space<vmem>>, vector<1x16xf32>,
        %get3A_443 = vector.shape_cast %get3A_442 : vector<1x16xf32> to vector<16xf32>
        %add3A_444 = arith.addf %get3A_438, %get3A_443 : vector<16xf32>
        %swap3A_445 = arith.index_cast %scan3A_256 : i32 to index
        %swap3A_446 = arith.constant 192 : index
        %swap3A_447 = tpu.vector_load %arg8[%swap3A_445, %swap3A_446] {strides = array<i32>} : memref<16x1024xf32, #tpu.memory_space<vmem>>, vector<1x16xf32>,
        %swap3A_448 = vector.shape_cast %swap3A_447 : vector<1x16xf32> to vector<16xf32>
        %swap3A_449 = vector.shape_cast %add3A_444 : vector<16xf32> to vector<1x16xf32>
        tpu.vector_store %arg8[%swap3A_445, %swap3A_446], %swap3A_449 {strides = array<i32>} : memref<16x1024xf32, #tpu.memory_space<vmem>>, vector<1x16xf32>,
        %get3A_450 = arith.index_cast %scan3A_256 : i32 to index
        %get3A_451 = arith.constant 208 : index
        %get3A_452 = tpu.vector_load %arg6[%get3A_450, %get3A_451] {strides = array<i32>} : memref<16x1024xf32, #tpu.memory_space<vmem>>, vector<1x16xf32>,
        %get3A_453 = vector.shape_cast %get3A_452 : vector<1x16xf32> to vector<16xf32>
        %add3A_454 = arith.addi %mul3A_144, %scan3A_256 : i32
        %get3A_455 = arith.index_cast %add3A_454 : i32 to index
        %get3A_456 = arith.constant 208 : index
        %get3A_457 = tpu.vector_load %arg5[%get3A_455, %get3A_456] {strides = array<i32>} : memref<32x1024xf32, #tpu.memory_space<vmem>>, vector<1x16xf32>,
        %get3A_458 = vector.shape_cast %get3A_457 : vector<1x16xf32> to vector<16xf32>
        %add3A_459 = arith.addf %get3A_453, %get3A_458 : vector<16xf32>
        %swap3A_460 = arith.index_cast %scan3A_256 : i32 to index
        %swap3A_461 = arith.constant 208 : index
        %swap3A_462 = tpu.vector_load %arg8[%swap3A_460, %swap3A_461] {strides = array<i32>} : memref<16x1024xf32, #tpu.memory_space<vmem>>, vector<1x16xf32>,
        %swap3A_463 = vector.shape_cast %swap3A_462 : vector<1x16xf32> to vector<16xf32>
        %swap3A_464 = vector.shape_cast %add3A_459 : vector<16xf32> to vector<1x16xf32>
        tpu.vector_store %arg8[%swap3A_460, %swap3A_461], %swap3A_464 {strides = array<i32>} : memref<16x1024xf32, #tpu.memory_space<vmem>>, vector<1x16xf32>,
        %get3A_465 = arith.index_cast %scan3A_256 : i32 to index
        %get3A_466 = arith.constant 224 : index
        %get3A_467 = tpu.vector_load %arg6[%get3A_465, %get3A_466] {strides = array<i32>} : memref<16x1024xf32, #tpu.memory_space<vmem>>, vector<1x16xf32>,
        %get3A_468 = vector.shape_cast %get3A_467 : vector<1x16xf32> to vector<16xf32>
        %add3A_469 = arith.addi %mul3A_144, %scan3A_256 : i32
        %get3A_470 = arith.index_cast %add3A_469 : i32 to index
        %get3A_471 = arith.constant 224 : index
        %get3A_472 = tpu.vector_load %arg5[%get3A_470, %get3A_471] {strides = array<i32>} : memref<32x1024xf32, #tpu.memory_space<vmem>>, vector<1x16xf32>,
        %get3A_473 = vector.shape_cast %get3A_472 : vector<1x16xf32> to vector<16xf32>
        %add3A_474 = arith.addf %get3A_468, %get3A_473 : vector<16xf32>
        %swap3A_475 = arith.index_cast %scan3A_256 : i32 to index
        %swap3A_476 = arith.constant 224 : index
        %swap3A_477 = tpu.vector_load %arg8[%swap3A_475, %swap3A_476] {strides = array<i32>} : memref<16x1024xf32, #tpu.memory_space<vmem>>, vector<1x16xf32>,
        %swap3A_478 = vector.shape_cast %swap3A_477 : vector<1x16xf32> to vector<16xf32>
        %swap3A_479 = vector.shape_cast %add3A_474 : vector<16xf32> to vector<1x16xf32>
        tpu.vector_store %arg8[%swap3A_475, %swap3A_476], %swap3A_479 {strides = array<i32>} : memref<16x1024xf32, #tpu.memory_space<vmem>>, vector<1x16xf32>,
        %get3A_480 = arith.index_cast %scan3A_256 : i32 to index
        %get3A_481 = arith.constant 240 : index
        %get3A_482 = tpu.vector_load %arg6[%get3A_480, %get3A_481] {strides = array<i32>} : memref<16x1024xf32, #tpu.memory_space<vmem>>, vector<1x16xf32>,
        %get3A_483 = vector.shape_cast %get3A_482 : vector<1x16xf32> to vector<16xf32>
        %add3A_484 = arith.addi %mul3A_144, %scan3A_256 : i32
        %get3A_485 = arith.index_cast %add3A_484 : i32 to index
        %get3A_486 = arith.constant 240 : index
        %get3A_487 = tpu.vector_load %arg5[%get3A_485, %get3A_486] {strides = array<i32>} : memref<32x1024xf32, #tpu.memory_space<vmem>>, vector<1x16xf32>,
        %get3A_488 = vector.shape_cast %get3A_487 : vector<1x16xf32> to vector<16xf32>
        %add3A_489 = arith.addf %get3A_483, %get3A_488 : vector<16xf32>
        %swap3A_490 = arith.index_cast %scan3A_256 : i32 to index
        %swap3A_491 = arith.constant 240 : index
        %swap3A_492 = tpu.vector_load %arg8[%swap3A_490, %swap3A_491] {strides = array<i32>} : memref<16x1024xf32, #tpu.memory_space<vmem>>, vector<1x16xf32>,
        %swap3A_493 = vector.shape_cast %swap3A_492 : vector<1x16xf32> to vector<16xf32>
        %swap3A_494 = vector.shape_cast %add3A_489 : vector<16xf32> to vector<1x16xf32>
        tpu.vector_store %arg8[%swap3A_490, %swap3A_491], %swap3A_494 {strides = array<i32>} : memref<16x1024xf32, #tpu.memory_space<vmem>>, vector<1x16xf32>,
        %get3A_495 = arith.index_cast %scan3A_256 : i32 to index
        %get3A_496 = arith.constant 256 : index
        %get3A_497 = tpu.vector_load %arg6[%get3A_495, %get3A_496] {strides = array<i32>} : memref<16x1024xf32, #tpu.memory_space<vmem>>, vector<1x16xf32>,
        %get3A_498 = vector.shape_cast %get3A_497 : vector<1x16xf32> to vector<16xf32>
        %add3A_499 = arith.addi %mul3A_144, %scan3A_256 : i32
        %get3A_500 = arith.index_cast %add3A_499 : i32 to index
        %get3A_501 = arith.constant 256 : index
        %get3A_502 = tpu.vector_load %arg5[%get3A_500, %get3A_501] {strides = array<i32>} : memref<32x1024xf32, #tpu.memory_space<vmem>>, vector<1x16xf32>,
        %get3A_503 = vector.shape_cast %get3A_502 : vector<1x16xf32> to vector<16xf32>
        %add3A_504 = arith.addf %get3A_498, %get3A_503 : vector<16xf32>
        %swap3A_505 = arith.index_cast %scan3A_256 : i32 to index
        %swap3A_506 = arith.constant 256 : index
        %swap3A_507 = tpu.vector_load %arg8[%swap3A_505, %swap3A_506] {strides = array<i32>} : memref<16x1024xf32, #tpu.memory_space<vmem>>, vector<1x16xf32>,
        %swap3A_508 = vector.shape_cast %swap3A_507 : vector<1x16xf32> to vector<16xf32>
        %swap3A_509 = vector.shape_cast %add3A_504 : vector<16xf32> to vector<1x16xf32>
        tpu.vector_store %arg8[%swap3A_505, %swap3A_506], %swap3A_509 {strides = array<i32>} : memref<16x1024xf32, #tpu.memory_space<vmem>>, vector<1x16xf32>,
        %get3A_510 = arith.index_cast %scan3A_256 : i32 to index
        %get3A_511 = arith.constant 272 : index
        %get3A_512 = tpu.vector_load %arg6[%get3A_510, %get3A_511] {strides = array<i32>} : memref<16x1024xf32, #tpu.memory_space<vmem>>, vector<1x16xf32>,
        %get3A_513 = vector.shape_cast %get3A_512 : vector<1x16xf32> to vector<16xf32>
        %add3A_514 = arith.addi %mul3A_144, %scan3A_256 : i32
        %get3A_515 = arith.index_cast %add3A_514 : i32 to index
        %get3A_516 = arith.constant 272 : index
        %get3A_517 = tpu.vector_load %arg5[%get3A_515, %get3A_516] {strides = array<i32>} : memref<32x1024xf32, #tpu.memory_space<vmem>>, vector<1x16xf32>,
        %get3A_518 = vector.shape_cast %get3A_517 : vector<1x16xf32> to vector<16xf32>
        %add3A_519 = arith.addf %get3A_513, %get3A_518 : vector<16xf32>
        %swap3A_520 = arith.index_cast %scan3A_256 : i32 to index
        %swap3A_521 = arith.constant 272 : index
        %swap3A_522 = tpu.vector_load %arg8[%swap3A_520, %swap3A_521] {strides = array<i32>} : memref<16x1024xf32, #tpu.memory_space<vmem>>, vector<1x16xf32>,
        %swap3A_523 = vector.shape_cast %swap3A_522 : vector<1x16xf32> to vector<16xf32>
        %swap3A_524 = vector.shape_cast %add3A_519 : vector<16xf32> to vector<1x16xf32>
        tpu.vector_store %arg8[%swap3A_520, %swap3A_521], %swap3A_524 {strides = array<i32>} : memref<16x1024xf32, #tpu.memory_space<vmem>>, vector<1x16xf32>,
        %get3A_525 = arith.index_cast %scan3A_256 : i32 to index
        %get3A_526 = arith.constant 288 : index
        %get3A_527 = tpu.vector_load %arg6[%get3A_525, %get3A_526] {strides = array<i32>} : memref<16x1024xf32, #tpu.memory_space<vmem>>, vector<1x16xf32>,
        %get3A_528 = vector.shape_cast %get3A_527 : vector<1x16xf32> to vector<16xf32>
        %add3A_529 = arith.addi %mul3A_144, %scan3A_256 : i32
        %get3A_530 = arith.index_cast %add3A_529 : i32 to index
        %get3A_531 = arith.constant 288 : index
        %get3A_532 = tpu.vector_load %arg5[%get3A_530, %get3A_531] {strides = array<i32>} : memref<32x1024xf32, #tpu.memory_space<vmem>>, vector<1x16xf32>,
        %get3A_533 = vector.shape_cast %get3A_532 : vector<1x16xf32> to vector<16xf32>
        %add3A_534 = arith.addf %get3A_528, %get3A_533 : vector<16xf32>
        %swap3A_535 = arith.index_cast %scan3A_256 : i32 to index
        %swap3A_536 = arith.constant 288 : index
        %swap3A_537 = tpu.vector_load %arg8[%swap3A_535, %swap3A_536] {strides = array<i32>} : memref<16x1024xf32, #tpu.memory_space<vmem>>, vector<1x16xf32>,
        %swap3A_538 = vector.shape_cast %swap3A_537 : vector<1x16xf32> to vector<16xf32>
        %swap3A_539 = vector.shape_cast %add3A_534 : vector<16xf32> to vector<1x16xf32>
        tpu.vector_store %arg8[%swap3A_535, %swap3A_536], %swap3A_539 {strides = array<i32>} : memref<16x1024xf32, #tpu.memory_space<vmem>>, vector<1x16xf32>,
        %get3A_540 = arith.index_cast %scan3A_256 : i32 to index
        %get3A_541 = arith.constant 304 : index
        %get3A_542 = tpu.vector_load %arg6[%get3A_540, %get3A_541] {strides = array<i32>} : memref<16x1024xf32, #tpu.memory_space<vmem>>, vector<1x16xf32>,
        %get3A_543 = vector.shape_cast %get3A_542 : vector<1x16xf32> to vector<16xf32>
        %add3A_544 = arith.addi %mul3A_144, %scan3A_256 : i32
        %get3A_545 = arith.index_cast %add3A_544 : i32 to index
        %get3A_546 = arith.constant 304 : index
        %get3A_547 = tpu.vector_load %arg5[%get3A_545, %get3A_546] {strides = array<i32>} : memref<32x1024xf32, #tpu.memory_space<vmem>>, vector<1x16xf32>,
        %get3A_548 = vector.shape_cast %get3A_547 : vector<1x16xf32> to vector<16xf32>
        %add3A_549 = arith.addf %get3A_543, %get3A_548 : vector<16xf32>
        %swap3A_550 = arith.index_cast %scan3A_256 : i32 to index
        %swap3A_551 = arith.constant 304 : index
        %swap3A_552 = tpu.vector_load %arg8[%swap3A_550, %swap3A_551] {strides = array<i32>} : memref<16x1024xf32, #tpu.memory_space<vmem>>, vector<1x16xf32>,
        %swap3A_553 = vector.shape_cast %swap3A_552 : vector<1x16xf32> to vector<16xf32>
        %swap3A_554 = vector.shape_cast %add3A_549 : vector<16xf32> to vector<1x16xf32>
        tpu.vector_store %arg8[%swap3A_550, %swap3A_551], %swap3A_554 {strides = array<i32>} : memref<16x1024xf32, #tpu.memory_space<vmem>>, vector<1x16xf32>,
        %get3A_555 = arith.index_cast %scan3A_256 : i32 to index
        %get3A_556 = arith.constant 320 : index
        %get3A_557 = tpu.vector_load %arg6[%get3A_555, %get3A_556] {strides = array<i32>} : memref<16x1024xf32, #tpu.memory_space<vmem>>, vector<1x16xf32>,
        %get3A_558 = vector.shape_cast %get3A_557 : vector<1x16xf32> to vector<16xf32>
        %add3A_559 = arith.addi %mul3A_144, %scan3A_256 : i32
        %get3A_560 = arith.index_cast %add3A_559 : i32 to index
        %get3A_561 = arith.constant 320 : index
        %get3A_562 = tpu.vector_load %arg5[%get3A_560, %get3A_561] {strides = array<i32>} : memref<32x1024xf32, #tpu.memory_space<vmem>>, vector<1x16xf32>,
        %get3A_563 = vector.shape_cast %get3A_562 : vector<1x16xf32> to vector<16xf32>
        %add3A_564 = arith.addf %get3A_558, %get3A_563 : vector<16xf32>
        %swap3A_565 = arith.index_cast %scan3A_256 : i32 to index
        %swap3A_566 = arith.constant 320 : index
        %swap3A_567 = tpu.vector_load %arg8[%swap3A_565, %swap3A_566] {strides = array<i32>} : memref<16x1024xf32, #tpu.memory_space<vmem>>, vector<1x16xf32>,
        %swap3A_568 = vector.shape_cast %swap3A_567 : vector<1x16xf32> to vector<16xf32>
        %swap3A_569 = vector.shape_cast %add3A_564 : vector<16xf32> to vector<1x16xf32>
        tpu.vector_store %arg8[%swap3A_565, %swap3A_566], %swap3A_569 {strides = array<i32>} : memref<16x1024xf32, #tpu.memory_space<vmem>>, vector<1x16xf32>,
        %get3A_570 = arith.index_cast %scan3A_256 : i32 to index
        %get3A_571 = arith.constant 336 : index
        %get3A_572 = tpu.vector_load %arg6[%get3A_570, %get3A_571] {strides = array<i32>} : memref<16x1024xf32, #tpu.memory_space<vmem>>, vector<1x16xf32>,
        %get3A_573 = vector.shape_cast %get3A_572 : vector<1x16xf32> to vector<16xf32>
        %add3A_574 = arith.addi %mul3A_144, %scan3A_256 : i32
        %get3A_575 = arith.index_cast %add3A_574 : i32 to index
        %get3A_576 = arith.constant 336 : index
        %get3A_577 = tpu.vector_load %arg5[%get3A_575, %get3A_576] {strides = array<i32>} : memref<32x1024xf32, #tpu.memory_space<vmem>>, vector<1x16xf32>,
        %get3A_578 = vector.shape_cast %get3A_577 : vector<1x16xf32> to vector<16xf32>
        %add3A_579 = arith.addf %get3A_573, %get3A_578 : vector<16xf32>
        %swap3A_580 = arith.index_cast %scan3A_256 : i32 to index
        %swap3A_581 = arith.constant 336 : index
        %swap3A_582 = tpu.vector_load %arg8[%swap3A_580, %swap3A_581] {strides = array<i32>} : memref<16x1024xf32, #tpu.memory_space<vmem>>, vector<1x16xf32>,
        %swap3A_583 = vector.shape_cast %swap3A_582 : vector<1x16xf32> to vector<16xf32>
        %swap3A_584 = vector.shape_cast %add3A_579 : vector<16xf32> to vector<1x16xf32>
        tpu.vector_store %arg8[%swap3A_580, %swap3A_581], %swap3A_584 {strides = array<i32>} : memref<16x1024xf32, #tpu.memory_space<vmem>>, vector<1x16xf32>,
        %get3A_585 = arith.index_cast %scan3A_256 : i32 to index
        %get3A_586 = arith.constant 352 : index
        %get3A_587 = tpu.vector_load %arg6[%get3A_585, %get3A_586] {strides = array<i32>} : memref<16x1024xf32, #tpu.memory_space<vmem>>, vector<1x16xf32>,
        %get3A_588 = vector.shape_cast %get3A_587 : vector<1x16xf32> to vector<16xf32>
        %add3A_589 = arith.addi %mul3A_144, %scan3A_256 : i32
        %get3A_590 = arith.index_cast %add3A_589 : i32 to index
        %get3A_591 = arith.constant 352 : index
        %get3A_592 = tpu.vector_load %arg5[%get3A_590, %get3A_591] {strides = array<i32>} : memref<32x1024xf32, #tpu.memory_space<vmem>>, vector<1x16xf32>,
        %get3A_593 = vector.shape_cast %get3A_592 : vector<1x16xf32> to vector<16xf32>
        %add3A_594 = arith.addf %get3A_588, %get3A_593 : vector<16xf32>
        %swap3A_595 = arith.index_cast %scan3A_256 : i32 to index
        %swap3A_596 = arith.constant 352 : index
        %swap3A_597 = tpu.vector_load %arg8[%swap3A_595, %swap3A_596] {strides = array<i32>} : memref<16x1024xf32, #tpu.memory_space<vmem>>, vector<1x16xf32>,
        %swap3A_598 = vector.shape_cast %swap3A_597 : vector<1x16xf32> to vector<16xf32>
        %swap3A_599 = vector.shape_cast %add3A_594 : vector<16xf32> to vector<1x16xf32>
        tpu.vector_store %arg8[%swap3A_595, %swap3A_596], %swap3A_599 {strides = array<i32>} : memref<16x1024xf32, #tpu.memory_space<vmem>>, vector<1x16xf32>,
        %get3A_600 = arith.index_cast %scan3A_256 : i32 to index
        %get3A_601 = arith.constant 368 : index
        %get3A_602 = tpu.vector_load %arg6[%get3A_600, %get3A_601] {strides = array<i32>} : memref<16x1024xf32, #tpu.memory_space<vmem>>, vector<1x16xf32>,
        %get3A_603 = vector.shape_cast %get3A_602 : vector<1x16xf32> to vector<16xf32>
        %add3A_604 = arith.addi %mul3A_144, %scan3A_256 : i32
        %get3A_605 = arith.index_cast %add3A_604 : i32 to index
        %get3A_606 = arith.constant 368 : index
        %get3A_607 = tpu.vector_load %arg5[%get3A_605, %get3A_606] {strides = array<i32>} : memref<32x1024xf32, #tpu.memory_space<vmem>>, vector<1x16xf32>,
        %get3A_608 = vector.shape_cast %get3A_607 : vector<1x16xf32> to vector<16xf32>
        %add3A_609 = arith.addf %get3A_603, %get3A_608 : vector<16xf32>
        %swap3A_610 = arith.index_cast %scan3A_256 : i32 to index
        %swap3A_611 = arith.constant 368 : index
        %swap3A_612 = tpu.vector_load %arg8[%swap3A_610, %swap3A_611] {strides = array<i32>} : memref<16x1024xf32, #tpu.memory_space<vmem>>, vector<1x16xf32>,
        %swap3A_613 = vector.shape_cast %swap3A_612 : vector<1x16xf32> to vector<16xf32>
        %swap3A_614 = vector.shape_cast %add3A_609 : vector<16xf32> to vector<1x16xf32>
        tpu.vector_store %arg8[%swap3A_610, %swap3A_611], %swap3A_614 {strides = array<i32>} : memref<16x1024xf32, #tpu.memory_space<vmem>>, vector<1x16xf32>,
        %get3A_615 = arith.index_cast %scan3A_256 : i32 to index
        %get3A_616 = arith.constant 384 : index
        %get3A_617 = tpu.vector_load %arg6[%get3A_615, %get3A_616] {strides = array<i32>} : memref<16x1024xf32, #tpu.memory_space<vmem>>, vector<1x16xf32>,
        %get3A_618 = vector.shape_cast %get3A_617 : vector<1x16xf32> to vector<16xf32>
        %add3A_619 = arith.addi %mul3A_144, %scan3A_256 : i32
        %get3A_620 = arith.index_cast %add3A_619 : i32 to index
        %get3A_621 = arith.constant 384 : index
        %get3A_622 = tpu.vector_load %arg5[%get3A_620, %get3A_621] {strides = array<i32>} : memref<32x1024xf32, #tpu.memory_space<vmem>>, vector<1x16xf32>,
        %get3A_623 = vector.shape_cast %get3A_622 : vector<1x16xf32> to vector<16xf32>
        %add3A_624 = arith.addf %get3A_618, %get3A_623 : vector<16xf32>
        %swap3A_625 = arith.index_cast %scan3A_256 : i32 to index
        %swap3A_626 = arith.constant 384 : index
        %swap3A_627 = tpu.vector_load %arg8[%swap3A_625, %swap3A_626] {strides = array<i32>} : memref<16x1024xf32, #tpu.memory_space<vmem>>, vector<1x16xf32>,
        %swap3A_628 = vector.shape_cast %swap3A_627 : vector<1x16xf32> to vector<16xf32>
        %swap3A_629 = vector.shape_cast %add3A_624 : vector<16xf32> to vector<1x16xf32>
        tpu.vector_store %arg8[%swap3A_625, %swap3A_626], %swap3A_629 {strides = array<i32>} : memref<16x1024xf32, #tpu.memory_space<vmem>>, vector<1x16xf32>,
        %get3A_630 = arith.index_cast %scan3A_256 : i32 to index
        %get3A_631 = arith.constant 400 : index
        %get3A_632 = tpu.vector_load %arg6[%get3A_630, %get3A_631] {strides = array<i32>} : memref<16x1024xf32, #tpu.memory_space<vmem>>, vector<1x16xf32>,
        %get3A_633 = vector.shape_cast %get3A_632 : vector<1x16xf32> to vector<16xf32>
        %add3A_634 = arith.addi %mul3A_144, %scan3A_256 : i32
        %get3A_635 = arith.index_cast %add3A_634 : i32 to index
        %get3A_636 = arith.constant 400 : index
        %get3A_637 = tpu.vector_load %arg5[%get3A_635, %get3A_636] {strides = array<i32>} : memref<32x1024xf32, #tpu.memory_space<vmem>>, vector<1x16xf32>,
        %get3A_638 = vector.shape_cast %get3A_637 : vector<1x16xf32> to vector<16xf32>
        %add3A_639 = arith.addf %get3A_633, %get3A_638 : vector<16xf32>
        %swap3A_640 = arith.index_cast %scan3A_256 : i32 to index
        %swap3A_641 = arith.constant 400 : index
        %swap3A_642 = tpu.vector_load %arg8[%swap3A_640, %swap3A_641] {strides = array<i32>} : memref<16x1024xf32, #tpu.memory_space<vmem>>, vector<1x16xf32>,
        %swap3A_643 = vector.shape_cast %swap3A_642 : vector<1x16xf32> to vector<16xf32>
        %swap3A_644 = vector.shape_cast %add3A_639 : vector<16xf32> to vector<1x16xf32>
        tpu.vector_store %arg8[%swap3A_640, %swap3A_641], %swap3A_644 {strides = array<i32>} : memref<16x1024xf32, #tpu.memory_space<vmem>>, vector<1x16xf32>,
        %get3A_645 = arith.index_cast %scan3A_256 : i32 to index
        %get3A_646 = arith.constant 416 : index
        %get3A_647 = tpu.vector_load %arg6[%get3A_645, %get3A_646] {strides = array<i32>} : memref<16x1024xf32, #tpu.memory_space<vmem>>, vector<1x16xf32>,
        %get3A_648 = vector.shape_cast %get3A_647 : vector<1x16xf32> to vector<16xf32>
        %add3A_649 = arith.addi %mul3A_144, %scan3A_256 : i32
        %get3A_650 = arith.index_cast %add3A_649 : i32 to index
        %get3A_651 = arith.constant 416 : index
        %get3A_652 = tpu.vector_load %arg5[%get3A_650, %get3A_651] {strides = array<i32>} : memref<32x1024xf32, #tpu.memory_space<vmem>>, vector<1x16xf32>,
        %get3A_653 = vector.shape_cast %get3A_652 : vector<1x16xf32> to vector<16xf32>
        %add3A_654 = arith.addf %get3A_648, %get3A_653 : vector<16xf32>
        %swap3A_655 = arith.index_cast %scan3A_256 : i32 to index
        %swap3A_656 = arith.constant 416 : index
        %swap3A_657 = tpu.vector_load %arg8[%swap3A_655, %swap3A_656] {strides = array<i32>} : memref<16x1024xf32, #tpu.memory_space<vmem>>, vector<1x16xf32>,
        %swap3A_658 = vector.shape_cast %swap3A_657 : vector<1x16xf32> to vector<16xf32>
        %swap3A_659 = vector.shape_cast %add3A_654 : vector<16xf32> to vector<1x16xf32>
        tpu.vector_store %arg8[%swap3A_655, %swap3A_656], %swap3A_659 {strides = array<i32>} : memref<16x1024xf32, #tpu.memory_space<vmem>>, vector<1x16xf32>,
        %get3A_660 = arith.index_cast %scan3A_256 : i32 to index
        %get3A_661 = arith.constant 432 : index
        %get3A_662 = tpu.vector_load %arg6[%get3A_660, %get3A_661] {strides = array<i32>} : memref<16x1024xf32, #tpu.memory_space<vmem>>, vector<1x16xf32>,
        %get3A_663 = vector.shape_cast %get3A_662 : vector<1x16xf32> to vector<16xf32>
        %add3A_664 = arith.addi %mul3A_144, %scan3A_256 : i32
        %get3A_665 = arith.index_cast %add3A_664 : i32 to index
        %get3A_666 = arith.constant 432 : index
        %get3A_667 = tpu.vector_load %arg5[%get3A_665, %get3A_666] {strides = array<i32>} : memref<32x1024xf32, #tpu.memory_space<vmem>>, vector<1x16xf32>,
        %get3A_668 = vector.shape_cast %get3A_667 : vector<1x16xf32> to vector<16xf32>
        %add3A_669 = arith.addf %get3A_663, %get3A_668 : vector<16xf32>
        %swap3A_670 = arith.index_cast %scan3A_256 : i32 to index
        %swap3A_671 = arith.constant 432 : index
        %swap3A_672 = tpu.vector_load %arg8[%swap3A_670, %swap3A_671] {strides = array<i32>} : memref<16x1024xf32, #tpu.memory_space<vmem>>, vector<1x16xf32>,
        %swap3A_673 = vector.shape_cast %swap3A_672 : vector<1x16xf32> to vector<16xf32>
        %swap3A_674 = vector.shape_cast %add3A_669 : vector<16xf32> to vector<1x16xf32>
        tpu.vector_store %arg8[%swap3A_670, %swap3A_671], %swap3A_674 {strides = array<i32>} : memref<16x1024xf32, #tpu.memory_space<vmem>>, vector<1x16xf32>,
        %get3A_675 = arith.index_cast %scan3A_256 : i32 to index
        %get3A_676 = arith.constant 448 : index
        %get3A_677 = tpu.vector_load %arg6[%get3A_675, %get3A_676] {strides = array<i32>} : memref<16x1024xf32, #tpu.memory_space<vmem>>, vector<1x16xf32>,
        %get3A_678 = vector.shape_cast %get3A_677 : vector<1x16xf32> to vector<16xf32>
        %add3A_679 = arith.addi %mul3A_144, %scan3A_256 : i32
        %get3A_680 = arith.index_cast %add3A_679 : i32 to index
        %get3A_681 = arith.constant 448 : index
        %get3A_682 = tpu.vector_load %arg5[%get3A_680, %get3A_681] {strides = array<i32>} : memref<32x1024xf32, #tpu.memory_space<vmem>>, vector<1x16xf32>,
        %get3A_683 = vector.shape_cast %get3A_682 : vector<1x16xf32> to vector<16xf32>
        %add3A_684 = arith.addf %get3A_678, %get3A_683 : vector<16xf32>
        %swap3A_685 = arith.index_cast %scan3A_256 : i32 to index
        %swap3A_686 = arith.constant 448 : index
        %swap3A_687 = tpu.vector_load %arg8[%swap3A_685, %swap3A_686] {strides = array<i32>} : memref<16x1024xf32, #tpu.memory_space<vmem>>, vector<1x16xf32>,
        %swap3A_688 = vector.shape_cast %swap3A_687 : vector<1x16xf32> to vector<16xf32>
        %swap3A_689 = vector.shape_cast %add3A_684 : vector<16xf32> to vector<1x16xf32>
        tpu.vector_store %arg8[%swap3A_685, %swap3A_686], %swap3A_689 {strides = array<i32>} : memref<16x1024xf32, #tpu.memory_space<vmem>>, vector<1x16xf32>,
        %get3A_690 = arith.index_cast %scan3A_256 : i32 to index
        %get3A_691 = arith.constant 464 : index
        %get3A_692 = tpu.vector_load %arg6[%get3A_690, %get3A_691] {strides = array<i32>} : memref<16x1024xf32, #tpu.memory_space<vmem>>, vector<1x16xf32>,
        %get3A_693 = vector.shape_cast %get3A_692 : vector<1x16xf32> to vector<16xf32>
        %add3A_694 = arith.addi %mul3A_144, %scan3A_256 : i32
        %get3A_695 = arith.index_cast %add3A_694 : i32 to index
        %get3A_696 = arith.constant 464 : index
        %get3A_697 = tpu.vector_load %arg5[%get3A_695, %get3A_696] {strides = array<i32>} : memref<32x1024xf32, #tpu.memory_space<vmem>>, vector<1x16xf32>,
        %get3A_698 = vector.shape_cast %get3A_697 : vector<1x16xf32> to vector<16xf32>
        %add3A_699 = arith.addf %get3A_693, %get3A_698 : vector<16xf32>
        %swap3A_700 = arith.index_cast %scan3A_256 : i32 to index
        %swap3A_701 = arith.constant 464 : index
        %swap3A_702 = tpu.vector_load %arg8[%swap3A_700, %swap3A_701] {strides = array<i32>} : memref<16x1024xf32, #tpu.memory_space<vmem>>, vector<1x16xf32>,
        %swap3A_703 = vector.shape_cast %swap3A_702 : vector<1x16xf32> to vector<16xf32>
        %swap3A_704 = vector.shape_cast %add3A_699 : vector<16xf32> to vector<1x16xf32>
        tpu.vector_store %arg8[%swap3A_700, %swap3A_701], %swap3A_704 {strides = array<i32>} : memref<16x1024xf32, #tpu.memory_space<vmem>>, vector<1x16xf32>,
        %get3A_705 = arith.index_cast %scan3A_256 : i32 to index
        %get3A_706 = arith.constant 480 : index
        %get3A_707 = tpu.vector_load %arg6[%get3A_705, %get3A_706] {strides = array<i32>} : memref<16x1024xf32, #tpu.memory_space<vmem>>, vector<1x16xf32>,
        %get3A_708 = vector.shape_cast %get3A_707 : vector<1x16xf32> to vector<16xf32>
        %add3A_709 = arith.addi %mul3A_144, %scan3A_256 : i32
        %get3A_710 = arith.index_cast %add3A_709 : i32 to index
        %get3A_711 = arith.constant 480 : index
        %get3A_712 = tpu.vector_load %arg5[%get3A_710, %get3A_711] {strides = array<i32>} : memref<32x1024xf32, #tpu.memory_space<vmem>>, vector<1x16xf32>,
        %get3A_713 = vector.shape_cast %get3A_712 : vector<1x16xf32> to vector<16xf32>
        %add3A_714 = arith.addf %get3A_708, %get3A_713 : vector<16xf32>
        %swap3A_715 = arith.index_cast %scan3A_256 : i32 to index
        %swap3A_716 = arith.constant 480 : index
        %swap3A_717 = tpu.vector_load %arg8[%swap3A_715, %swap3A_716] {strides = array<i32>} : memref<16x1024xf32, #tpu.memory_space<vmem>>, vector<1x16xf32>,
        %swap3A_718 = vector.shape_cast %swap3A_717 : vector<1x16xf32> to vector<16xf32>
        %swap3A_719 = vector.shape_cast %add3A_714 : vector<16xf32> to vector<1x16xf32>
        tpu.vector_store %arg8[%swap3A_715, %swap3A_716], %swap3A_719 {strides = array<i32>} : memref<16x1024xf32, #tpu.memory_space<vmem>>, vector<1x16xf32>,
        %get3A_720 = arith.index_cast %scan3A_256 : i32 to index
        %get3A_721 = arith.constant 496 : index
        %get3A_722 = tpu.vector_load %arg6[%get3A_720, %get3A_721] {strides = array<i32>} : memref<16x1024xf32, #tpu.memory_space<vmem>>, vector<1x16xf32>,
        %get3A_723 = vector.shape_cast %get3A_722 : vector<1x16xf32> to vector<16xf32>
        %add3A_724 = arith.addi %mul3A_144, %scan3A_256 : i32
        %get3A_725 = arith.index_cast %add3A_724 : i32 to index
        %get3A_726 = arith.constant 496 : index
        %get3A_727 = tpu.vector_load %arg5[%get3A_725, %get3A_726] {strides = array<i32>} : memref<32x1024xf32, #tpu.memory_space<vmem>>, vector<1x16xf32>,
        %get3A_728 = vector.shape_cast %get3A_727 : vector<1x16xf32> to vector<16xf32>
        %add3A_729 = arith.addf %get3A_723, %get3A_728 : vector<16xf32>
        %swap3A_730 = arith.index_cast %scan3A_256 : i32 to index
        %swap3A_731 = arith.constant 496 : index
        %swap3A_732 = tpu.vector_load %arg8[%swap3A_730, %swap3A_731] {strides = array<i32>} : memref<16x1024xf32, #tpu.memory_space<vmem>>, vector<1x16xf32>,
        %swap3A_733 = vector.shape_cast %swap3A_732 : vector<1x16xf32> to vector<16xf32>
        %swap3A_734 = vector.shape_cast %add3A_729 : vector<16xf32> to vector<1x16xf32>
        tpu.vector_store %arg8[%swap3A_730, %swap3A_731], %swap3A_734 {strides = array<i32>} : memref<16x1024xf32, #tpu.memory_space<vmem>>, vector<1x16xf32>,
        %get3A_735 = arith.index_cast %scan3A_256 : i32 to index
        %get3A_736 = arith.constant 512 : index
        %get3A_737 = tpu.vector_load %arg6[%get3A_735, %get3A_736] {strides = array<i32>} : memref<16x1024xf32, #tpu.memory_space<vmem>>, vector<1x16xf32>,
        %get3A_738 = vector.shape_cast %get3A_737 : vector<1x16xf32> to vector<16xf32>
        %add3A_739 = arith.addi %mul3A_144, %scan3A_256 : i32
        %get3A_740 = arith.index_cast %add3A_739 : i32 to index
        %get3A_741 = arith.constant 512 : index
        %get3A_742 = tpu.vector_load %arg5[%get3A_740, %get3A_741] {strides = array<i32>} : memref<32x1024xf32, #tpu.memory_space<vmem>>, vector<1x16xf32>,
        %get3A_743 = vector.shape_cast %get3A_742 : vector<1x16xf32> to vector<16xf32>
        %add3A_744 = arith.addf %get3A_738, %get3A_743 : vector<16xf32>
        %swap3A_745 = arith.index_cast %scan3A_256 : i32 to index
        %swap3A_746 = arith.constant 512 : index
        %swap3A_747 = tpu.vector_load %arg8[%swap3A_745, %swap3A_746] {strides = array<i32>} : memref<16x1024xf32, #tpu.memory_space<vmem>>, vector<1x16xf32>,
        %swap3A_748 = vector.shape_cast %swap3A_747 : vector<1x16xf32> to vector<16xf32>
        %swap3A_749 = vector.shape_cast %add3A_744 : vector<16xf32> to vector<1x16xf32>
        tpu.vector_store %arg8[%swap3A_745, %swap3A_746], %swap3A_749 {strides = array<i32>} : memref<16x1024xf32, #tpu.memory_space<vmem>>, vector<1x16xf32>,
        %get3A_750 = arith.index_cast %scan3A_256 : i32 to index
        %get3A_751 = arith.constant 528 : index
        %get3A_752 = tpu.vector_load %arg6[%get3A_750, %get3A_751] {strides = array<i32>} : memref<16x1024xf32, #tpu.memory_space<vmem>>, vector<1x16xf32>,
        %get3A_753 = vector.shape_cast %get3A_752 : vector<1x16xf32> to vector<16xf32>
        %add3A_754 = arith.addi %mul3A_144, %scan3A_256 : i32
        %get3A_755 = arith.index_cast %add3A_754 : i32 to index
        %get3A_756 = arith.constant 528 : index
        %get3A_757 = tpu.vector_load %arg5[%get3A_755, %get3A_756] {strides = array<i32>} : memref<32x1024xf32, #tpu.memory_space<vmem>>, vector<1x16xf32>,
        %get3A_758 = vector.shape_cast %get3A_757 : vector<1x16xf32> to vector<16xf32>
        %add3A_759 = arith.addf %get3A_753, %get3A_758 : vector<16xf32>
        %swap3A_760 = arith.index_cast %scan3A_256 : i32 to index
        %swap3A_761 = arith.constant 528 : index
        %swap3A_762 = tpu.vector_load %arg8[%swap3A_760, %swap3A_761] {strides = array<i32>} : memref<16x1024xf32, #tpu.memory_space<vmem>>, vector<1x16xf32>,
        %swap3A_763 = vector.shape_cast %swap3A_762 : vector<1x16xf32> to vector<16xf32>
        %swap3A_764 = vector.shape_cast %add3A_759 : vector<16xf32> to vector<1x16xf32>
        tpu.vector_store %arg8[%swap3A_760, %swap3A_761], %swap3A_764 {strides = array<i32>} : memref<16x1024xf32, #tpu.memory_space<vmem>>, vector<1x16xf32>,
        %get3A_765 = arith.index_cast %scan3A_256 : i32 to index
        %get3A_766 = arith.constant 544 : index
        %get3A_767 = tpu.vector_load %arg6[%get3A_765, %get3A_766] {strides = array<i32>} : memref<16x1024xf32, #tpu.memory_space<vmem>>, vector<1x16xf32>,
        %get3A_768 = vector.shape_cast %get3A_767 : vector<1x16xf32> to vector<16xf32>
        %add3A_769 = arith.addi %mul3A_144, %scan3A_256 : i32
        %get3A_770 = arith.index_cast %add3A_769 : i32 to index
        %get3A_771 = arith.constant 544 : index
        %get3A_772 = tpu.vector_load %arg5[%get3A_770, %get3A_771] {strides = array<i32>} : memref<32x1024xf32, #tpu.memory_space<vmem>>, vector<1x16xf32>,
        %get3A_773 = vector.shape_cast %get3A_772 : vector<1x16xf32> to vector<16xf32>
        %add3A_774 = arith.addf %get3A_768, %get3A_773 : vector<16xf32>
        %swap3A_775 = arith.index_cast %scan3A_256 : i32 to index
        %swap3A_776 = arith.constant 544 : index
        %swap3A_777 = tpu.vector_load %arg8[%swap3A_775, %swap3A_776] {strides = array<i32>} : memref<16x1024xf32, #tpu.memory_space<vmem>>, vector<1x16xf32>,
        %swap3A_778 = vector.shape_cast %swap3A_777 : vector<1x16xf32> to vector<16xf32>
        %swap3A_779 = vector.shape_cast %add3A_774 : vector<16xf32> to vector<1x16xf32>
        tpu.vector_store %arg8[%swap3A_775, %swap3A_776], %swap3A_779 {strides = array<i32>} : memref<16x1024xf32, #tpu.memory_space<vmem>>, vector<1x16xf32>,
        %get3A_780 = arith.index_cast %scan3A_256 : i32 to index
        %get3A_781 = arith.constant 560 : index
        %get3A_782 = tpu.vector_load %arg6[%get3A_780, %get3A_781] {strides = array<i32>} : memref<16x1024xf32, #tpu.memory_space<vmem>>, vector<1x16xf32>,
        %get3A_783 = vector.shape_cast %get3A_782 : vector<1x16xf32> to vector<16xf32>
        %add3A_784 = arith.addi %mul3A_144, %scan3A_256 : i32
        %get3A_785 = arith.index_cast %add3A_784 : i32 to index
        %get3A_786 = arith.constant 560 : index
        %get3A_787 = tpu.vector_load %arg5[%get3A_785, %get3A_786] {strides = array<i32>} : memref<32x1024xf32, #tpu.memory_space<vmem>>, vector<1x16xf32>,
        %get3A_788 = vector.shape_cast %get3A_787 : vector<1x16xf32> to vector<16xf32>
        %add3A_789 = arith.addf %get3A_783, %get3A_788 : vector<16xf32>
        %swap3A_790 = arith.index_cast %scan3A_256 : i32 to index
        %swap3A_791 = arith.constant 560 : index
        %swap3A_792 = tpu.vector_load %arg8[%swap3A_790, %swap3A_791] {strides = array<i32>} : memref<16x1024xf32, #tpu.memory_space<vmem>>, vector<1x16xf32>,
        %swap3A_793 = vector.shape_cast %swap3A_792 : vector<1x16xf32> to vector<16xf32>
        %swap3A_794 = vector.shape_cast %add3A_789 : vector<16xf32> to vector<1x16xf32>
        tpu.vector_store %arg8[%swap3A_790, %swap3A_791], %swap3A_794 {strides = array<i32>} : memref<16x1024xf32, #tpu.memory_space<vmem>>, vector<1x16xf32>,
        %get3A_795 = arith.index_cast %scan3A_256 : i32 to index
        %get3A_796 = arith.constant 576 : index
        %get3A_797 = tpu.vector_load %arg6[%get3A_795, %get3A_796] {strides = array<i32>} : memref<16x1024xf32, #tpu.memory_space<vmem>>, vector<1x16xf32>,
        %get3A_798 = vector.shape_cast %get3A_797 : vector<1x16xf32> to vector<16xf32>
        %add3A_799 = arith.addi %mul3A_144, %scan3A_256 : i32
        %get3A_800 = arith.index_cast %add3A_799 : i32 to index
        %get3A_801 = arith.constant 576 : index
        %get3A_802 = tpu.vector_load %arg5[%get3A_800, %get3A_801] {strides = array<i32>} : memref<32x1024xf32, #tpu.memory_space<vmem>>, vector<1x16xf32>,
        %get3A_803 = vector.shape_cast %get3A_802 : vector<1x16xf32> to vector<16xf32>
        %add3A_804 = arith.addf %get3A_798, %get3A_803 : vector<16xf32>
        %swap3A_805 = arith.index_cast %scan3A_256 : i32 to index
        %swap3A_806 = arith.constant 576 : index
        %swap3A_807 = tpu.vector_load %arg8[%swap3A_805, %swap3A_806] {strides = array<i32>} : memref<16x1024xf32, #tpu.memory_space<vmem>>, vector<1x16xf32>,
        %swap3A_808 = vector.shape_cast %swap3A_807 : vector<1x16xf32> to vector<16xf32>
        %swap3A_809 = vector.shape_cast %add3A_804 : vector<16xf32> to vector<1x16xf32>
        tpu.vector_store %arg8[%swap3A_805, %swap3A_806], %swap3A_809 {strides = array<i32>} : memref<16x1024xf32, #tpu.memory_space<vmem>>, vector<1x16xf32>,
        %get3A_810 = arith.index_cast %scan3A_256 : i32 to index
        %get3A_811 = arith.constant 592 : index
        %get3A_812 = tpu.vector_load %arg6[%get3A_810, %get3A_811] {strides = array<i32>} : memref<16x1024xf32, #tpu.memory_space<vmem>>, vector<1x16xf32>,
        %get3A_813 = vector.shape_cast %get3A_812 : vector<1x16xf32> to vector<16xf32>
        %add3A_814 = arith.addi %mul3A_144, %scan3A_256 : i32
        %get3A_815 = arith.index_cast %add3A_814 : i32 to index
        %get3A_816 = arith.constant 592 : index
        %get3A_817 = tpu.vector_load %arg5[%get3A_815, %get3A_816] {strides = array<i32>} : memref<32x1024xf32, #tpu.memory_space<vmem>>, vector<1x16xf32>,
        %get3A_818 = vector.shape_cast %get3A_817 : vector<1x16xf32> to vector<16xf32>
        %add3A_819 = arith.addf %get3A_813, %get3A_818 : vector<16xf32>
        %swap3A_820 = arith.index_cast %scan3A_256 : i32 to index
        %swap3A_821 = arith.constant 592 : index
        %swap3A_822 = tpu.vector_load %arg8[%swap3A_820, %swap3A_821] {strides = array<i32>} : memref<16x1024xf32, #tpu.memory_space<vmem>>, vector<1x16xf32>,
        %swap3A_823 = vector.shape_cast %swap3A_822 : vector<1x16xf32> to vector<16xf32>
        %swap3A_824 = vector.shape_cast %add3A_819 : vector<16xf32> to vector<1x16xf32>
        tpu.vector_store %arg8[%swap3A_820, %swap3A_821], %swap3A_824 {strides = array<i32>} : memref<16x1024xf32, #tpu.memory_space<vmem>>, vector<1x16xf32>,
        %get3A_825 = arith.index_cast %scan3A_256 : i32 to index
        %get3A_826 = arith.constant 608 : index
        %get3A_827 = tpu.vector_load %arg6[%get3A_825, %get3A_826] {strides = array<i32>} : memref<16x1024xf32, #tpu.memory_space<vmem>>, vector<1x16xf32>,
        %get3A_828 = vector.shape_cast %get3A_827 : vector<1x16xf32> to vector<16xf32>
        %add3A_829 = arith.addi %mul3A_144, %scan3A_256 : i32
        %get3A_830 = arith.index_cast %add3A_829 : i32 to index
        %get3A_831 = arith.constant 608 : index
        %get3A_832 = tpu.vector_load %arg5[%get3A_830, %get3A_831] {strides = array<i32>} : memref<32x1024xf32, #tpu.memory_space<vmem>>, vector<1x16xf32>,
        %get3A_833 = vector.shape_cast %get3A_832 : vector<1x16xf32> to vector<16xf32>
        %add3A_834 = arith.addf %get3A_828, %get3A_833 : vector<16xf32>
        %swap3A_835 = arith.index_cast %scan3A_256 : i32 to index
        %swap3A_836 = arith.constant 608 : index
        %swap3A_837 = tpu.vector_load %arg8[%swap3A_835, %swap3A_836] {strides = array<i32>} : memref<16x1024xf32, #tpu.memory_space<vmem>>, vector<1x16xf32>,
        %swap3A_838 = vector.shape_cast %swap3A_837 : vector<1x16xf32> to vector<16xf32>
        %swap3A_839 = vector.shape_cast %add3A_834 : vector<16xf32> to vector<1x16xf32>
        tpu.vector_store %arg8[%swap3A_835, %swap3A_836], %swap3A_839 {strides = array<i32>} : memref<16x1024xf32, #tpu.memory_space<vmem>>, vector<1x16xf32>,
        %get3A_840 = arith.index_cast %scan3A_256 : i32 to index
        %get3A_841 = arith.constant 624 : index
        %get3A_842 = tpu.vector_load %arg6[%get3A_840, %get3A_841] {strides = array<i32>} : memref<16x1024xf32, #tpu.memory_space<vmem>>, vector<1x16xf32>,
        %get3A_843 = vector.shape_cast %get3A_842 : vector<1x16xf32> to vector<16xf32>
        %add3A_844 = arith.addi %mul3A_144, %scan3A_256 : i32
        %get3A_845 = arith.index_cast %add3A_844 : i32 to index
        %get3A_846 = arith.constant 624 : index
        %get3A_847 = tpu.vector_load %arg5[%get3A_845, %get3A_846] {strides = array<i32>} : memref<32x1024xf32, #tpu.memory_space<vmem>>, vector<1x16xf32>,
        %get3A_848 = vector.shape_cast %get3A_847 : vector<1x16xf32> to vector<16xf32>
        %add3A_849 = arith.addf %get3A_843, %get3A_848 : vector<16xf32>
        %swap3A_850 = arith.index_cast %scan3A_256 : i32 to index
        %swap3A_851 = arith.constant 624 : index
        %swap3A_852 = tpu.vector_load %arg8[%swap3A_850, %swap3A_851] {strides = array<i32>} : memref<16x1024xf32, #tpu.memory_space<vmem>>, vector<1x16xf32>,
        %swap3A_853 = vector.shape_cast %swap3A_852 : vector<1x16xf32> to vector<16xf32>
        %swap3A_854 = vector.shape_cast %add3A_849 : vector<16xf32> to vector<1x16xf32>
        tpu.vector_store %arg8[%swap3A_850, %swap3A_851], %swap3A_854 {strides = array<i32>} : memref<16x1024xf32, #tpu.memory_space<vmem>>, vector<1x16xf32>,
        %get3A_855 = arith.index_cast %scan3A_256 : i32 to index
        %get3A_856 = arith.constant 640 : index
        %get3A_857 = tpu.vector_load %arg6[%get3A_855, %get3A_856] {strides = array<i32>} : memref<16x1024xf32, #tpu.memory_space<vmem>>, vector<1x16xf32>,
        %get3A_858 = vector.shape_cast %get3A_857 : vector<1x16xf32> to vector<16xf32>
        %add3A_859 = arith.addi %mul3A_144, %scan3A_256 : i32
        %get3A_860 = arith.index_cast %add3A_859 : i32 to index
        %get3A_861 = arith.constant 640 : index
        %get3A_862 = tpu.vector_load %arg5[%get3A_860, %get3A_861] {strides = array<i32>} : memref<32x1024xf32, #tpu.memory_space<vmem>>, vector<1x16xf32>,
        %get3A_863 = vector.shape_cast %get3A_862 : vector<1x16xf32> to vector<16xf32>
        %add3A_864 = arith.addf %get3A_858, %get3A_863 : vector<16xf32>
        %swap3A_865 = arith.index_cast %scan3A_256 : i32 to index
        %swap3A_866 = arith.constant 640 : index
        %swap3A_867 = tpu.vector_load %arg8[%swap3A_865, %swap3A_866] {strides = array<i32>} : memref<16x1024xf32, #tpu.memory_space<vmem>>, vector<1x16xf32>,
        %swap3A_868 = vector.shape_cast %swap3A_867 : vector<1x16xf32> to vector<16xf32>
        %swap3A_869 = vector.shape_cast %add3A_864 : vector<16xf32> to vector<1x16xf32>
        tpu.vector_store %arg8[%swap3A_865, %swap3A_866], %swap3A_869 {strides = array<i32>} : memref<16x1024xf32, #tpu.memory_space<vmem>>, vector<1x16xf32>,
        %get3A_870 = arith.index_cast %scan3A_256 : i32 to index
        %get3A_871 = arith.constant 656 : index
        %get3A_872 = tpu.vector_load %arg6[%get3A_870, %get3A_871] {strides = array<i32>} : memref<16x1024xf32, #tpu.memory_space<vmem>>, vector<1x16xf32>,
        %get3A_873 = vector.shape_cast %get3A_872 : vector<1x16xf32> to vector<16xf32>
        %add3A_874 = arith.addi %mul3A_144, %scan3A_256 : i32
        %get3A_875 = arith.index_cast %add3A_874 : i32 to index
        %get3A_876 = arith.constant 656 : index
        %get3A_877 = tpu.vector_load %arg5[%get3A_875, %get3A_876] {strides = array<i32>} : memref<32x1024xf32, #tpu.memory_space<vmem>>, vector<1x16xf32>,
        %get3A_878 = vector.shape_cast %get3A_877 : vector<1x16xf32> to vector<16xf32>
        %add3A_879 = arith.addf %get3A_873, %get3A_878 : vector<16xf32>
        %swap3A_880 = arith.index_cast %scan3A_256 : i32 to index
        %swap3A_881 = arith.constant 656 : index
        %swap3A_882 = tpu.vector_load %arg8[%swap3A_880, %swap3A_881] {strides = array<i32>} : memref<16x1024xf32, #tpu.memory_space<vmem>>, vector<1x16xf32>,
        %swap3A_883 = vector.shape_cast %swap3A_882 : vector<1x16xf32> to vector<16xf32>
        %swap3A_884 = vector.shape_cast %add3A_879 : vector<16xf32> to vector<1x16xf32>
        tpu.vector_store %arg8[%swap3A_880, %swap3A_881], %swap3A_884 {strides = array<i32>} : memref<16x1024xf32, #tpu.memory_space<vmem>>, vector<1x16xf32>,
        %get3A_885 = arith.index_cast %scan3A_256 : i32 to index
        %get3A_886 = arith.constant 672 : index
        %get3A_887 = tpu.vector_load %arg6[%get3A_885, %get3A_886] {strides = array<i32>} : memref<16x1024xf32, #tpu.memory_space<vmem>>, vector<1x16xf32>,
        %get3A_888 = vector.shape_cast %get3A_887 : vector<1x16xf32> to vector<16xf32>
        %add3A_889 = arith.addi %mul3A_144, %scan3A_256 : i32
        %get3A_890 = arith.index_cast %add3A_889 : i32 to index
        %get3A_891 = arith.constant 672 : index
        %get3A_892 = tpu.vector_load %arg5[%get3A_890, %get3A_891] {strides = array<i32>} : memref<32x1024xf32, #tpu.memory_space<vmem>>, vector<1x16xf32>,
        %get3A_893 = vector.shape_cast %get3A_892 : vector<1x16xf32> to vector<16xf32>
        %add3A_894 = arith.addf %get3A_888, %get3A_893 : vector<16xf32>
        %swap3A_895 = arith.index_cast %scan3A_256 : i32 to index
        %swap3A_896 = arith.constant 672 : index
        %swap3A_897 = tpu.vector_load %arg8[%swap3A_895, %swap3A_896] {strides = array<i32>} : memref<16x1024xf32, #tpu.memory_space<vmem>>, vector<1x16xf32>,
        %swap3A_898 = vector.shape_cast %swap3A_897 : vector<1x16xf32> to vector<16xf32>
        %swap3A_899 = vector.shape_cast %add3A_894 : vector<16xf32> to vector<1x16xf32>
        tpu.vector_store %arg8[%swap3A_895, %swap3A_896], %swap3A_899 {strides = array<i32>} : memref<16x1024xf32, #tpu.memory_space<vmem>>, vector<1x16xf32>,
        %get3A_900 = arith.index_cast %scan3A_256 : i32 to index
        %get3A_901 = arith.constant 688 : index
        %get3A_902 = tpu.vector_load %arg6[%get3A_900, %get3A_901] {strides = array<i32>} : memref<16x1024xf32, #tpu.memory_space<vmem>>, vector<1x16xf32>,
        %get3A_903 = vector.shape_cast %get3A_902 : vector<1x16xf32> to vector<16xf32>
        %add3A_904 = arith.addi %mul3A_144, %scan3A_256 : i32
        %get3A_905 = arith.index_cast %add3A_904 : i32 to index
        %get3A_906 = arith.constant 688 : index
        %get3A_907 = tpu.vector_load %arg5[%get3A_905, %get3A_906] {strides = array<i32>} : memref<32x1024xf32, #tpu.memory_space<vmem>>, vector<1x16xf32>,
        %get3A_908 = vector.shape_cast %get3A_907 : vector<1x16xf32> to vector<16xf32>
        %add3A_909 = arith.addf %get3A_903, %get3A_908 : vector<16xf32>
        %swap3A_910 = arith.index_cast %scan3A_256 : i32 to index
        %swap3A_911 = arith.constant 688 : index
        %swap3A_912 = tpu.vector_load %arg8[%swap3A_910, %swap3A_911] {strides = array<i32>} : memref<16x1024xf32, #tpu.memory_space<vmem>>, vector<1x16xf32>,
        %swap3A_913 = vector.shape_cast %swap3A_912 : vector<1x16xf32> to vector<16xf32>
        %swap3A_914 = vector.shape_cast %add3A_909 : vector<16xf32> to vector<1x16xf32>
        tpu.vector_store %arg8[%swap3A_910, %swap3A_911], %swap3A_914 {strides = array<i32>} : memref<16x1024xf32, #tpu.memory_space<vmem>>, vector<1x16xf32>,
        %get3A_915 = arith.index_cast %scan3A_256 : i32 to index
        %get3A_916 = arith.constant 704 : index
        %get3A_917 = tpu.vector_load %arg6[%get3A_915, %get3A_916] {strides = array<i32>} : memref<16x1024xf32, #tpu.memory_space<vmem>>, vector<1x16xf32>,
        %get3A_918 = vector.shape_cast %get3A_917 : vector<1x16xf32> to vector<16xf32>
        %add3A_919 = arith.addi %mul3A_144, %scan3A_256 : i32
        %get3A_920 = arith.index_cast %add3A_919 : i32 to index
        %get3A_921 = arith.constant 704 : index
        %get3A_922 = tpu.vector_load %arg5[%get3A_920, %get3A_921] {strides = array<i32>} : memref<32x1024xf32, #tpu.memory_space<vmem>>, vector<1x16xf32>,
        %get3A_923 = vector.shape_cast %get3A_922 : vector<1x16xf32> to vector<16xf32>
        %add3A_924 = arith.addf %get3A_918, %get3A_923 : vector<16xf32>
        %swap3A_925 = arith.index_cast %scan3A_256 : i32 to index
        %swap3A_926 = arith.constant 704 : index
        %swap3A_927 = tpu.vector_load %arg8[%swap3A_925, %swap3A_926] {strides = array<i32>} : memref<16x1024xf32, #tpu.memory_space<vmem>>, vector<1x16xf32>,
        %swap3A_928 = vector.shape_cast %swap3A_927 : vector<1x16xf32> to vector<16xf32>
        %swap3A_929 = vector.shape_cast %add3A_924 : vector<16xf32> to vector<1x16xf32>
        tpu.vector_store %arg8[%swap3A_925, %swap3A_926], %swap3A_929 {strides = array<i32>} : memref<16x1024xf32, #tpu.memory_space<vmem>>, vector<1x16xf32>,
        %get3A_930 = arith.index_cast %scan3A_256 : i32 to index
        %get3A_931 = arith.constant 720 : index
        %get3A_932 = tpu.vector_load %arg6[%get3A_930, %get3A_931] {strides = array<i32>} : memref<16x1024xf32, #tpu.memory_space<vmem>>, vector<1x16xf32>,
        %get3A_933 = vector.shape_cast %get3A_932 : vector<1x16xf32> to vector<16xf32>
        %add3A_934 = arith.addi %mul3A_144, %scan3A_256 : i32
        %get3A_935 = arith.index_cast %add3A_934 : i32 to index
        %get3A_936 = arith.constant 720 : index
        %get3A_937 = tpu.vector_load %arg5[%get3A_935, %get3A_936] {strides = array<i32>} : memref<32x1024xf32, #tpu.memory_space<vmem>>, vector<1x16xf32>,
        %get3A_938 = vector.shape_cast %get3A_937 : vector<1x16xf32> to vector<16xf32>
        %add3A_939 = arith.addf %get3A_933, %get3A_938 : vector<16xf32>
        %swap3A_940 = arith.index_cast %scan3A_256 : i32 to index
        %swap3A_941 = arith.constant 720 : index
        %swap3A_942 = tpu.vector_load %arg8[%swap3A_940, %swap3A_941] {strides = array<i32>} : memref<16x1024xf32, #tpu.memory_space<vmem>>, vector<1x16xf32>,
        %swap3A_943 = vector.shape_cast %swap3A_942 : vector<1x16xf32> to vector<16xf32>
        %swap3A_944 = vector.shape_cast %add3A_939 : vector<16xf32> to vector<1x16xf32>
        tpu.vector_store %arg8[%swap3A_940, %swap3A_941], %swap3A_944 {strides = array<i32>} : memref<16x1024xf32, #tpu.memory_space<vmem>>, vector<1x16xf32>,
        %get3A_945 = arith.index_cast %scan3A_256 : i32 to index
        %get3A_946 = arith.constant 736 : index
        %get3A_947 = tpu.vector_load %arg6[%get3A_945, %get3A_946] {strides = array<i32>} : memref<16x1024xf32, #tpu.memory_space<vmem>>, vector<1x16xf32>,
        %get3A_948 = vector.shape_cast %get3A_947 : vector<1x16xf32> to vector<16xf32>
        %add3A_949 = arith.addi %mul3A_144, %scan3A_256 : i32
        %get3A_950 = arith.index_cast %add3A_949 : i32 to index
        %get3A_951 = arith.constant 736 : index
        %get3A_952 = tpu.vector_load %arg5[%get3A_950, %get3A_951] {strides = array<i32>} : memref<32x1024xf32, #tpu.memory_space<vmem>>, vector<1x16xf32>,
        %get3A_953 = vector.shape_cast %get3A_952 : vector<1x16xf32> to vector<16xf32>
        %add3A_954 = arith.addf %get3A_948, %get3A_953 : vector<16xf32>
        %swap3A_955 = arith.index_cast %scan3A_256 : i32 to index
        %swap3A_956 = arith.constant 736 : index
        %swap3A_957 = tpu.vector_load %arg8[%swap3A_955, %swap3A_956] {strides = array<i32>} : memref<16x1024xf32, #tpu.memory_space<vmem>>, vector<1x16xf32>,
        %swap3A_958 = vector.shape_cast %swap3A_957 : vector<1x16xf32> to vector<16xf32>
        %swap3A_959 = vector.shape_cast %add3A_954 : vector<16xf32> to vector<1x16xf32>
        tpu.vector_store %arg8[%swap3A_955, %swap3A_956], %swap3A_959 {strides = array<i32>} : memref<16x1024xf32, #tpu.memory_space<vmem>>, vector<1x16xf32>,
        %get3A_960 = arith.index_cast %scan3A_256 : i32 to index
        %get3A_961 = arith.constant 752 : index
        %get3A_962 = tpu.vector_load %arg6[%get3A_960, %get3A_961] {strides = array<i32>} : memref<16x1024xf32, #tpu.memory_space<vmem>>, vector<1x16xf32>,
        %get3A_963 = vector.shape_cast %get3A_962 : vector<1x16xf32> to vector<16xf32>
        %add3A_964 = arith.addi %mul3A_144, %scan3A_256 : i32
        %get3A_965 = arith.index_cast %add3A_964 : i32 to index
        %get3A_966 = arith.constant 752 : index
        %get3A_967 = tpu.vector_load %arg5[%get3A_965, %get3A_966] {strides = array<i32>} : memref<32x1024xf32, #tpu.memory_space<vmem>>, vector<1x16xf32>,
        %get3A_968 = vector.shape_cast %get3A_967 : vector<1x16xf32> to vector<16xf32>
        %add3A_969 = arith.addf %get3A_963, %get3A_968 : vector<16xf32>
        %swap3A_970 = arith.index_cast %scan3A_256 : i32 to index
        %swap3A_971 = arith.constant 752 : index
        %swap3A_972 = tpu.vector_load %arg8[%swap3A_970, %swap3A_971] {strides = array<i32>} : memref<16x1024xf32, #tpu.memory_space<vmem>>, vector<1x16xf32>,
        %swap3A_973 = vector.shape_cast %swap3A_972 : vector<1x16xf32> to vector<16xf32>
        %swap3A_974 = vector.shape_cast %add3A_969 : vector<16xf32> to vector<1x16xf32>
        tpu.vector_store %arg8[%swap3A_970, %swap3A_971], %swap3A_974 {strides = array<i32>} : memref<16x1024xf32, #tpu.memory_space<vmem>>, vector<1x16xf32>,
        %get3A_975 = arith.index_cast %scan3A_256 : i32 to index
        %get3A_976 = arith.constant 768 : index
        %get3A_977 = tpu.vector_load %arg6[%get3A_975, %get3A_976] {strides = array<i32>} : memref<16x1024xf32, #tpu.memory_space<vmem>>, vector<1x16xf32>,
        %get3A_978 = vector.shape_cast %get3A_977 : vector<1x16xf32> to vector<16xf32>
        %add3A_979 = arith.addi %mul3A_144, %scan3A_256 : i32
        %get3A_980 = arith.index_cast %add3A_979 : i32 to index
        %get3A_981 = arith.constant 768 : index
        %get3A_982 = tpu.vector_load %arg5[%get3A_980, %get3A_981] {strides = array<i32>} : memref<32x1024xf32, #tpu.memory_space<vmem>>, vector<1x16xf32>,
        %get3A_983 = vector.shape_cast %get3A_982 : vector<1x16xf32> to vector<16xf32>
        %add3A_984 = arith.addf %get3A_978, %get3A_983 : vector<16xf32>
        %swap3A_985 = arith.index_cast %scan3A_256 : i32 to index
        %swap3A_986 = arith.constant 768 : index
        %swap3A_987 = tpu.vector_load %arg8[%swap3A_985, %swap3A_986] {strides = array<i32>} : memref<16x1024xf32, #tpu.memory_space<vmem>>, vector<1x16xf32>,
        %swap3A_988 = vector.shape_cast %swap3A_987 : vector<1x16xf32> to vector<16xf32>
        %swap3A_989 = vector.shape_cast %add3A_984 : vector<16xf32> to vector<1x16xf32>
        tpu.vector_store %arg8[%swap3A_985, %swap3A_986], %swap3A_989 {strides = array<i32>} : memref<16x1024xf32, #tpu.memory_space<vmem>>, vector<1x16xf32>,
        %get3A_990 = arith.index_cast %scan3A_256 : i32 to index
        %get3A_991 = arith.constant 784 : index
        %get3A_992 = tpu.vector_load %arg6[%get3A_990, %get3A_991] {strides = array<i32>} : memref<16x1024xf32, #tpu.memory_space<vmem>>, vector<1x16xf32>,
        %get3A_993 = vector.shape_cast %get3A_992 : vector<1x16xf32> to vector<16xf32>
        %add3A_994 = arith.addi %mul3A_144, %scan3A_256 : i32
        %get3A_995 = arith.index_cast %add3A_994 : i32 to index
        %get3A_996 = arith.constant 784 : index
        %get3A_997 = tpu.vector_load %arg5[%get3A_995, %get3A_996] {strides = array<i32>} : memref<32x1024xf32, #tpu.memory_space<vmem>>, vector<1x16xf32>,
        %get3A_998 = vector.shape_cast %get3A_997 : vector<1x16xf32> to vector<16xf32>
        %add3A_999 = arith.addf %get3A_993, %get3A_998 : vector<16xf32>
        %swap3A_1000 = arith.index_cast %scan3A_256 : i32 to index
        %swap3A_1001 = arith.constant 784 : index
        %swap3A_1002 = tpu.vector_load %arg8[%swap3A_1000, %swap3A_1001] {strides = array<i32>} : memref<16x1024xf32, #tpu.memory_space<vmem>>, vector<1x16xf32>,
        %swap3A_1003 = vector.shape_cast %swap3A_1002 : vector<1x16xf32> to vector<16xf32>
        %swap3A_1004 = vector.shape_cast %add3A_999 : vector<16xf32> to vector<1x16xf32>
        tpu.vector_store %arg8[%swap3A_1000, %swap3A_1001], %swap3A_1004 {strides = array<i32>} : memref<16x1024xf32, #tpu.memory_space<vmem>>, vector<1x16xf32>,
        %get3A_1005 = arith.index_cast %scan3A_256 : i32 to index
        %get3A_1006 = arith.constant 800 : index
        %get3A_1007 = tpu.vector_load %arg6[%get3A_1005, %get3A_1006] {strides = array<i32>} : memref<16x1024xf32, #tpu.memory_space<vmem>>, vector<1x16xf32>,
        %get3A_1008 = vector.shape_cast %get3A_1007 : vector<1x16xf32> to vector<16xf32>
        %add3A_1009 = arith.addi %mul3A_144, %scan3A_256 : i32
        %get3A_1010 = arith.index_cast %add3A_1009 : i32 to index
        %get3A_1011 = arith.constant 800 : index
        %get3A_1012 = tpu.vector_load %arg5[%get3A_1010, %get3A_1011] {strides = array<i32>} : memref<32x1024xf32, #tpu.memory_space<vmem>>, vector<1x16xf32>,
        %get3A_1013 = vector.shape_cast %get3A_1012 : vector<1x16xf32> to vector<16xf32>
        %add3A_1014 = arith.addf %get3A_1008, %get3A_1013 : vector<16xf32>
        %swap3A_1015 = arith.index_cast %scan3A_256 : i32 to index
        %swap3A_1016 = arith.constant 800 : index
        %swap3A_1017 = tpu.vector_load %arg8[%swap3A_1015, %swap3A_1016] {strides = array<i32>} : memref<16x1024xf32, #tpu.memory_space<vmem>>, vector<1x16xf32>,
        %swap3A_1018 = vector.shape_cast %swap3A_1017 : vector<1x16xf32> to vector<16xf32>
        %swap3A_1019 = vector.shape_cast %add3A_1014 : vector<16xf32> to vector<1x16xf32>
        tpu.vector_store %arg8[%swap3A_1015, %swap3A_1016], %swap3A_1019 {strides = array<i32>} : memref<16x1024xf32, #tpu.memory_space<vmem>>, vector<1x16xf32>,
        %get3A_1020 = arith.index_cast %scan3A_256 : i32 to index
        %get3A_1021 = arith.constant 816 : index
        %get3A_1022 = tpu.vector_load %arg6[%get3A_1020, %get3A_1021] {strides = array<i32>} : memref<16x1024xf32, #tpu.memory_space<vmem>>, vector<1x16xf32>,
        %get3A_1023 = vector.shape_cast %get3A_1022 : vector<1x16xf32> to vector<16xf32>
        %add3A_1024 = arith.addi %mul3A_144, %scan3A_256 : i32
        %get3A_1025 = arith.index_cast %add3A_1024 : i32 to index
        %get3A_1026 = arith.constant 816 : index
        %get3A_1027 = tpu.vector_load %arg5[%get3A_1025, %get3A_1026] {strides = array<i32>} : memref<32x1024xf32, #tpu.memory_space<vmem>>, vector<1x16xf32>,
        %get3A_1028 = vector.shape_cast %get3A_1027 : vector<1x16xf32> to vector<16xf32>
        %add3A_1029 = arith.addf %get3A_1023, %get3A_1028 : vector<16xf32>
        %swap3A_1030 = arith.index_cast %scan3A_256 : i32 to index
        %swap3A_1031 = arith.constant 816 : index
        %swap3A_1032 = tpu.vector_load %arg8[%swap3A_1030, %swap3A_1031] {strides = array<i32>} : memref<16x1024xf32, #tpu.memory_space<vmem>>, vector<1x16xf32>,
        %swap3A_1033 = vector.shape_cast %swap3A_1032 : vector<1x16xf32> to vector<16xf32>
        %swap3A_1034 = vector.shape_cast %add3A_1029 : vector<16xf32> to vector<1x16xf32>
        tpu.vector_store %arg8[%swap3A_1030, %swap3A_1031], %swap3A_1034 {strides = array<i32>} : memref<16x1024xf32, #tpu.memory_space<vmem>>, vector<1x16xf32>,
        %get3A_1035 = arith.index_cast %scan3A_256 : i32 to index
        %get3A_1036 = arith.constant 832 : index
        %get3A_1037 = tpu.vector_load %arg6[%get3A_1035, %get3A_1036] {strides = array<i32>} : memref<16x1024xf32, #tpu.memory_space<vmem>>, vector<1x16xf32>,
        %get3A_1038 = vector.shape_cast %get3A_1037 : vector<1x16xf32> to vector<16xf32>
        %add3A_1039 = arith.addi %mul3A_144, %scan3A_256 : i32
        %get3A_1040 = arith.index_cast %add3A_1039 : i32 to index
        %get3A_1041 = arith.constant 832 : index
        %get3A_1042 = tpu.vector_load %arg5[%get3A_1040, %get3A_1041] {strides = array<i32>} : memref<32x1024xf32, #tpu.memory_space<vmem>>, vector<1x16xf32>,
        %get3A_1043 = vector.shape_cast %get3A_1042 : vector<1x16xf32> to vector<16xf32>
        %add3A_1044 = arith.addf %get3A_1038, %get3A_1043 : vector<16xf32>
        %swap3A_1045 = arith.index_cast %scan3A_256 : i32 to index
        %swap3A_1046 = arith.constant 832 : index
        %swap3A_1047 = tpu.vector_load %arg8[%swap3A_1045, %swap3A_1046] {strides = array<i32>} : memref<16x1024xf32, #tpu.memory_space<vmem>>, vector<1x16xf32>,
        %swap3A_1048 = vector.shape_cast %swap3A_1047 : vector<1x16xf32> to vector<16xf32>
        %swap3A_1049 = vector.shape_cast %add3A_1044 : vector<16xf32> to vector<1x16xf32>
        tpu.vector_store %arg8[%swap3A_1045, %swap3A_1046], %swap3A_1049 {strides = array<i32>} : memref<16x1024xf32, #tpu.memory_space<vmem>>, vector<1x16xf32>,
        %get3A_1050 = arith.index_cast %scan3A_256 : i32 to index
        %get3A_1051 = arith.constant 848 : index
        %get3A_1052 = tpu.vector_load %arg6[%get3A_1050, %get3A_1051] {strides = array<i32>} : memref<16x1024xf32, #tpu.memory_space<vmem>>, vector<1x16xf32>,
        %get3A_1053 = vector.shape_cast %get3A_1052 : vector<1x16xf32> to vector<16xf32>
        %add3A_1054 = arith.addi %mul3A_144, %scan3A_256 : i32
        %get3A_1055 = arith.index_cast %add3A_1054 : i32 to index
        %get3A_1056 = arith.constant 848 : index
        %get3A_1057 = tpu.vector_load %arg5[%get3A_1055, %get3A_1056] {strides = array<i32>} : memref<32x1024xf32, #tpu.memory_space<vmem>>, vector<1x16xf32>,
        %get3A_1058 = vector.shape_cast %get3A_1057 : vector<1x16xf32> to vector<16xf32>
        %add3A_1059 = arith.addf %get3A_1053, %get3A_1058 : vector<16xf32>
        %swap3A_1060 = arith.index_cast %scan3A_256 : i32 to index
        %swap3A_1061 = arith.constant 848 : index
        %swap3A_1062 = tpu.vector_load %arg8[%swap3A_1060, %swap3A_1061] {strides = array<i32>} : memref<16x1024xf32, #tpu.memory_space<vmem>>, vector<1x16xf32>,
        %swap3A_1063 = vector.shape_cast %swap3A_1062 : vector<1x16xf32> to vector<16xf32>
        %swap3A_1064 = vector.shape_cast %add3A_1059 : vector<16xf32> to vector<1x16xf32>
        tpu.vector_store %arg8[%swap3A_1060, %swap3A_1061], %swap3A_1064 {strides = array<i32>} : memref<16x1024xf32, #tpu.memory_space<vmem>>, vector<1x16xf32>,
        %get3A_1065 = arith.index_cast %scan3A_256 : i32 to index
        %get3A_1066 = arith.constant 864 : index
        %get3A_1067 = tpu.vector_load %arg6[%get3A_1065, %get3A_1066] {strides = array<i32>} : memref<16x1024xf32, #tpu.memory_space<vmem>>, vector<1x16xf32>,
        %get3A_1068 = vector.shape_cast %get3A_1067 : vector<1x16xf32> to vector<16xf32>
        %add3A_1069 = arith.addi %mul3A_144, %scan3A_256 : i32
        %get3A_1070 = arith.index_cast %add3A_1069 : i32 to index
        %get3A_1071 = arith.constant 864 : index
        %get3A_1072 = tpu.vector_load %arg5[%get3A_1070, %get3A_1071] {strides = array<i32>} : memref<32x1024xf32, #tpu.memory_space<vmem>>, vector<1x16xf32>,
        %get3A_1073 = vector.shape_cast %get3A_1072 : vector<1x16xf32> to vector<16xf32>
        %add3A_1074 = arith.addf %get3A_1068, %get3A_1073 : vector<16xf32>
        %swap3A_1075 = arith.index_cast %scan3A_256 : i32 to index
        %swap3A_1076 = arith.constant 864 : index
        %swap3A_1077 = tpu.vector_load %arg8[%swap3A_1075, %swap3A_1076] {strides = array<i32>} : memref<16x1024xf32, #tpu.memory_space<vmem>>, vector<1x16xf32>,
        %swap3A_1078 = vector.shape_cast %swap3A_1077 : vector<1x16xf32> to vector<16xf32>
        %swap3A_1079 = vector.shape_cast %add3A_1074 : vector<16xf32> to vector<1x16xf32>
        tpu.vector_store %arg8[%swap3A_1075, %swap3A_1076], %swap3A_1079 {strides = array<i32>} : memref<16x1024xf32, #tpu.memory_space<vmem>>, vector<1x16xf32>,
        %get3A_1080 = arith.index_cast %scan3A_256 : i32 to index
        %get3A_1081 = arith.constant 880 : index
        %get3A_1082 = tpu.vector_load %arg6[%get3A_1080, %get3A_1081] {strides = array<i32>} : memref<16x1024xf32, #tpu.memory_space<vmem>>, vector<1x16xf32>,
        %get3A_1083 = vector.shape_cast %get3A_1082 : vector<1x16xf32> to vector<16xf32>
        %add3A_1084 = arith.addi %mul3A_144, %scan3A_256 : i32
        %get3A_1085 = arith.index_cast %add3A_1084 : i32 to index
        %get3A_1086 = arith.constant 880 : index
        %get3A_1087 = tpu.vector_load %arg5[%get3A_1085, %get3A_1086] {strides = array<i32>} : memref<32x1024xf32, #tpu.memory_space<vmem>>, vector<1x16xf32>,
        %get3A_1088 = vector.shape_cast %get3A_1087 : vector<1x16xf32> to vector<16xf32>
        %add3A_1089 = arith.addf %get3A_1083, %get3A_1088 : vector<16xf32>
        %swap3A_1090 = arith.index_cast %scan3A_256 : i32 to index
        %swap3A_1091 = arith.constant 880 : index
        %swap3A_1092 = tpu.vector_load %arg8[%swap3A_1090, %swap3A_1091] {strides = array<i32>} : memref<16x1024xf32, #tpu.memory_space<vmem>>, vector<1x16xf32>,
        %swap3A_1093 = vector.shape_cast %swap3A_1092 : vector<1x16xf32> to vector<16xf32>
        %swap3A_1094 = vector.shape_cast %add3A_1089 : vector<16xf32> to vector<1x16xf32>
        tpu.vector_store %arg8[%swap3A_1090, %swap3A_1091], %swap3A_1094 {strides = array<i32>} : memref<16x1024xf32, #tpu.memory_space<vmem>>, vector<1x16xf32>,
        %get3A_1095 = arith.index_cast %scan3A_256 : i32 to index
        %get3A_1096 = arith.constant 896 : index
        %get3A_1097 = tpu.vector_load %arg6[%get3A_1095, %get3A_1096] {strides = array<i32>} : memref<16x1024xf32, #tpu.memory_space<vmem>>, vector<1x16xf32>,
        %get3A_1098 = vector.shape_cast %get3A_1097 : vector<1x16xf32> to vector<16xf32>
        %add3A_1099 = arith.addi %mul3A_144, %scan3A_256 : i32
        %get3A_1100 = arith.index_cast %add3A_1099 : i32 to index
        %get3A_1101 = arith.constant 896 : index
        %get3A_1102 = tpu.vector_load %arg5[%get3A_1100, %get3A_1101] {strides = array<i32>} : memref<32x1024xf32, #tpu.memory_space<vmem>>, vector<1x16xf32>,
        %get3A_1103 = vector.shape_cast %get3A_1102 : vector<1x16xf32> to vector<16xf32>
        %add3A_1104 = arith.addf %get3A_1098, %get3A_1103 : vector<16xf32>
        %swap3A_1105 = arith.index_cast %scan3A_256 : i32 to index
        %swap3A_1106 = arith.constant 896 : index
        %swap3A_1107 = tpu.vector_load %arg8[%swap3A_1105, %swap3A_1106] {strides = array<i32>} : memref<16x1024xf32, #tpu.memory_space<vmem>>, vector<1x16xf32>,
        %swap3A_1108 = vector.shape_cast %swap3A_1107 : vector<1x16xf32> to vector<16xf32>
        %swap3A_1109 = vector.shape_cast %add3A_1104 : vector<16xf32> to vector<1x16xf32>
        tpu.vector_store %arg8[%swap3A_1105, %swap3A_1106], %swap3A_1109 {strides = array<i32>} : memref<16x1024xf32, #tpu.memory_space<vmem>>, vector<1x16xf32>,
        %get3A_1110 = arith.index_cast %scan3A_256 : i32 to index
        %get3A_1111 = arith.constant 912 : index
        %get3A_1112 = tpu.vector_load %arg6[%get3A_1110, %get3A_1111] {strides = array<i32>} : memref<16x1024xf32, #tpu.memory_space<vmem>>, vector<1x16xf32>,
        %get3A_1113 = vector.shape_cast %get3A_1112 : vector<1x16xf32> to vector<16xf32>
        %add3A_1114 = arith.addi %mul3A_144, %scan3A_256 : i32
        %get3A_1115 = arith.index_cast %add3A_1114 : i32 to index
        %get3A_1116 = arith.constant 912 : index
        %get3A_1117 = tpu.vector_load %arg5[%get3A_1115, %get3A_1116] {strides = array<i32>} : memref<32x1024xf32, #tpu.memory_space<vmem>>, vector<1x16xf32>,
        %get3A_1118 = vector.shape_cast %get3A_1117 : vector<1x16xf32> to vector<16xf32>
        %add3A_1119 = arith.addf %get3A_1113, %get3A_1118 : vector<16xf32>
        %swap3A_1120 = arith.index_cast %scan3A_256 : i32 to index
        %swap3A_1121 = arith.constant 912 : index
        %swap3A_1122 = tpu.vector_load %arg8[%swap3A_1120, %swap3A_1121] {strides = array<i32>} : memref<16x1024xf32, #tpu.memory_space<vmem>>, vector<1x16xf32>,
        %swap3A_1123 = vector.shape_cast %swap3A_1122 : vector<1x16xf32> to vector<16xf32>
        %swap3A_1124 = vector.shape_cast %add3A_1119 : vector<16xf32> to vector<1x16xf32>
        tpu.vector_store %arg8[%swap3A_1120, %swap3A_1121], %swap3A_1124 {strides = array<i32>} : memref<16x1024xf32, #tpu.memory_space<vmem>>, vector<1x16xf32>,
        %get3A_1125 = arith.index_cast %scan3A_256 : i32 to index
        %get3A_1126 = arith.constant 928 : index
        %get3A_1127 = tpu.vector_load %arg6[%get3A_1125, %get3A_1126] {strides = array<i32>} : memref<16x1024xf32, #tpu.memory_space<vmem>>, vector<1x16xf32>,
        %get3A_1128 = vector.shape_cast %get3A_1127 : vector<1x16xf32> to vector<16xf32>
        %add3A_1129 = arith.addi %mul3A_144, %scan3A_256 : i32
        %get3A_1130 = arith.index_cast %add3A_1129 : i32 to index
        %get3A_1131 = arith.constant 928 : index
        %get3A_1132 = tpu.vector_load %arg5[%get3A_1130, %get3A_1131] {strides = array<i32>} : memref<32x1024xf32, #tpu.memory_space<vmem>>, vector<1x16xf32>,
        %get3A_1133 = vector.shape_cast %get3A_1132 : vector<1x16xf32> to vector<16xf32>
        %add3A_1134 = arith.addf %get3A_1128, %get3A_1133 : vector<16xf32>
        %swap3A_1135 = arith.index_cast %scan3A_256 : i32 to index
        %swap3A_1136 = arith.constant 928 : index
        %swap3A_1137 = tpu.vector_load %arg8[%swap3A_1135, %swap3A_1136] {strides = array<i32>} : memref<16x1024xf32, #tpu.memory_space<vmem>>, vector<1x16xf32>,
        %swap3A_1138 = vector.shape_cast %swap3A_1137 : vector<1x16xf32> to vector<16xf32>
        %swap3A_1139 = vector.shape_cast %add3A_1134 : vector<16xf32> to vector<1x16xf32>
        tpu.vector_store %arg8[%swap3A_1135, %swap3A_1136], %swap3A_1139 {strides = array<i32>} : memref<16x1024xf32, #tpu.memory_space<vmem>>, vector<1x16xf32>,
        %get3A_1140 = arith.index_cast %scan3A_256 : i32 to index
        %get3A_1141 = arith.constant 944 : index
        %get3A_1142 = tpu.vector_load %arg6[%get3A_1140, %get3A_1141] {strides = array<i32>} : memref<16x1024xf32, #tpu.memory_space<vmem>>, vector<1x16xf32>,
        %get3A_1143 = vector.shape_cast %get3A_1142 : vector<1x16xf32> to vector<16xf32>
        %add3A_1144 = arith.addi %mul3A_144, %scan3A_256 : i32
        %get3A_1145 = arith.index_cast %add3A_1144 : i32 to index
        %get3A_1146 = arith.constant 944 : index
        %get3A_1147 = tpu.vector_load %arg5[%get3A_1145, %get3A_1146] {strides = array<i32>} : memref<32x1024xf32, #tpu.memory_space<vmem>>, vector<1x16xf32>,
        %get3A_1148 = vector.shape_cast %get3A_1147 : vector<1x16xf32> to vector<16xf32>
        %add3A_1149 = arith.addf %get3A_1143, %get3A_1148 : vector<16xf32>
        %swap3A_1150 = arith.index_cast %scan3A_256 : i32 to index
        %swap3A_1151 = arith.constant 944 : index
        %swap3A_1152 = tpu.vector_load %arg8[%swap3A_1150, %swap3A_1151] {strides = array<i32>} : memref<16x1024xf32, #tpu.memory_space<vmem>>, vector<1x16xf32>,
        %swap3A_1153 = vector.shape_cast %swap3A_1152 : vector<1x16xf32> to vector<16xf32>
        %swap3A_1154 = vector.shape_cast %add3A_1149 : vector<16xf32> to vector<1x16xf32>
        tpu.vector_store %arg8[%swap3A_1150, %swap3A_1151], %swap3A_1154 {strides = array<i32>} : memref<16x1024xf32, #tpu.memory_space<vmem>>, vector<1x16xf32>,
        %get3A_1155 = arith.index_cast %scan3A_256 : i32 to index
        %get3A_1156 = arith.constant 960 : index
        %get3A_1157 = tpu.vector_load %arg6[%get3A_1155, %get3A_1156] {strides = array<i32>} : memref<16x1024xf32, #tpu.memory_space<vmem>>, vector<1x16xf32>,
        %get3A_1158 = vector.shape_cast %get3A_1157 : vector<1x16xf32> to vector<16xf32>
        %add3A_1159 = arith.addi %mul3A_144, %scan3A_256 : i32
        %get3A_1160 = arith.index_cast %add3A_1159 : i32 to index
        %get3A_1161 = arith.constant 960 : index
        %get3A_1162 = tpu.vector_load %arg5[%get3A_1160, %get3A_1161] {strides = array<i32>} : memref<32x1024xf32, #tpu.memory_space<vmem>>, vector<1x16xf32>,
        %get3A_1163 = vector.shape_cast %get3A_1162 : vector<1x16xf32> to vector<16xf32>
        %add3A_1164 = arith.addf %get3A_1158, %get3A_1163 : vector<16xf32>
        %swap3A_1165 = arith.index_cast %scan3A_256 : i32 to index
        %swap3A_1166 = arith.constant 960 : index
        %swap3A_1167 = tpu.vector_load %arg8[%swap3A_1165, %swap3A_1166] {strides = array<i32>} : memref<16x1024xf32, #tpu.memory_space<vmem>>, vector<1x16xf32>,
        %swap3A_1168 = vector.shape_cast %swap3A_1167 : vector<1x16xf32> to vector<16xf32>
        %swap3A_1169 = vector.shape_cast %add3A_1164 : vector<16xf32> to vector<1x16xf32>
        tpu.vector_store %arg8[%swap3A_1165, %swap3A_1166], %swap3A_1169 {strides = array<i32>} : memref<16x1024xf32, #tpu.memory_space<vmem>>, vector<1x16xf32>,
        %get3A_1170 = arith.index_cast %scan3A_256 : i32 to index
        %get3A_1171 = arith.constant 976 : index
        %get3A_1172 = tpu.vector_load %arg6[%get3A_1170, %get3A_1171] {strides = array<i32>} : memref<16x1024xf32, #tpu.memory_space<vmem>>, vector<1x16xf32>,
        %get3A_1173 = vector.shape_cast %get3A_1172 : vector<1x16xf32> to vector<16xf32>
        %add3A_1174 = arith.addi %mul3A_144, %scan3A_256 : i32
        %get3A_1175 = arith.index_cast %add3A_1174 : i32 to index
        %get3A_1176 = arith.constant 976 : index
        %get3A_1177 = tpu.vector_load %arg5[%get3A_1175, %get3A_1176] {strides = array<i32>} : memref<32x1024xf32, #tpu.memory_space<vmem>>, vector<1x16xf32>,
        %get3A_1178 = vector.shape_cast %get3A_1177 : vector<1x16xf32> to vector<16xf32>
        %add3A_1179 = arith.addf %get3A_1173, %get3A_1178 : vector<16xf32>
        %swap3A_1180 = arith.index_cast %scan3A_256 : i32 to index
        %swap3A_1181 = arith.constant 976 : index
        %swap3A_1182 = tpu.vector_load %arg8[%swap3A_1180, %swap3A_1181] {strides = array<i32>} : memref<16x1024xf32, #tpu.memory_space<vmem>>, vector<1x16xf32>,
        %swap3A_1183 = vector.shape_cast %swap3A_1182 : vector<1x16xf32> to vector<16xf32>
        %swap3A_1184 = vector.shape_cast %add3A_1179 : vector<16xf32> to vector<1x16xf32>
        tpu.vector_store %arg8[%swap3A_1180, %swap3A_1181], %swap3A_1184 {strides = array<i32>} : memref<16x1024xf32, #tpu.memory_space<vmem>>, vector<1x16xf32>,
        %get3A_1185 = arith.index_cast %scan3A_256 : i32 to index
        %get3A_1186 = arith.constant 992 : index
        %get3A_1187 = tpu.vector_load %arg6[%get3A_1185, %get3A_1186] {strides = array<i32>} : memref<16x1024xf32, #tpu.memory_space<vmem>>, vector<1x16xf32>,
        %get3A_1188 = vector.shape_cast %get3A_1187 : vector<1x16xf32> to vector<16xf32>
        %add3A_1189 = arith.addi %mul3A_144, %scan3A_256 : i32
        %get3A_1190 = arith.index_cast %add3A_1189 : i32 to index
        %get3A_1191 = arith.constant 992 : index
        %get3A_1192 = tpu.vector_load %arg5[%get3A_1190, %get3A_1191] {strides = array<i32>} : memref<32x1024xf32, #tpu.memory_space<vmem>>, vector<1x16xf32>,
        %get3A_1193 = vector.shape_cast %get3A_1192 : vector<1x16xf32> to vector<16xf32>
        %add3A_1194 = arith.addf %get3A_1188, %get3A_1193 : vector<16xf32>
        %swap3A_1195 = arith.index_cast %scan3A_256 : i32 to index
        %swap3A_1196 = arith.constant 992 : index
        %swap3A_1197 = tpu.vector_load %arg8[%swap3A_1195, %swap3A_1196] {strides = array<i32>} : memref<16x1024xf32, #tpu.memory_space<vmem>>, vector<1x16xf32>,
        %swap3A_1198 = vector.shape_cast %swap3A_1197 : vector<1x16xf32> to vector<16xf32>
        %swap3A_1199 = vector.shape_cast %add3A_1194 : vector<16xf32> to vector<1x16xf32>
        tpu.vector_store %arg8[%swap3A_1195, %swap3A_1196], %swap3A_1199 {strides = array<i32>} : memref<16x1024xf32, #tpu.memory_space<vmem>>, vector<1x16xf32>,
        %get3A_1200 = arith.index_cast %scan3A_256 : i32 to index
        %get3A_1201 = arith.constant 1008 : index
        %get3A_1202 = tpu.vector_load %arg6[%get3A_1200, %get3A_1201] {strides = array<i32>} : memref<16x1024xf32, #tpu.memory_space<vmem>>, vector<1x16xf32>,
        %get3A_1203 = vector.shape_cast %get3A_1202 : vector<1x16xf32> to vector<16xf32>
        %add3A_1204 = arith.addi %mul3A_144, %scan3A_256 : i32
        %get3A_1205 = arith.index_cast %add3A_1204 : i32 to index
        %get3A_1206 = arith.constant 1008 : index
        %get3A_1207 = tpu.vector_load %arg5[%get3A_1205, %get3A_1206] {strides = array<i32>} : memref<32x1024xf32, #tpu.memory_space<vmem>>, vector<1x16xf32>,
        %get3A_1208 = vector.shape_cast %get3A_1207 : vector<1x16xf32> to vector<16xf32>
        %add3A_1209 = arith.addf %get3A_1203, %get3A_1208 : vector<16xf32>
        %swap3A_1210 = arith.index_cast %scan3A_256 : i32 to index
        %swap3A_1211 = arith.constant 1008 : index
        %swap3A_1212 = tpu.vector_load %arg8[%swap3A_1210, %swap3A_1211] {strides = array<i32>} : memref<16x1024xf32, #tpu.memory_space<vmem>>, vector<1x16xf32>,
        %swap3A_1213 = vector.shape_cast %swap3A_1212 : vector<1x16xf32> to vector<16xf32>
        %swap3A_1214 = vector.shape_cast %add3A_1209 : vector<16xf32> to vector<1x16xf32>
        tpu.vector_store %arg8[%swap3A_1210, %swap3A_1211], %swap3A_1214 {strides = array<i32>} : memref<16x1024xf32, #tpu.memory_space<vmem>>, vector<1x16xf32>,
      }
      %scan3A_150 = arith.constant 16 : i32
      %dma_start3A_151 = arith.constant 0 : i32
      %dma_start3A_152 = tpu.memref_slice %arg4[%add3A_120, %dma_start3A_151] : memref<8192x1024xf32, #tpu.memory_space<hbm>> -> memref<16x1024xf32, #tpu.memory_space<hbm>>
      %dma_start3A_153 = arith.constant 0 : i32
      %dma_start3A_154 = tpu.memref_slice %arg4[%add3A_120, %dma_start3A_153] : memref<8192x1024xf32, #tpu.memory_space<hbm>> -> memref<16x1024xf32, #tpu.memory_space<hbm>>
      tpu.enqueue_dma source(%arg8 : memref<16x1024xf32, #tpu.memory_space<vmem>>) target(%dma_start3A_154 : memref<16x1024xf32, #tpu.memory_space<hbm>>) target_semaphore(%arg12 : memref<!tpu.dma_semaphore, #tpu.memory_space<semaphore_mem>>)
      %add3A_155 = arith.constant 2 : i32
      %add3A_156 = arith.addi %add3A_84, %add3A_155 : i32
      %lt3A_157 = arith.constant 8 : i32
      %lt3A_158 = arith.cmpi slt, %add3A_156, %lt3A_157 : i32
      %convert_element_type3A_159 = arith.extui %lt3A_158 : i1 to i32
      %cond3A_160 = arith.constant 0 : i32
      %cond3A_161 = arith.cmpi ne, %convert_element_type3A_159, %cond3A_160 : i32
      scf.if %cond3A_161 {
        %jit3A_256 = arith.constant 2 : i32
        %div3A_257 = arith.divsi %add3A_156, %jit3A_256 : i32
        %sign3A_258 = arith.constant 0 : i32
        %sign3A_259 = arith.cmpi sgt, %add3A_156, %sign3A_258 : i32
        %sign3A_260 = arith.extui %sign3A_259 : i1 to i32
        %sign3A_261 = arith.constant 0 : i32
        %sign3A_262 = arith.cmpi slt, %add3A_156, %sign3A_261 : i32
        %sign3A_263 = arith.extui %sign3A_262 : i1 to i32
        %sign3A_264 = arith.subi %sign3A_260, %sign3A_263 : i32
        %sign3A_265 = arith.constant 0 : i32
        %sign3A_266 = arith.cmpi sgt, %jit3A_256, %sign3A_265 : i32
        %sign3A_267 = arith.extui %sign3A_266 : i1 to i32
        %sign3A_268 = arith.constant 0 : i32
        %sign3A_269 = arith.cmpi slt, %jit3A_256, %sign3A_268 : i32
        %sign3A_270 = arith.extui %sign3A_269 : i1 to i32
        %sign3A_271 = arith.subi %sign3A_267, %sign3A_270 : i32
        %ne3A_272 = arith.cmpi ne, %sign3A_264, %sign3A_271 : i32
        %rem3A_273 = arith.remsi %add3A_156, %jit3A_256 : i32
        %ne3A_274 = arith.constant 0 : i32
        %ne3A_275 = arith.cmpi ne, %rem3A_273, %ne3A_274 : i32
        %and3A_276 = arith.andi %ne3A_272, %ne3A_275 : i1
        %sub3A_277 = arith.constant 1 : i32
        %sub3A_278 = arith.subi %div3A_257, %sub3A_277 : i32
        %select_n3A_279 = arith.select %and3A_276, %sub3A_278, %div3A_257 : i32
        %jit3A_280 = arith.constant 2 : i32
        %eq3A_281 = arith.constant 0 : i32
        %eq3A_282 = arith.cmpi eq, %jit3A_280, %eq3A_281 : i32
        %jit3A_283 = arith.constant 1 : i32
        %select_n3A_284 = arith.select %eq3A_282, %jit3A_283, %jit3A_280 : i32
        %rem3A_285 = arith.remsi %add3A_156, %select_n3A_284 : i32
        %ne3A_286 = arith.constant 0 : i32
        %ne3A_287 = arith.cmpi ne, %rem3A_285, %ne3A_286 : i32
        %lt3A_288 = arith.constant 0 : i32
        %lt3A_289 = arith.cmpi slt, %rem3A_285, %lt3A_288 : i32
        %lt3A_290 = arith.constant 0 : i32
        %lt3A_291 = arith.cmpi slt, %select_n3A_284, %lt3A_290 : i32
        %ne3A_292 = arith.xori %lt3A_289, %lt3A_291 : i1
        %and3A_293 = arith.andi %ne3A_292, %ne3A_287 : i1
        %add3A_294 = arith.addi %rem3A_285, %select_n3A_284 : i32
        %select_n3A_295 = arith.select %and3A_293, %add3A_294, %rem3A_285 : i32
        %mul3A_296 = arith.constant 2048 : i32
        %mul3A_297 = arith.muli %select_n3A_279, %mul3A_296 : i32
        %add3A_298 = arith.addi %mul3A_297, %add3A_4 : i32
        %mul3A_299 = arith.constant 16 : i32
        %mul3A_300 = arith.muli %select_n3A_295, %mul3A_299 : i32
        %add3A_301 = arith.addi %add3A_298, %mul3A_300 : i32
        %dma_start3A_302 = arith.constant 0 : i32
        %dma_start3A_303 = tpu.memref_slice %arg2[%add3A_301, %dma_start3A_302] : memref<8192x1024xf32, #tpu.memory_space<hbm>> -> memref<16x1024xf32, #tpu.memory_space<hbm>>
        %dma_start3A_304 = arith.constant 0 : i32
        %dma_start3A_305 = tpu.memref_slice %arg2[%add3A_301, %dma_start3A_304] : memref<8192x1024xf32, #tpu.memory_space<hbm>> -> memref<16x1024xf32, #tpu.memory_space<hbm>>
        tpu.enqueue_dma source(%dma_start3A_305 : memref<16x1024xf32, #tpu.memory_space<hbm>>) target(%arg6 : memref<16x1024xf32, #tpu.memory_space<vmem>>) target_semaphore(%arg10 : memref<!tpu.dma_semaphore, #tpu.memory_space<semaphore_mem>>)
      } else {
      }
      %mul3A_162 = arith.constant 2 : i32
      %mul3A_163 = arith.muli %scan3A_80, %mul3A_162 : i32
      %add3A_164 = arith.constant 1 : i32
      %add3A_165 = arith.addi %mul3A_163, %add3A_164 : i32
      %jit3A_166 = arith.constant 2 : i32
      %div3A_167 = arith.divsi %add3A_165, %jit3A_166 : i32
      %sign3A_168 = arith.constant 0 : i32
      %sign3A_169 = arith.cmpi sgt, %add3A_165, %sign3A_168 : i32
      %sign3A_170 = arith.extui %sign3A_169 : i1 to i32
      %sign3A_171 = arith.constant 0 : i32
      %sign3A_172 = arith.cmpi slt, %add3A_165, %sign3A_171 : i32
      %sign3A_173 = arith.extui %sign3A_172 : i1 to i32
      %sign3A_174 = arith.subi %sign3A_170, %sign3A_173 : i32
      %sign3A_175 = arith.constant 0 : i32
      %sign3A_176 = arith.cmpi sgt, %jit3A_166, %sign3A_175 : i32
      %sign3A_177 = arith.extui %sign3A_176 : i1 to i32
      %sign3A_178 = arith.constant 0 : i32
      %sign3A_179 = arith.cmpi slt, %jit3A_166, %sign3A_178 : i32
      %sign3A_180 = arith.extui %sign3A_179 : i1 to i32
      %sign3A_181 = arith.subi %sign3A_177, %sign3A_180 : i32
      %ne3A_182 = arith.cmpi ne, %sign3A_174, %sign3A_181 : i32
      %rem3A_183 = arith.remsi %add3A_165, %jit3A_166 : i32
      %ne3A_184 = arith.constant 0 : i32
      %ne3A_185 = arith.cmpi ne, %rem3A_183, %ne3A_184 : i32
      %and3A_186 = arith.andi %ne3A_182, %ne3A_185 : i1
      %sub3A_187 = arith.constant 1 : i32
      %sub3A_188 = arith.subi %div3A_167, %sub3A_187 : i32
      %select_n3A_189 = arith.select %and3A_186, %sub3A_188, %div3A_167 : i32
      %jit3A_190 = arith.constant 2 : i32
      %eq3A_191 = arith.constant 0 : i32
      %eq3A_192 = arith.cmpi eq, %jit3A_190, %eq3A_191 : i32
      %jit3A_193 = arith.constant 1 : i32
      %select_n3A_194 = arith.select %eq3A_192, %jit3A_193, %jit3A_190 : i32
      %rem3A_195 = arith.remsi %add3A_165, %select_n3A_194 : i32
      %ne3A_196 = arith.constant 0 : i32
      %ne3A_197 = arith.cmpi ne, %rem3A_195, %ne3A_196 : i32
      %lt3A_198 = arith.constant 0 : i32
      %lt3A_199 = arith.cmpi slt, %rem3A_195, %lt3A_198 : i32
      %lt3A_200 = arith.constant 0 : i32
      %lt3A_201 = arith.cmpi slt, %select_n3A_194, %lt3A_200 : i32
      %ne3A_202 = arith.xori %lt3A_199, %lt3A_201 : i1
      %and3A_203 = arith.andi %ne3A_202, %ne3A_197 : i1
      %add3A_204 = arith.addi %rem3A_195, %select_n3A_194 : i32
      %select_n3A_205 = arith.select %and3A_203, %add3A_204, %rem3A_195 : i32
      %mul3A_206 = arith.constant 2048 : i32
      %mul3A_207 = arith.muli %select_n3A_189, %mul3A_206 : i32
      %add3A_208 = arith.addi %mul3A_207, %add3A_4 : i32
      %mul3A_209 = arith.constant 16 : i32
      %mul3A_210 = arith.muli %select_n3A_205, %mul3A_209 : i32
      %add3A_211 = arith.addi %add3A_208, %mul3A_210 : i32
      %dma_wait3A_212 = arith.constant 0 : i32
      %dma_wait3A_213 = tpu.memref_slice %arg2[%add3A_211, %dma_wait3A_212] : memref<8192x1024xf32, #tpu.memory_space<hbm>> -> memref<16x1024xf32, #tpu.memory_space<hbm>>
      %dma_wait3A_214 = arith.constant 0 : i32
      %dma_wait3A_215 = tpu.memref_slice %arg2[%add3A_211, %dma_wait3A_214] : memref<8192x1024xf32, #tpu.memory_space<hbm>> -> memref<16x1024xf32, #tpu.memory_space<hbm>>
      tpu.wait_dma2 semaphore(%arg11 : memref<!tpu.dma_semaphore, #tpu.memory_space<semaphore_mem>>) src(%dma_wait3A_215 : memref<16x1024xf32, #tpu.memory_space<hbm>>) dst(%arg7 : memref<16x1024xf32, #tpu.memory_space<vmem>>)
      %ge3A_216 = arith.constant 2 : i32
      %ge3A_217 = arith.cmpi sge, %add3A_165, %ge3A_216 : i32
      %convert_element_type3A_218 = arith.extui %ge3A_217 : i1 to i32
      %cond3A_219 = arith.constant 0 : i32
      %cond3A_220 = arith.cmpi ne, %convert_element_type3A_218, %cond3A_219 : i32
      scf.if %cond3A_220 {
        %dma_wait3A_256 = arith.constant 0 : i32
        %dma_wait3A_257 = tpu.memref_slice %arg4[%add3A_211, %dma_wait3A_256] : memref<8192x1024xf32, #tpu.memory_space<hbm>> -> memref<16x1024xf32, #tpu.memory_space<hbm>>
        %dma_wait3A_258 = arith.constant 0 : i32
        %dma_wait3A_259 = tpu.memref_slice %arg4[%add3A_211, %dma_wait3A_258] : memref<8192x1024xf32, #tpu.memory_space<hbm>> -> memref<16x1024xf32, #tpu.memory_space<hbm>>
        tpu.wait_dma2 semaphore(%arg13 : memref<!tpu.dma_semaphore, #tpu.memory_space<semaphore_mem>>) src(%arg9 : memref<16x1024xf32, #tpu.memory_space<vmem>>) dst(%dma_wait3A_259 : memref<16x1024xf32, #tpu.memory_space<hbm>>)
      } else {
      }
      %jit3A_221 = arith.constant 2 : i32
      %eq3A_222 = arith.constant 0 : i32
      %eq3A_223 = arith.cmpi eq, %jit3A_221, %eq3A_222 : i32
      %jit3A_224 = arith.constant 1 : i32
      %select_n3A_225 = arith.select %eq3A_223, %jit3A_224, %jit3A_221 : i32
      %rem3A_226 = arith.remsi %add3A_165, %select_n3A_225 : i32
      %ne3A_227 = arith.constant 0 : i32
      %ne3A_228 = arith.cmpi ne, %rem3A_226, %ne3A_227 : i32
      %lt3A_229 = arith.constant 0 : i32
      %lt3A_230 = arith.cmpi slt, %rem3A_226, %lt3A_229 : i32
      %lt3A_231 = arith.constant 0 : i32
      %lt3A_232 = arith.cmpi slt, %select_n3A_225, %lt3A_231 : i32
      %ne3A_233 = arith.xori %lt3A_230, %lt3A_232 : i1
      %and3A_234 = arith.andi %ne3A_233, %ne3A_228 : i1
      %add3A_235 = arith.addi %rem3A_226, %select_n3A_225 : i32
      %select_n3A_236 = arith.select %and3A_234, %add3A_235, %rem3A_226 : i32
      %mul3A_237 = arith.constant 16 : i32
      %mul3A_238 = arith.muli %select_n3A_236, %mul3A_237 : i32
      %scan3A_239 = arith.constant 0 : i32
      %scan3A_240 = arith.constant 0 : i32
      %scan3A_241 = arith.constant 16 : i32
      %scan3A_242 = arith.addi %scan3A_240, %scan3A_241 : i32
      %scan3A_243 = arith.constant 1 : i32
      scf.for %scan3A_256 = %scan3A_240 to %scan3A_242 step %scan3A_243  : i32 {
        %get3A = arith.index_cast %scan3A_256 : i32 to index
        %get3A_257 = arith.constant 0 : index
        %get3A_258 = tpu.vector_load %arg7[%get3A, %get3A_257] {strides = array<i32>} : memref<16x1024xf32, #tpu.memory_space<vmem>>, vector<1x16xf32>,
        %get3A_259 = vector.shape_cast %get3A_258 : vector<1x16xf32> to vector<16xf32>
        %add3A_260 = arith.addi %mul3A_238, %scan3A_256 : i32
        %get3A_261 = arith.index_cast %add3A_260 : i32 to index
        %get3A_262 = arith.constant 0 : index
        %get3A_263 = tpu.vector_load %arg5[%get3A_261, %get3A_262] {strides = array<i32>} : memref<32x1024xf32, #tpu.memory_space<vmem>>, vector<1x16xf32>,
        %get3A_264 = vector.shape_cast %get3A_263 : vector<1x16xf32> to vector<16xf32>
        %add3A_265 = arith.addf %get3A_259, %get3A_264 : vector<16xf32>
        %swap3A = arith.index_cast %scan3A_256 : i32 to index
        %swap3A_266 = arith.constant 0 : index
        %swap3A_267 = tpu.vector_load %arg9[%swap3A, %swap3A_266] {strides = array<i32>} : memref<16x1024xf32, #tpu.memory_space<vmem>>, vector<1x16xf32>,
        %swap3A_268 = vector.shape_cast %swap3A_267 : vector<1x16xf32> to vector<16xf32>
        %swap3A_269 = vector.shape_cast %add3A_265 : vector<16xf32> to vector<1x16xf32>
        tpu.vector_store %arg9[%swap3A, %swap3A_266], %swap3A_269 {strides = array<i32>} : memref<16x1024xf32, #tpu.memory_space<vmem>>, vector<1x16xf32>,
        %get3A_270 = arith.index_cast %scan3A_256 : i32 to index
        %get3A_271 = arith.constant 16 : index
        %get3A_272 = tpu.vector_load %arg7[%get3A_270, %get3A_271] {strides = array<i32>} : memref<16x1024xf32, #tpu.memory_space<vmem>>, vector<1x16xf32>,
        %get3A_273 = vector.shape_cast %get3A_272 : vector<1x16xf32> to vector<16xf32>
        %add3A_274 = arith.addi %mul3A_238, %scan3A_256 : i32
        %get3A_275 = arith.index_cast %add3A_274 : i32 to index
        %get3A_276 = arith.constant 16 : index
        %get3A_277 = tpu.vector_load %arg5[%get3A_275, %get3A_276] {strides = array<i32>} : memref<32x1024xf32, #tpu.memory_space<vmem>>, vector<1x16xf32>,
        %get3A_278 = vector.shape_cast %get3A_277 : vector<1x16xf32> to vector<16xf32>
        %add3A_279 = arith.addf %get3A_273, %get3A_278 : vector<16xf32>
        %swap3A_280 = arith.index_cast %scan3A_256 : i32 to index
        %swap3A_281 = arith.constant 16 : index
        %swap3A_282 = tpu.vector_load %arg9[%swap3A_280, %swap3A_281] {strides = array<i32>} : memref<16x1024xf32, #tpu.memory_space<vmem>>, vector<1x16xf32>,
        %swap3A_283 = vector.shape_cast %swap3A_282 : vector<1x16xf32> to vector<16xf32>
        %swap3A_284 = vector.shape_cast %add3A_279 : vector<16xf32> to vector<1x16xf32>
        tpu.vector_store %arg9[%swap3A_280, %swap3A_281], %swap3A_284 {strides = array<i32>} : memref<16x1024xf32, #tpu.memory_space<vmem>>, vector<1x16xf32>,
        %get3A_285 = arith.index_cast %scan3A_256 : i32 to index
        %get3A_286 = arith.constant 32 : index
        %get3A_287 = tpu.vector_load %arg7[%get3A_285, %get3A_286] {strides = array<i32>} : memref<16x1024xf32, #tpu.memory_space<vmem>>, vector<1x16xf32>,
        %get3A_288 = vector.shape_cast %get3A_287 : vector<1x16xf32> to vector<16xf32>
        %add3A_289 = arith.addi %mul3A_238, %scan3A_256 : i32
        %get3A_290 = arith.index_cast %add3A_289 : i32 to index
        %get3A_291 = arith.constant 32 : index
        %get3A_292 = tpu.vector_load %arg5[%get3A_290, %get3A_291] {strides = array<i32>} : memref<32x1024xf32, #tpu.memory_space<vmem>>, vector<1x16xf32>,
        %get3A_293 = vector.shape_cast %get3A_292 : vector<1x16xf32> to vector<16xf32>
        %add3A_294 = arith.addf %get3A_288, %get3A_293 : vector<16xf32>
        %swap3A_295 = arith.index_cast %scan3A_256 : i32 to index
        %swap3A_296 = arith.constant 32 : index
        %swap3A_297 = tpu.vector_load %arg9[%swap3A_295, %swap3A_296] {strides = array<i32>} : memref<16x1024xf32, #tpu.memory_space<vmem>>, vector<1x16xf32>,
        %swap3A_298 = vector.shape_cast %swap3A_297 : vector<1x16xf32> to vector<16xf32>
        %swap3A_299 = vector.shape_cast %add3A_294 : vector<16xf32> to vector<1x16xf32>
        tpu.vector_store %arg9[%swap3A_295, %swap3A_296], %swap3A_299 {strides = array<i32>} : memref<16x1024xf32, #tpu.memory_space<vmem>>, vector<1x16xf32>,
        %get3A_300 = arith.index_cast %scan3A_256 : i32 to index
        %get3A_301 = arith.constant 48 : index
        %get3A_302 = tpu.vector_load %arg7[%get3A_300, %get3A_301] {strides = array<i32>} : memref<16x1024xf32, #tpu.memory_space<vmem>>, vector<1x16xf32>,
        %get3A_303 = vector.shape_cast %get3A_302 : vector<1x16xf32> to vector<16xf32>
        %add3A_304 = arith.addi %mul3A_238, %scan3A_256 : i32
        %get3A_305 = arith.index_cast %add3A_304 : i32 to index
        %get3A_306 = arith.constant 48 : index
        %get3A_307 = tpu.vector_load %arg5[%get3A_305, %get3A_306] {strides = array<i32>} : memref<32x1024xf32, #tpu.memory_space<vmem>>, vector<1x16xf32>,
        %get3A_308 = vector.shape_cast %get3A_307 : vector<1x16xf32> to vector<16xf32>
        %add3A_309 = arith.addf %get3A_303, %get3A_308 : vector<16xf32>
        %swap3A_310 = arith.index_cast %scan3A_256 : i32 to index
        %swap3A_311 = arith.constant 48 : index
        %swap3A_312 = tpu.vector_load %arg9[%swap3A_310, %swap3A_311] {strides = array<i32>} : memref<16x1024xf32, #tpu.memory_space<vmem>>, vector<1x16xf32>,
        %swap3A_313 = vector.shape_cast %swap3A_312 : vector<1x16xf32> to vector<16xf32>
        %swap3A_314 = vector.shape_cast %add3A_309 : vector<16xf32> to vector<1x16xf32>
        tpu.vector_store %arg9[%swap3A_310, %swap3A_311], %swap3A_314 {strides = array<i32>} : memref<16x1024xf32, #tpu.memory_space<vmem>>, vector<1x16xf32>,
        %get3A_315 = arith.index_cast %scan3A_256 : i32 to index
        %get3A_316 = arith.constant 64 : index
        %get3A_317 = tpu.vector_load %arg7[%get3A_315, %get3A_316] {strides = array<i32>} : memref<16x1024xf32, #tpu.memory_space<vmem>>, vector<1x16xf32>,
        %get3A_318 = vector.shape_cast %get3A_317 : vector<1x16xf32> to vector<16xf32>
        %add3A_319 = arith.addi %mul3A_238, %scan3A_256 : i32
        %get3A_320 = arith.index_cast %add3A_319 : i32 to index
        %get3A_321 = arith.constant 64 : index
        %get3A_322 = tpu.vector_load %arg5[%get3A_320, %get3A_321] {strides = array<i32>} : memref<32x1024xf32, #tpu.memory_space<vmem>>, vector<1x16xf32>,
        %get3A_323 = vector.shape_cast %get3A_322 : vector<1x16xf32> to vector<16xf32>
        %add3A_324 = arith.addf %get3A_318, %get3A_323 : vector<16xf32>
        %swap3A_325 = arith.index_cast %scan3A_256 : i32 to index
        %swap3A_326 = arith.constant 64 : index
        %swap3A_327 = tpu.vector_load %arg9[%swap3A_325, %swap3A_326] {strides = array<i32>} : memref<16x1024xf32, #tpu.memory_space<vmem>>, vector<1x16xf32>,
        %swap3A_328 = vector.shape_cast %swap3A_327 : vector<1x16xf32> to vector<16xf32>
        %swap3A_329 = vector.shape_cast %add3A_324 : vector<16xf32> to vector<1x16xf32>
        tpu.vector_store %arg9[%swap3A_325, %swap3A_326], %swap3A_329 {strides = array<i32>} : memref<16x1024xf32, #tpu.memory_space<vmem>>, vector<1x16xf32>,
        %get3A_330 = arith.index_cast %scan3A_256 : i32 to index
        %get3A_331 = arith.constant 80 : index
        %get3A_332 = tpu.vector_load %arg7[%get3A_330, %get3A_331] {strides = array<i32>} : memref<16x1024xf32, #tpu.memory_space<vmem>>, vector<1x16xf32>,
        %get3A_333 = vector.shape_cast %get3A_332 : vector<1x16xf32> to vector<16xf32>
        %add3A_334 = arith.addi %mul3A_238, %scan3A_256 : i32
        %get3A_335 = arith.index_cast %add3A_334 : i32 to index
        %get3A_336 = arith.constant 80 : index
        %get3A_337 = tpu.vector_load %arg5[%get3A_335, %get3A_336] {strides = array<i32>} : memref<32x1024xf32, #tpu.memory_space<vmem>>, vector<1x16xf32>,
        %get3A_338 = vector.shape_cast %get3A_337 : vector<1x16xf32> to vector<16xf32>
        %add3A_339 = arith.addf %get3A_333, %get3A_338 : vector<16xf32>
        %swap3A_340 = arith.index_cast %scan3A_256 : i32 to index
        %swap3A_341 = arith.constant 80 : index
        %swap3A_342 = tpu.vector_load %arg9[%swap3A_340, %swap3A_341] {strides = array<i32>} : memref<16x1024xf32, #tpu.memory_space<vmem>>, vector<1x16xf32>,
        %swap3A_343 = vector.shape_cast %swap3A_342 : vector<1x16xf32> to vector<16xf32>
        %swap3A_344 = vector.shape_cast %add3A_339 : vector<16xf32> to vector<1x16xf32>
        tpu.vector_store %arg9[%swap3A_340, %swap3A_341], %swap3A_344 {strides = array<i32>} : memref<16x1024xf32, #tpu.memory_space<vmem>>, vector<1x16xf32>,
        %get3A_345 = arith.index_cast %scan3A_256 : i32 to index
        %get3A_346 = arith.constant 96 : index
        %get3A_347 = tpu.vector_load %arg7[%get3A_345, %get3A_346] {strides = array<i32>} : memref<16x1024xf32, #tpu.memory_space<vmem>>, vector<1x16xf32>,
        %get3A_348 = vector.shape_cast %get3A_347 : vector<1x16xf32> to vector<16xf32>
        %add3A_349 = arith.addi %mul3A_238, %scan3A_256 : i32
        %get3A_350 = arith.index_cast %add3A_349 : i32 to index
        %get3A_351 = arith.constant 96 : index
        %get3A_352 = tpu.vector_load %arg5[%get3A_350, %get3A_351] {strides = array<i32>} : memref<32x1024xf32, #tpu.memory_space<vmem>>, vector<1x16xf32>,
        %get3A_353 = vector.shape_cast %get3A_352 : vector<1x16xf32> to vector<16xf32>
        %add3A_354 = arith.addf %get3A_348, %get3A_353 : vector<16xf32>
        %swap3A_355 = arith.index_cast %scan3A_256 : i32 to index
        %swap3A_356 = arith.constant 96 : index
        %swap3A_357 = tpu.vector_load %arg9[%swap3A_355, %swap3A_356] {strides = array<i32>} : memref<16x1024xf32, #tpu.memory_space<vmem>>, vector<1x16xf32>,
        %swap3A_358 = vector.shape_cast %swap3A_357 : vector<1x16xf32> to vector<16xf32>
        %swap3A_359 = vector.shape_cast %add3A_354 : vector<16xf32> to vector<1x16xf32>
        tpu.vector_store %arg9[%swap3A_355, %swap3A_356], %swap3A_359 {strides = array<i32>} : memref<16x1024xf32, #tpu.memory_space<vmem>>, vector<1x16xf32>,
        %get3A_360 = arith.index_cast %scan3A_256 : i32 to index
        %get3A_361 = arith.constant 112 : index
        %get3A_362 = tpu.vector_load %arg7[%get3A_360, %get3A_361] {strides = array<i32>} : memref<16x1024xf32, #tpu.memory_space<vmem>>, vector<1x16xf32>,
        %get3A_363 = vector.shape_cast %get3A_362 : vector<1x16xf32> to vector<16xf32>
        %add3A_364 = arith.addi %mul3A_238, %scan3A_256 : i32
        %get3A_365 = arith.index_cast %add3A_364 : i32 to index
        %get3A_366 = arith.constant 112 : index
        %get3A_367 = tpu.vector_load %arg5[%get3A_365, %get3A_366] {strides = array<i32>} : memref<32x1024xf32, #tpu.memory_space<vmem>>, vector<1x16xf32>,
        %get3A_368 = vector.shape_cast %get3A_367 : vector<1x16xf32> to vector<16xf32>
        %add3A_369 = arith.addf %get3A_363, %get3A_368 : vector<16xf32>
        %swap3A_370 = arith.index_cast %scan3A_256 : i32 to index
        %swap3A_371 = arith.constant 112 : index
        %swap3A_372 = tpu.vector_load %arg9[%swap3A_370, %swap3A_371] {strides = array<i32>} : memref<16x1024xf32, #tpu.memory_space<vmem>>, vector<1x16xf32>,
        %swap3A_373 = vector.shape_cast %swap3A_372 : vector<1x16xf32> to vector<16xf32>
        %swap3A_374 = vector.shape_cast %add3A_369 : vector<16xf32> to vector<1x16xf32>
        tpu.vector_store %arg9[%swap3A_370, %swap3A_371], %swap3A_374 {strides = array<i32>} : memref<16x1024xf32, #tpu.memory_space<vmem>>, vector<1x16xf32>,
        %get3A_375 = arith.index_cast %scan3A_256 : i32 to index
        %get3A_376 = arith.constant 128 : index
        %get3A_377 = tpu.vector_load %arg7[%get3A_375, %get3A_376] {strides = array<i32>} : memref<16x1024xf32, #tpu.memory_space<vmem>>, vector<1x16xf32>,
        %get3A_378 = vector.shape_cast %get3A_377 : vector<1x16xf32> to vector<16xf32>
        %add3A_379 = arith.addi %mul3A_238, %scan3A_256 : i32
        %get3A_380 = arith.index_cast %add3A_379 : i32 to index
        %get3A_381 = arith.constant 128 : index
        %get3A_382 = tpu.vector_load %arg5[%get3A_380, %get3A_381] {strides = array<i32>} : memref<32x1024xf32, #tpu.memory_space<vmem>>, vector<1x16xf32>,
        %get3A_383 = vector.shape_cast %get3A_382 : vector<1x16xf32> to vector<16xf32>
        %add3A_384 = arith.addf %get3A_378, %get3A_383 : vector<16xf32>
        %swap3A_385 = arith.index_cast %scan3A_256 : i32 to index
        %swap3A_386 = arith.constant 128 : index
        %swap3A_387 = tpu.vector_load %arg9[%swap3A_385, %swap3A_386] {strides = array<i32>} : memref<16x1024xf32, #tpu.memory_space<vmem>>, vector<1x16xf32>,
        %swap3A_388 = vector.shape_cast %swap3A_387 : vector<1x16xf32> to vector<16xf32>
        %swap3A_389 = vector.shape_cast %add3A_384 : vector<16xf32> to vector<1x16xf32>
        tpu.vector_store %arg9[%swap3A_385, %swap3A_386], %swap3A_389 {strides = array<i32>} : memref<16x1024xf32, #tpu.memory_space<vmem>>, vector<1x16xf32>,
        %get3A_390 = arith.index_cast %scan3A_256 : i32 to index
        %get3A_391 = arith.constant 144 : index
        %get3A_392 = tpu.vector_load %arg7[%get3A_390, %get3A_391] {strides = array<i32>} : memref<16x1024xf32, #tpu.memory_space<vmem>>, vector<1x16xf32>,
        %get3A_393 = vector.shape_cast %get3A_392 : vector<1x16xf32> to vector<16xf32>
        %add3A_394 = arith.addi %mul3A_238, %scan3A_256 : i32
        %get3A_395 = arith.index_cast %add3A_394 : i32 to index
        %get3A_396 = arith.constant 144 : index
        %get3A_397 = tpu.vector_load %arg5[%get3A_395, %get3A_396] {strides = array<i32>} : memref<32x1024xf32, #tpu.memory_space<vmem>>, vector<1x16xf32>,
        %get3A_398 = vector.shape_cast %get3A_397 : vector<1x16xf32> to vector<16xf32>
        %add3A_399 = arith.addf %get3A_393, %get3A_398 : vector<16xf32>
        %swap3A_400 = arith.index_cast %scan3A_256 : i32 to index
        %swap3A_401 = arith.constant 144 : index
        %swap3A_402 = tpu.vector_load %arg9[%swap3A_400, %swap3A_401] {strides = array<i32>} : memref<16x1024xf32, #tpu.memory_space<vmem>>, vector<1x16xf32>,
        %swap3A_403 = vector.shape_cast %swap3A_402 : vector<1x16xf32> to vector<16xf32>
        %swap3A_404 = vector.shape_cast %add3A_399 : vector<16xf32> to vector<1x16xf32>
        tpu.vector_store %arg9[%swap3A_400, %swap3A_401], %swap3A_404 {strides = array<i32>} : memref<16x1024xf32, #tpu.memory_space<vmem>>, vector<1x16xf32>,
        %get3A_405 = arith.index_cast %scan3A_256 : i32 to index
        %get3A_406 = arith.constant 160 : index
        %get3A_407 = tpu.vector_load %arg7[%get3A_405, %get3A_406] {strides = array<i32>} : memref<16x1024xf32, #tpu.memory_space<vmem>>, vector<1x16xf32>,
        %get3A_408 = vector.shape_cast %get3A_407 : vector<1x16xf32> to vector<16xf32>
        %add3A_409 = arith.addi %mul3A_238, %scan3A_256 : i32
        %get3A_410 = arith.index_cast %add3A_409 : i32 to index
        %get3A_411 = arith.constant 160 : index
        %get3A_412 = tpu.vector_load %arg5[%get3A_410, %get3A_411] {strides = array<i32>} : memref<32x1024xf32, #tpu.memory_space<vmem>>, vector<1x16xf32>,
        %get3A_413 = vector.shape_cast %get3A_412 : vector<1x16xf32> to vector<16xf32>
        %add3A_414 = arith.addf %get3A_408, %get3A_413 : vector<16xf32>
        %swap3A_415 = arith.index_cast %scan3A_256 : i32 to index
        %swap3A_416 = arith.constant 160 : index
        %swap3A_417 = tpu.vector_load %arg9[%swap3A_415, %swap3A_416] {strides = array<i32>} : memref<16x1024xf32, #tpu.memory_space<vmem>>, vector<1x16xf32>,
        %swap3A_418 = vector.shape_cast %swap3A_417 : vector<1x16xf32> to vector<16xf32>
        %swap3A_419 = vector.shape_cast %add3A_414 : vector<16xf32> to vector<1x16xf32>
        tpu.vector_store %arg9[%swap3A_415, %swap3A_416], %swap3A_419 {strides = array<i32>} : memref<16x1024xf32, #tpu.memory_space<vmem>>, vector<1x16xf32>,
        %get3A_420 = arith.index_cast %scan3A_256 : i32 to index
        %get3A_421 = arith.constant 176 : index
        %get3A_422 = tpu.vector_load %arg7[%get3A_420, %get3A_421] {strides = array<i32>} : memref<16x1024xf32, #tpu.memory_space<vmem>>, vector<1x16xf32>,
        %get3A_423 = vector.shape_cast %get3A_422 : vector<1x16xf32> to vector<16xf32>
        %add3A_424 = arith.addi %mul3A_238, %scan3A_256 : i32
        %get3A_425 = arith.index_cast %add3A_424 : i32 to index
        %get3A_426 = arith.constant 176 : index
        %get3A_427 = tpu.vector_load %arg5[%get3A_425, %get3A_426] {strides = array<i32>} : memref<32x1024xf32, #tpu.memory_space<vmem>>, vector<1x16xf32>,
        %get3A_428 = vector.shape_cast %get3A_427 : vector<1x16xf32> to vector<16xf32>
        %add3A_429 = arith.addf %get3A_423, %get3A_428 : vector<16xf32>
        %swap3A_430 = arith.index_cast %scan3A_256 : i32 to index
        %swap3A_431 = arith.constant 176 : index
        %swap3A_432 = tpu.vector_load %arg9[%swap3A_430, %swap3A_431] {strides = array<i32>} : memref<16x1024xf32, #tpu.memory_space<vmem>>, vector<1x16xf32>,
        %swap3A_433 = vector.shape_cast %swap3A_432 : vector<1x16xf32> to vector<16xf32>
        %swap3A_434 = vector.shape_cast %add3A_429 : vector<16xf32> to vector<1x16xf32>
        tpu.vector_store %arg9[%swap3A_430, %swap3A_431], %swap3A_434 {strides = array<i32>} : memref<16x1024xf32, #tpu.memory_space<vmem>>, vector<1x16xf32>,
        %get3A_435 = arith.index_cast %scan3A_256 : i32 to index
        %get3A_436 = arith.constant 192 : index
        %get3A_437 = tpu.vector_load %arg7[%get3A_435, %get3A_436] {strides = array<i32>} : memref<16x1024xf32, #tpu.memory_space<vmem>>, vector<1x16xf32>,
        %get3A_438 = vector.shape_cast %get3A_437 : vector<1x16xf32> to vector<16xf32>
        %add3A_439 = arith.addi %mul3A_238, %scan3A_256 : i32
        %get3A_440 = arith.index_cast %add3A_439 : i32 to index
        %get3A_441 = arith.constant 192 : index
        %get3A_442 = tpu.vector_load %arg5[%get3A_440, %get3A_441] {strides = array<i32>} : memref<32x1024xf32, #tpu.memory_space<vmem>>, vector<1x16xf32>,
        %get3A_443 = vector.shape_cast %get3A_442 : vector<1x16xf32> to vector<16xf32>
        %add3A_444 = arith.addf %get3A_438, %get3A_443 : vector<16xf32>
        %swap3A_445 = arith.index_cast %scan3A_256 : i32 to index
        %swap3A_446 = arith.constant 192 : index
        %swap3A_447 = tpu.vector_load %arg9[%swap3A_445, %swap3A_446] {strides = array<i32>} : memref<16x1024xf32, #tpu.memory_space<vmem>>, vector<1x16xf32>,
        %swap3A_448 = vector.shape_cast %swap3A_447 : vector<1x16xf32> to vector<16xf32>
        %swap3A_449 = vector.shape_cast %add3A_444 : vector<16xf32> to vector<1x16xf32>
        tpu.vector_store %arg9[%swap3A_445, %swap3A_446], %swap3A_449 {strides = array<i32>} : memref<16x1024xf32, #tpu.memory_space<vmem>>, vector<1x16xf32>,
        %get3A_450 = arith.index_cast %scan3A_256 : i32 to index
        %get3A_451 = arith.constant 208 : index
        %get3A_452 = tpu.vector_load %arg7[%get3A_450, %get3A_451] {strides = array<i32>} : memref<16x1024xf32, #tpu.memory_space<vmem>>, vector<1x16xf32>,
        %get3A_453 = vector.shape_cast %get3A_452 : vector<1x16xf32> to vector<16xf32>
        %add3A_454 = arith.addi %mul3A_238, %scan3A_256 : i32
        %get3A_455 = arith.index_cast %add3A_454 : i32 to index
        %get3A_456 = arith.constant 208 : index
        %get3A_457 = tpu.vector_load %arg5[%get3A_455, %get3A_456] {strides = array<i32>} : memref<32x1024xf32, #tpu.memory_space<vmem>>, vector<1x16xf32>,
        %get3A_458 = vector.shape_cast %get3A_457 : vector<1x16xf32> to vector<16xf32>
        %add3A_459 = arith.addf %get3A_453, %get3A_458 : vector<16xf32>
        %swap3A_460 = arith.index_cast %scan3A_256 : i32 to index
        %swap3A_461 = arith.constant 208 : index
        %swap3A_462 = tpu.vector_load %arg9[%swap3A_460, %swap3A_461] {strides = array<i32>} : memref<16x1024xf32, #tpu.memory_space<vmem>>, vector<1x16xf32>,
        %swap3A_463 = vector.shape_cast %swap3A_462 : vector<1x16xf32> to vector<16xf32>
        %swap3A_464 = vector.shape_cast %add3A_459 : vector<16xf32> to vector<1x16xf32>
        tpu.vector_store %arg9[%swap3A_460, %swap3A_461], %swap3A_464 {strides = array<i32>} : memref<16x1024xf32, #tpu.memory_space<vmem>>, vector<1x16xf32>,
        %get3A_465 = arith.index_cast %scan3A_256 : i32 to index
        %get3A_466 = arith.constant 224 : index
        %get3A_467 = tpu.vector_load %arg7[%get3A_465, %get3A_466] {strides = array<i32>} : memref<16x1024xf32, #tpu.memory_space<vmem>>, vector<1x16xf32>,
        %get3A_468 = vector.shape_cast %get3A_467 : vector<1x16xf32> to vector<16xf32>
        %add3A_469 = arith.addi %mul3A_238, %scan3A_256 : i32
        %get3A_470 = arith.index_cast %add3A_469 : i32 to index
        %get3A_471 = arith.constant 224 : index
        %get3A_472 = tpu.vector_load %arg5[%get3A_470, %get3A_471] {strides = array<i32>} : memref<32x1024xf32, #tpu.memory_space<vmem>>, vector<1x16xf32>,
        %get3A_473 = vector.shape_cast %get3A_472 : vector<1x16xf32> to vector<16xf32>
        %add3A_474 = arith.addf %get3A_468, %get3A_473 : vector<16xf32>
        %swap3A_475 = arith.index_cast %scan3A_256 : i32 to index
        %swap3A_476 = arith.constant 224 : index
        %swap3A_477 = tpu.vector_load %arg9[%swap3A_475, %swap3A_476] {strides = array<i32>} : memref<16x1024xf32, #tpu.memory_space<vmem>>, vector<1x16xf32>,
        %swap3A_478 = vector.shape_cast %swap3A_477 : vector<1x16xf32> to vector<16xf32>
        %swap3A_479 = vector.shape_cast %add3A_474 : vector<16xf32> to vector<1x16xf32>
        tpu.vector_store %arg9[%swap3A_475, %swap3A_476], %swap3A_479 {strides = array<i32>} : memref<16x1024xf32, #tpu.memory_space<vmem>>, vector<1x16xf32>,
        %get3A_480 = arith.index_cast %scan3A_256 : i32 to index
        %get3A_481 = arith.constant 240 : index
        %get3A_482 = tpu.vector_load %arg7[%get3A_480, %get3A_481] {strides = array<i32>} : memref<16x1024xf32, #tpu.memory_space<vmem>>, vector<1x16xf32>,
        %get3A_483 = vector.shape_cast %get3A_482 : vector<1x16xf32> to vector<16xf32>
        %add3A_484 = arith.addi %mul3A_238, %scan3A_256 : i32
        %get3A_485 = arith.index_cast %add3A_484 : i32 to index
        %get3A_486 = arith.constant 240 : index
        %get3A_487 = tpu.vector_load %arg5[%get3A_485, %get3A_486] {strides = array<i32>} : memref<32x1024xf32, #tpu.memory_space<vmem>>, vector<1x16xf32>,
        %get3A_488 = vector.shape_cast %get3A_487 : vector<1x16xf32> to vector<16xf32>
        %add3A_489 = arith.addf %get3A_483, %get3A_488 : vector<16xf32>
        %swap3A_490 = arith.index_cast %scan3A_256 : i32 to index
        %swap3A_491 = arith.constant 240 : index
        %swap3A_492 = tpu.vector_load %arg9[%swap3A_490, %swap3A_491] {strides = array<i32>} : memref<16x1024xf32, #tpu.memory_space<vmem>>, vector<1x16xf32>,
        %swap3A_493 = vector.shape_cast %swap3A_492 : vector<1x16xf32> to vector<16xf32>
        %swap3A_494 = vector.shape_cast %add3A_489 : vector<16xf32> to vector<1x16xf32>
        tpu.vector_store %arg9[%swap3A_490, %swap3A_491], %swap3A_494 {strides = array<i32>} : memref<16x1024xf32, #tpu.memory_space<vmem>>, vector<1x16xf32>,
        %get3A_495 = arith.index_cast %scan3A_256 : i32 to index
        %get3A_496 = arith.constant 256 : index
        %get3A_497 = tpu.vector_load %arg7[%get3A_495, %get3A_496] {strides = array<i32>} : memref<16x1024xf32, #tpu.memory_space<vmem>>, vector<1x16xf32>,
        %get3A_498 = vector.shape_cast %get3A_497 : vector<1x16xf32> to vector<16xf32>
        %add3A_499 = arith.addi %mul3A_238, %scan3A_256 : i32
        %get3A_500 = arith.index_cast %add3A_499 : i32 to index
        %get3A_501 = arith.constant 256 : index
        %get3A_502 = tpu.vector_load %arg5[%get3A_500, %get3A_501] {strides = array<i32>} : memref<32x1024xf32, #tpu.memory_space<vmem>>, vector<1x16xf32>,
        %get3A_503 = vector.shape_cast %get3A_502 : vector<1x16xf32> to vector<16xf32>
        %add3A_504 = arith.addf %get3A_498, %get3A_503 : vector<16xf32>
        %swap3A_505 = arith.index_cast %scan3A_256 : i32 to index
        %swap3A_506 = arith.constant 256 : index
        %swap3A_507 = tpu.vector_load %arg9[%swap3A_505, %swap3A_506] {strides = array<i32>} : memref<16x1024xf32, #tpu.memory_space<vmem>>, vector<1x16xf32>,
        %swap3A_508 = vector.shape_cast %swap3A_507 : vector<1x16xf32> to vector<16xf32>
        %swap3A_509 = vector.shape_cast %add3A_504 : vector<16xf32> to vector<1x16xf32>
        tpu.vector_store %arg9[%swap3A_505, %swap3A_506], %swap3A_509 {strides = array<i32>} : memref<16x1024xf32, #tpu.memory_space<vmem>>, vector<1x16xf32>,
        %get3A_510 = arith.index_cast %scan3A_256 : i32 to index
        %get3A_511 = arith.constant 272 : index
        %get3A_512 = tpu.vector_load %arg7[%get3A_510, %get3A_511] {strides = array<i32>} : memref<16x1024xf32, #tpu.memory_space<vmem>>, vector<1x16xf32>,
        %get3A_513 = vector.shape_cast %get3A_512 : vector<1x16xf32> to vector<16xf32>
        %add3A_514 = arith.addi %mul3A_238, %scan3A_256 : i32
        %get3A_515 = arith.index_cast %add3A_514 : i32 to index
        %get3A_516 = arith.constant 272 : index
        %get3A_517 = tpu.vector_load %arg5[%get3A_515, %get3A_516] {strides = array<i32>} : memref<32x1024xf32, #tpu.memory_space<vmem>>, vector<1x16xf32>,
        %get3A_518 = vector.shape_cast %get3A_517 : vector<1x16xf32> to vector<16xf32>
        %add3A_519 = arith.addf %get3A_513, %get3A_518 : vector<16xf32>
        %swap3A_520 = arith.index_cast %scan3A_256 : i32 to index
        %swap3A_521 = arith.constant 272 : index
        %swap3A_522 = tpu.vector_load %arg9[%swap3A_520, %swap3A_521] {strides = array<i32>} : memref<16x1024xf32, #tpu.memory_space<vmem>>, vector<1x16xf32>,
        %swap3A_523 = vector.shape_cast %swap3A_522 : vector<1x16xf32> to vector<16xf32>
        %swap3A_524 = vector.shape_cast %add3A_519 : vector<16xf32> to vector<1x16xf32>
        tpu.vector_store %arg9[%swap3A_520, %swap3A_521], %swap3A_524 {strides = array<i32>} : memref<16x1024xf32, #tpu.memory_space<vmem>>, vector<1x16xf32>,
        %get3A_525 = arith.index_cast %scan3A_256 : i32 to index
        %get3A_526 = arith.constant 288 : index
        %get3A_527 = tpu.vector_load %arg7[%get3A_525, %get3A_526] {strides = array<i32>} : memref<16x1024xf32, #tpu.memory_space<vmem>>, vector<1x16xf32>,
        %get3A_528 = vector.shape_cast %get3A_527 : vector<1x16xf32> to vector<16xf32>
        %add3A_529 = arith.addi %mul3A_238, %scan3A_256 : i32
        %get3A_530 = arith.index_cast %add3A_529 : i32 to index
        %get3A_531 = arith.constant 288 : index
        %get3A_532 = tpu.vector_load %arg5[%get3A_530, %get3A_531] {strides = array<i32>} : memref<32x1024xf32, #tpu.memory_space<vmem>>, vector<1x16xf32>,
        %get3A_533 = vector.shape_cast %get3A_532 : vector<1x16xf32> to vector<16xf32>
        %add3A_534 = arith.addf %get3A_528, %get3A_533 : vector<16xf32>
        %swap3A_535 = arith.index_cast %scan3A_256 : i32 to index
        %swap3A_536 = arith.constant 288 : index
        %swap3A_537 = tpu.vector_load %arg9[%swap3A_535, %swap3A_536] {strides = array<i32>} : memref<16x1024xf32, #tpu.memory_space<vmem>>, vector<1x16xf32>,
        %swap3A_538 = vector.shape_cast %swap3A_537 : vector<1x16xf32> to vector<16xf32>
        %swap3A_539 = vector.shape_cast %add3A_534 : vector<16xf32> to vector<1x16xf32>
        tpu.vector_store %arg9[%swap3A_535, %swap3A_536], %swap3A_539 {strides = array<i32>} : memref<16x1024xf32, #tpu.memory_space<vmem>>, vector<1x16xf32>,
        %get3A_540 = arith.index_cast %scan3A_256 : i32 to index
        %get3A_541 = arith.constant 304 : index
        %get3A_542 = tpu.vector_load %arg7[%get3A_540, %get3A_541] {strides = array<i32>} : memref<16x1024xf32, #tpu.memory_space<vmem>>, vector<1x16xf32>,
        %get3A_543 = vector.shape_cast %get3A_542 : vector<1x16xf32> to vector<16xf32>
        %add3A_544 = arith.addi %mul3A_238, %scan3A_256 : i32
        %get3A_545 = arith.index_cast %add3A_544 : i32 to index
        %get3A_546 = arith.constant 304 : index
        %get3A_547 = tpu.vector_load %arg5[%get3A_545, %get3A_546] {strides = array<i32>} : memref<32x1024xf32, #tpu.memory_space<vmem>>, vector<1x16xf32>,
        %get3A_548 = vector.shape_cast %get3A_547 : vector<1x16xf32> to vector<16xf32>
        %add3A_549 = arith.addf %get3A_543, %get3A_548 : vector<16xf32>
        %swap3A_550 = arith.index_cast %scan3A_256 : i32 to index
        %swap3A_551 = arith.constant 304 : index
        %swap3A_552 = tpu.vector_load %arg9[%swap3A_550, %swap3A_551] {strides = array<i32>} : memref<16x1024xf32, #tpu.memory_space<vmem>>, vector<1x16xf32>,
        %swap3A_553 = vector.shape_cast %swap3A_552 : vector<1x16xf32> to vector<16xf32>
        %swap3A_554 = vector.shape_cast %add3A_549 : vector<16xf32> to vector<1x16xf32>
        tpu.vector_store %arg9[%swap3A_550, %swap3A_551], %swap3A_554 {strides = array<i32>} : memref<16x1024xf32, #tpu.memory_space<vmem>>, vector<1x16xf32>,
        %get3A_555 = arith.index_cast %scan3A_256 : i32 to index
        %get3A_556 = arith.constant 320 : index
        %get3A_557 = tpu.vector_load %arg7[%get3A_555, %get3A_556] {strides = array<i32>} : memref<16x1024xf32, #tpu.memory_space<vmem>>, vector<1x16xf32>,
        %get3A_558 = vector.shape_cast %get3A_557 : vector<1x16xf32> to vector<16xf32>
        %add3A_559 = arith.addi %mul3A_238, %scan3A_256 : i32
        %get3A_560 = arith.index_cast %add3A_559 : i32 to index
        %get3A_561 = arith.constant 320 : index
        %get3A_562 = tpu.vector_load %arg5[%get3A_560, %get3A_561] {strides = array<i32>} : memref<32x1024xf32, #tpu.memory_space<vmem>>, vector<1x16xf32>,
        %get3A_563 = vector.shape_cast %get3A_562 : vector<1x16xf32> to vector<16xf32>
        %add3A_564 = arith.addf %get3A_558, %get3A_563 : vector<16xf32>
        %swap3A_565 = arith.index_cast %scan3A_256 : i32 to index
        %swap3A_566 = arith.constant 320 : index
        %swap3A_567 = tpu.vector_load %arg9[%swap3A_565, %swap3A_566] {strides = array<i32>} : memref<16x1024xf32, #tpu.memory_space<vmem>>, vector<1x16xf32>,
        %swap3A_568 = vector.shape_cast %swap3A_567 : vector<1x16xf32> to vector<16xf32>
        %swap3A_569 = vector.shape_cast %add3A_564 : vector<16xf32> to vector<1x16xf32>
        tpu.vector_store %arg9[%swap3A_565, %swap3A_566], %swap3A_569 {strides = array<i32>} : memref<16x1024xf32, #tpu.memory_space<vmem>>, vector<1x16xf32>,
        %get3A_570 = arith.index_cast %scan3A_256 : i32 to index
        %get3A_571 = arith.constant 336 : index
        %get3A_572 = tpu.vector_load %arg7[%get3A_570, %get3A_571] {strides = array<i32>} : memref<16x1024xf32, #tpu.memory_space<vmem>>, vector<1x16xf32>,
        %get3A_573 = vector.shape_cast %get3A_572 : vector<1x16xf32> to vector<16xf32>
        %add3A_574 = arith.addi %mul3A_238, %scan3A_256 : i32
        %get3A_575 = arith.index_cast %add3A_574 : i32 to index
        %get3A_576 = arith.constant 336 : index
        %get3A_577 = tpu.vector_load %arg5[%get3A_575, %get3A_576] {strides = array<i32>} : memref<32x1024xf32, #tpu.memory_space<vmem>>, vector<1x16xf32>,
        %get3A_578 = vector.shape_cast %get3A_577 : vector<1x16xf32> to vector<16xf32>
        %add3A_579 = arith.addf %get3A_573, %get3A_578 : vector<16xf32>
        %swap3A_580 = arith.index_cast %scan3A_256 : i32 to index
        %swap3A_581 = arith.constant 336 : index
        %swap3A_582 = tpu.vector_load %arg9[%swap3A_580, %swap3A_581] {strides = array<i32>} : memref<16x1024xf32, #tpu.memory_space<vmem>>, vector<1x16xf32>,
        %swap3A_583 = vector.shape_cast %swap3A_582 : vector<1x16xf32> to vector<16xf32>
        %swap3A_584 = vector.shape_cast %add3A_579 : vector<16xf32> to vector<1x16xf32>
        tpu.vector_store %arg9[%swap3A_580, %swap3A_581], %swap3A_584 {strides = array<i32>} : memref<16x1024xf32, #tpu.memory_space<vmem>>, vector<1x16xf32>,
        %get3A_585 = arith.index_cast %scan3A_256 : i32 to index
        %get3A_586 = arith.constant 352 : index
        %get3A_587 = tpu.vector_load %arg7[%get3A_585, %get3A_586] {strides = array<i32>} : memref<16x1024xf32, #tpu.memory_space<vmem>>, vector<1x16xf32>,
        %get3A_588 = vector.shape_cast %get3A_587 : vector<1x16xf32> to vector<16xf32>
        %add3A_589 = arith.addi %mul3A_238, %scan3A_256 : i32
        %get3A_590 = arith.index_cast %add3A_589 : i32 to index
        %get3A_591 = arith.constant 352 : index
        %get3A_592 = tpu.vector_load %arg5[%get3A_590, %get3A_591] {strides = array<i32>} : memref<32x1024xf32, #tpu.memory_space<vmem>>, vector<1x16xf32>,
        %get3A_593 = vector.shape_cast %get3A_592 : vector<1x16xf32> to vector<16xf32>
        %add3A_594 = arith.addf %get3A_588, %get3A_593 : vector<16xf32>
        %swap3A_595 = arith.index_cast %scan3A_256 : i32 to index
        %swap3A_596 = arith.constant 352 : index
        %swap3A_597 = tpu.vector_load %arg9[%swap3A_595, %swap3A_596] {strides = array<i32>} : memref<16x1024xf32, #tpu.memory_space<vmem>>, vector<1x16xf32>,
        %swap3A_598 = vector.shape_cast %swap3A_597 : vector<1x16xf32> to vector<16xf32>
        %swap3A_599 = vector.shape_cast %add3A_594 : vector<16xf32> to vector<1x16xf32>
        tpu.vector_store %arg9[%swap3A_595, %swap3A_596], %swap3A_599 {strides = array<i32>} : memref<16x1024xf32, #tpu.memory_space<vmem>>, vector<1x16xf32>,
        %get3A_600 = arith.index_cast %scan3A_256 : i32 to index
        %get3A_601 = arith.constant 368 : index
        %get3A_602 = tpu.vector_load %arg7[%get3A_600, %get3A_601] {strides = array<i32>} : memref<16x1024xf32, #tpu.memory_space<vmem>>, vector<1x16xf32>,
        %get3A_603 = vector.shape_cast %get3A_602 : vector<1x16xf32> to vector<16xf32>
        %add3A_604 = arith.addi %mul3A_238, %scan3A_256 : i32
        %get3A_605 = arith.index_cast %add3A_604 : i32 to index
        %get3A_606 = arith.constant 368 : index
        %get3A_607 = tpu.vector_load %arg5[%get3A_605, %get3A_606] {strides = array<i32>} : memref<32x1024xf32, #tpu.memory_space<vmem>>, vector<1x16xf32>,
        %get3A_608 = vector.shape_cast %get3A_607 : vector<1x16xf32> to vector<16xf32>
        %add3A_609 = arith.addf %get3A_603, %get3A_608 : vector<16xf32>
        %swap3A_610 = arith.index_cast %scan3A_256 : i32 to index
        %swap3A_611 = arith.constant 368 : index
        %swap3A_612 = tpu.vector_load %arg9[%swap3A_610, %swap3A_611] {strides = array<i32>} : memref<16x1024xf32, #tpu.memory_space<vmem>>, vector<1x16xf32>,
        %swap3A_613 = vector.shape_cast %swap3A_612 : vector<1x16xf32> to vector<16xf32>
        %swap3A_614 = vector.shape_cast %add3A_609 : vector<16xf32> to vector<1x16xf32>
        tpu.vector_store %arg9[%swap3A_610, %swap3A_611], %swap3A_614 {strides = array<i32>} : memref<16x1024xf32, #tpu.memory_space<vmem>>, vector<1x16xf32>,
        %get3A_615 = arith.index_cast %scan3A_256 : i32 to index
        %get3A_616 = arith.constant 384 : index
        %get3A_617 = tpu.vector_load %arg7[%get3A_615, %get3A_616] {strides = array<i32>} : memref<16x1024xf32, #tpu.memory_space<vmem>>, vector<1x16xf32>,
        %get3A_618 = vector.shape_cast %get3A_617 : vector<1x16xf32> to vector<16xf32>
        %add3A_619 = arith.addi %mul3A_238, %scan3A_256 : i32
        %get3A_620 = arith.index_cast %add3A_619 : i32 to index
        %get3A_621 = arith.constant 384 : index
        %get3A_622 = tpu.vector_load %arg5[%get3A_620, %get3A_621] {strides = array<i32>} : memref<32x1024xf32, #tpu.memory_space<vmem>>, vector<1x16xf32>,
        %get3A_623 = vector.shape_cast %get3A_622 : vector<1x16xf32> to vector<16xf32>
        %add3A_624 = arith.addf %get3A_618, %get3A_623 : vector<16xf32>
        %swap3A_625 = arith.index_cast %scan3A_256 : i32 to index
        %swap3A_626 = arith.constant 384 : index
        %swap3A_627 = tpu.vector_load %arg9[%swap3A_625, %swap3A_626] {strides = array<i32>} : memref<16x1024xf32, #tpu.memory_space<vmem>>, vector<1x16xf32>,
        %swap3A_628 = vector.shape_cast %swap3A_627 : vector<1x16xf32> to vector<16xf32>
        %swap3A_629 = vector.shape_cast %add3A_624 : vector<16xf32> to vector<1x16xf32>
        tpu.vector_store %arg9[%swap3A_625, %swap3A_626], %swap3A_629 {strides = array<i32>} : memref<16x1024xf32, #tpu.memory_space<vmem>>, vector<1x16xf32>,
        %get3A_630 = arith.index_cast %scan3A_256 : i32 to index
        %get3A_631 = arith.constant 400 : index
        %get3A_632 = tpu.vector_load %arg7[%get3A_630, %get3A_631] {strides = array<i32>} : memref<16x1024xf32, #tpu.memory_space<vmem>>, vector<1x16xf32>,
        %get3A_633 = vector.shape_cast %get3A_632 : vector<1x16xf32> to vector<16xf32>
        %add3A_634 = arith.addi %mul3A_238, %scan3A_256 : i32
        %get3A_635 = arith.index_cast %add3A_634 : i32 to index
        %get3A_636 = arith.constant 400 : index
        %get3A_637 = tpu.vector_load %arg5[%get3A_635, %get3A_636] {strides = array<i32>} : memref<32x1024xf32, #tpu.memory_space<vmem>>, vector<1x16xf32>,
        %get3A_638 = vector.shape_cast %get3A_637 : vector<1x16xf32> to vector<16xf32>
        %add3A_639 = arith.addf %get3A_633, %get3A_638 : vector<16xf32>
        %swap3A_640 = arith.index_cast %scan3A_256 : i32 to index
        %swap3A_641 = arith.constant 400 : index
        %swap3A_642 = tpu.vector_load %arg9[%swap3A_640, %swap3A_641] {strides = array<i32>} : memref<16x1024xf32, #tpu.memory_space<vmem>>, vector<1x16xf32>,
        %swap3A_643 = vector.shape_cast %swap3A_642 : vector<1x16xf32> to vector<16xf32>
        %swap3A_644 = vector.shape_cast %add3A_639 : vector<16xf32> to vector<1x16xf32>
        tpu.vector_store %arg9[%swap3A_640, %swap3A_641], %swap3A_644 {strides = array<i32>} : memref<16x1024xf32, #tpu.memory_space<vmem>>, vector<1x16xf32>,
        %get3A_645 = arith.index_cast %scan3A_256 : i32 to index
        %get3A_646 = arith.constant 416 : index
        %get3A_647 = tpu.vector_load %arg7[%get3A_645, %get3A_646] {strides = array<i32>} : memref<16x1024xf32, #tpu.memory_space<vmem>>, vector<1x16xf32>,
        %get3A_648 = vector.shape_cast %get3A_647 : vector<1x16xf32> to vector<16xf32>
        %add3A_649 = arith.addi %mul3A_238, %scan3A_256 : i32
        %get3A_650 = arith.index_cast %add3A_649 : i32 to index
        %get3A_651 = arith.constant 416 : index
        %get3A_652 = tpu.vector_load %arg5[%get3A_650, %get3A_651] {strides = array<i32>} : memref<32x1024xf32, #tpu.memory_space<vmem>>, vector<1x16xf32>,
        %get3A_653 = vector.shape_cast %get3A_652 : vector<1x16xf32> to vector<16xf32>
        %add3A_654 = arith.addf %get3A_648, %get3A_653 : vector<16xf32>
        %swap3A_655 = arith.index_cast %scan3A_256 : i32 to index
        %swap3A_656 = arith.constant 416 : index
        %swap3A_657 = tpu.vector_load %arg9[%swap3A_655, %swap3A_656] {strides = array<i32>} : memref<16x1024xf32, #tpu.memory_space<vmem>>, vector<1x16xf32>,
        %swap3A_658 = vector.shape_cast %swap3A_657 : vector<1x16xf32> to vector<16xf32>
        %swap3A_659 = vector.shape_cast %add3A_654 : vector<16xf32> to vector<1x16xf32>
        tpu.vector_store %arg9[%swap3A_655, %swap3A_656], %swap3A_659 {strides = array<i32>} : memref<16x1024xf32, #tpu.memory_space<vmem>>, vector<1x16xf32>,
        %get3A_660 = arith.index_cast %scan3A_256 : i32 to index
        %get3A_661 = arith.constant 432 : index
        %get3A_662 = tpu.vector_load %arg7[%get3A_660, %get3A_661] {strides = array<i32>} : memref<16x1024xf32, #tpu.memory_space<vmem>>, vector<1x16xf32>,
        %get3A_663 = vector.shape_cast %get3A_662 : vector<1x16xf32> to vector<16xf32>
        %add3A_664 = arith.addi %mul3A_238, %scan3A_256 : i32
        %get3A_665 = arith.index_cast %add3A_664 : i32 to index
        %get3A_666 = arith.constant 432 : index
        %get3A_667 = tpu.vector_load %arg5[%get3A_665, %get3A_666] {strides = array<i32>} : memref<32x1024xf32, #tpu.memory_space<vmem>>, vector<1x16xf32>,
        %get3A_668 = vector.shape_cast %get3A_667 : vector<1x16xf32> to vector<16xf32>
        %add3A_669 = arith.addf %get3A_663, %get3A_668 : vector<16xf32>
        %swap3A_670 = arith.index_cast %scan3A_256 : i32 to index
        %swap3A_671 = arith.constant 432 : index
        %swap3A_672 = tpu.vector_load %arg9[%swap3A_670, %swap3A_671] {strides = array<i32>} : memref<16x1024xf32, #tpu.memory_space<vmem>>, vector<1x16xf32>,
        %swap3A_673 = vector.shape_cast %swap3A_672 : vector<1x16xf32> to vector<16xf32>
        %swap3A_674 = vector.shape_cast %add3A_669 : vector<16xf32> to vector<1x16xf32>
        tpu.vector_store %arg9[%swap3A_670, %swap3A_671], %swap3A_674 {strides = array<i32>} : memref<16x1024xf32, #tpu.memory_space<vmem>>, vector<1x16xf32>,
        %get3A_675 = arith.index_cast %scan3A_256 : i32 to index
        %get3A_676 = arith.constant 448 : index
        %get3A_677 = tpu.vector_load %arg7[%get3A_675, %get3A_676] {strides = array<i32>} : memref<16x1024xf32, #tpu.memory_space<vmem>>, vector<1x16xf32>,
        %get3A_678 = vector.shape_cast %get3A_677 : vector<1x16xf32> to vector<16xf32>
        %add3A_679 = arith.addi %mul3A_238, %scan3A_256 : i32
        %get3A_680 = arith.index_cast %add3A_679 : i32 to index
        %get3A_681 = arith.constant 448 : index
        %get3A_682 = tpu.vector_load %arg5[%get3A_680, %get3A_681] {strides = array<i32>} : memref<32x1024xf32, #tpu.memory_space<vmem>>, vector<1x16xf32>,
        %get3A_683 = vector.shape_cast %get3A_682 : vector<1x16xf32> to vector<16xf32>
        %add3A_684 = arith.addf %get3A_678, %get3A_683 : vector<16xf32>
        %swap3A_685 = arith.index_cast %scan3A_256 : i32 to index
        %swap3A_686 = arith.constant 448 : index
        %swap3A_687 = tpu.vector_load %arg9[%swap3A_685, %swap3A_686] {strides = array<i32>} : memref<16x1024xf32, #tpu.memory_space<vmem>>, vector<1x16xf32>,
        %swap3A_688 = vector.shape_cast %swap3A_687 : vector<1x16xf32> to vector<16xf32>
        %swap3A_689 = vector.shape_cast %add3A_684 : vector<16xf32> to vector<1x16xf32>
        tpu.vector_store %arg9[%swap3A_685, %swap3A_686], %swap3A_689 {strides = array<i32>} : memref<16x1024xf32, #tpu.memory_space<vmem>>, vector<1x16xf32>,
        %get3A_690 = arith.index_cast %scan3A_256 : i32 to index
        %get3A_691 = arith.constant 464 : index
        %get3A_692 = tpu.vector_load %arg7[%get3A_690, %get3A_691] {strides = array<i32>} : memref<16x1024xf32, #tpu.memory_space<vmem>>, vector<1x16xf32>,
        %get3A_693 = vector.shape_cast %get3A_692 : vector<1x16xf32> to vector<16xf32>
        %add3A_694 = arith.addi %mul3A_238, %scan3A_256 : i32
        %get3A_695 = arith.index_cast %add3A_694 : i32 to index
        %get3A_696 = arith.constant 464 : index
        %get3A_697 = tpu.vector_load %arg5[%get3A_695, %get3A_696] {strides = array<i32>} : memref<32x1024xf32, #tpu.memory_space<vmem>>, vector<1x16xf32>,
        %get3A_698 = vector.shape_cast %get3A_697 : vector<1x16xf32> to vector<16xf32>
        %add3A_699 = arith.addf %get3A_693, %get3A_698 : vector<16xf32>
        %swap3A_700 = arith.index_cast %scan3A_256 : i32 to index
        %swap3A_701 = arith.constant 464 : index
        %swap3A_702 = tpu.vector_load %arg9[%swap3A_700, %swap3A_701] {strides = array<i32>} : memref<16x1024xf32, #tpu.memory_space<vmem>>, vector<1x16xf32>,
        %swap3A_703 = vector.shape_cast %swap3A_702 : vector<1x16xf32> to vector<16xf32>
        %swap3A_704 = vector.shape_cast %add3A_699 : vector<16xf32> to vector<1x16xf32>
        tpu.vector_store %arg9[%swap3A_700, %swap3A_701], %swap3A_704 {strides = array<i32>} : memref<16x1024xf32, #tpu.memory_space<vmem>>, vector<1x16xf32>,
        %get3A_705 = arith.index_cast %scan3A_256 : i32 to index
        %get3A_706 = arith.constant 480 : index
        %get3A_707 = tpu.vector_load %arg7[%get3A_705, %get3A_706] {strides = array<i32>} : memref<16x1024xf32, #tpu.memory_space<vmem>>, vector<1x16xf32>,
        %get3A_708 = vector.shape_cast %get3A_707 : vector<1x16xf32> to vector<16xf32>
        %add3A_709 = arith.addi %mul3A_238, %scan3A_256 : i32
        %get3A_710 = arith.index_cast %add3A_709 : i32 to index
        %get3A_711 = arith.constant 480 : index
        %get3A_712 = tpu.vector_load %arg5[%get3A_710, %get3A_711] {strides = array<i32>} : memref<32x1024xf32, #tpu.memory_space<vmem>>, vector<1x16xf32>,
        %get3A_713 = vector.shape_cast %get3A_712 : vector<1x16xf32> to vector<16xf32>
        %add3A_714 = arith.addf %get3A_708, %get3A_713 : vector<16xf32>
        %swap3A_715 = arith.index_cast %scan3A_256 : i32 to index
        %swap3A_716 = arith.constant 480 : index
        %swap3A_717 = tpu.vector_load %arg9[%swap3A_715, %swap3A_716] {strides = array<i32>} : memref<16x1024xf32, #tpu.memory_space<vmem>>, vector<1x16xf32>,
        %swap3A_718 = vector.shape_cast %swap3A_717 : vector<1x16xf32> to vector<16xf32>
        %swap3A_719 = vector.shape_cast %add3A_714 : vector<16xf32> to vector<1x16xf32>
        tpu.vector_store %arg9[%swap3A_715, %swap3A_716], %swap3A_719 {strides = array<i32>} : memref<16x1024xf32, #tpu.memory_space<vmem>>, vector<1x16xf32>,
        %get3A_720 = arith.index_cast %scan3A_256 : i32 to index
        %get3A_721 = arith.constant 496 : index
        %get3A_722 = tpu.vector_load %arg7[%get3A_720, %get3A_721] {strides = array<i32>} : memref<16x1024xf32, #tpu.memory_space<vmem>>, vector<1x16xf32>,
        %get3A_723 = vector.shape_cast %get3A_722 : vector<1x16xf32> to vector<16xf32>
        %add3A_724 = arith.addi %mul3A_238, %scan3A_256 : i32
        %get3A_725 = arith.index_cast %add3A_724 : i32 to index
        %get3A_726 = arith.constant 496 : index
        %get3A_727 = tpu.vector_load %arg5[%get3A_725, %get3A_726] {strides = array<i32>} : memref<32x1024xf32, #tpu.memory_space<vmem>>, vector<1x16xf32>,
        %get3A_728 = vector.shape_cast %get3A_727 : vector<1x16xf32> to vector<16xf32>
        %add3A_729 = arith.addf %get3A_723, %get3A_728 : vector<16xf32>
        %swap3A_730 = arith.index_cast %scan3A_256 : i32 to index
        %swap3A_731 = arith.constant 496 : index
        %swap3A_732 = tpu.vector_load %arg9[%swap3A_730, %swap3A_731] {strides = array<i32>} : memref<16x1024xf32, #tpu.memory_space<vmem>>, vector<1x16xf32>,
        %swap3A_733 = vector.shape_cast %swap3A_732 : vector<1x16xf32> to vector<16xf32>
        %swap3A_734 = vector.shape_cast %add3A_729 : vector<16xf32> to vector<1x16xf32>
        tpu.vector_store %arg9[%swap3A_730, %swap3A_731], %swap3A_734 {strides = array<i32>} : memref<16x1024xf32, #tpu.memory_space<vmem>>, vector<1x16xf32>,
        %get3A_735 = arith.index_cast %scan3A_256 : i32 to index
        %get3A_736 = arith.constant 512 : index
        %get3A_737 = tpu.vector_load %arg7[%get3A_735, %get3A_736] {strides = array<i32>} : memref<16x1024xf32, #tpu.memory_space<vmem>>, vector<1x16xf32>,
        %get3A_738 = vector.shape_cast %get3A_737 : vector<1x16xf32> to vector<16xf32>
        %add3A_739 = arith.addi %mul3A_238, %scan3A_256 : i32
        %get3A_740 = arith.index_cast %add3A_739 : i32 to index
        %get3A_741 = arith.constant 512 : index
        %get3A_742 = tpu.vector_load %arg5[%get3A_740, %get3A_741] {strides = array<i32>} : memref<32x1024xf32, #tpu.memory_space<vmem>>, vector<1x16xf32>,
        %get3A_743 = vector.shape_cast %get3A_742 : vector<1x16xf32> to vector<16xf32>
        %add3A_744 = arith.addf %get3A_738, %get3A_743 : vector<16xf32>
        %swap3A_745 = arith.index_cast %scan3A_256 : i32 to index
        %swap3A_746 = arith.constant 512 : index
        %swap3A_747 = tpu.vector_load %arg9[%swap3A_745, %swap3A_746] {strides = array<i32>} : memref<16x1024xf32, #tpu.memory_space<vmem>>, vector<1x16xf32>,
        %swap3A_748 = vector.shape_cast %swap3A_747 : vector<1x16xf32> to vector<16xf32>
        %swap3A_749 = vector.shape_cast %add3A_744 : vector<16xf32> to vector<1x16xf32>
        tpu.vector_store %arg9[%swap3A_745, %swap3A_746], %swap3A_749 {strides = array<i32>} : memref<16x1024xf32, #tpu.memory_space<vmem>>, vector<1x16xf32>,
        %get3A_750 = arith.index_cast %scan3A_256 : i32 to index
        %get3A_751 = arith.constant 528 : index
        %get3A_752 = tpu.vector_load %arg7[%get3A_750, %get3A_751] {strides = array<i32>} : memref<16x1024xf32, #tpu.memory_space<vmem>>, vector<1x16xf32>,
        %get3A_753 = vector.shape_cast %get3A_752 : vector<1x16xf32> to vector<16xf32>
        %add3A_754 = arith.addi %mul3A_238, %scan3A_256 : i32
        %get3A_755 = arith.index_cast %add3A_754 : i32 to index
        %get3A_756 = arith.constant 528 : index
        %get3A_757 = tpu.vector_load %arg5[%get3A_755, %get3A_756] {strides = array<i32>} : memref<32x1024xf32, #tpu.memory_space<vmem>>, vector<1x16xf32>,
        %get3A_758 = vector.shape_cast %get3A_757 : vector<1x16xf32> to vector<16xf32>
        %add3A_759 = arith.addf %get3A_753, %get3A_758 : vector<16xf32>
        %swap3A_760 = arith.index_cast %scan3A_256 : i32 to index
        %swap3A_761 = arith.constant 528 : index
        %swap3A_762 = tpu.vector_load %arg9[%swap3A_760, %swap3A_761] {strides = array<i32>} : memref<16x1024xf32, #tpu.memory_space<vmem>>, vector<1x16xf32>,
        %swap3A_763 = vector.shape_cast %swap3A_762 : vector<1x16xf32> to vector<16xf32>
        %swap3A_764 = vector.shape_cast %add3A_759 : vector<16xf32> to vector<1x16xf32>
        tpu.vector_store %arg9[%swap3A_760, %swap3A_761], %swap3A_764 {strides = array<i32>} : memref<16x1024xf32, #tpu.memory_space<vmem>>, vector<1x16xf32>,
        %get3A_765 = arith.index_cast %scan3A_256 : i32 to index
        %get3A_766 = arith.constant 544 : index
        %get3A_767 = tpu.vector_load %arg7[%get3A_765, %get3A_766] {strides = array<i32>} : memref<16x1024xf32, #tpu.memory_space<vmem>>, vector<1x16xf32>,
        %get3A_768 = vector.shape_cast %get3A_767 : vector<1x16xf32> to vector<16xf32>
        %add3A_769 = arith.addi %mul3A_238, %scan3A_256 : i32
        %get3A_770 = arith.index_cast %add3A_769 : i32 to index
        %get3A_771 = arith.constant 544 : index
        %get3A_772 = tpu.vector_load %arg5[%get3A_770, %get3A_771] {strides = array<i32>} : memref<32x1024xf32, #tpu.memory_space<vmem>>, vector<1x16xf32>,
        %get3A_773 = vector.shape_cast %get3A_772 : vector<1x16xf32> to vector<16xf32>
        %add3A_774 = arith.addf %get3A_768, %get3A_773 : vector<16xf32>
        %swap3A_775 = arith.index_cast %scan3A_256 : i32 to index
        %swap3A_776 = arith.constant 544 : index
        %swap3A_777 = tpu.vector_load %arg9[%swap3A_775, %swap3A_776] {strides = array<i32>} : memref<16x1024xf32, #tpu.memory_space<vmem>>, vector<1x16xf32>,
        %swap3A_778 = vector.shape_cast %swap3A_777 : vector<1x16xf32> to vector<16xf32>
        %swap3A_779 = vector.shape_cast %add3A_774 : vector<16xf32> to vector<1x16xf32>
        tpu.vector_store %arg9[%swap3A_775, %swap3A_776], %swap3A_779 {strides = array<i32>} : memref<16x1024xf32, #tpu.memory_space<vmem>>, vector<1x16xf32>,
        %get3A_780 = arith.index_cast %scan3A_256 : i32 to index
        %get3A_781 = arith.constant 560 : index
        %get3A_782 = tpu.vector_load %arg7[%get3A_780, %get3A_781] {strides = array<i32>} : memref<16x1024xf32, #tpu.memory_space<vmem>>, vector<1x16xf32>,
        %get3A_783 = vector.shape_cast %get3A_782 : vector<1x16xf32> to vector<16xf32>
        %add3A_784 = arith.addi %mul3A_238, %scan3A_256 : i32
        %get3A_785 = arith.index_cast %add3A_784 : i32 to index
        %get3A_786 = arith.constant 560 : index
        %get3A_787 = tpu.vector_load %arg5[%get3A_785, %get3A_786] {strides = array<i32>} : memref<32x1024xf32, #tpu.memory_space<vmem>>, vector<1x16xf32>,
        %get3A_788 = vector.shape_cast %get3A_787 : vector<1x16xf32> to vector<16xf32>
        %add3A_789 = arith.addf %get3A_783, %get3A_788 : vector<16xf32>
        %swap3A_790 = arith.index_cast %scan3A_256 : i32 to index
        %swap3A_791 = arith.constant 560 : index
        %swap3A_792 = tpu.vector_load %arg9[%swap3A_790, %swap3A_791] {strides = array<i32>} : memref<16x1024xf32, #tpu.memory_space<vmem>>, vector<1x16xf32>,
        %swap3A_793 = vector.shape_cast %swap3A_792 : vector<1x16xf32> to vector<16xf32>
        %swap3A_794 = vector.shape_cast %add3A_789 : vector<16xf32> to vector<1x16xf32>
        tpu.vector_store %arg9[%swap3A_790, %swap3A_791], %swap3A_794 {strides = array<i32>} : memref<16x1024xf32, #tpu.memory_space<vmem>>, vector<1x16xf32>,
        %get3A_795 = arith.index_cast %scan3A_256 : i32 to index
        %get3A_796 = arith.constant 576 : index
        %get3A_797 = tpu.vector_load %arg7[%get3A_795, %get3A_796] {strides = array<i32>} : memref<16x1024xf32, #tpu.memory_space<vmem>>, vector<1x16xf32>,
        %get3A_798 = vector.shape_cast %get3A_797 : vector<1x16xf32> to vector<16xf32>
        %add3A_799 = arith.addi %mul3A_238, %scan3A_256 : i32
        %get3A_800 = arith.index_cast %add3A_799 : i32 to index
        %get3A_801 = arith.constant 576 : index
        %get3A_802 = tpu.vector_load %arg5[%get3A_800, %get3A_801] {strides = array<i32>} : memref<32x1024xf32, #tpu.memory_space<vmem>>, vector<1x16xf32>,
        %get3A_803 = vector.shape_cast %get3A_802 : vector<1x16xf32> to vector<16xf32>
        %add3A_804 = arith.addf %get3A_798, %get3A_803 : vector<16xf32>
        %swap3A_805 = arith.index_cast %scan3A_256 : i32 to index
        %swap3A_806 = arith.constant 576 : index
        %swap3A_807 = tpu.vector_load %arg9[%swap3A_805, %swap3A_806] {strides = array<i32>} : memref<16x1024xf32, #tpu.memory_space<vmem>>, vector<1x16xf32>,
        %swap3A_808 = vector.shape_cast %swap3A_807 : vector<1x16xf32> to vector<16xf32>
        %swap3A_809 = vector.shape_cast %add3A_804 : vector<16xf32> to vector<1x16xf32>
        tpu.vector_store %arg9[%swap3A_805, %swap3A_806], %swap3A_809 {strides = array<i32>} : memref<16x1024xf32, #tpu.memory_space<vmem>>, vector<1x16xf32>,
        %get3A_810 = arith.index_cast %scan3A_256 : i32 to index
        %get3A_811 = arith.constant 592 : index
        %get3A_812 = tpu.vector_load %arg7[%get3A_810, %get3A_811] {strides = array<i32>} : memref<16x1024xf32, #tpu.memory_space<vmem>>, vector<1x16xf32>,
        %get3A_813 = vector.shape_cast %get3A_812 : vector<1x16xf32> to vector<16xf32>
        %add3A_814 = arith.addi %mul3A_238, %scan3A_256 : i32
        %get3A_815 = arith.index_cast %add3A_814 : i32 to index
        %get3A_816 = arith.constant 592 : index
        %get3A_817 = tpu.vector_load %arg5[%get3A_815, %get3A_816] {strides = array<i32>} : memref<32x1024xf32, #tpu.memory_space<vmem>>, vector<1x16xf32>,
        %get3A_818 = vector.shape_cast %get3A_817 : vector<1x16xf32> to vector<16xf32>
        %add3A_819 = arith.addf %get3A_813, %get3A_818 : vector<16xf32>
        %swap3A_820 = arith.index_cast %scan3A_256 : i32 to index
        %swap3A_821 = arith.constant 592 : index
        %swap3A_822 = tpu.vector_load %arg9[%swap3A_820, %swap3A_821] {strides = array<i32>} : memref<16x1024xf32, #tpu.memory_space<vmem>>, vector<1x16xf32>,
        %swap3A_823 = vector.shape_cast %swap3A_822 : vector<1x16xf32> to vector<16xf32>
        %swap3A_824 = vector.shape_cast %add3A_819 : vector<16xf32> to vector<1x16xf32>
        tpu.vector_store %arg9[%swap3A_820, %swap3A_821], %swap3A_824 {strides = array<i32>} : memref<16x1024xf32, #tpu.memory_space<vmem>>, vector<1x16xf32>,
        %get3A_825 = arith.index_cast %scan3A_256 : i32 to index
        %get3A_826 = arith.constant 608 : index
        %get3A_827 = tpu.vector_load %arg7[%get3A_825, %get3A_826] {strides = array<i32>} : memref<16x1024xf32, #tpu.memory_space<vmem>>, vector<1x16xf32>,
        %get3A_828 = vector.shape_cast %get3A_827 : vector<1x16xf32> to vector<16xf32>
        %add3A_829 = arith.addi %mul3A_238, %scan3A_256 : i32
        %get3A_830 = arith.index_cast %add3A_829 : i32 to index
        %get3A_831 = arith.constant 608 : index
        %get3A_832 = tpu.vector_load %arg5[%get3A_830, %get3A_831] {strides = array<i32>} : memref<32x1024xf32, #tpu.memory_space<vmem>>, vector<1x16xf32>,
        %get3A_833 = vector.shape_cast %get3A_832 : vector<1x16xf32> to vector<16xf32>
        %add3A_834 = arith.addf %get3A_828, %get3A_833 : vector<16xf32>
        %swap3A_835 = arith.index_cast %scan3A_256 : i32 to index
        %swap3A_836 = arith.constant 608 : index
        %swap3A_837 = tpu.vector_load %arg9[%swap3A_835, %swap3A_836] {strides = array<i32>} : memref<16x1024xf32, #tpu.memory_space<vmem>>, vector<1x16xf32>,
        %swap3A_838 = vector.shape_cast %swap3A_837 : vector<1x16xf32> to vector<16xf32>
        %swap3A_839 = vector.shape_cast %add3A_834 : vector<16xf32> to vector<1x16xf32>
        tpu.vector_store %arg9[%swap3A_835, %swap3A_836], %swap3A_839 {strides = array<i32>} : memref<16x1024xf32, #tpu.memory_space<vmem>>, vector<1x16xf32>,
        %get3A_840 = arith.index_cast %scan3A_256 : i32 to index
        %get3A_841 = arith.constant 624 : index
        %get3A_842 = tpu.vector_load %arg7[%get3A_840, %get3A_841] {strides = array<i32>} : memref<16x1024xf32, #tpu.memory_space<vmem>>, vector<1x16xf32>,
        %get3A_843 = vector.shape_cast %get3A_842 : vector<1x16xf32> to vector<16xf32>
        %add3A_844 = arith.addi %mul3A_238, %scan3A_256 : i32
        %get3A_845 = arith.index_cast %add3A_844 : i32 to index
        %get3A_846 = arith.constant 624 : index
        %get3A_847 = tpu.vector_load %arg5[%get3A_845, %get3A_846] {strides = array<i32>} : memref<32x1024xf32, #tpu.memory_space<vmem>>, vector<1x16xf32>,
        %get3A_848 = vector.shape_cast %get3A_847 : vector<1x16xf32> to vector<16xf32>
        %add3A_849 = arith.addf %get3A_843, %get3A_848 : vector<16xf32>
        %swap3A_850 = arith.index_cast %scan3A_256 : i32 to index
        %swap3A_851 = arith.constant 624 : index
        %swap3A_852 = tpu.vector_load %arg9[%swap3A_850, %swap3A_851] {strides = array<i32>} : memref<16x1024xf32, #tpu.memory_space<vmem>>, vector<1x16xf32>,
        %swap3A_853 = vector.shape_cast %swap3A_852 : vector<1x16xf32> to vector<16xf32>
        %swap3A_854 = vector.shape_cast %add3A_849 : vector<16xf32> to vector<1x16xf32>
        tpu.vector_store %arg9[%swap3A_850, %swap3A_851], %swap3A_854 {strides = array<i32>} : memref<16x1024xf32, #tpu.memory_space<vmem>>, vector<1x16xf32>,
        %get3A_855 = arith.index_cast %scan3A_256 : i32 to index
        %get3A_856 = arith.constant 640 : index
        %get3A_857 = tpu.vector_load %arg7[%get3A_855, %get3A_856] {strides = array<i32>} : memref<16x1024xf32, #tpu.memory_space<vmem>>, vector<1x16xf32>,
        %get3A_858 = vector.shape_cast %get3A_857 : vector<1x16xf32> to vector<16xf32>
        %add3A_859 = arith.addi %mul3A_238, %scan3A_256 : i32
        %get3A_860 = arith.index_cast %add3A_859 : i32 to index
        %get3A_861 = arith.constant 640 : index
        %get3A_862 = tpu.vector_load %arg5[%get3A_860, %get3A_861] {strides = array<i32>} : memref<32x1024xf32, #tpu.memory_space<vmem>>, vector<1x16xf32>,
        %get3A_863 = vector.shape_cast %get3A_862 : vector<1x16xf32> to vector<16xf32>
        %add3A_864 = arith.addf %get3A_858, %get3A_863 : vector<16xf32>
        %swap3A_865 = arith.index_cast %scan3A_256 : i32 to index
        %swap3A_866 = arith.constant 640 : index
        %swap3A_867 = tpu.vector_load %arg9[%swap3A_865, %swap3A_866] {strides = array<i32>} : memref<16x1024xf32, #tpu.memory_space<vmem>>, vector<1x16xf32>,
        %swap3A_868 = vector.shape_cast %swap3A_867 : vector<1x16xf32> to vector<16xf32>
        %swap3A_869 = vector.shape_cast %add3A_864 : vector<16xf32> to vector<1x16xf32>
        tpu.vector_store %arg9[%swap3A_865, %swap3A_866], %swap3A_869 {strides = array<i32>} : memref<16x1024xf32, #tpu.memory_space<vmem>>, vector<1x16xf32>,
        %get3A_870 = arith.index_cast %scan3A_256 : i32 to index
        %get3A_871 = arith.constant 656 : index
        %get3A_872 = tpu.vector_load %arg7[%get3A_870, %get3A_871] {strides = array<i32>} : memref<16x1024xf32, #tpu.memory_space<vmem>>, vector<1x16xf32>,
        %get3A_873 = vector.shape_cast %get3A_872 : vector<1x16xf32> to vector<16xf32>
        %add3A_874 = arith.addi %mul3A_238, %scan3A_256 : i32
        %get3A_875 = arith.index_cast %add3A_874 : i32 to index
        %get3A_876 = arith.constant 656 : index
        %get3A_877 = tpu.vector_load %arg5[%get3A_875, %get3A_876] {strides = array<i32>} : memref<32x1024xf32, #tpu.memory_space<vmem>>, vector<1x16xf32>,
        %get3A_878 = vector.shape_cast %get3A_877 : vector<1x16xf32> to vector<16xf32>
        %add3A_879 = arith.addf %get3A_873, %get3A_878 : vector<16xf32>
        %swap3A_880 = arith.index_cast %scan3A_256 : i32 to index
        %swap3A_881 = arith.constant 656 : index
        %swap3A_882 = tpu.vector_load %arg9[%swap3A_880, %swap3A_881] {strides = array<i32>} : memref<16x1024xf32, #tpu.memory_space<vmem>>, vector<1x16xf32>,
        %swap3A_883 = vector.shape_cast %swap3A_882 : vector<1x16xf32> to vector<16xf32>
        %swap3A_884 = vector.shape_cast %add3A_879 : vector<16xf32> to vector<1x16xf32>
        tpu.vector_store %arg9[%swap3A_880, %swap3A_881], %swap3A_884 {strides = array<i32>} : memref<16x1024xf32, #tpu.memory_space<vmem>>, vector<1x16xf32>,
        %get3A_885 = arith.index_cast %scan3A_256 : i32 to index
        %get3A_886 = arith.constant 672 : index
        %get3A_887 = tpu.vector_load %arg7[%get3A_885, %get3A_886] {strides = array<i32>} : memref<16x1024xf32, #tpu.memory_space<vmem>>, vector<1x16xf32>,
        %get3A_888 = vector.shape_cast %get3A_887 : vector<1x16xf32> to vector<16xf32>
        %add3A_889 = arith.addi %mul3A_238, %scan3A_256 : i32
        %get3A_890 = arith.index_cast %add3A_889 : i32 to index
        %get3A_891 = arith.constant 672 : index
        %get3A_892 = tpu.vector_load %arg5[%get3A_890, %get3A_891] {strides = array<i32>} : memref<32x1024xf32, #tpu.memory_space<vmem>>, vector<1x16xf32>,
        %get3A_893 = vector.shape_cast %get3A_892 : vector<1x16xf32> to vector<16xf32>
        %add3A_894 = arith.addf %get3A_888, %get3A_893 : vector<16xf32>
        %swap3A_895 = arith.index_cast %scan3A_256 : i32 to index
        %swap3A_896 = arith.constant 672 : index
        %swap3A_897 = tpu.vector_load %arg9[%swap3A_895, %swap3A_896] {strides = array<i32>} : memref<16x1024xf32, #tpu.memory_space<vmem>>, vector<1x16xf32>,
        %swap3A_898 = vector.shape_cast %swap3A_897 : vector<1x16xf32> to vector<16xf32>
        %swap3A_899 = vector.shape_cast %add3A_894 : vector<16xf32> to vector<1x16xf32>
        tpu.vector_store %arg9[%swap3A_895, %swap3A_896], %swap3A_899 {strides = array<i32>} : memref<16x1024xf32, #tpu.memory_space<vmem>>, vector<1x16xf32>,
        %get3A_900 = arith.index_cast %scan3A_256 : i32 to index
        %get3A_901 = arith.constant 688 : index
        %get3A_902 = tpu.vector_load %arg7[%get3A_900, %get3A_901] {strides = array<i32>} : memref<16x1024xf32, #tpu.memory_space<vmem>>, vector<1x16xf32>,
        %get3A_903 = vector.shape_cast %get3A_902 : vector<1x16xf32> to vector<16xf32>
        %add3A_904 = arith.addi %mul3A_238, %scan3A_256 : i32
        %get3A_905 = arith.index_cast %add3A_904 : i32 to index
        %get3A_906 = arith.constant 688 : index
        %get3A_907 = tpu.vector_load %arg5[%get3A_905, %get3A_906] {strides = array<i32>} : memref<32x1024xf32, #tpu.memory_space<vmem>>, vector<1x16xf32>,
        %get3A_908 = vector.shape_cast %get3A_907 : vector<1x16xf32> to vector<16xf32>
        %add3A_909 = arith.addf %get3A_903, %get3A_908 : vector<16xf32>
        %swap3A_910 = arith.index_cast %scan3A_256 : i32 to index
        %swap3A_911 = arith.constant 688 : index
        %swap3A_912 = tpu.vector_load %arg9[%swap3A_910, %swap3A_911] {strides = array<i32>} : memref<16x1024xf32, #tpu.memory_space<vmem>>, vector<1x16xf32>,
        %swap3A_913 = vector.shape_cast %swap3A_912 : vector<1x16xf32> to vector<16xf32>
        %swap3A_914 = vector.shape_cast %add3A_909 : vector<16xf32> to vector<1x16xf32>
        tpu.vector_store %arg9[%swap3A_910, %swap3A_911], %swap3A_914 {strides = array<i32>} : memref<16x1024xf32, #tpu.memory_space<vmem>>, vector<1x16xf32>,
        %get3A_915 = arith.index_cast %scan3A_256 : i32 to index
        %get3A_916 = arith.constant 704 : index
        %get3A_917 = tpu.vector_load %arg7[%get3A_915, %get3A_916] {strides = array<i32>} : memref<16x1024xf32, #tpu.memory_space<vmem>>, vector<1x16xf32>,
        %get3A_918 = vector.shape_cast %get3A_917 : vector<1x16xf32> to vector<16xf32>
        %add3A_919 = arith.addi %mul3A_238, %scan3A_256 : i32
        %get3A_920 = arith.index_cast %add3A_919 : i32 to index
        %get3A_921 = arith.constant 704 : index
        %get3A_922 = tpu.vector_load %arg5[%get3A_920, %get3A_921] {strides = array<i32>} : memref<32x1024xf32, #tpu.memory_space<vmem>>, vector<1x16xf32>,
        %get3A_923 = vector.shape_cast %get3A_922 : vector<1x16xf32> to vector<16xf32>
        %add3A_924 = arith.addf %get3A_918, %get3A_923 : vector<16xf32>
        %swap3A_925 = arith.index_cast %scan3A_256 : i32 to index
        %swap3A_926 = arith.constant 704 : index
        %swap3A_927 = tpu.vector_load %arg9[%swap3A_925, %swap3A_926] {strides = array<i32>} : memref<16x1024xf32, #tpu.memory_space<vmem>>, vector<1x16xf32>,
        %swap3A_928 = vector.shape_cast %swap3A_927 : vector<1x16xf32> to vector<16xf32>
        %swap3A_929 = vector.shape_cast %add3A_924 : vector<16xf32> to vector<1x16xf32>
        tpu.vector_store %arg9[%swap3A_925, %swap3A_926], %swap3A_929 {strides = array<i32>} : memref<16x1024xf32, #tpu.memory_space<vmem>>, vector<1x16xf32>,
        %get3A_930 = arith.index_cast %scan3A_256 : i32 to index
        %get3A_931 = arith.constant 720 : index
        %get3A_932 = tpu.vector_load %arg7[%get3A_930, %get3A_931] {strides = array<i32>} : memref<16x1024xf32, #tpu.memory_space<vmem>>, vector<1x16xf32>,
        %get3A_933 = vector.shape_cast %get3A_932 : vector<1x16xf32> to vector<16xf32>
        %add3A_934 = arith.addi %mul3A_238, %scan3A_256 : i32
        %get3A_935 = arith.index_cast %add3A_934 : i32 to index
        %get3A_936 = arith.constant 720 : index
        %get3A_937 = tpu.vector_load %arg5[%get3A_935, %get3A_936] {strides = array<i32>} : memref<32x1024xf32, #tpu.memory_space<vmem>>, vector<1x16xf32>,
        %get3A_938 = vector.shape_cast %get3A_937 : vector<1x16xf32> to vector<16xf32>
        %add3A_939 = arith.addf %get3A_933, %get3A_938 : vector<16xf32>
        %swap3A_940 = arith.index_cast %scan3A_256 : i32 to index
        %swap3A_941 = arith.constant 720 : index
        %swap3A_942 = tpu.vector_load %arg9[%swap3A_940, %swap3A_941] {strides = array<i32>} : memref<16x1024xf32, #tpu.memory_space<vmem>>, vector<1x16xf32>,
        %swap3A_943 = vector.shape_cast %swap3A_942 : vector<1x16xf32> to vector<16xf32>
        %swap3A_944 = vector.shape_cast %add3A_939 : vector<16xf32> to vector<1x16xf32>
        tpu.vector_store %arg9[%swap3A_940, %swap3A_941], %swap3A_944 {strides = array<i32>} : memref<16x1024xf32, #tpu.memory_space<vmem>>, vector<1x16xf32>,
        %get3A_945 = arith.index_cast %scan3A_256 : i32 to index
        %get3A_946 = arith.constant 736 : index
        %get3A_947 = tpu.vector_load %arg7[%get3A_945, %get3A_946] {strides = array<i32>} : memref<16x1024xf32, #tpu.memory_space<vmem>>, vector<1x16xf32>,
        %get3A_948 = vector.shape_cast %get3A_947 : vector<1x16xf32> to vector<16xf32>
        %add3A_949 = arith.addi %mul3A_238, %scan3A_256 : i32
        %get3A_950 = arith.index_cast %add3A_949 : i32 to index
        %get3A_951 = arith.constant 736 : index
        %get3A_952 = tpu.vector_load %arg5[%get3A_950, %get3A_951] {strides = array<i32>} : memref<32x1024xf32, #tpu.memory_space<vmem>>, vector<1x16xf32>,
        %get3A_953 = vector.shape_cast %get3A_952 : vector<1x16xf32> to vector<16xf32>
        %add3A_954 = arith.addf %get3A_948, %get3A_953 : vector<16xf32>
        %swap3A_955 = arith.index_cast %scan3A_256 : i32 to index
        %swap3A_956 = arith.constant 736 : index
        %swap3A_957 = tpu.vector_load %arg9[%swap3A_955, %swap3A_956] {strides = array<i32>} : memref<16x1024xf32, #tpu.memory_space<vmem>>, vector<1x16xf32>,
        %swap3A_958 = vector.shape_cast %swap3A_957 : vector<1x16xf32> to vector<16xf32>
        %swap3A_959 = vector.shape_cast %add3A_954 : vector<16xf32> to vector<1x16xf32>
        tpu.vector_store %arg9[%swap3A_955, %swap3A_956], %swap3A_959 {strides = array<i32>} : memref<16x1024xf32, #tpu.memory_space<vmem>>, vector<1x16xf32>,
        %get3A_960 = arith.index_cast %scan3A_256 : i32 to index
        %get3A_961 = arith.constant 752 : index
        %get3A_962 = tpu.vector_load %arg7[%get3A_960, %get3A_961] {strides = array<i32>} : memref<16x1024xf32, #tpu.memory_space<vmem>>, vector<1x16xf32>,
        %get3A_963 = vector.shape_cast %get3A_962 : vector<1x16xf32> to vector<16xf32>
        %add3A_964 = arith.addi %mul3A_238, %scan3A_256 : i32
        %get3A_965 = arith.index_cast %add3A_964 : i32 to index
        %get3A_966 = arith.constant 752 : index
        %get3A_967 = tpu.vector_load %arg5[%get3A_965, %get3A_966] {strides = array<i32>} : memref<32x1024xf32, #tpu.memory_space<vmem>>, vector<1x16xf32>,
        %get3A_968 = vector.shape_cast %get3A_967 : vector<1x16xf32> to vector<16xf32>
        %add3A_969 = arith.addf %get3A_963, %get3A_968 : vector<16xf32>
        %swap3A_970 = arith.index_cast %scan3A_256 : i32 to index
        %swap3A_971 = arith.constant 752 : index
        %swap3A_972 = tpu.vector_load %arg9[%swap3A_970, %swap3A_971] {strides = array<i32>} : memref<16x1024xf32, #tpu.memory_space<vmem>>, vector<1x16xf32>,
        %swap3A_973 = vector.shape_cast %swap3A_972 : vector<1x16xf32> to vector<16xf32>
        %swap3A_974 = vector.shape_cast %add3A_969 : vector<16xf32> to vector<1x16xf32>
        tpu.vector_store %arg9[%swap3A_970, %swap3A_971], %swap3A_974 {strides = array<i32>} : memref<16x1024xf32, #tpu.memory_space<vmem>>, vector<1x16xf32>,
        %get3A_975 = arith.index_cast %scan3A_256 : i32 to index
        %get3A_976 = arith.constant 768 : index
        %get3A_977 = tpu.vector_load %arg7[%get3A_975, %get3A_976] {strides = array<i32>} : memref<16x1024xf32, #tpu.memory_space<vmem>>, vector<1x16xf32>,
        %get3A_978 = vector.shape_cast %get3A_977 : vector<1x16xf32> to vector<16xf32>
        %add3A_979 = arith.addi %mul3A_238, %scan3A_256 : i32
        %get3A_980 = arith.index_cast %add3A_979 : i32 to index
        %get3A_981 = arith.constant 768 : index
        %get3A_982 = tpu.vector_load %arg5[%get3A_980, %get3A_981] {strides = array<i32>} : memref<32x1024xf32, #tpu.memory_space<vmem>>, vector<1x16xf32>,
        %get3A_983 = vector.shape_cast %get3A_982 : vector<1x16xf32> to vector<16xf32>
        %add3A_984 = arith.addf %get3A_978, %get3A_983 : vector<16xf32>
        %swap3A_985 = arith.index_cast %scan3A_256 : i32 to index
        %swap3A_986 = arith.constant 768 : index
        %swap3A_987 = tpu.vector_load %arg9[%swap3A_985, %swap3A_986] {strides = array<i32>} : memref<16x1024xf32, #tpu.memory_space<vmem>>, vector<1x16xf32>,
        %swap3A_988 = vector.shape_cast %swap3A_987 : vector<1x16xf32> to vector<16xf32>
        %swap3A_989 = vector.shape_cast %add3A_984 : vector<16xf32> to vector<1x16xf32>
        tpu.vector_store %arg9[%swap3A_985, %swap3A_986], %swap3A_989 {strides = array<i32>} : memref<16x1024xf32, #tpu.memory_space<vmem>>, vector<1x16xf32>,
        %get3A_990 = arith.index_cast %scan3A_256 : i32 to index
        %get3A_991 = arith.constant 784 : index
        %get3A_992 = tpu.vector_load %arg7[%get3A_990, %get3A_991] {strides = array<i32>} : memref<16x1024xf32, #tpu.memory_space<vmem>>, vector<1x16xf32>,
        %get3A_993 = vector.shape_cast %get3A_992 : vector<1x16xf32> to vector<16xf32>
        %add3A_994 = arith.addi %mul3A_238, %scan3A_256 : i32
        %get3A_995 = arith.index_cast %add3A_994 : i32 to index
        %get3A_996 = arith.constant 784 : index
        %get3A_997 = tpu.vector_load %arg5[%get3A_995, %get3A_996] {strides = array<i32>} : memref<32x1024xf32, #tpu.memory_space<vmem>>, vector<1x16xf32>,
        %get3A_998 = vector.shape_cast %get3A_997 : vector<1x16xf32> to vector<16xf32>
        %add3A_999 = arith.addf %get3A_993, %get3A_998 : vector<16xf32>
        %swap3A_1000 = arith.index_cast %scan3A_256 : i32 to index
        %swap3A_1001 = arith.constant 784 : index
        %swap3A_1002 = tpu.vector_load %arg9[%swap3A_1000, %swap3A_1001] {strides = array<i32>} : memref<16x1024xf32, #tpu.memory_space<vmem>>, vector<1x16xf32>,
        %swap3A_1003 = vector.shape_cast %swap3A_1002 : vector<1x16xf32> to vector<16xf32>
        %swap3A_1004 = vector.shape_cast %add3A_999 : vector<16xf32> to vector<1x16xf32>
        tpu.vector_store %arg9[%swap3A_1000, %swap3A_1001], %swap3A_1004 {strides = array<i32>} : memref<16x1024xf32, #tpu.memory_space<vmem>>, vector<1x16xf32>,
        %get3A_1005 = arith.index_cast %scan3A_256 : i32 to index
        %get3A_1006 = arith.constant 800 : index
        %get3A_1007 = tpu.vector_load %arg7[%get3A_1005, %get3A_1006] {strides = array<i32>} : memref<16x1024xf32, #tpu.memory_space<vmem>>, vector<1x16xf32>,
        %get3A_1008 = vector.shape_cast %get3A_1007 : vector<1x16xf32> to vector<16xf32>
        %add3A_1009 = arith.addi %mul3A_238, %scan3A_256 : i32
        %get3A_1010 = arith.index_cast %add3A_1009 : i32 to index
        %get3A_1011 = arith.constant 800 : index
        %get3A_1012 = tpu.vector_load %arg5[%get3A_1010, %get3A_1011] {strides = array<i32>} : memref<32x1024xf32, #tpu.memory_space<vmem>>, vector<1x16xf32>,
        %get3A_1013 = vector.shape_cast %get3A_1012 : vector<1x16xf32> to vector<16xf32>
        %add3A_1014 = arith.addf %get3A_1008, %get3A_1013 : vector<16xf32>
        %swap3A_1015 = arith.index_cast %scan3A_256 : i32 to index
        %swap3A_1016 = arith.constant 800 : index
        %swap3A_1017 = tpu.vector_load %arg9[%swap3A_1015, %swap3A_1016] {strides = array<i32>} : memref<16x1024xf32, #tpu.memory_space<vmem>>, vector<1x16xf32>,
        %swap3A_1018 = vector.shape_cast %swap3A_1017 : vector<1x16xf32> to vector<16xf32>
        %swap3A_1019 = vector.shape_cast %add3A_1014 : vector<16xf32> to vector<1x16xf32>
        tpu.vector_store %arg9[%swap3A_1015, %swap3A_1016], %swap3A_1019 {strides = array<i32>} : memref<16x1024xf32, #tpu.memory_space<vmem>>, vector<1x16xf32>,
        %get3A_1020 = arith.index_cast %scan3A_256 : i32 to index
        %get3A_1021 = arith.constant 816 : index
        %get3A_1022 = tpu.vector_load %arg7[%get3A_1020, %get3A_1021] {strides = array<i32>} : memref<16x1024xf32, #tpu.memory_space<vmem>>, vector<1x16xf32>,
        %get3A_1023 = vector.shape_cast %get3A_1022 : vector<1x16xf32> to vector<16xf32>
        %add3A_1024 = arith.addi %mul3A_238, %scan3A_256 : i32
        %get3A_1025 = arith.index_cast %add3A_1024 : i32 to index
        %get3A_1026 = arith.constant 816 : index
        %get3A_1027 = tpu.vector_load %arg5[%get3A_1025, %get3A_1026] {strides = array<i32>} : memref<32x1024xf32, #tpu.memory_space<vmem>>, vector<1x16xf32>,
        %get3A_1028 = vector.shape_cast %get3A_1027 : vector<1x16xf32> to vector<16xf32>
        %add3A_1029 = arith.addf %get3A_1023, %get3A_1028 : vector<16xf32>
        %swap3A_1030 = arith.index_cast %scan3A_256 : i32 to index
        %swap3A_1031 = arith.constant 816 : index
        %swap3A_1032 = tpu.vector_load %arg9[%swap3A_1030, %swap3A_1031] {strides = array<i32>} : memref<16x1024xf32, #tpu.memory_space<vmem>>, vector<1x16xf32>,
        %swap3A_1033 = vector.shape_cast %swap3A_1032 : vector<1x16xf32> to vector<16xf32>
        %swap3A_1034 = vector.shape_cast %add3A_1029 : vector<16xf32> to vector<1x16xf32>
        tpu.vector_store %arg9[%swap3A_1030, %swap3A_1031], %swap3A_1034 {strides = array<i32>} : memref<16x1024xf32, #tpu.memory_space<vmem>>, vector<1x16xf32>,
        %get3A_1035 = arith.index_cast %scan3A_256 : i32 to index
        %get3A_1036 = arith.constant 832 : index
        %get3A_1037 = tpu.vector_load %arg7[%get3A_1035, %get3A_1036] {strides = array<i32>} : memref<16x1024xf32, #tpu.memory_space<vmem>>, vector<1x16xf32>,
        %get3A_1038 = vector.shape_cast %get3A_1037 : vector<1x16xf32> to vector<16xf32>
        %add3A_1039 = arith.addi %mul3A_238, %scan3A_256 : i32
        %get3A_1040 = arith.index_cast %add3A_1039 : i32 to index
        %get3A_1041 = arith.constant 832 : index
        %get3A_1042 = tpu.vector_load %arg5[%get3A_1040, %get3A_1041] {strides = array<i32>} : memref<32x1024xf32, #tpu.memory_space<vmem>>, vector<1x16xf32>,
        %get3A_1043 = vector.shape_cast %get3A_1042 : vector<1x16xf32> to vector<16xf32>
        %add3A_1044 = arith.addf %get3A_1038, %get3A_1043 : vector<16xf32>
        %swap3A_1045 = arith.index_cast %scan3A_256 : i32 to index
        %swap3A_1046 = arith.constant 832 : index
        %swap3A_1047 = tpu.vector_load %arg9[%swap3A_1045, %swap3A_1046] {strides = array<i32>} : memref<16x1024xf32, #tpu.memory_space<vmem>>, vector<1x16xf32>,
        %swap3A_1048 = vector.shape_cast %swap3A_1047 : vector<1x16xf32> to vector<16xf32>
        %swap3A_1049 = vector.shape_cast %add3A_1044 : vector<16xf32> to vector<1x16xf32>
        tpu.vector_store %arg9[%swap3A_1045, %swap3A_1046], %swap3A_1049 {strides = array<i32>} : memref<16x1024xf32, #tpu.memory_space<vmem>>, vector<1x16xf32>,
        %get3A_1050 = arith.index_cast %scan3A_256 : i32 to index
        %get3A_1051 = arith.constant 848 : index
        %get3A_1052 = tpu.vector_load %arg7[%get3A_1050, %get3A_1051] {strides = array<i32>} : memref<16x1024xf32, #tpu.memory_space<vmem>>, vector<1x16xf32>,
        %get3A_1053 = vector.shape_cast %get3A_1052 : vector<1x16xf32> to vector<16xf32>
        %add3A_1054 = arith.addi %mul3A_238, %scan3A_256 : i32
        %get3A_1055 = arith.index_cast %add3A_1054 : i32 to index
        %get3A_1056 = arith.constant 848 : index
        %get3A_1057 = tpu.vector_load %arg5[%get3A_1055, %get3A_1056] {strides = array<i32>} : memref<32x1024xf32, #tpu.memory_space<vmem>>, vector<1x16xf32>,
        %get3A_1058 = vector.shape_cast %get3A_1057 : vector<1x16xf32> to vector<16xf32>
        %add3A_1059 = arith.addf %get3A_1053, %get3A_1058 : vector<16xf32>
        %swap3A_1060 = arith.index_cast %scan3A_256 : i32 to index
        %swap3A_1061 = arith.constant 848 : index
        %swap3A_1062 = tpu.vector_load %arg9[%swap3A_1060, %swap3A_1061] {strides = array<i32>} : memref<16x1024xf32, #tpu.memory_space<vmem>>, vector<1x16xf32>,
        %swap3A_1063 = vector.shape_cast %swap3A_1062 : vector<1x16xf32> to vector<16xf32>
        %swap3A_1064 = vector.shape_cast %add3A_1059 : vector<16xf32> to vector<1x16xf32>
        tpu.vector_store %arg9[%swap3A_1060, %swap3A_1061], %swap3A_1064 {strides = array<i32>} : memref<16x1024xf32, #tpu.memory_space<vmem>>, vector<1x16xf32>,
        %get3A_1065 = arith.index_cast %scan3A_256 : i32 to index
        %get3A_1066 = arith.constant 864 : index
        %get3A_1067 = tpu.vector_load %arg7[%get3A_1065, %get3A_1066] {strides = array<i32>} : memref<16x1024xf32, #tpu.memory_space<vmem>>, vector<1x16xf32>,
        %get3A_1068 = vector.shape_cast %get3A_1067 : vector<1x16xf32> to vector<16xf32>
        %add3A_1069 = arith.addi %mul3A_238, %scan3A_256 : i32
        %get3A_1070 = arith.index_cast %add3A_1069 : i32 to index
        %get3A_1071 = arith.constant 864 : index
        %get3A_1072 = tpu.vector_load %arg5[%get3A_1070, %get3A_1071] {strides = array<i32>} : memref<32x1024xf32, #tpu.memory_space<vmem>>, vector<1x16xf32>,
        %get3A_1073 = vector.shape_cast %get3A_1072 : vector<1x16xf32> to vector<16xf32>
        %add3A_1074 = arith.addf %get3A_1068, %get3A_1073 : vector<16xf32>
        %swap3A_1075 = arith.index_cast %scan3A_256 : i32 to index
        %swap3A_1076 = arith.constant 864 : index
        %swap3A_1077 = tpu.vector_load %arg9[%swap3A_1075, %swap3A_1076] {strides = array<i32>} : memref<16x1024xf32, #tpu.memory_space<vmem>>, vector<1x16xf32>,
        %swap3A_1078 = vector.shape_cast %swap3A_1077 : vector<1x16xf32> to vector<16xf32>
        %swap3A_1079 = vector.shape_cast %add3A_1074 : vector<16xf32> to vector<1x16xf32>
        tpu.vector_store %arg9[%swap3A_1075, %swap3A_1076], %swap3A_1079 {strides = array<i32>} : memref<16x1024xf32, #tpu.memory_space<vmem>>, vector<1x16xf32>,
        %get3A_1080 = arith.index_cast %scan3A_256 : i32 to index
        %get3A_1081 = arith.constant 880 : index
        %get3A_1082 = tpu.vector_load %arg7[%get3A_1080, %get3A_1081] {strides = array<i32>} : memref<16x1024xf32, #tpu.memory_space<vmem>>, vector<1x16xf32>,
        %get3A_1083 = vector.shape_cast %get3A_1082 : vector<1x16xf32> to vector<16xf32>
        %add3A_1084 = arith.addi %mul3A_238, %scan3A_256 : i32
        %get3A_1085 = arith.index_cast %add3A_1084 : i32 to index
        %get3A_1086 = arith.constant 880 : index
        %get3A_1087 = tpu.vector_load %arg5[%get3A_1085, %get3A_1086] {strides = array<i32>} : memref<32x1024xf32, #tpu.memory_space<vmem>>, vector<1x16xf32>,
        %get3A_1088 = vector.shape_cast %get3A_1087 : vector<1x16xf32> to vector<16xf32>
        %add3A_1089 = arith.addf %get3A_1083, %get3A_1088 : vector<16xf32>
        %swap3A_1090 = arith.index_cast %scan3A_256 : i32 to index
        %swap3A_1091 = arith.constant 880 : index
        %swap3A_1092 = tpu.vector_load %arg9[%swap3A_1090, %swap3A_1091] {strides = array<i32>} : memref<16x1024xf32, #tpu.memory_space<vmem>>, vector<1x16xf32>,
        %swap3A_1093 = vector.shape_cast %swap3A_1092 : vector<1x16xf32> to vector<16xf32>
        %swap3A_1094 = vector.shape_cast %add3A_1089 : vector<16xf32> to vector<1x16xf32>
        tpu.vector_store %arg9[%swap3A_1090, %swap3A_1091], %swap3A_1094 {strides = array<i32>} : memref<16x1024xf32, #tpu.memory_space<vmem>>, vector<1x16xf32>,
        %get3A_1095 = arith.index_cast %scan3A_256 : i32 to index
        %get3A_1096 = arith.constant 896 : index
        %get3A_1097 = tpu.vector_load %arg7[%get3A_1095, %get3A_1096] {strides = array<i32>} : memref<16x1024xf32, #tpu.memory_space<vmem>>, vector<1x16xf32>,
        %get3A_1098 = vector.shape_cast %get3A_1097 : vector<1x16xf32> to vector<16xf32>
        %add3A_1099 = arith.addi %mul3A_238, %scan3A_256 : i32
        %get3A_1100 = arith.index_cast %add3A_1099 : i32 to index
        %get3A_1101 = arith.constant 896 : index
        %get3A_1102 = tpu.vector_load %arg5[%get3A_1100, %get3A_1101] {strides = array<i32>} : memref<32x1024xf32, #tpu.memory_space<vmem>>, vector<1x16xf32>,
        %get3A_1103 = vector.shape_cast %get3A_1102 : vector<1x16xf32> to vector<16xf32>
        %add3A_1104 = arith.addf %get3A_1098, %get3A_1103 : vector<16xf32>
        %swap3A_1105 = arith.index_cast %scan3A_256 : i32 to index
        %swap3A_1106 = arith.constant 896 : index
        %swap3A_1107 = tpu.vector_load %arg9[%swap3A_1105, %swap3A_1106] {strides = array<i32>} : memref<16x1024xf32, #tpu.memory_space<vmem>>, vector<1x16xf32>,
        %swap3A_1108 = vector.shape_cast %swap3A_1107 : vector<1x16xf32> to vector<16xf32>
        %swap3A_1109 = vector.shape_cast %add3A_1104 : vector<16xf32> to vector<1x16xf32>
        tpu.vector_store %arg9[%swap3A_1105, %swap3A_1106], %swap3A_1109 {strides = array<i32>} : memref<16x1024xf32, #tpu.memory_space<vmem>>, vector<1x16xf32>,
        %get3A_1110 = arith.index_cast %scan3A_256 : i32 to index
        %get3A_1111 = arith.constant 912 : index
        %get3A_1112 = tpu.vector_load %arg7[%get3A_1110, %get3A_1111] {strides = array<i32>} : memref<16x1024xf32, #tpu.memory_space<vmem>>, vector<1x16xf32>,
        %get3A_1113 = vector.shape_cast %get3A_1112 : vector<1x16xf32> to vector<16xf32>
        %add3A_1114 = arith.addi %mul3A_238, %scan3A_256 : i32
        %get3A_1115 = arith.index_cast %add3A_1114 : i32 to index
        %get3A_1116 = arith.constant 912 : index
        %get3A_1117 = tpu.vector_load %arg5[%get3A_1115, %get3A_1116] {strides = array<i32>} : memref<32x1024xf32, #tpu.memory_space<vmem>>, vector<1x16xf32>,
        %get3A_1118 = vector.shape_cast %get3A_1117 : vector<1x16xf32> to vector<16xf32>
        %add3A_1119 = arith.addf %get3A_1113, %get3A_1118 : vector<16xf32>
        %swap3A_1120 = arith.index_cast %scan3A_256 : i32 to index
        %swap3A_1121 = arith.constant 912 : index
        %swap3A_1122 = tpu.vector_load %arg9[%swap3A_1120, %swap3A_1121] {strides = array<i32>} : memref<16x1024xf32, #tpu.memory_space<vmem>>, vector<1x16xf32>,
        %swap3A_1123 = vector.shape_cast %swap3A_1122 : vector<1x16xf32> to vector<16xf32>
        %swap3A_1124 = vector.shape_cast %add3A_1119 : vector<16xf32> to vector<1x16xf32>
        tpu.vector_store %arg9[%swap3A_1120, %swap3A_1121], %swap3A_1124 {strides = array<i32>} : memref<16x1024xf32, #tpu.memory_space<vmem>>, vector<1x16xf32>,
        %get3A_1125 = arith.index_cast %scan3A_256 : i32 to index
        %get3A_1126 = arith.constant 928 : index
        %get3A_1127 = tpu.vector_load %arg7[%get3A_1125, %get3A_1126] {strides = array<i32>} : memref<16x1024xf32, #tpu.memory_space<vmem>>, vector<1x16xf32>,
        %get3A_1128 = vector.shape_cast %get3A_1127 : vector<1x16xf32> to vector<16xf32>
        %add3A_1129 = arith.addi %mul3A_238, %scan3A_256 : i32
        %get3A_1130 = arith.index_cast %add3A_1129 : i32 to index
        %get3A_1131 = arith.constant 928 : index
        %get3A_1132 = tpu.vector_load %arg5[%get3A_1130, %get3A_1131] {strides = array<i32>} : memref<32x1024xf32, #tpu.memory_space<vmem>>, vector<1x16xf32>,
        %get3A_1133 = vector.shape_cast %get3A_1132 : vector<1x16xf32> to vector<16xf32>
        %add3A_1134 = arith.addf %get3A_1128, %get3A_1133 : vector<16xf32>
        %swap3A_1135 = arith.index_cast %scan3A_256 : i32 to index
        %swap3A_1136 = arith.constant 928 : index
        %swap3A_1137 = tpu.vector_load %arg9[%swap3A_1135, %swap3A_1136] {strides = array<i32>} : memref<16x1024xf32, #tpu.memory_space<vmem>>, vector<1x16xf32>,
        %swap3A_1138 = vector.shape_cast %swap3A_1137 : vector<1x16xf32> to vector<16xf32>
        %swap3A_1139 = vector.shape_cast %add3A_1134 : vector<16xf32> to vector<1x16xf32>
        tpu.vector_store %arg9[%swap3A_1135, %swap3A_1136], %swap3A_1139 {strides = array<i32>} : memref<16x1024xf32, #tpu.memory_space<vmem>>, vector<1x16xf32>,
        %get3A_1140 = arith.index_cast %scan3A_256 : i32 to index
        %get3A_1141 = arith.constant 944 : index
        %get3A_1142 = tpu.vector_load %arg7[%get3A_1140, %get3A_1141] {strides = array<i32>} : memref<16x1024xf32, #tpu.memory_space<vmem>>, vector<1x16xf32>,
        %get3A_1143 = vector.shape_cast %get3A_1142 : vector<1x16xf32> to vector<16xf32>
        %add3A_1144 = arith.addi %mul3A_238, %scan3A_256 : i32
        %get3A_1145 = arith.index_cast %add3A_1144 : i32 to index
        %get3A_1146 = arith.constant 944 : index
        %get3A_1147 = tpu.vector_load %arg5[%get3A_1145, %get3A_1146] {strides = array<i32>} : memref<32x1024xf32, #tpu.memory_space<vmem>>, vector<1x16xf32>,
        %get3A_1148 = vector.shape_cast %get3A_1147 : vector<1x16xf32> to vector<16xf32>
        %add3A_1149 = arith.addf %get3A_1143, %get3A_1148 : vector<16xf32>
        %swap3A_1150 = arith.index_cast %scan3A_256 : i32 to index
        %swap3A_1151 = arith.constant 944 : index
        %swap3A_1152 = tpu.vector_load %arg9[%swap3A_1150, %swap3A_1151] {strides = array<i32>} : memref<16x1024xf32, #tpu.memory_space<vmem>>, vector<1x16xf32>,
        %swap3A_1153 = vector.shape_cast %swap3A_1152 : vector<1x16xf32> to vector<16xf32>
        %swap3A_1154 = vector.shape_cast %add3A_1149 : vector<16xf32> to vector<1x16xf32>
        tpu.vector_store %arg9[%swap3A_1150, %swap3A_1151], %swap3A_1154 {strides = array<i32>} : memref<16x1024xf32, #tpu.memory_space<vmem>>, vector<1x16xf32>,
        %get3A_1155 = arith.index_cast %scan3A_256 : i32 to index
        %get3A_1156 = arith.constant 960 : index
        %get3A_1157 = tpu.vector_load %arg7[%get3A_1155, %get3A_1156] {strides = array<i32>} : memref<16x1024xf32, #tpu.memory_space<vmem>>, vector<1x16xf32>,
        %get3A_1158 = vector.shape_cast %get3A_1157 : vector<1x16xf32> to vector<16xf32>
        %add3A_1159 = arith.addi %mul3A_238, %scan3A_256 : i32
        %get3A_1160 = arith.index_cast %add3A_1159 : i32 to index
        %get3A_1161 = arith.constant 960 : index
        %get3A_1162 = tpu.vector_load %arg5[%get3A_1160, %get3A_1161] {strides = array<i32>} : memref<32x1024xf32, #tpu.memory_space<vmem>>, vector<1x16xf32>,
        %get3A_1163 = vector.shape_cast %get3A_1162 : vector<1x16xf32> to vector<16xf32>
        %add3A_1164 = arith.addf %get3A_1158, %get3A_1163 : vector<16xf32>
        %swap3A_1165 = arith.index_cast %scan3A_256 : i32 to index
        %swap3A_1166 = arith.constant 960 : index
        %swap3A_1167 = tpu.vector_load %arg9[%swap3A_1165, %swap3A_1166] {strides = array<i32>} : memref<16x1024xf32, #tpu.memory_space<vmem>>, vector<1x16xf32>,
        %swap3A_1168 = vector.shape_cast %swap3A_1167 : vector<1x16xf32> to vector<16xf32>
        %swap3A_1169 = vector.shape_cast %add3A_1164 : vector<16xf32> to vector<1x16xf32>
        tpu.vector_store %arg9[%swap3A_1165, %swap3A_1166], %swap3A_1169 {strides = array<i32>} : memref<16x1024xf32, #tpu.memory_space<vmem>>, vector<1x16xf32>,
        %get3A_1170 = arith.index_cast %scan3A_256 : i32 to index
        %get3A_1171 = arith.constant 976 : index
        %get3A_1172 = tpu.vector_load %arg7[%get3A_1170, %get3A_1171] {strides = array<i32>} : memref<16x1024xf32, #tpu.memory_space<vmem>>, vector<1x16xf32>,
        %get3A_1173 = vector.shape_cast %get3A_1172 : vector<1x16xf32> to vector<16xf32>
        %add3A_1174 = arith.addi %mul3A_238, %scan3A_256 : i32
        %get3A_1175 = arith.index_cast %add3A_1174 : i32 to index
        %get3A_1176 = arith.constant 976 : index
        %get3A_1177 = tpu.vector_load %arg5[%get3A_1175, %get3A_1176] {strides = array<i32>} : memref<32x1024xf32, #tpu.memory_space<vmem>>, vector<1x16xf32>,
        %get3A_1178 = vector.shape_cast %get3A_1177 : vector<1x16xf32> to vector<16xf32>
        %add3A_1179 = arith.addf %get3A_1173, %get3A_1178 : vector<16xf32>
        %swap3A_1180 = arith.index_cast %scan3A_256 : i32 to index
        %swap3A_1181 = arith.constant 976 : index
        %swap3A_1182 = tpu.vector_load %arg9[%swap3A_1180, %swap3A_1181] {strides = array<i32>} : memref<16x1024xf32, #tpu.memory_space<vmem>>, vector<1x16xf32>,
        %swap3A_1183 = vector.shape_cast %swap3A_1182 : vector<1x16xf32> to vector<16xf32>
        %swap3A_1184 = vector.shape_cast %add3A_1179 : vector<16xf32> to vector<1x16xf32>
        tpu.vector_store %arg9[%swap3A_1180, %swap3A_1181], %swap3A_1184 {strides = array<i32>} : memref<16x1024xf32, #tpu.memory_space<vmem>>, vector<1x16xf32>,
        %get3A_1185 = arith.index_cast %scan3A_256 : i32 to index
        %get3A_1186 = arith.constant 992 : index
        %get3A_1187 = tpu.vector_load %arg7[%get3A_1185, %get3A_1186] {strides = array<i32>} : memref<16x1024xf32, #tpu.memory_space<vmem>>, vector<1x16xf32>,
        %get3A_1188 = vector.shape_cast %get3A_1187 : vector<1x16xf32> to vector<16xf32>
        %add3A_1189 = arith.addi %mul3A_238, %scan3A_256 : i32
        %get3A_1190 = arith.index_cast %add3A_1189 : i32 to index
        %get3A_1191 = arith.constant 992 : index
        %get3A_1192 = tpu.vector_load %arg5[%get3A_1190, %get3A_1191] {strides = array<i32>} : memref<32x1024xf32, #tpu.memory_space<vmem>>, vector<1x16xf32>,
        %get3A_1193 = vector.shape_cast %get3A_1192 : vector<1x16xf32> to vector<16xf32>
        %add3A_1194 = arith.addf %get3A_1188, %get3A_1193 : vector<16xf32>
        %swap3A_1195 = arith.index_cast %scan3A_256 : i32 to index
        %swap3A_1196 = arith.constant 992 : index
        %swap3A_1197 = tpu.vector_load %arg9[%swap3A_1195, %swap3A_1196] {strides = array<i32>} : memref<16x1024xf32, #tpu.memory_space<vmem>>, vector<1x16xf32>,
        %swap3A_1198 = vector.shape_cast %swap3A_1197 : vector<1x16xf32> to vector<16xf32>
        %swap3A_1199 = vector.shape_cast %add3A_1194 : vector<16xf32> to vector<1x16xf32>
        tpu.vector_store %arg9[%swap3A_1195, %swap3A_1196], %swap3A_1199 {strides = array<i32>} : memref<16x1024xf32, #tpu.memory_space<vmem>>, vector<1x16xf32>,
        %get3A_1200 = arith.index_cast %scan3A_256 : i32 to index
        %get3A_1201 = arith.constant 1008 : index
        %get3A_1202 = tpu.vector_load %arg7[%get3A_1200, %get3A_1201] {strides = array<i32>} : memref<16x1024xf32, #tpu.memory_space<vmem>>, vector<1x16xf32>,
        %get3A_1203 = vector.shape_cast %get3A_1202 : vector<1x16xf32> to vector<16xf32>
        %add3A_1204 = arith.addi %mul3A_238, %scan3A_256 : i32
        %get3A_1205 = arith.index_cast %add3A_1204 : i32 to index
        %get3A_1206 = arith.constant 1008 : index
        %get3A_1207 = tpu.vector_load %arg5[%get3A_1205, %get3A_1206] {strides = array<i32>} : memref<32x1024xf32, #tpu.memory_space<vmem>>, vector<1x16xf32>,
        %get3A_1208 = vector.shape_cast %get3A_1207 : vector<1x16xf32> to vector<16xf32>
        %add3A_1209 = arith.addf %get3A_1203, %get3A_1208 : vector<16xf32>
        %swap3A_1210 = arith.index_cast %scan3A_256 : i32 to index
        %swap3A_1211 = arith.constant 1008 : index
        %swap3A_1212 = tpu.vector_load %arg9[%swap3A_1210, %swap3A_1211] {strides = array<i32>} : memref<16x1024xf32, #tpu.memory_space<vmem>>, vector<1x16xf32>,
        %swap3A_1213 = vector.shape_cast %swap3A_1212 : vector<1x16xf32> to vector<16xf32>
        %swap3A_1214 = vector.shape_cast %add3A_1209 : vector<16xf32> to vector<1x16xf32>
        tpu.vector_store %arg9[%swap3A_1210, %swap3A_1211], %swap3A_1214 {strides = array<i32>} : memref<16x1024xf32, #tpu.memory_space<vmem>>, vector<1x16xf32>,
      }
      %scan3A_244 = arith.constant 16 : i32
      %dma_start3A_245 = arith.constant 0 : i32
      %dma_start3A_246 = tpu.memref_slice %arg4[%add3A_211, %dma_start3A_245] : memref<8192x1024xf32, #tpu.memory_space<hbm>> -> memref<16x1024xf32, #tpu.memory_space<hbm>>
      %dma_start3A_247 = arith.constant 0 : i32
      %dma_start3A_248 = tpu.memref_slice %arg4[%add3A_211, %dma_start3A_247] : memref<8192x1024xf32, #tpu.memory_space<hbm>> -> memref<16x1024xf32, #tpu.memory_space<hbm>>
      tpu.enqueue_dma source(%arg9 : memref<16x1024xf32, #tpu.memory_space<vmem>>) target(%dma_start3A_248 : memref<16x1024xf32, #tpu.memory_space<hbm>>) target_semaphore(%arg13 : memref<!tpu.dma_semaphore, #tpu.memory_space<semaphore_mem>>)
      %add3A_249 = arith.constant 2 : i32
      %add3A_250 = arith.addi %add3A_165, %add3A_249 : i32
      %lt3A_251 = arith.constant 8 : i32
      %lt3A_252 = arith.cmpi slt, %add3A_250, %lt3A_251 : i32
      %convert_element_type3A_253 = arith.extui %lt3A_252 : i1 to i32
      %cond3A_254 = arith.constant 0 : i32
      %cond3A_255 = arith.cmpi ne, %convert_element_type3A_253, %cond3A_254 : i32
      scf.if %cond3A_255 {
        %jit3A_256 = arith.constant 2 : i32
        %div3A_257 = arith.divsi %add3A_250, %jit3A_256 : i32
        %sign3A_258 = arith.constant 0 : i32
        %sign3A_259 = arith.cmpi sgt, %add3A_250, %sign3A_258 : i32
        %sign3A_260 = arith.extui %sign3A_259 : i1 to i32
        %sign3A_261 = arith.constant 0 : i32
        %sign3A_262 = arith.cmpi slt, %add3A_250, %sign3A_261 : i32
        %sign3A_263 = arith.extui %sign3A_262 : i1 to i32
        %sign3A_264 = arith.subi %sign3A_260, %sign3A_263 : i32
        %sign3A_265 = arith.constant 0 : i32
        %sign3A_266 = arith.cmpi sgt, %jit3A_256, %sign3A_265 : i32
        %sign3A_267 = arith.extui %sign3A_266 : i1 to i32
        %sign3A_268 = arith.constant 0 : i32
        %sign3A_269 = arith.cmpi slt, %jit3A_256, %sign3A_268 : i32
        %sign3A_270 = arith.extui %sign3A_269 : i1 to i32
        %sign3A_271 = arith.subi %sign3A_267, %sign3A_270 : i32
        %ne3A_272 = arith.cmpi ne, %sign3A_264, %sign3A_271 : i32
        %rem3A_273 = arith.remsi %add3A_250, %jit3A_256 : i32
        %ne3A_274 = arith.constant 0 : i32
        %ne3A_275 = arith.cmpi ne, %rem3A_273, %ne3A_274 : i32
        %and3A_276 = arith.andi %ne3A_272, %ne3A_275 : i1
        %sub3A_277 = arith.constant 1 : i32
        %sub3A_278 = arith.subi %div3A_257, %sub3A_277 : i32
        %select_n3A_279 = arith.select %and3A_276, %sub3A_278, %div3A_257 : i32
        %jit3A_280 = arith.constant 2 : i32
        %eq3A_281 = arith.constant 0 : i32
        %eq3A_282 = arith.cmpi eq, %jit3A_280, %eq3A_281 : i32
        %jit3A_283 = arith.constant 1 : i32
        %select_n3A_284 = arith.select %eq3A_282, %jit3A_283, %jit3A_280 : i32
        %rem3A_285 = arith.remsi %add3A_250, %select_n3A_284 : i32
        %ne3A_286 = arith.constant 0 : i32
        %ne3A_287 = arith.cmpi ne, %rem3A_285, %ne3A_286 : i32
        %lt3A_288 = arith.constant 0 : i32
        %lt3A_289 = arith.cmpi slt, %rem3A_285, %lt3A_288 : i32
        %lt3A_290 = arith.constant 0 : i32
        %lt3A_291 = arith.cmpi slt, %select_n3A_284, %lt3A_290 : i32
        %ne3A_292 = arith.xori %lt3A_289, %lt3A_291 : i1
        %and3A_293 = arith.andi %ne3A_292, %ne3A_287 : i1
        %add3A_294 = arith.addi %rem3A_285, %select_n3A_284 : i32
        %select_n3A_295 = arith.select %and3A_293, %add3A_294, %rem3A_285 : i32
        %mul3A_296 = arith.constant 2048 : i32
        %mul3A_297 = arith.muli %select_n3A_279, %mul3A_296 : i32
        %add3A_298 = arith.addi %mul3A_297, %add3A_4 : i32
        %mul3A_299 = arith.constant 16 : i32
        %mul3A_300 = arith.muli %select_n3A_295, %mul3A_299 : i32
        %add3A_301 = arith.addi %add3A_298, %mul3A_300 : i32
        %dma_start3A_302 = arith.constant 0 : i32
        %dma_start3A_303 = tpu.memref_slice %arg2[%add3A_301, %dma_start3A_302] : memref<8192x1024xf32, #tpu.memory_space<hbm>> -> memref<16x1024xf32, #tpu.memory_space<hbm>>
        %dma_start3A_304 = arith.constant 0 : i32
        %dma_start3A_305 = tpu.memref_slice %arg2[%add3A_301, %dma_start3A_304] : memref<8192x1024xf32, #tpu.memory_space<hbm>> -> memref<16x1024xf32, #tpu.memory_space<hbm>>
        tpu.enqueue_dma source(%dma_start3A_305 : memref<16x1024xf32, #tpu.memory_space<hbm>>) target(%arg7 : memref<16x1024xf32, #tpu.memory_space<vmem>>) target_semaphore(%arg11 : memref<!tpu.dma_semaphore, #tpu.memory_space<semaphore_mem>>)
      } else {
      }
    }
    %scan3A_24 = arith.constant 4 : i32
    %add3A_25 = arith.constant 6144 : i32
    %add3A_26 = arith.addi %add3A_25, %add3A_4 : i32
    %add3A_27 = arith.constant 0 : i32
    %add3A_28 = arith.addi %add3A_26, %add3A_27 : i32
    %dma_wait3A = arith.constant 0 : i32
    %dma_wait3A_29 = tpu.memref_slice %arg4[%add3A_28, %dma_wait3A] : memref<8192x1024xf32, #tpu.memory_space<hbm>> -> memref<16x1024xf32, #tpu.memory_space<hbm>>
    %dma_wait3A_30 = arith.constant 0 : i32
    %dma_wait3A_31 = tpu.memref_slice %arg4[%add3A_28, %dma_wait3A_30] : memref<8192x1024xf32, #tpu.memory_space<hbm>> -> memref<16x1024xf32, #tpu.memory_space<hbm>>
    tpu.wait_dma2 semaphore(%arg12 : memref<!tpu.dma_semaphore, #tpu.memory_space<semaphore_mem>>) src(%arg8 : memref<16x1024xf32, #tpu.memory_space<vmem>>) dst(%dma_wait3A_31 : memref<16x1024xf32, #tpu.memory_space<hbm>>)
    %add3A_32 = arith.constant 6144 : i32
    %add3A_33 = arith.addi %add3A_32, %add3A_4 : i32
    %add3A_34 = arith.constant 16 : i32
    %add3A_35 = arith.addi %add3A_33, %add3A_34 : i32
    %dma_wait3A_36 = arith.constant 0 : i32
    %dma_wait3A_37 = tpu.memref_slice %arg4[%add3A_35, %dma_wait3A_36] : memref<8192x1024xf32, #tpu.memory_space<hbm>> -> memref<16x1024xf32, #tpu.memory_space<hbm>>
    %dma_wait3A_38 = arith.constant 0 : i32
    %dma_wait3A_39 = tpu.memref_slice %arg4[%add3A_35, %dma_wait3A_38] : memref<8192x1024xf32, #tpu.memory_space<hbm>> -> memref<16x1024xf32, #tpu.memory_space<hbm>>
    tpu.wait_dma2 semaphore(%arg13 : memref<!tpu.dma_semaphore, #tpu.memory_space<semaphore_mem>>) src(%arg9 : memref<16x1024xf32, #tpu.memory_space<vmem>>) dst(%dma_wait3A_39 : memref<16x1024xf32, #tpu.memory_space<hbm>>)
    %add3A_40 = arith.constant 32 : i32
    %add3A_41 = arith.addi %mul3A_2, %add3A_40 : i32
    "tpu.region"() ({
      %run_scoped3A = tpu.sem_alloc : memref<!tpu.dma_semaphore, #tpu.memory_space<semaphore_mem>>
      %dma_start3A_80 = arith.constant 0 : i32
      %dma_start3A_81 = tpu.memref_slice %arg3[%add3A_41, %dma_start3A_80] : memref<2048x1024xf32, #tpu.memory_space<hbm>> -> memref<32x1024xf32, #tpu.memory_space<hbm>>
      %dma_start3A_82 = arith.constant 0 : i32
      %dma_start3A_83 = tpu.memref_slice %arg3[%add3A_41, %dma_start3A_82] : memref<2048x1024xf32, #tpu.memory_space<hbm>> -> memref<32x1024xf32, #tpu.memory_space<hbm>>
      tpu.enqueue_dma source(%dma_start3A_83 : memref<32x1024xf32, #tpu.memory_space<hbm>>) target(%arg5 : memref<32x1024xf32, #tpu.memory_space<vmem>>) target_semaphore(%run_scoped3A : memref<!tpu.dma_semaphore, #tpu.memory_space<semaphore_mem>>)
      %dma_wait3A_84 = arith.constant 0 : i32
      %dma_wait3A_85 = tpu.memref_slice %arg3[%add3A_41, %dma_wait3A_84] : memref<2048x1024xf32, #tpu.memory_space<hbm>> -> memref<32x1024xf32, #tpu.memory_space<hbm>>
      %dma_wait3A_86 = arith.constant 0 : i32
      %dma_wait3A_87 = tpu.memref_slice %arg3[%add3A_41, %dma_wait3A_86] : memref<2048x1024xf32, #tpu.memory_space<hbm>> -> memref<32x1024xf32, #tpu.memory_space<hbm>>
      tpu.wait_dma2 semaphore(%run_scoped3A : memref<!tpu.dma_semaphore, #tpu.memory_space<semaphore_mem>>) src(%dma_wait3A_87 : memref<32x1024xf32, #tpu.memory_space<hbm>>) dst(%arg5 : memref<32x1024xf32, #tpu.memory_space<vmem>>)
      tpu.yield
    }) : () -> ()
    %add3A_42 = arith.constant 0 : i32
    %add3A_43 = arith.addi %add3A_42, %add3A_41 : i32
    %add3A_44 = arith.constant 0 : i32
    %add3A_45 = arith.addi %add3A_43, %add3A_44 : i32
    %dma_start3A_46 = arith.constant 0 : i32
    %dma_start3A_47 = tpu.memref_slice %arg2[%add3A_45, %dma_start3A_46] : memref<8192x1024xf32, #tpu.memory_space<hbm>> -> memref<16x1024xf32, #tpu.memory_space<hbm>>
    %dma_start3A_48 = arith.constant 0 : i32
    %dma_start3A_49 = tpu.memref_slice %arg2[%add3A_45, %dma_start3A_48] : memref<8192x1024xf32, #tpu.memory_space<hbm>> -> memref<16x1024xf32, #tpu.memory_space<hbm>>
    tpu.enqueue_dma source(%dma_start3A_49 : memref<16x1024xf32, #tpu.memory_space<hbm>>) target(%arg6 : memref<16x1024xf32, #tpu.memory_space<vmem>>) target_semaphore(%arg10 : memref<!tpu.dma_semaphore, #tpu.memory_space<semaphore_mem>>)
    %add3A_50 = arith.constant 0 : i32
    %add3A_51 = arith.addi %add3A_50, %add3A_41 : i32
    %add3A_52 = arith.constant 16 : i32
    %add3A_53 = arith.addi %add3A_51, %add3A_52 : i32
    %dma_start3A_54 = arith.constant 0 : i32
    %dma_start3A_55 = tpu.memref_slice %arg2[%add3A_53, %dma_start3A_54] : memref<8192x1024xf32, #tpu.memory_space<hbm>> -> memref<16x1024xf32, #tpu.memory_space<hbm>>
    %dma_start3A_56 = arith.constant 0 : i32
    %dma_start3A_57 = tpu.memref_slice %arg2[%add3A_53, %dma_start3A_56] : memref<8192x1024xf32, #tpu.memory_space<hbm>> -> memref<16x1024xf32, #tpu.memory_space<hbm>>
    tpu.enqueue_dma source(%dma_start3A_57 : memref<16x1024xf32, #tpu.memory_space<hbm>>) target(%arg7 : memref<16x1024xf32, #tpu.memory_space<vmem>>) target_semaphore(%arg11 : memref<!tpu.dma_semaphore, #tpu.memory_space<semaphore_mem>>)
    %scan3A_58 = arith.constant 0 : i32
    %scan3A_59 = arith.constant 0 : i32
    %scan3A_60 = arith.constant 4 : i32
    %scan3A_61 = arith.addi %scan3A_59, %scan3A_60 : i32
    %scan3A_62 = arith.constant 1 : i32
    scf.for %scan3A_80 = %scan3A_59 to %scan3A_61 step %scan3A_62  : i32 {
      %mul3A_81 = arith.constant 2 : i32
      %mul3A_82 = arith.muli %scan3A_80, %mul3A_81 : i32
      %add3A_83 = arith.constant 0 : i32
      %add3A_84 = arith.addi %mul3A_82, %add3A_83 : i32
      %jit3A = arith.constant 2 : i32
      %div3A = arith.divsi %add3A_84, %jit3A : i32
      %sign3A = arith.constant 0 : i32
      %sign3A_85 = arith.cmpi sgt, %add3A_84, %sign3A : i32
      %sign3A_86 = arith.extui %sign3A_85 : i1 to i32
      %sign3A_87 = arith.constant 0 : i32
      %sign3A_88 = arith.cmpi slt, %add3A_84, %sign3A_87 : i32
      %sign3A_89 = arith.extui %sign3A_88 : i1 to i32
      %sign3A_90 = arith.subi %sign3A_86, %sign3A_89 : i32
      %sign3A_91 = arith.constant 0 : i32
      %sign3A_92 = arith.cmpi sgt, %jit3A, %sign3A_91 : i32
      %sign3A_93 = arith.extui %sign3A_92 : i1 to i32
      %sign3A_94 = arith.constant 0 : i32
      %sign3A_95 = arith.cmpi slt, %jit3A, %sign3A_94 : i32
      %sign3A_96 = arith.extui %sign3A_95 : i1 to i32
      %sign3A_97 = arith.subi %sign3A_93, %sign3A_96 : i32
      %ne3A = arith.cmpi ne, %sign3A_90, %sign3A_97 : i32
      %rem3A = arith.remsi %add3A_84, %jit3A : i32
      %ne3A_98 = arith.constant 0 : i32
      %ne3A_99 = arith.cmpi ne, %rem3A, %ne3A_98 : i32
      %and3A = arith.andi %ne3A, %ne3A_99 : i1
      %sub3A = arith.constant 1 : i32
      %sub3A_100 = arith.subi %div3A, %sub3A : i32
      %select_n3A = arith.select %and3A, %sub3A_100, %div3A : i32
      %jit3A_101 = arith.constant 2 : i32
      %eq3A = arith.constant 0 : i32
      %eq3A_102 = arith.cmpi eq, %jit3A_101, %eq3A : i32
      %jit3A_103 = arith.constant 1 : i32
      %select_n3A_104 = arith.select %eq3A_102, %jit3A_103, %jit3A_101 : i32
      %rem3A_105 = arith.remsi %add3A_84, %select_n3A_104 : i32
      %ne3A_106 = arith.constant 0 : i32
      %ne3A_107 = arith.cmpi ne, %rem3A_105, %ne3A_106 : i32
      %lt3A = arith.constant 0 : i32
      %lt3A_108 = arith.cmpi slt, %rem3A_105, %lt3A : i32
      %lt3A_109 = arith.constant 0 : i32
      %lt3A_110 = arith.cmpi slt, %select_n3A_104, %lt3A_109 : i32
      %ne3A_111 = arith.xori %lt3A_108, %lt3A_110 : i1
      %and3A_112 = arith.andi %ne3A_111, %ne3A_107 : i1
      %add3A_113 = arith.addi %rem3A_105, %select_n3A_104 : i32
      %select_n3A_114 = arith.select %and3A_112, %add3A_113, %rem3A_105 : i32
      %mul3A_115 = arith.constant 2048 : i32
      %mul3A_116 = arith.muli %select_n3A, %mul3A_115 : i32
      %add3A_117 = arith.addi %mul3A_116, %add3A_41 : i32
      %mul3A_118 = arith.constant 16 : i32
      %mul3A_119 = arith.muli %select_n3A_114, %mul3A_118 : i32
      %add3A_120 = arith.addi %add3A_117, %mul3A_119 : i32
      %dma_wait3A_121 = arith.constant 0 : i32
      %dma_wait3A_122 = tpu.memref_slice %arg2[%add3A_120, %dma_wait3A_121] : memref<8192x1024xf32, #tpu.memory_space<hbm>> -> memref<16x1024xf32, #tpu.memory_space<hbm>>
      %dma_wait3A_123 = arith.constant 0 : i32
      %dma_wait3A_124 = tpu.memref_slice %arg2[%add3A_120, %dma_wait3A_123] : memref<8192x1024xf32, #tpu.memory_space<hbm>> -> memref<16x1024xf32, #tpu.memory_space<hbm>>
      tpu.wait_dma2 semaphore(%arg10 : memref<!tpu.dma_semaphore, #tpu.memory_space<semaphore_mem>>) src(%dma_wait3A_124 : memref<16x1024xf32, #tpu.memory_space<hbm>>) dst(%arg6 : memref<16x1024xf32, #tpu.memory_space<vmem>>)
      %ge3A = arith.constant 2 : i32
      %ge3A_125 = arith.cmpi sge, %add3A_84, %ge3A : i32
      %convert_element_type3A = arith.extui %ge3A_125 : i1 to i32
      %cond3A = arith.constant 0 : i32
      %cond3A_126 = arith.cmpi ne, %convert_element_type3A, %cond3A : i32
      scf.if %cond3A_126 {
        %dma_wait3A_256 = arith.constant 0 : i32
        %dma_wait3A_257 = tpu.memref_slice %arg4[%add3A_120, %dma_wait3A_256] : memref<8192x1024xf32, #tpu.memory_space<hbm>> -> memref<16x1024xf32, #tpu.memory_space<hbm>>
        %dma_wait3A_258 = arith.constant 0 : i32
        %dma_wait3A_259 = tpu.memref_slice %arg4[%add3A_120, %dma_wait3A_258] : memref<8192x1024xf32, #tpu.memory_space<hbm>> -> memref<16x1024xf32, #tpu.memory_space<hbm>>
        tpu.wait_dma2 semaphore(%arg12 : memref<!tpu.dma_semaphore, #tpu.memory_space<semaphore_mem>>) src(%arg8 : memref<16x1024xf32, #tpu.memory_space<vmem>>) dst(%dma_wait3A_259 : memref<16x1024xf32, #tpu.memory_space<hbm>>)
      } else {
      }
      %jit3A_127 = arith.constant 2 : i32
      %eq3A_128 = arith.constant 0 : i32
      %eq3A_129 = arith.cmpi eq, %jit3A_127, %eq3A_128 : i32
      %jit3A_130 = arith.constant 1 : i32
      %select_n3A_131 = arith.select %eq3A_129, %jit3A_130, %jit3A_127 : i32
      %rem3A_132 = arith.remsi %add3A_84, %select_n3A_131 : i32
      %ne3A_133 = arith.constant 0 : i32
      %ne3A_134 = arith.cmpi ne, %rem3A_132, %ne3A_133 : i32
      %lt3A_135 = arith.constant 0 : i32
      %lt3A_136 = arith.cmpi slt, %rem3A_132, %lt3A_135 : i32
      %lt3A_137 = arith.constant 0 : i32
      %lt3A_138 = arith.cmpi slt, %select_n3A_131, %lt3A_137 : i32
      %ne3A_139 = arith.xori %lt3A_136, %lt3A_138 : i1
      %and3A_140 = arith.andi %ne3A_139, %ne3A_134 : i1
      %add3A_141 = arith.addi %rem3A_132, %select_n3A_131 : i32
      %select_n3A_142 = arith.select %and3A_140, %add3A_141, %rem3A_132 : i32
      %mul3A_143 = arith.constant 16 : i32
      %mul3A_144 = arith.muli %select_n3A_142, %mul3A_143 : i32
      %scan3A_145 = arith.constant 0 : i32
      %scan3A_146 = arith.constant 0 : i32
      %scan3A_147 = arith.constant 16 : i32
      %scan3A_148 = arith.addi %scan3A_146, %scan3A_147 : i32
      %scan3A_149 = arith.constant 1 : i32
      scf.for %scan3A_256 = %scan3A_146 to %scan3A_148 step %scan3A_149  : i32 {
        %get3A = arith.index_cast %scan3A_256 : i32 to index
        %get3A_257 = arith.constant 0 : index
        %get3A_258 = tpu.vector_load %arg6[%get3A, %get3A_257] {strides = array<i32>} : memref<16x1024xf32, #tpu.memory_space<vmem>>, vector<1x16xf32>,
        %get3A_259 = vector.shape_cast %get3A_258 : vector<1x16xf32> to vector<16xf32>
        %add3A_260 = arith.addi %mul3A_144, %scan3A_256 : i32
        %get3A_261 = arith.index_cast %add3A_260 : i32 to index
        %get3A_262 = arith.constant 0 : index
        %get3A_263 = tpu.vector_load %arg5[%get3A_261, %get3A_262] {strides = array<i32>} : memref<32x1024xf32, #tpu.memory_space<vmem>>, vector<1x16xf32>,
        %get3A_264 = vector.shape_cast %get3A_263 : vector<1x16xf32> to vector<16xf32>
        %add3A_265 = arith.addf %get3A_259, %get3A_264 : vector<16xf32>
        %swap3A = arith.index_cast %scan3A_256 : i32 to index
        %swap3A_266 = arith.constant 0 : index
        %swap3A_267 = tpu.vector_load %arg8[%swap3A, %swap3A_266] {strides = array<i32>} : memref<16x1024xf32, #tpu.memory_space<vmem>>, vector<1x16xf32>,
        %swap3A_268 = vector.shape_cast %swap3A_267 : vector<1x16xf32> to vector<16xf32>
        %swap3A_269 = vector.shape_cast %add3A_265 : vector<16xf32> to vector<1x16xf32>
        tpu.vector_store %arg8[%swap3A, %swap3A_266], %swap3A_269 {strides = array<i32>} : memref<16x1024xf32, #tpu.memory_space<vmem>>, vector<1x16xf32>,
        %get3A_270 = arith.index_cast %scan3A_256 : i32 to index
        %get3A_271 = arith.constant 16 : index
        %get3A_272 = tpu.vector_load %arg6[%get3A_270, %get3A_271] {strides = array<i32>} : memref<16x1024xf32, #tpu.memory_space<vmem>>, vector<1x16xf32>,
        %get3A_273 = vector.shape_cast %get3A_272 : vector<1x16xf32> to vector<16xf32>
        %add3A_274 = arith.addi %mul3A_144, %scan3A_256 : i32
        %get3A_275 = arith.index_cast %add3A_274 : i32 to index
        %get3A_276 = arith.constant 16 : index
        %get3A_277 = tpu.vector_load %arg5[%get3A_275, %get3A_276] {strides = array<i32>} : memref<32x1024xf32, #tpu.memory_space<vmem>>, vector<1x16xf32>,
        %get3A_278 = vector.shape_cast %get3A_277 : vector<1x16xf32> to vector<16xf32>
        %add3A_279 = arith.addf %get3A_273, %get3A_278 : vector<16xf32>
        %swap3A_280 = arith.index_cast %scan3A_256 : i32 to index
        %swap3A_281 = arith.constant 16 : index
        %swap3A_282 = tpu.vector_load %arg8[%swap3A_280, %swap3A_281] {strides = array<i32>} : memref<16x1024xf32, #tpu.memory_space<vmem>>, vector<1x16xf32>,
        %swap3A_283 = vector.shape_cast %swap3A_282 : vector<1x16xf32> to vector<16xf32>
        %swap3A_284 = vector.shape_cast %add3A_279 : vector<16xf32> to vector<1x16xf32>
        tpu.vector_store %arg8[%swap3A_280, %swap3A_281], %swap3A_284 {strides = array<i32>} : memref<16x1024xf32, #tpu.memory_space<vmem>>, vector<1x16xf32>,
        %get3A_285 = arith.index_cast %scan3A_256 : i32 to index
        %get3A_286 = arith.constant 32 : index
        %get3A_287 = tpu.vector_load %arg6[%get3A_285, %get3A_286] {strides = array<i32>} : memref<16x1024xf32, #tpu.memory_space<vmem>>, vector<1x16xf32>,
        %get3A_288 = vector.shape_cast %get3A_287 : vector<1x16xf32> to vector<16xf32>
        %add3A_289 = arith.addi %mul3A_144, %scan3A_256 : i32
        %get3A_290 = arith.index_cast %add3A_289 : i32 to index
        %get3A_291 = arith.constant 32 : index
        %get3A_292 = tpu.vector_load %arg5[%get3A_290, %get3A_291] {strides = array<i32>} : memref<32x1024xf32, #tpu.memory_space<vmem>>, vector<1x16xf32>,
        %get3A_293 = vector.shape_cast %get3A_292 : vector<1x16xf32> to vector<16xf32>
        %add3A_294 = arith.addf %get3A_288, %get3A_293 : vector<16xf32>
        %swap3A_295 = arith.index_cast %scan3A_256 : i32 to index
        %swap3A_296 = arith.constant 32 : index
        %swap3A_297 = tpu.vector_load %arg8[%swap3A_295, %swap3A_296] {strides = array<i32>} : memref<16x1024xf32, #tpu.memory_space<vmem>>, vector<1x16xf32>,
        %swap3A_298 = vector.shape_cast %swap3A_297 : vector<1x16xf32> to vector<16xf32>
        %swap3A_299 = vector.shape_cast %add3A_294 : vector<16xf32> to vector<1x16xf32>
        tpu.vector_store %arg8[%swap3A_295, %swap3A_296], %swap3A_299 {strides = array<i32>} : memref<16x1024xf32, #tpu.memory_space<vmem>>, vector<1x16xf32>,
        %get3A_300 = arith.index_cast %scan3A_256 : i32 to index
        %get3A_301 = arith.constant 48 : index
        %get3A_302 = tpu.vector_load %arg6[%get3A_300, %get3A_301] {strides = array<i32>} : memref<16x1024xf32, #tpu.memory_space<vmem>>, vector<1x16xf32>,
        %get3A_303 = vector.shape_cast %get3A_302 : vector<1x16xf32> to vector<16xf32>
        %add3A_304 = arith.addi %mul3A_144, %scan3A_256 : i32
        %get3A_305 = arith.index_cast %add3A_304 : i32 to index
        %get3A_306 = arith.constant 48 : index
        %get3A_307 = tpu.vector_load %arg5[%get3A_305, %get3A_306] {strides = array<i32>} : memref<32x1024xf32, #tpu.memory_space<vmem>>, vector<1x16xf32>,
        %get3A_308 = vector.shape_cast %get3A_307 : vector<1x16xf32> to vector<16xf32>
        %add3A_309 = arith.addf %get3A_303, %get3A_308 : vector<16xf32>
        %swap3A_310 = arith.index_cast %scan3A_256 : i32 to index
        %swap3A_311 = arith.constant 48 : index
        %swap3A_312 = tpu.vector_load %arg8[%swap3A_310, %swap3A_311] {strides = array<i32>} : memref<16x1024xf32, #tpu.memory_space<vmem>>, vector<1x16xf32>,
        %swap3A_313 = vector.shape_cast %swap3A_312 : vector<1x16xf32> to vector<16xf32>
        %swap3A_314 = vector.shape_cast %add3A_309 : vector<16xf32> to vector<1x16xf32>
        tpu.vector_store %arg8[%swap3A_310, %swap3A_311], %swap3A_314 {strides = array<i32>} : memref<16x1024xf32, #tpu.memory_space<vmem>>, vector<1x16xf32>,
        %get3A_315 = arith.index_cast %scan3A_256 : i32 to index
        %get3A_316 = arith.constant 64 : index
        %get3A_317 = tpu.vector_load %arg6[%get3A_315, %get3A_316] {strides = array<i32>} : memref<16x1024xf32, #tpu.memory_space<vmem>>, vector<1x16xf32>,
        %get3A_318 = vector.shape_cast %get3A_317 : vector<1x16xf32> to vector<16xf32>
        %add3A_319 = arith.addi %mul3A_144, %scan3A_256 : i32
        %get3A_320 = arith.index_cast %add3A_319 : i32 to index
        %get3A_321 = arith.constant 64 : index
        %get3A_322 = tpu.vector_load %arg5[%get3A_320, %get3A_321] {strides = array<i32>} : memref<32x1024xf32, #tpu.memory_space<vmem>>, vector<1x16xf32>,
        %get3A_323 = vector.shape_cast %get3A_322 : vector<1x16xf32> to vector<16xf32>
        %add3A_324 = arith.addf %get3A_318, %get3A_323 : vector<16xf32>
        %swap3A_325 = arith.index_cast %scan3A_256 : i32 to index
        %swap3A_326 = arith.constant 64 : index
        %swap3A_327 = tpu.vector_load %arg8[%swap3A_325, %swap3A_326] {strides = array<i32>} : memref<16x1024xf32, #tpu.memory_space<vmem>>, vector<1x16xf32>,
        %swap3A_328 = vector.shape_cast %swap3A_327 : vector<1x16xf32> to vector<16xf32>
        %swap3A_329 = vector.shape_cast %add3A_324 : vector<16xf32> to vector<1x16xf32>
        tpu.vector_store %arg8[%swap3A_325, %swap3A_326], %swap3A_329 {strides = array<i32>} : memref<16x1024xf32, #tpu.memory_space<vmem>>, vector<1x16xf32>,
        %get3A_330 = arith.index_cast %scan3A_256 : i32 to index
        %get3A_331 = arith.constant 80 : index
        %get3A_332 = tpu.vector_load %arg6[%get3A_330, %get3A_331] {strides = array<i32>} : memref<16x1024xf32, #tpu.memory_space<vmem>>, vector<1x16xf32>,
        %get3A_333 = vector.shape_cast %get3A_332 : vector<1x16xf32> to vector<16xf32>
        %add3A_334 = arith.addi %mul3A_144, %scan3A_256 : i32
        %get3A_335 = arith.index_cast %add3A_334 : i32 to index
        %get3A_336 = arith.constant 80 : index
        %get3A_337 = tpu.vector_load %arg5[%get3A_335, %get3A_336] {strides = array<i32>} : memref<32x1024xf32, #tpu.memory_space<vmem>>, vector<1x16xf32>,
        %get3A_338 = vector.shape_cast %get3A_337 : vector<1x16xf32> to vector<16xf32>
        %add3A_339 = arith.addf %get3A_333, %get3A_338 : vector<16xf32>
        %swap3A_340 = arith.index_cast %scan3A_256 : i32 to index
        %swap3A_341 = arith.constant 80 : index
        %swap3A_342 = tpu.vector_load %arg8[%swap3A_340, %swap3A_341] {strides = array<i32>} : memref<16x1024xf32, #tpu.memory_space<vmem>>, vector<1x16xf32>,
        %swap3A_343 = vector.shape_cast %swap3A_342 : vector<1x16xf32> to vector<16xf32>
        %swap3A_344 = vector.shape_cast %add3A_339 : vector<16xf32> to vector<1x16xf32>
        tpu.vector_store %arg8[%swap3A_340, %swap3A_341], %swap3A_344 {strides = array<i32>} : memref<16x1024xf32, #tpu.memory_space<vmem>>, vector<1x16xf32>,
        %get3A_345 = arith.index_cast %scan3A_256 : i32 to index
        %get3A_346 = arith.constant 96 : index
        %get3A_347 = tpu.vector_load %arg6[%get3A_345, %get3A_346] {strides = array<i32>} : memref<16x1024xf32, #tpu.memory_space<vmem>>, vector<1x16xf32>,
        %get3A_348 = vector.shape_cast %get3A_347 : vector<1x16xf32> to vector<16xf32>
        %add3A_349 = arith.addi %mul3A_144, %scan3A_256 : i32
        %get3A_350 = arith.index_cast %add3A_349 : i32 to index
        %get3A_351 = arith.constant 96 : index
        %get3A_352 = tpu.vector_load %arg5[%get3A_350, %get3A_351] {strides = array<i32>} : memref<32x1024xf32, #tpu.memory_space<vmem>>, vector<1x16xf32>,
        %get3A_353 = vector.shape_cast %get3A_352 : vector<1x16xf32> to vector<16xf32>
        %add3A_354 = arith.addf %get3A_348, %get3A_353 : vector<16xf32>
        %swap3A_355 = arith.index_cast %scan3A_256 : i32 to index
        %swap3A_356 = arith.constant 96 : index
        %swap3A_357 = tpu.vector_load %arg8[%swap3A_355, %swap3A_356] {strides = array<i32>} : memref<16x1024xf32, #tpu.memory_space<vmem>>, vector<1x16xf32>,
        %swap3A_358 = vector.shape_cast %swap3A_357 : vector<1x16xf32> to vector<16xf32>
        %swap3A_359 = vector.shape_cast %add3A_354 : vector<16xf32> to vector<1x16xf32>
        tpu.vector_store %arg8[%swap3A_355, %swap3A_356], %swap3A_359 {strides = array<i32>} : memref<16x1024xf32, #tpu.memory_space<vmem>>, vector<1x16xf32>,
        %get3A_360 = arith.index_cast %scan3A_256 : i32 to index
        %get3A_361 = arith.constant 112 : index
        %get3A_362 = tpu.vector_load %arg6[%get3A_360, %get3A_361] {strides = array<i32>} : memref<16x1024xf32, #tpu.memory_space<vmem>>, vector<1x16xf32>,
        %get3A_363 = vector.shape_cast %get3A_362 : vector<1x16xf32> to vector<16xf32>
        %add3A_364 = arith.addi %mul3A_144, %scan3A_256 : i32
        %get3A_365 = arith.index_cast %add3A_364 : i32 to index
        %get3A_366 = arith.constant 112 : index
        %get3A_367 = tpu.vector_load %arg5[%get3A_365, %get3A_366] {strides = array<i32>} : memref<32x1024xf32, #tpu.memory_space<vmem>>, vector<1x16xf32>,
        %get3A_368 = vector.shape_cast %get3A_367 : vector<1x16xf32> to vector<16xf32>
        %add3A_369 = arith.addf %get3A_363, %get3A_368 : vector<16xf32>
        %swap3A_370 = arith.index_cast %scan3A_256 : i32 to index
        %swap3A_371 = arith.constant 112 : index
        %swap3A_372 = tpu.vector_load %arg8[%swap3A_370, %swap3A_371] {strides = array<i32>} : memref<16x1024xf32, #tpu.memory_space<vmem>>, vector<1x16xf32>,
        %swap3A_373 = vector.shape_cast %swap3A_372 : vector<1x16xf32> to vector<16xf32>
        %swap3A_374 = vector.shape_cast %add3A_369 : vector<16xf32> to vector<1x16xf32>
        tpu.vector_store %arg8[%swap3A_370, %swap3A_371], %swap3A_374 {strides = array<i32>} : memref<16x1024xf32, #tpu.memory_space<vmem>>, vector<1x16xf32>,
        %get3A_375 = arith.index_cast %scan3A_256 : i32 to index
        %get3A_376 = arith.constant 128 : index
        %get3A_377 = tpu.vector_load %arg6[%get3A_375, %get3A_376] {strides = array<i32>} : memref<16x1024xf32, #tpu.memory_space<vmem>>, vector<1x16xf32>,
        %get3A_378 = vector.shape_cast %get3A_377 : vector<1x16xf32> to vector<16xf32>
        %add3A_379 = arith.addi %mul3A_144, %scan3A_256 : i32
        %get3A_380 = arith.index_cast %add3A_379 : i32 to index
        %get3A_381 = arith.constant 128 : index
        %get3A_382 = tpu.vector_load %arg5[%get3A_380, %get3A_381] {strides = array<i32>} : memref<32x1024xf32, #tpu.memory_space<vmem>>, vector<1x16xf32>,
        %get3A_383 = vector.shape_cast %get3A_382 : vector<1x16xf32> to vector<16xf32>
        %add3A_384 = arith.addf %get3A_378, %get3A_383 : vector<16xf32>
        %swap3A_385 = arith.index_cast %scan3A_256 : i32 to index
        %swap3A_386 = arith.constant 128 : index
        %swap3A_387 = tpu.vector_load %arg8[%swap3A_385, %swap3A_386] {strides = array<i32>} : memref<16x1024xf32, #tpu.memory_space<vmem>>, vector<1x16xf32>,
        %swap3A_388 = vector.shape_cast %swap3A_387 : vector<1x16xf32> to vector<16xf32>
        %swap3A_389 = vector.shape_cast %add3A_384 : vector<16xf32> to vector<1x16xf32>
        tpu.vector_store %arg8[%swap3A_385, %swap3A_386], %swap3A_389 {strides = array<i32>} : memref<16x1024xf32, #tpu.memory_space<vmem>>, vector<1x16xf32>,
        %get3A_390 = arith.index_cast %scan3A_256 : i32 to index
        %get3A_391 = arith.constant 144 : index
        %get3A_392 = tpu.vector_load %arg6[%get3A_390, %get3A_391] {strides = array<i32>} : memref<16x1024xf32, #tpu.memory_space<vmem>>, vector<1x16xf32>,
        %get3A_393 = vector.shape_cast %get3A_392 : vector<1x16xf32> to vector<16xf32>
        %add3A_394 = arith.addi %mul3A_144, %scan3A_256 : i32
        %get3A_395 = arith.index_cast %add3A_394 : i32 to index
        %get3A_396 = arith.constant 144 : index
        %get3A_397 = tpu.vector_load %arg5[%get3A_395, %get3A_396] {strides = array<i32>} : memref<32x1024xf32, #tpu.memory_space<vmem>>, vector<1x16xf32>,
        %get3A_398 = vector.shape_cast %get3A_397 : vector<1x16xf32> to vector<16xf32>
        %add3A_399 = arith.addf %get3A_393, %get3A_398 : vector<16xf32>
        %swap3A_400 = arith.index_cast %scan3A_256 : i32 to index
        %swap3A_401 = arith.constant 144 : index
        %swap3A_402 = tpu.vector_load %arg8[%swap3A_400, %swap3A_401] {strides = array<i32>} : memref<16x1024xf32, #tpu.memory_space<vmem>>, vector<1x16xf32>,
        %swap3A_403 = vector.shape_cast %swap3A_402 : vector<1x16xf32> to vector<16xf32>
        %swap3A_404 = vector.shape_cast %add3A_399 : vector<16xf32> to vector<1x16xf32>
        tpu.vector_store %arg8[%swap3A_400, %swap3A_401], %swap3A_404 {strides = array<i32>} : memref<16x1024xf32, #tpu.memory_space<vmem>>, vector<1x16xf32>,
        %get3A_405 = arith.index_cast %scan3A_256 : i32 to index
        %get3A_406 = arith.constant 160 : index
        %get3A_407 = tpu.vector_load %arg6[%get3A_405, %get3A_406] {strides = array<i32>} : memref<16x1024xf32, #tpu.memory_space<vmem>>, vector<1x16xf32>,
        %get3A_408 = vector.shape_cast %get3A_407 : vector<1x16xf32> to vector<16xf32>
        %add3A_409 = arith.addi %mul3A_144, %scan3A_256 : i32
        %get3A_410 = arith.index_cast %add3A_409 : i32 to index
        %get3A_411 = arith.constant 160 : index
        %get3A_412 = tpu.vector_load %arg5[%get3A_410, %get3A_411] {strides = array<i32>} : memref<32x1024xf32, #tpu.memory_space<vmem>>, vector<1x16xf32>,
        %get3A_413 = vector.shape_cast %get3A_412 : vector<1x16xf32> to vector<16xf32>
        %add3A_414 = arith.addf %get3A_408, %get3A_413 : vector<16xf32>
        %swap3A_415 = arith.index_cast %scan3A_256 : i32 to index
        %swap3A_416 = arith.constant 160 : index
        %swap3A_417 = tpu.vector_load %arg8[%swap3A_415, %swap3A_416] {strides = array<i32>} : memref<16x1024xf32, #tpu.memory_space<vmem>>, vector<1x16xf32>,
        %swap3A_418 = vector.shape_cast %swap3A_417 : vector<1x16xf32> to vector<16xf32>
        %swap3A_419 = vector.shape_cast %add3A_414 : vector<16xf32> to vector<1x16xf32>
        tpu.vector_store %arg8[%swap3A_415, %swap3A_416], %swap3A_419 {strides = array<i32>} : memref<16x1024xf32, #tpu.memory_space<vmem>>, vector<1x16xf32>,
        %get3A_420 = arith.index_cast %scan3A_256 : i32 to index
        %get3A_421 = arith.constant 176 : index
        %get3A_422 = tpu.vector_load %arg6[%get3A_420, %get3A_421] {strides = array<i32>} : memref<16x1024xf32, #tpu.memory_space<vmem>>, vector<1x16xf32>,
        %get3A_423 = vector.shape_cast %get3A_422 : vector<1x16xf32> to vector<16xf32>
        %add3A_424 = arith.addi %mul3A_144, %scan3A_256 : i32
        %get3A_425 = arith.index_cast %add3A_424 : i32 to index
        %get3A_426 = arith.constant 176 : index
        %get3A_427 = tpu.vector_load %arg5[%get3A_425, %get3A_426] {strides = array<i32>} : memref<32x1024xf32, #tpu.memory_space<vmem>>, vector<1x16xf32>,
        %get3A_428 = vector.shape_cast %get3A_427 : vector<1x16xf32> to vector<16xf32>
        %add3A_429 = arith.addf %get3A_423, %get3A_428 : vector<16xf32>
        %swap3A_430 = arith.index_cast %scan3A_256 : i32 to index
        %swap3A_431 = arith.constant 176 : index
        %swap3A_432 = tpu.vector_load %arg8[%swap3A_430, %swap3A_431] {strides = array<i32>} : memref<16x1024xf32, #tpu.memory_space<vmem>>, vector<1x16xf32>,
        %swap3A_433 = vector.shape_cast %swap3A_432 : vector<1x16xf32> to vector<16xf32>
        %swap3A_434 = vector.shape_cast %add3A_429 : vector<16xf32> to vector<1x16xf32>
        tpu.vector_store %arg8[%swap3A_430, %swap3A_431], %swap3A_434 {strides = array<i32>} : memref<16x1024xf32, #tpu.memory_space<vmem>>, vector<1x16xf32>,
        %get3A_435 = arith.index_cast %scan3A_256 : i32 to index
        %get3A_436 = arith.constant 192 : index
        %get3A_437 = tpu.vector_load %arg6[%get3A_435, %get3A_436] {strides = array<i32>} : memref<16x1024xf32, #tpu.memory_space<vmem>>, vector<1x16xf32>,
        %get3A_438 = vector.shape_cast %get3A_437 : vector<1x16xf32> to vector<16xf32>
        %add3A_439 = arith.addi %mul3A_144, %scan3A_256 : i32
        %get3A_440 = arith.index_cast %add3A_439 : i32 to index
        %get3A_441 = arith.constant 192 : index
        %get3A_442 = tpu.vector_load %arg5[%get3A_440, %get3A_441] {strides = array<i32>} : memref<32x1024xf32, #tpu.memory_space<vmem>>, vector<1x16xf32>,
        %get3A_443 = vector.shape_cast %get3A_442 : vector<1x16xf32> to vector<16xf32>
        %add3A_444 = arith.addf %get3A_438, %get3A_443 : vector<16xf32>
        %swap3A_445 = arith.index_cast %scan3A_256 : i32 to index
        %swap3A_446 = arith.constant 192 : index
        %swap3A_447 = tpu.vector_load %arg8[%swap3A_445, %swap3A_446] {strides = array<i32>} : memref<16x1024xf32, #tpu.memory_space<vmem>>, vector<1x16xf32>,
        %swap3A_448 = vector.shape_cast %swap3A_447 : vector<1x16xf32> to vector<16xf32>
        %swap3A_449 = vector.shape_cast %add3A_444 : vector<16xf32> to vector<1x16xf32>
        tpu.vector_store %arg8[%swap3A_445, %swap3A_446], %swap3A_449 {strides = array<i32>} : memref<16x1024xf32, #tpu.memory_space<vmem>>, vector<1x16xf32>,
        %get3A_450 = arith.index_cast %scan3A_256 : i32 to index
        %get3A_451 = arith.constant 208 : index
        %get3A_452 = tpu.vector_load %arg6[%get3A_450, %get3A_451] {strides = array<i32>} : memref<16x1024xf32, #tpu.memory_space<vmem>>, vector<1x16xf32>,
        %get3A_453 = vector.shape_cast %get3A_452 : vector<1x16xf32> to vector<16xf32>
        %add3A_454 = arith.addi %mul3A_144, %scan3A_256 : i32
        %get3A_455 = arith.index_cast %add3A_454 : i32 to index
        %get3A_456 = arith.constant 208 : index
        %get3A_457 = tpu.vector_load %arg5[%get3A_455, %get3A_456] {strides = array<i32>} : memref<32x1024xf32, #tpu.memory_space<vmem>>, vector<1x16xf32>,
        %get3A_458 = vector.shape_cast %get3A_457 : vector<1x16xf32> to vector<16xf32>
        %add3A_459 = arith.addf %get3A_453, %get3A_458 : vector<16xf32>
        %swap3A_460 = arith.index_cast %scan3A_256 : i32 to index
        %swap3A_461 = arith.constant 208 : index
        %swap3A_462 = tpu.vector_load %arg8[%swap3A_460, %swap3A_461] {strides = array<i32>} : memref<16x1024xf32, #tpu.memory_space<vmem>>, vector<1x16xf32>,
        %swap3A_463 = vector.shape_cast %swap3A_462 : vector<1x16xf32> to vector<16xf32>
        %swap3A_464 = vector.shape_cast %add3A_459 : vector<16xf32> to vector<1x16xf32>
        tpu.vector_store %arg8[%swap3A_460, %swap3A_461], %swap3A_464 {strides = array<i32>} : memref<16x1024xf32, #tpu.memory_space<vmem>>, vector<1x16xf32>,
        %get3A_465 = arith.index_cast %scan3A_256 : i32 to index
        %get3A_466 = arith.constant 224 : index
        %get3A_467 = tpu.vector_load %arg6[%get3A_465, %get3A_466] {strides = array<i32>} : memref<16x1024xf32, #tpu.memory_space<vmem>>, vector<1x16xf32>,
        %get3A_468 = vector.shape_cast %get3A_467 : vector<1x16xf32> to vector<16xf32>
        %add3A_469 = arith.addi %mul3A_144, %scan3A_256 : i32
        %get3A_470 = arith.index_cast %add3A_469 : i32 to index
        %get3A_471 = arith.constant 224 : index
        %get3A_472 = tpu.vector_load %arg5[%get3A_470, %get3A_471] {strides = array<i32>} : memref<32x1024xf32, #tpu.memory_space<vmem>>, vector<1x16xf32>,
        %get3A_473 = vector.shape_cast %get3A_472 : vector<1x16xf32> to vector<16xf32>
        %add3A_474 = arith.addf %get3A_468, %get3A_473 : vector<16xf32>
        %swap3A_475 = arith.index_cast %scan3A_256 : i32 to index
        %swap3A_476 = arith.constant 224 : index
        %swap3A_477 = tpu.vector_load %arg8[%swap3A_475, %swap3A_476] {strides = array<i32>} : memref<16x1024xf32, #tpu.memory_space<vmem>>, vector<1x16xf32>,
        %swap3A_478 = vector.shape_cast %swap3A_477 : vector<1x16xf32> to vector<16xf32>
        %swap3A_479 = vector.shape_cast %add3A_474 : vector<16xf32> to vector<1x16xf32>
        tpu.vector_store %arg8[%swap3A_475, %swap3A_476], %swap3A_479 {strides = array<i32>} : memref<16x1024xf32, #tpu.memory_space<vmem>>, vector<1x16xf32>,
        %get3A_480 = arith.index_cast %scan3A_256 : i32 to index
        %get3A_481 = arith.constant 240 : index
        %get3A_482 = tpu.vector_load %arg6[%get3A_480, %get3A_481] {strides = array<i32>} : memref<16x1024xf32, #tpu.memory_space<vmem>>, vector<1x16xf32>,
        %get3A_483 = vector.shape_cast %get3A_482 : vector<1x16xf32> to vector<16xf32>
        %add3A_484 = arith.addi %mul3A_144, %scan3A_256 : i32
        %get3A_485 = arith.index_cast %add3A_484 : i32 to index
        %get3A_486 = arith.constant 240 : index
        %get3A_487 = tpu.vector_load %arg5[%get3A_485, %get3A_486] {strides = array<i32>} : memref<32x1024xf32, #tpu.memory_space<vmem>>, vector<1x16xf32>,
        %get3A_488 = vector.shape_cast %get3A_487 : vector<1x16xf32> to vector<16xf32>
        %add3A_489 = arith.addf %get3A_483, %get3A_488 : vector<16xf32>
        %swap3A_490 = arith.index_cast %scan3A_256 : i32 to index
        %swap3A_491 = arith.constant 240 : index
        %swap3A_492 = tpu.vector_load %arg8[%swap3A_490, %swap3A_491] {strides = array<i32>} : memref<16x1024xf32, #tpu.memory_space<vmem>>, vector<1x16xf32>,
        %swap3A_493 = vector.shape_cast %swap3A_492 : vector<1x16xf32> to vector<16xf32>
        %swap3A_494 = vector.shape_cast %add3A_489 : vector<16xf32> to vector<1x16xf32>
        tpu.vector_store %arg8[%swap3A_490, %swap3A_491], %swap3A_494 {strides = array<i32>} : memref<16x1024xf32, #tpu.memory_space<vmem>>, vector<1x16xf32>,
        %get3A_495 = arith.index_cast %scan3A_256 : i32 to index
        %get3A_496 = arith.constant 256 : index
        %get3A_497 = tpu.vector_load %arg6[%get3A_495, %get3A_496] {strides = array<i32>} : memref<16x1024xf32, #tpu.memory_space<vmem>>, vector<1x16xf32>,
        %get3A_498 = vector.shape_cast %get3A_497 : vector<1x16xf32> to vector<16xf32>
        %add3A_499 = arith.addi %mul3A_144, %scan3A_256 : i32
        %get3A_500 = arith.index_cast %add3A_499 : i32 to index
        %get3A_501 = arith.constant 256 : index
        %get3A_502 = tpu.vector_load %arg5[%get3A_500, %get3A_501] {strides = array<i32>} : memref<32x1024xf32, #tpu.memory_space<vmem>>, vector<1x16xf32>,
        %get3A_503 = vector.shape_cast %get3A_502 : vector<1x16xf32> to vector<16xf32>
        %add3A_504 = arith.addf %get3A_498, %get3A_503 : vector<16xf32>
        %swap3A_505 = arith.index_cast %scan3A_256 : i32 to index
        %swap3A_506 = arith.constant 256 : index
        %swap3A_507 = tpu.vector_load %arg8[%swap3A_505, %swap3A_506] {strides = array<i32>} : memref<16x1024xf32, #tpu.memory_space<vmem>>, vector<1x16xf32>,
        %swap3A_508 = vector.shape_cast %swap3A_507 : vector<1x16xf32> to vector<16xf32>
        %swap3A_509 = vector.shape_cast %add3A_504 : vector<16xf32> to vector<1x16xf32>
        tpu.vector_store %arg8[%swap3A_505, %swap3A_506], %swap3A_509 {strides = array<i32>} : memref<16x1024xf32, #tpu.memory_space<vmem>>, vector<1x16xf32>,
        %get3A_510 = arith.index_cast %scan3A_256 : i32 to index
        %get3A_511 = arith.constant 272 : index
        %get3A_512 = tpu.vector_load %arg6[%get3A_510, %get3A_511] {strides = array<i32>} : memref<16x1024xf32, #tpu.memory_space<vmem>>, vector<1x16xf32>,
        %get3A_513 = vector.shape_cast %get3A_512 : vector<1x16xf32> to vector<16xf32>
        %add3A_514 = arith.addi %mul3A_144, %scan3A_256 : i32
        %get3A_515 = arith.index_cast %add3A_514 : i32 to index
        %get3A_516 = arith.constant 272 : index
        %get3A_517 = tpu.vector_load %arg5[%get3A_515, %get3A_516] {strides = array<i32>} : memref<32x1024xf32, #tpu.memory_space<vmem>>, vector<1x16xf32>,
        %get3A_518 = vector.shape_cast %get3A_517 : vector<1x16xf32> to vector<16xf32>
        %add3A_519 = arith.addf %get3A_513, %get3A_518 : vector<16xf32>
        %swap3A_520 = arith.index_cast %scan3A_256 : i32 to index
        %swap3A_521 = arith.constant 272 : index
        %swap3A_522 = tpu.vector_load %arg8[%swap3A_520, %swap3A_521] {strides = array<i32>} : memref<16x1024xf32, #tpu.memory_space<vmem>>, vector<1x16xf32>,
        %swap3A_523 = vector.shape_cast %swap3A_522 : vector<1x16xf32> to vector<16xf32>
        %swap3A_524 = vector.shape_cast %add3A_519 : vector<16xf32> to vector<1x16xf32>
        tpu.vector_store %arg8[%swap3A_520, %swap3A_521], %swap3A_524 {strides = array<i32>} : memref<16x1024xf32, #tpu.memory_space<vmem>>, vector<1x16xf32>,
        %get3A_525 = arith.index_cast %scan3A_256 : i32 to index
        %get3A_526 = arith.constant 288 : index
        %get3A_527 = tpu.vector_load %arg6[%get3A_525, %get3A_526] {strides = array<i32>} : memref<16x1024xf32, #tpu.memory_space<vmem>>, vector<1x16xf32>,
        %get3A_528 = vector.shape_cast %get3A_527 : vector<1x16xf32> to vector<16xf32>
        %add3A_529 = arith.addi %mul3A_144, %scan3A_256 : i32
        %get3A_530 = arith.index_cast %add3A_529 : i32 to index
        %get3A_531 = arith.constant 288 : index
        %get3A_532 = tpu.vector_load %arg5[%get3A_530, %get3A_531] {strides = array<i32>} : memref<32x1024xf32, #tpu.memory_space<vmem>>, vector<1x16xf32>,
        %get3A_533 = vector.shape_cast %get3A_532 : vector<1x16xf32> to vector<16xf32>
        %add3A_534 = arith.addf %get3A_528, %get3A_533 : vector<16xf32>
        %swap3A_535 = arith.index_cast %scan3A_256 : i32 to index
        %swap3A_536 = arith.constant 288 : index
        %swap3A_537 = tpu.vector_load %arg8[%swap3A_535, %swap3A_536] {strides = array<i32>} : memref<16x1024xf32, #tpu.memory_space<vmem>>, vector<1x16xf32>,
        %swap3A_538 = vector.shape_cast %swap3A_537 : vector<1x16xf32> to vector<16xf32>
        %swap3A_539 = vector.shape_cast %add3A_534 : vector<16xf32> to vector<1x16xf32>
        tpu.vector_store %arg8[%swap3A_535, %swap3A_536], %swap3A_539 {strides = array<i32>} : memref<16x1024xf32, #tpu.memory_space<vmem>>, vector<1x16xf32>,
        %get3A_540 = arith.index_cast %scan3A_256 : i32 to index
        %get3A_541 = arith.constant 304 : index
        %get3A_542 = tpu.vector_load %arg6[%get3A_540, %get3A_541] {strides = array<i32>} : memref<16x1024xf32, #tpu.memory_space<vmem>>, vector<1x16xf32>,
        %get3A_543 = vector.shape_cast %get3A_542 : vector<1x16xf32> to vector<16xf32>
        %add3A_544 = arith.addi %mul3A_144, %scan3A_256 : i32
        %get3A_545 = arith.index_cast %add3A_544 : i32 to index
        %get3A_546 = arith.constant 304 : index
        %get3A_547 = tpu.vector_load %arg5[%get3A_545, %get3A_546] {strides = array<i32>} : memref<32x1024xf32, #tpu.memory_space<vmem>>, vector<1x16xf32>,
        %get3A_548 = vector.shape_cast %get3A_547 : vector<1x16xf32> to vector<16xf32>
        %add3A_549 = arith.addf %get3A_543, %get3A_548 : vector<16xf32>
        %swap3A_550 = arith.index_cast %scan3A_256 : i32 to index
        %swap3A_551 = arith.constant 304 : index
        %swap3A_552 = tpu.vector_load %arg8[%swap3A_550, %swap3A_551] {strides = array<i32>} : memref<16x1024xf32, #tpu.memory_space<vmem>>, vector<1x16xf32>,
        %swap3A_553 = vector.shape_cast %swap3A_552 : vector<1x16xf32> to vector<16xf32>
        %swap3A_554 = vector.shape_cast %add3A_549 : vector<16xf32> to vector<1x16xf32>
        tpu.vector_store %arg8[%swap3A_550, %swap3A_551], %swap3A_554 {strides = array<i32>} : memref<16x1024xf32, #tpu.memory_space<vmem>>, vector<1x16xf32>,
        %get3A_555 = arith.index_cast %scan3A_256 : i32 to index
        %get3A_556 = arith.constant 320 : index
        %get3A_557 = tpu.vector_load %arg6[%get3A_555, %get3A_556] {strides = array<i32>} : memref<16x1024xf32, #tpu.memory_space<vmem>>, vector<1x16xf32>,
        %get3A_558 = vector.shape_cast %get3A_557 : vector<1x16xf32> to vector<16xf32>
        %add3A_559 = arith.addi %mul3A_144, %scan3A_256 : i32
        %get3A_560 = arith.index_cast %add3A_559 : i32 to index
        %get3A_561 = arith.constant 320 : index
        %get3A_562 = tpu.vector_load %arg5[%get3A_560, %get3A_561] {strides = array<i32>} : memref<32x1024xf32, #tpu.memory_space<vmem>>, vector<1x16xf32>,
        %get3A_563 = vector.shape_cast %get3A_562 : vector<1x16xf32> to vector<16xf32>
        %add3A_564 = arith.addf %get3A_558, %get3A_563 : vector<16xf32>
        %swap3A_565 = arith.index_cast %scan3A_256 : i32 to index
        %swap3A_566 = arith.constant 320 : index
        %swap3A_567 = tpu.vector_load %arg8[%swap3A_565, %swap3A_566] {strides = array<i32>} : memref<16x1024xf32, #tpu.memory_space<vmem>>, vector<1x16xf32>,
        %swap3A_568 = vector.shape_cast %swap3A_567 : vector<1x16xf32> to vector<16xf32>
        %swap3A_569 = vector.shape_cast %add3A_564 : vector<16xf32> to vector<1x16xf32>
        tpu.vector_store %arg8[%swap3A_565, %swap3A_566], %swap3A_569 {strides = array<i32>} : memref<16x1024xf32, #tpu.memory_space<vmem>>, vector<1x16xf32>,
        %get3A_570 = arith.index_cast %scan3A_256 : i32 to index
        %get3A_571 = arith.constant 336 : index
        %get3A_572 = tpu.vector_load %arg6[%get3A_570, %get3A_571] {strides = array<i32>} : memref<16x1024xf32, #tpu.memory_space<vmem>>, vector<1x16xf32>,
        %get3A_573 = vector.shape_cast %get3A_572 : vector<1x16xf32> to vector<16xf32>
        %add3A_574 = arith.addi %mul3A_144, %scan3A_256 : i32
        %get3A_575 = arith.index_cast %add3A_574 : i32 to index
        %get3A_576 = arith.constant 336 : index
        %get3A_577 = tpu.vector_load %arg5[%get3A_575, %get3A_576] {strides = array<i32>} : memref<32x1024xf32, #tpu.memory_space<vmem>>, vector<1x16xf32>,
        %get3A_578 = vector.shape_cast %get3A_577 : vector<1x16xf32> to vector<16xf32>
        %add3A_579 = arith.addf %get3A_573, %get3A_578 : vector<16xf32>
        %swap3A_580 = arith.index_cast %scan3A_256 : i32 to index
        %swap3A_581 = arith.constant 336 : index
        %swap3A_582 = tpu.vector_load %arg8[%swap3A_580, %swap3A_581] {strides = array<i32>} : memref<16x1024xf32, #tpu.memory_space<vmem>>, vector<1x16xf32>,
        %swap3A_583 = vector.shape_cast %swap3A_582 : vector<1x16xf32> to vector<16xf32>
        %swap3A_584 = vector.shape_cast %add3A_579 : vector<16xf32> to vector<1x16xf32>
        tpu.vector_store %arg8[%swap3A_580, %swap3A_581], %swap3A_584 {strides = array<i32>} : memref<16x1024xf32, #tpu.memory_space<vmem>>, vector<1x16xf32>,
        %get3A_585 = arith.index_cast %scan3A_256 : i32 to index
        %get3A_586 = arith.constant 352 : index
        %get3A_587 = tpu.vector_load %arg6[%get3A_585, %get3A_586] {strides = array<i32>} : memref<16x1024xf32, #tpu.memory_space<vmem>>, vector<1x16xf32>,
        %get3A_588 = vector.shape_cast %get3A_587 : vector<1x16xf32> to vector<16xf32>
        %add3A_589 = arith.addi %mul3A_144, %scan3A_256 : i32
        %get3A_590 = arith.index_cast %add3A_589 : i32 to index
        %get3A_591 = arith.constant 352 : index
        %get3A_592 = tpu.vector_load %arg5[%get3A_590, %get3A_591] {strides = array<i32>} : memref<32x1024xf32, #tpu.memory_space<vmem>>, vector<1x16xf32>,
        %get3A_593 = vector.shape_cast %get3A_592 : vector<1x16xf32> to vector<16xf32>
        %add3A_594 = arith.addf %get3A_588, %get3A_593 : vector<16xf32>
        %swap3A_595 = arith.index_cast %scan3A_256 : i32 to index
        %swap3A_596 = arith.constant 352 : index
        %swap3A_597 = tpu.vector_load %arg8[%swap3A_595, %swap3A_596] {strides = array<i32>} : memref<16x1024xf32, #tpu.memory_space<vmem>>, vector<1x16xf32>,
        %swap3A_598 = vector.shape_cast %swap3A_597 : vector<1x16xf32> to vector<16xf32>
        %swap3A_599 = vector.shape_cast %add3A_594 : vector<16xf32> to vector<1x16xf32>
        tpu.vector_store %arg8[%swap3A_595, %swap3A_596], %swap3A_599 {strides = array<i32>} : memref<16x1024xf32, #tpu.memory_space<vmem>>, vector<1x16xf32>,
        %get3A_600 = arith.index_cast %scan3A_256 : i32 to index
        %get3A_601 = arith.constant 368 : index
        %get3A_602 = tpu.vector_load %arg6[%get3A_600, %get3A_601] {strides = array<i32>} : memref<16x1024xf32, #tpu.memory_space<vmem>>, vector<1x16xf32>,
        %get3A_603 = vector.shape_cast %get3A_602 : vector<1x16xf32> to vector<16xf32>
        %add3A_604 = arith.addi %mul3A_144, %scan3A_256 : i32
        %get3A_605 = arith.index_cast %add3A_604 : i32 to index
        %get3A_606 = arith.constant 368 : index
        %get3A_607 = tpu.vector_load %arg5[%get3A_605, %get3A_606] {strides = array<i32>} : memref<32x1024xf32, #tpu.memory_space<vmem>>, vector<1x16xf32>,
        %get3A_608 = vector.shape_cast %get3A_607 : vector<1x16xf32> to vector<16xf32>
        %add3A_609 = arith.addf %get3A_603, %get3A_608 : vector<16xf32>
        %swap3A_610 = arith.index_cast %scan3A_256 : i32 to index
        %swap3A_611 = arith.constant 368 : index
        %swap3A_612 = tpu.vector_load %arg8[%swap3A_610, %swap3A_611] {strides = array<i32>} : memref<16x1024xf32, #tpu.memory_space<vmem>>, vector<1x16xf32>,
        %swap3A_613 = vector.shape_cast %swap3A_612 : vector<1x16xf32> to vector<16xf32>
        %swap3A_614 = vector.shape_cast %add3A_609 : vector<16xf32> to vector<1x16xf32>
        tpu.vector_store %arg8[%swap3A_610, %swap3A_611], %swap3A_614 {strides = array<i32>} : memref<16x1024xf32, #tpu.memory_space<vmem>>, vector<1x16xf32>,
        %get3A_615 = arith.index_cast %scan3A_256 : i32 to index
        %get3A_616 = arith.constant 384 : index
        %get3A_617 = tpu.vector_load %arg6[%get3A_615, %get3A_616] {strides = array<i32>} : memref<16x1024xf32, #tpu.memory_space<vmem>>, vector<1x16xf32>,
        %get3A_618 = vector.shape_cast %get3A_617 : vector<1x16xf32> to vector<16xf32>
        %add3A_619 = arith.addi %mul3A_144, %scan3A_256 : i32
        %get3A_620 = arith.index_cast %add3A_619 : i32 to index
        %get3A_621 = arith.constant 384 : index
        %get3A_622 = tpu.vector_load %arg5[%get3A_620, %get3A_621] {strides = array<i32>} : memref<32x1024xf32, #tpu.memory_space<vmem>>, vector<1x16xf32>,
        %get3A_623 = vector.shape_cast %get3A_622 : vector<1x16xf32> to vector<16xf32>
        %add3A_624 = arith.addf %get3A_618, %get3A_623 : vector<16xf32>
        %swap3A_625 = arith.index_cast %scan3A_256 : i32 to index
        %swap3A_626 = arith.constant 384 : index
        %swap3A_627 = tpu.vector_load %arg8[%swap3A_625, %swap3A_626] {strides = array<i32>} : memref<16x1024xf32, #tpu.memory_space<vmem>>, vector<1x16xf32>,
        %swap3A_628 = vector.shape_cast %swap3A_627 : vector<1x16xf32> to vector<16xf32>
        %swap3A_629 = vector.shape_cast %add3A_624 : vector<16xf32> to vector<1x16xf32>
        tpu.vector_store %arg8[%swap3A_625, %swap3A_626], %swap3A_629 {strides = array<i32>} : memref<16x1024xf32, #tpu.memory_space<vmem>>, vector<1x16xf32>,
        %get3A_630 = arith.index_cast %scan3A_256 : i32 to index
        %get3A_631 = arith.constant 400 : index
        %get3A_632 = tpu.vector_load %arg6[%get3A_630, %get3A_631] {strides = array<i32>} : memref<16x1024xf32, #tpu.memory_space<vmem>>, vector<1x16xf32>,
        %get3A_633 = vector.shape_cast %get3A_632 : vector<1x16xf32> to vector<16xf32>
        %add3A_634 = arith.addi %mul3A_144, %scan3A_256 : i32
        %get3A_635 = arith.index_cast %add3A_634 : i32 to index
        %get3A_636 = arith.constant 400 : index
        %get3A_637 = tpu.vector_load %arg5[%get3A_635, %get3A_636] {strides = array<i32>} : memref<32x1024xf32, #tpu.memory_space<vmem>>, vector<1x16xf32>,
        %get3A_638 = vector.shape_cast %get3A_637 : vector<1x16xf32> to vector<16xf32>
        %add3A_639 = arith.addf %get3A_633, %get3A_638 : vector<16xf32>
        %swap3A_640 = arith.index_cast %scan3A_256 : i32 to index
        %swap3A_641 = arith.constant 400 : index
        %swap3A_642 = tpu.vector_load %arg8[%swap3A_640, %swap3A_641] {strides = array<i32>} : memref<16x1024xf32, #tpu.memory_space<vmem>>, vector<1x16xf32>,
        %swap3A_643 = vector.shape_cast %swap3A_642 : vector<1x16xf32> to vector<16xf32>
        %swap3A_644 = vector.shape_cast %add3A_639 : vector<16xf32> to vector<1x16xf32>
        tpu.vector_store %arg8[%swap3A_640, %swap3A_641], %swap3A_644 {strides = array<i32>} : memref<16x1024xf32, #tpu.memory_space<vmem>>, vector<1x16xf32>,
        %get3A_645 = arith.index_cast %scan3A_256 : i32 to index
        %get3A_646 = arith.constant 416 : index
        %get3A_647 = tpu.vector_load %arg6[%get3A_645, %get3A_646] {strides = array<i32>} : memref<16x1024xf32, #tpu.memory_space<vmem>>, vector<1x16xf32>,
        %get3A_648 = vector.shape_cast %get3A_647 : vector<1x16xf32> to vector<16xf32>
        %add3A_649 = arith.addi %mul3A_144, %scan3A_256 : i32
        %get3A_650 = arith.index_cast %add3A_649 : i32 to index
        %get3A_651 = arith.constant 416 : index
        %get3A_652 = tpu.vector_load %arg5[%get3A_650, %get3A_651] {strides = array<i32>} : memref<32x1024xf32, #tpu.memory_space<vmem>>, vector<1x16xf32>,
        %get3A_653 = vector.shape_cast %get3A_652 : vector<1x16xf32> to vector<16xf32>
        %add3A_654 = arith.addf %get3A_648, %get3A_653 : vector<16xf32>
        %swap3A_655 = arith.index_cast %scan3A_256 : i32 to index
        %swap3A_656 = arith.constant 416 : index
        %swap3A_657 = tpu.vector_load %arg8[%swap3A_655, %swap3A_656] {strides = array<i32>} : memref<16x1024xf32, #tpu.memory_space<vmem>>, vector<1x16xf32>,
        %swap3A_658 = vector.shape_cast %swap3A_657 : vector<1x16xf32> to vector<16xf32>
        %swap3A_659 = vector.shape_cast %add3A_654 : vector<16xf32> to vector<1x16xf32>
        tpu.vector_store %arg8[%swap3A_655, %swap3A_656], %swap3A_659 {strides = array<i32>} : memref<16x1024xf32, #tpu.memory_space<vmem>>, vector<1x16xf32>,
        %get3A_660 = arith.index_cast %scan3A_256 : i32 to index
        %get3A_661 = arith.constant 432 : index
        %get3A_662 = tpu.vector_load %arg6[%get3A_660, %get3A_661] {strides = array<i32>} : memref<16x1024xf32, #tpu.memory_space<vmem>>, vector<1x16xf32>,
        %get3A_663 = vector.shape_cast %get3A_662 : vector<1x16xf32> to vector<16xf32>
        %add3A_664 = arith.addi %mul3A_144, %scan3A_256 : i32
        %get3A_665 = arith.index_cast %add3A_664 : i32 to index
        %get3A_666 = arith.constant 432 : index
        %get3A_667 = tpu.vector_load %arg5[%get3A_665, %get3A_666] {strides = array<i32>} : memref<32x1024xf32, #tpu.memory_space<vmem>>, vector<1x16xf32>,
        %get3A_668 = vector.shape_cast %get3A_667 : vector<1x16xf32> to vector<16xf32>
        %add3A_669 = arith.addf %get3A_663, %get3A_668 : vector<16xf32>
        %swap3A_670 = arith.index_cast %scan3A_256 : i32 to index
        %swap3A_671 = arith.constant 432 : index
        %swap3A_672 = tpu.vector_load %arg8[%swap3A_670, %swap3A_671] {strides = array<i32>} : memref<16x1024xf32, #tpu.memory_space<vmem>>, vector<1x16xf32>,
        %swap3A_673 = vector.shape_cast %swap3A_672 : vector<1x16xf32> to vector<16xf32>
        %swap3A_674 = vector.shape_cast %add3A_669 : vector<16xf32> to vector<1x16xf32>
        tpu.vector_store %arg8[%swap3A_670, %swap3A_671], %swap3A_674 {strides = array<i32>} : memref<16x1024xf32, #tpu.memory_space<vmem>>, vector<1x16xf32>,
        %get3A_675 = arith.index_cast %scan3A_256 : i32 to index
        %get3A_676 = arith.constant 448 : index
        %get3A_677 = tpu.vector_load %arg6[%get3A_675, %get3A_676] {strides = array<i32>} : memref<16x1024xf32, #tpu.memory_space<vmem>>, vector<1x16xf32>,
        %get3A_678 = vector.shape_cast %get3A_677 : vector<1x16xf32> to vector<16xf32>
        %add3A_679 = arith.addi %mul3A_144, %scan3A_256 : i32
        %get3A_680 = arith.index_cast %add3A_679 : i32 to index
        %get3A_681 = arith.constant 448 : index
        %get3A_682 = tpu.vector_load %arg5[%get3A_680, %get3A_681] {strides = array<i32>} : memref<32x1024xf32, #tpu.memory_space<vmem>>, vector<1x16xf32>,
        %get3A_683 = vector.shape_cast %get3A_682 : vector<1x16xf32> to vector<16xf32>
        %add3A_684 = arith.addf %get3A_678, %get3A_683 : vector<16xf32>
        %swap3A_685 = arith.index_cast %scan3A_256 : i32 to index
        %swap3A_686 = arith.constant 448 : index
        %swap3A_687 = tpu.vector_load %arg8[%swap3A_685, %swap3A_686] {strides = array<i32>} : memref<16x1024xf32, #tpu.memory_space<vmem>>, vector<1x16xf32>,
        %swap3A_688 = vector.shape_cast %swap3A_687 : vector<1x16xf32> to vector<16xf32>
        %swap3A_689 = vector.shape_cast %add3A_684 : vector<16xf32> to vector<1x16xf32>
        tpu.vector_store %arg8[%swap3A_685, %swap3A_686], %swap3A_689 {strides = array<i32>} : memref<16x1024xf32, #tpu.memory_space<vmem>>, vector<1x16xf32>,
        %get3A_690 = arith.index_cast %scan3A_256 : i32 to index
        %get3A_691 = arith.constant 464 : index
        %get3A_692 = tpu.vector_load %arg6[%get3A_690, %get3A_691] {strides = array<i32>} : memref<16x1024xf32, #tpu.memory_space<vmem>>, vector<1x16xf32>,
        %get3A_693 = vector.shape_cast %get3A_692 : vector<1x16xf32> to vector<16xf32>
        %add3A_694 = arith.addi %mul3A_144, %scan3A_256 : i32
        %get3A_695 = arith.index_cast %add3A_694 : i32 to index
        %get3A_696 = arith.constant 464 : index
        %get3A_697 = tpu.vector_load %arg5[%get3A_695, %get3A_696] {strides = array<i32>} : memref<32x1024xf32, #tpu.memory_space<vmem>>, vector<1x16xf32>,
        %get3A_698 = vector.shape_cast %get3A_697 : vector<1x16xf32> to vector<16xf32>
        %add3A_699 = arith.addf %get3A_693, %get3A_698 : vector<16xf32>
        %swap3A_700 = arith.index_cast %scan3A_256 : i32 to index
        %swap3A_701 = arith.constant 464 : index
        %swap3A_702 = tpu.vector_load %arg8[%swap3A_700, %swap3A_701] {strides = array<i32>} : memref<16x1024xf32, #tpu.memory_space<vmem>>, vector<1x16xf32>,
        %swap3A_703 = vector.shape_cast %swap3A_702 : vector<1x16xf32> to vector<16xf32>
        %swap3A_704 = vector.shape_cast %add3A_699 : vector<16xf32> to vector<1x16xf32>
        tpu.vector_store %arg8[%swap3A_700, %swap3A_701], %swap3A_704 {strides = array<i32>} : memref<16x1024xf32, #tpu.memory_space<vmem>>, vector<1x16xf32>,
        %get3A_705 = arith.index_cast %scan3A_256 : i32 to index
        %get3A_706 = arith.constant 480 : index
        %get3A_707 = tpu.vector_load %arg6[%get3A_705, %get3A_706] {strides = array<i32>} : memref<16x1024xf32, #tpu.memory_space<vmem>>, vector<1x16xf32>,
        %get3A_708 = vector.shape_cast %get3A_707 : vector<1x16xf32> to vector<16xf32>
        %add3A_709 = arith.addi %mul3A_144, %scan3A_256 : i32
        %get3A_710 = arith.index_cast %add3A_709 : i32 to index
        %get3A_711 = arith.constant 480 : index
        %get3A_712 = tpu.vector_load %arg5[%get3A_710, %get3A_711] {strides = array<i32>} : memref<32x1024xf32, #tpu.memory_space<vmem>>, vector<1x16xf32>,
        %get3A_713 = vector.shape_cast %get3A_712 : vector<1x16xf32> to vector<16xf32>
        %add3A_714 = arith.addf %get3A_708, %get3A_713 : vector<16xf32>
        %swap3A_715 = arith.index_cast %scan3A_256 : i32 to index
        %swap3A_716 = arith.constant 480 : index
        %swap3A_717 = tpu.vector_load %arg8[%swap3A_715, %swap3A_716] {strides = array<i32>} : memref<16x1024xf32, #tpu.memory_space<vmem>>, vector<1x16xf32>,
        %swap3A_718 = vector.shape_cast %swap3A_717 : vector<1x16xf32> to vector<16xf32>
        %swap3A_719 = vector.shape_cast %add3A_714 : vector<16xf32> to vector<1x16xf32>
        tpu.vector_store %arg8[%swap3A_715, %swap3A_716], %swap3A_719 {strides = array<i32>} : memref<16x1024xf32, #tpu.memory_space<vmem>>, vector<1x16xf32>,
        %get3A_720 = arith.index_cast %scan3A_256 : i32 to index
        %get3A_721 = arith.constant 496 : index
        %get3A_722 = tpu.vector_load %arg6[%get3A_720, %get3A_721] {strides = array<i32>} : memref<16x1024xf32, #tpu.memory_space<vmem>>, vector<1x16xf32>,
        %get3A_723 = vector.shape_cast %get3A_722 : vector<1x16xf32> to vector<16xf32>
        %add3A_724 = arith.addi %mul3A_144, %scan3A_256 : i32
        %get3A_725 = arith.index_cast %add3A_724 : i32 to index
        %get3A_726 = arith.constant 496 : index
        %get3A_727 = tpu.vector_load %arg5[%get3A_725, %get3A_726] {strides = array<i32>} : memref<32x1024xf32, #tpu.memory_space<vmem>>, vector<1x16xf32>,
        %get3A_728 = vector.shape_cast %get3A_727 : vector<1x16xf32> to vector<16xf32>
        %add3A_729 = arith.addf %get3A_723, %get3A_728 : vector<16xf32>
        %swap3A_730 = arith.index_cast %scan3A_256 : i32 to index
        %swap3A_731 = arith.constant 496 : index
        %swap3A_732 = tpu.vector_load %arg8[%swap3A_730, %swap3A_731] {strides = array<i32>} : memref<16x1024xf32, #tpu.memory_space<vmem>>, vector<1x16xf32>,
        %swap3A_733 = vector.shape_cast %swap3A_732 : vector<1x16xf32> to vector<16xf32>
        %swap3A_734 = vector.shape_cast %add3A_729 : vector<16xf32> to vector<1x16xf32>
        tpu.vector_store %arg8[%swap3A_730, %swap3A_731], %swap3A_734 {strides = array<i32>} : memref<16x1024xf32, #tpu.memory_space<vmem>>, vector<1x16xf32>,
        %get3A_735 = arith.index_cast %scan3A_256 : i32 to index
        %get3A_736 = arith.constant 512 : index
        %get3A_737 = tpu.vector_load %arg6[%get3A_735, %get3A_736] {strides = array<i32>} : memref<16x1024xf32, #tpu.memory_space<vmem>>, vector<1x16xf32>,
        %get3A_738 = vector.shape_cast %get3A_737 : vector<1x16xf32> to vector<16xf32>
        %add3A_739 = arith.addi %mul3A_144, %scan3A_256 : i32
        %get3A_740 = arith.index_cast %add3A_739 : i32 to index
        %get3A_741 = arith.constant 512 : index
        %get3A_742 = tpu.vector_load %arg5[%get3A_740, %get3A_741] {strides = array<i32>} : memref<32x1024xf32, #tpu.memory_space<vmem>>, vector<1x16xf32>,
        %get3A_743 = vector.shape_cast %get3A_742 : vector<1x16xf32> to vector<16xf32>
        %add3A_744 = arith.addf %get3A_738, %get3A_743 : vector<16xf32>
        %swap3A_745 = arith.index_cast %scan3A_256 : i32 to index
        %swap3A_746 = arith.constant 512 : index
        %swap3A_747 = tpu.vector_load %arg8[%swap3A_745, %swap3A_746] {strides = array<i32>} : memref<16x1024xf32, #tpu.memory_space<vmem>>, vector<1x16xf32>,
        %swap3A_748 = vector.shape_cast %swap3A_747 : vector<1x16xf32> to vector<16xf32>
        %swap3A_749 = vector.shape_cast %add3A_744 : vector<16xf32> to vector<1x16xf32>
        tpu.vector_store %arg8[%swap3A_745, %swap3A_746], %swap3A_749 {strides = array<i32>} : memref<16x1024xf32, #tpu.memory_space<vmem>>, vector<1x16xf32>,
        %get3A_750 = arith.index_cast %scan3A_256 : i32 to index
        %get3A_751 = arith.constant 528 : index
        %get3A_752 = tpu.vector_load %arg6[%get3A_750, %get3A_751] {strides = array<i32>} : memref<16x1024xf32, #tpu.memory_space<vmem>>, vector<1x16xf32>,
        %get3A_753 = vector.shape_cast %get3A_752 : vector<1x16xf32> to vector<16xf32>
        %add3A_754 = arith.addi %mul3A_144, %scan3A_256 : i32
        %get3A_755 = arith.index_cast %add3A_754 : i32 to index
        %get3A_756 = arith.constant 528 : index
        %get3A_757 = tpu.vector_load %arg5[%get3A_755, %get3A_756] {strides = array<i32>} : memref<32x1024xf32, #tpu.memory_space<vmem>>, vector<1x16xf32>,
        %get3A_758 = vector.shape_cast %get3A_757 : vector<1x16xf32> to vector<16xf32>
        %add3A_759 = arith.addf %get3A_753, %get3A_758 : vector<16xf32>
        %swap3A_760 = arith.index_cast %scan3A_256 : i32 to index
        %swap3A_761 = arith.constant 528 : index
        %swap3A_762 = tpu.vector_load %arg8[%swap3A_760, %swap3A_761] {strides = array<i32>} : memref<16x1024xf32, #tpu.memory_space<vmem>>, vector<1x16xf32>,
        %swap3A_763 = vector.shape_cast %swap3A_762 : vector<1x16xf32> to vector<16xf32>
        %swap3A_764 = vector.shape_cast %add3A_759 : vector<16xf32> to vector<1x16xf32>
        tpu.vector_store %arg8[%swap3A_760, %swap3A_761], %swap3A_764 {strides = array<i32>} : memref<16x1024xf32, #tpu.memory_space<vmem>>, vector<1x16xf32>,
        %get3A_765 = arith.index_cast %scan3A_256 : i32 to index
        %get3A_766 = arith.constant 544 : index
        %get3A_767 = tpu.vector_load %arg6[%get3A_765, %get3A_766] {strides = array<i32>} : memref<16x1024xf32, #tpu.memory_space<vmem>>, vector<1x16xf32>,
        %get3A_768 = vector.shape_cast %get3A_767 : vector<1x16xf32> to vector<16xf32>
        %add3A_769 = arith.addi %mul3A_144, %scan3A_256 : i32
        %get3A_770 = arith.index_cast %add3A_769 : i32 to index
        %get3A_771 = arith.constant 544 : index
        %get3A_772 = tpu.vector_load %arg5[%get3A_770, %get3A_771] {strides = array<i32>} : memref<32x1024xf32, #tpu.memory_space<vmem>>, vector<1x16xf32>,
        %get3A_773 = vector.shape_cast %get3A_772 : vector<1x16xf32> to vector<16xf32>
        %add3A_774 = arith.addf %get3A_768, %get3A_773 : vector<16xf32>
        %swap3A_775 = arith.index_cast %scan3A_256 : i32 to index
        %swap3A_776 = arith.constant 544 : index
        %swap3A_777 = tpu.vector_load %arg8[%swap3A_775, %swap3A_776] {strides = array<i32>} : memref<16x1024xf32, #tpu.memory_space<vmem>>, vector<1x16xf32>,
        %swap3A_778 = vector.shape_cast %swap3A_777 : vector<1x16xf32> to vector<16xf32>
        %swap3A_779 = vector.shape_cast %add3A_774 : vector<16xf32> to vector<1x16xf32>
        tpu.vector_store %arg8[%swap3A_775, %swap3A_776], %swap3A_779 {strides = array<i32>} : memref<16x1024xf32, #tpu.memory_space<vmem>>, vector<1x16xf32>,
        %get3A_780 = arith.index_cast %scan3A_256 : i32 to index
        %get3A_781 = arith.constant 560 : index
        %get3A_782 = tpu.vector_load %arg6[%get3A_780, %get3A_781] {strides = array<i32>} : memref<16x1024xf32, #tpu.memory_space<vmem>>, vector<1x16xf32>,
        %get3A_783 = vector.shape_cast %get3A_782 : vector<1x16xf32> to vector<16xf32>
        %add3A_784 = arith.addi %mul3A_144, %scan3A_256 : i32
        %get3A_785 = arith.index_cast %add3A_784 : i32 to index
        %get3A_786 = arith.constant 560 : index
        %get3A_787 = tpu.vector_load %arg5[%get3A_785, %get3A_786] {strides = array<i32>} : memref<32x1024xf32, #tpu.memory_space<vmem>>, vector<1x16xf32>,
        %get3A_788 = vector.shape_cast %get3A_787 : vector<1x16xf32> to vector<16xf32>
        %add3A_789 = arith.addf %get3A_783, %get3A_788 : vector<16xf32>
        %swap3A_790 = arith.index_cast %scan3A_256 : i32 to index
        %swap3A_791 = arith.constant 560 : index
        %swap3A_792 = tpu.vector_load %arg8[%swap3A_790, %swap3A_791] {strides = array<i32>} : memref<16x1024xf32, #tpu.memory_space<vmem>>, vector<1x16xf32>,
        %swap3A_793 = vector.shape_cast %swap3A_792 : vector<1x16xf32> to vector<16xf32>
        %swap3A_794 = vector.shape_cast %add3A_789 : vector<16xf32> to vector<1x16xf32>
        tpu.vector_store %arg8[%swap3A_790, %swap3A_791], %swap3A_794 {strides = array<i32>} : memref<16x1024xf32, #tpu.memory_space<vmem>>, vector<1x16xf32>,
        %get3A_795 = arith.index_cast %scan3A_256 : i32 to index
        %get3A_796 = arith.constant 576 : index
        %get3A_797 = tpu.vector_load %arg6[%get3A_795, %get3A_796] {strides = array<i32>} : memref<16x1024xf32, #tpu.memory_space<vmem>>, vector<1x16xf32>,
        %get3A_798 = vector.shape_cast %get3A_797 : vector<1x16xf32> to vector<16xf32>
        %add3A_799 = arith.addi %mul3A_144, %scan3A_256 : i32
        %get3A_800 = arith.index_cast %add3A_799 : i32 to index
        %get3A_801 = arith.constant 576 : index
        %get3A_802 = tpu.vector_load %arg5[%get3A_800, %get3A_801] {strides = array<i32>} : memref<32x1024xf32, #tpu.memory_space<vmem>>, vector<1x16xf32>,
        %get3A_803 = vector.shape_cast %get3A_802 : vector<1x16xf32> to vector<16xf32>
        %add3A_804 = arith.addf %get3A_798, %get3A_803 : vector<16xf32>
        %swap3A_805 = arith.index_cast %scan3A_256 : i32 to index
        %swap3A_806 = arith.constant 576 : index
        %swap3A_807 = tpu.vector_load %arg8[%swap3A_805, %swap3A_806] {strides = array<i32>} : memref<16x1024xf32, #tpu.memory_space<vmem>>, vector<1x16xf32>,
        %swap3A_808 = vector.shape_cast %swap3A_807 : vector<1x16xf32> to vector<16xf32>
        %swap3A_809 = vector.shape_cast %add3A_804 : vector<16xf32> to vector<1x16xf32>
        tpu.vector_store %arg8[%swap3A_805, %swap3A_806], %swap3A_809 {strides = array<i32>} : memref<16x1024xf32, #tpu.memory_space<vmem>>, vector<1x16xf32>,
        %get3A_810 = arith.index_cast %scan3A_256 : i32 to index
        %get3A_811 = arith.constant 592 : index
        %get3A_812 = tpu.vector_load %arg6[%get3A_810, %get3A_811] {strides = array<i32>} : memref<16x1024xf32, #tpu.memory_space<vmem>>, vector<1x16xf32>,
        %get3A_813 = vector.shape_cast %get3A_812 : vector<1x16xf32> to vector<16xf32>
        %add3A_814 = arith.addi %mul3A_144, %scan3A_256 : i32
        %get3A_815 = arith.index_cast %add3A_814 : i32 to index
        %get3A_816 = arith.constant 592 : index
        %get3A_817 = tpu.vector_load %arg5[%get3A_815, %get3A_816] {strides = array<i32>} : memref<32x1024xf32, #tpu.memory_space<vmem>>, vector<1x16xf32>,
        %get3A_818 = vector.shape_cast %get3A_817 : vector<1x16xf32> to vector<16xf32>
        %add3A_819 = arith.addf %get3A_813, %get3A_818 : vector<16xf32>
        %swap3A_820 = arith.index_cast %scan3A_256 : i32 to index
        %swap3A_821 = arith.constant 592 : index
        %swap3A_822 = tpu.vector_load %arg8[%swap3A_820, %swap3A_821] {strides = array<i32>} : memref<16x1024xf32, #tpu.memory_space<vmem>>, vector<1x16xf32>,
        %swap3A_823 = vector.shape_cast %swap3A_822 : vector<1x16xf32> to vector<16xf32>
        %swap3A_824 = vector.shape_cast %add3A_819 : vector<16xf32> to vector<1x16xf32>
        tpu.vector_store %arg8[%swap3A_820, %swap3A_821], %swap3A_824 {strides = array<i32>} : memref<16x1024xf32, #tpu.memory_space<vmem>>, vector<1x16xf32>,
        %get3A_825 = arith.index_cast %scan3A_256 : i32 to index
        %get3A_826 = arith.constant 608 : index
        %get3A_827 = tpu.vector_load %arg6[%get3A_825, %get3A_826] {strides = array<i32>} : memref<16x1024xf32, #tpu.memory_space<vmem>>, vector<1x16xf32>,
        %get3A_828 = vector.shape_cast %get3A_827 : vector<1x16xf32> to vector<16xf32>
        %add3A_829 = arith.addi %mul3A_144, %scan3A_256 : i32
        %get3A_830 = arith.index_cast %add3A_829 : i32 to index
        %get3A_831 = arith.constant 608 : index
        %get3A_832 = tpu.vector_load %arg5[%get3A_830, %get3A_831] {strides = array<i32>} : memref<32x1024xf32, #tpu.memory_space<vmem>>, vector<1x16xf32>,
        %get3A_833 = vector.shape_cast %get3A_832 : vector<1x16xf32> to vector<16xf32>
        %add3A_834 = arith.addf %get3A_828, %get3A_833 : vector<16xf32>
        %swap3A_835 = arith.index_cast %scan3A_256 : i32 to index
        %swap3A_836 = arith.constant 608 : index
        %swap3A_837 = tpu.vector_load %arg8[%swap3A_835, %swap3A_836] {strides = array<i32>} : memref<16x1024xf32, #tpu.memory_space<vmem>>, vector<1x16xf32>,
        %swap3A_838 = vector.shape_cast %swap3A_837 : vector<1x16xf32> to vector<16xf32>
        %swap3A_839 = vector.shape_cast %add3A_834 : vector<16xf32> to vector<1x16xf32>
        tpu.vector_store %arg8[%swap3A_835, %swap3A_836], %swap3A_839 {strides = array<i32>} : memref<16x1024xf32, #tpu.memory_space<vmem>>, vector<1x16xf32>,
        %get3A_840 = arith.index_cast %scan3A_256 : i32 to index
        %get3A_841 = arith.constant 624 : index
        %get3A_842 = tpu.vector_load %arg6[%get3A_840, %get3A_841] {strides = array<i32>} : memref<16x1024xf32, #tpu.memory_space<vmem>>, vector<1x16xf32>,
        %get3A_843 = vector.shape_cast %get3A_842 : vector<1x16xf32> to vector<16xf32>
        %add3A_844 = arith.addi %mul3A_144, %scan3A_256 : i32
        %get3A_845 = arith.index_cast %add3A_844 : i32 to index
        %get3A_846 = arith.constant 624 : index
        %get3A_847 = tpu.vector_load %arg5[%get3A_845, %get3A_846] {strides = array<i32>} : memref<32x1024xf32, #tpu.memory_space<vmem>>, vector<1x16xf32>,
        %get3A_848 = vector.shape_cast %get3A_847 : vector<1x16xf32> to vector<16xf32>
        %add3A_849 = arith.addf %get3A_843, %get3A_848 : vector<16xf32>
        %swap3A_850 = arith.index_cast %scan3A_256 : i32 to index
        %swap3A_851 = arith.constant 624 : index
        %swap3A_852 = tpu.vector_load %arg8[%swap3A_850, %swap3A_851] {strides = array<i32>} : memref<16x1024xf32, #tpu.memory_space<vmem>>, vector<1x16xf32>,
        %swap3A_853 = vector.shape_cast %swap3A_852 : vector<1x16xf32> to vector<16xf32>
        %swap3A_854 = vector.shape_cast %add3A_849 : vector<16xf32> to vector<1x16xf32>
        tpu.vector_store %arg8[%swap3A_850, %swap3A_851], %swap3A_854 {strides = array<i32>} : memref<16x1024xf32, #tpu.memory_space<vmem>>, vector<1x16xf32>,
        %get3A_855 = arith.index_cast %scan3A_256 : i32 to index
        %get3A_856 = arith.constant 640 : index
        %get3A_857 = tpu.vector_load %arg6[%get3A_855, %get3A_856] {strides = array<i32>} : memref<16x1024xf32, #tpu.memory_space<vmem>>, vector<1x16xf32>,
        %get3A_858 = vector.shape_cast %get3A_857 : vector<1x16xf32> to vector<16xf32>
        %add3A_859 = arith.addi %mul3A_144, %scan3A_256 : i32
        %get3A_860 = arith.index_cast %add3A_859 : i32 to index
        %get3A_861 = arith.constant 640 : index
        %get3A_862 = tpu.vector_load %arg5[%get3A_860, %get3A_861] {strides = array<i32>} : memref<32x1024xf32, #tpu.memory_space<vmem>>, vector<1x16xf32>,
        %get3A_863 = vector.shape_cast %get3A_862 : vector<1x16xf32> to vector<16xf32>
        %add3A_864 = arith.addf %get3A_858, %get3A_863 : vector<16xf32>
        %swap3A_865 = arith.index_cast %scan3A_256 : i32 to index
        %swap3A_866 = arith.constant 640 : index
        %swap3A_867 = tpu.vector_load %arg8[%swap3A_865, %swap3A_866] {strides = array<i32>} : memref<16x1024xf32, #tpu.memory_space<vmem>>, vector<1x16xf32>,
        %swap3A_868 = vector.shape_cast %swap3A_867 : vector<1x16xf32> to vector<16xf32>
        %swap3A_869 = vector.shape_cast %add3A_864 : vector<16xf32> to vector<1x16xf32>
        tpu.vector_store %arg8[%swap3A_865, %swap3A_866], %swap3A_869 {strides = array<i32>} : memref<16x1024xf32, #tpu.memory_space<vmem>>, vector<1x16xf32>,
        %get3A_870 = arith.index_cast %scan3A_256 : i32 to index
        %get3A_871 = arith.constant 656 : index
        %get3A_872 = tpu.vector_load %arg6[%get3A_870, %get3A_871] {strides = array<i32>} : memref<16x1024xf32, #tpu.memory_space<vmem>>, vector<1x16xf32>,
        %get3A_873 = vector.shape_cast %get3A_872 : vector<1x16xf32> to vector<16xf32>
        %add3A_874 = arith.addi %mul3A_144, %scan3A_256 : i32
        %get3A_875 = arith.index_cast %add3A_874 : i32 to index
        %get3A_876 = arith.constant 656 : index
        %get3A_877 = tpu.vector_load %arg5[%get3A_875, %get3A_876] {strides = array<i32>} : memref<32x1024xf32, #tpu.memory_space<vmem>>, vector<1x16xf32>,
        %get3A_878 = vector.shape_cast %get3A_877 : vector<1x16xf32> to vector<16xf32>
        %add3A_879 = arith.addf %get3A_873, %get3A_878 : vector<16xf32>
        %swap3A_880 = arith.index_cast %scan3A_256 : i32 to index
        %swap3A_881 = arith.constant 656 : index
        %swap3A_882 = tpu.vector_load %arg8[%swap3A_880, %swap3A_881] {strides = array<i32>} : memref<16x1024xf32, #tpu.memory_space<vmem>>, vector<1x16xf32>,
        %swap3A_883 = vector.shape_cast %swap3A_882 : vector<1x16xf32> to vector<16xf32>
        %swap3A_884 = vector.shape_cast %add3A_879 : vector<16xf32> to vector<1x16xf32>
        tpu.vector_store %arg8[%swap3A_880, %swap3A_881], %swap3A_884 {strides = array<i32>} : memref<16x1024xf32, #tpu.memory_space<vmem>>, vector<1x16xf32>,
        %get3A_885 = arith.index_cast %scan3A_256 : i32 to index
        %get3A_886 = arith.constant 672 : index
        %get3A_887 = tpu.vector_load %arg6[%get3A_885, %get3A_886] {strides = array<i32>} : memref<16x1024xf32, #tpu.memory_space<vmem>>, vector<1x16xf32>,
        %get3A_888 = vector.shape_cast %get3A_887 : vector<1x16xf32> to vector<16xf32>
        %add3A_889 = arith.addi %mul3A_144, %scan3A_256 : i32
        %get3A_890 = arith.index_cast %add3A_889 : i32 to index
        %get3A_891 = arith.constant 672 : index
        %get3A_892 = tpu.vector_load %arg5[%get3A_890, %get3A_891] {strides = array<i32>} : memref<32x1024xf32, #tpu.memory_space<vmem>>, vector<1x16xf32>,
        %get3A_893 = vector.shape_cast %get3A_892 : vector<1x16xf32> to vector<16xf32>
        %add3A_894 = arith.addf %get3A_888, %get3A_893 : vector<16xf32>
        %swap3A_895 = arith.index_cast %scan3A_256 : i32 to index
        %swap3A_896 = arith.constant 672 : index
        %swap3A_897 = tpu.vector_load %arg8[%swap3A_895, %swap3A_896] {strides = array<i32>} : memref<16x1024xf32, #tpu.memory_space<vmem>>, vector<1x16xf32>,
        %swap3A_898 = vector.shape_cast %swap3A_897 : vector<1x16xf32> to vector<16xf32>
        %swap3A_899 = vector.shape_cast %add3A_894 : vector<16xf32> to vector<1x16xf32>
        tpu.vector_store %arg8[%swap3A_895, %swap3A_896], %swap3A_899 {strides = array<i32>} : memref<16x1024xf32, #tpu.memory_space<vmem>>, vector<1x16xf32>,
        %get3A_900 = arith.index_cast %scan3A_256 : i32 to index
        %get3A_901 = arith.constant 688 : index
        %get3A_902 = tpu.vector_load %arg6[%get3A_900, %get3A_901] {strides = array<i32>} : memref<16x1024xf32, #tpu.memory_space<vmem>>, vector<1x16xf32>,
        %get3A_903 = vector.shape_cast %get3A_902 : vector<1x16xf32> to vector<16xf32>
        %add3A_904 = arith.addi %mul3A_144, %scan3A_256 : i32
        %get3A_905 = arith.index_cast %add3A_904 : i32 to index
        %get3A_906 = arith.constant 688 : index
        %get3A_907 = tpu.vector_load %arg5[%get3A_905, %get3A_906] {strides = array<i32>} : memref<32x1024xf32, #tpu.memory_space<vmem>>, vector<1x16xf32>,
        %get3A_908 = vector.shape_cast %get3A_907 : vector<1x16xf32> to vector<16xf32>
        %add3A_909 = arith.addf %get3A_903, %get3A_908 : vector<16xf32>
        %swap3A_910 = arith.index_cast %scan3A_256 : i32 to index
        %swap3A_911 = arith.constant 688 : index
        %swap3A_912 = tpu.vector_load %arg8[%swap3A_910, %swap3A_911] {strides = array<i32>} : memref<16x1024xf32, #tpu.memory_space<vmem>>, vector<1x16xf32>,
        %swap3A_913 = vector.shape_cast %swap3A_912 : vector<1x16xf32> to vector<16xf32>
        %swap3A_914 = vector.shape_cast %add3A_909 : vector<16xf32> to vector<1x16xf32>
        tpu.vector_store %arg8[%swap3A_910, %swap3A_911], %swap3A_914 {strides = array<i32>} : memref<16x1024xf32, #tpu.memory_space<vmem>>, vector<1x16xf32>,
        %get3A_915 = arith.index_cast %scan3A_256 : i32 to index
        %get3A_916 = arith.constant 704 : index
        %get3A_917 = tpu.vector_load %arg6[%get3A_915, %get3A_916] {strides = array<i32>} : memref<16x1024xf32, #tpu.memory_space<vmem>>, vector<1x16xf32>,
        %get3A_918 = vector.shape_cast %get3A_917 : vector<1x16xf32> to vector<16xf32>
        %add3A_919 = arith.addi %mul3A_144, %scan3A_256 : i32
        %get3A_920 = arith.index_cast %add3A_919 : i32 to index
        %get3A_921 = arith.constant 704 : index
        %get3A_922 = tpu.vector_load %arg5[%get3A_920, %get3A_921] {strides = array<i32>} : memref<32x1024xf32, #tpu.memory_space<vmem>>, vector<1x16xf32>,
        %get3A_923 = vector.shape_cast %get3A_922 : vector<1x16xf32> to vector<16xf32>
        %add3A_924 = arith.addf %get3A_918, %get3A_923 : vector<16xf32>
        %swap3A_925 = arith.index_cast %scan3A_256 : i32 to index
        %swap3A_926 = arith.constant 704 : index
        %swap3A_927 = tpu.vector_load %arg8[%swap3A_925, %swap3A_926] {strides = array<i32>} : memref<16x1024xf32, #tpu.memory_space<vmem>>, vector<1x16xf32>,
        %swap3A_928 = vector.shape_cast %swap3A_927 : vector<1x16xf32> to vector<16xf32>
        %swap3A_929 = vector.shape_cast %add3A_924 : vector<16xf32> to vector<1x16xf32>
        tpu.vector_store %arg8[%swap3A_925, %swap3A_926], %swap3A_929 {strides = array<i32>} : memref<16x1024xf32, #tpu.memory_space<vmem>>, vector<1x16xf32>,
        %get3A_930 = arith.index_cast %scan3A_256 : i32 to index
        %get3A_931 = arith.constant 720 : index
        %get3A_932 = tpu.vector_load %arg6[%get3A_930, %get3A_931] {strides = array<i32>} : memref<16x1024xf32, #tpu.memory_space<vmem>>, vector<1x16xf32>,
        %get3A_933 = vector.shape_cast %get3A_932 : vector<1x16xf32> to vector<16xf32>
        %add3A_934 = arith.addi %mul3A_144, %scan3A_256 : i32
        %get3A_935 = arith.index_cast %add3A_934 : i32 to index
        %get3A_936 = arith.constant 720 : index
        %get3A_937 = tpu.vector_load %arg5[%get3A_935, %get3A_936] {strides = array<i32>} : memref<32x1024xf32, #tpu.memory_space<vmem>>, vector<1x16xf32>,
        %get3A_938 = vector.shape_cast %get3A_937 : vector<1x16xf32> to vector<16xf32>
        %add3A_939 = arith.addf %get3A_933, %get3A_938 : vector<16xf32>
        %swap3A_940 = arith.index_cast %scan3A_256 : i32 to index
        %swap3A_941 = arith.constant 720 : index
        %swap3A_942 = tpu.vector_load %arg8[%swap3A_940, %swap3A_941] {strides = array<i32>} : memref<16x1024xf32, #tpu.memory_space<vmem>>, vector<1x16xf32>,
        %swap3A_943 = vector.shape_cast %swap3A_942 : vector<1x16xf32> to vector<16xf32>
        %swap3A_944 = vector.shape_cast %add3A_939 : vector<16xf32> to vector<1x16xf32>
        tpu.vector_store %arg8[%swap3A_940, %swap3A_941], %swap3A_944 {strides = array<i32>} : memref<16x1024xf32, #tpu.memory_space<vmem>>, vector<1x16xf32>,
        %get3A_945 = arith.index_cast %scan3A_256 : i32 to index
        %get3A_946 = arith.constant 736 : index
        %get3A_947 = tpu.vector_load %arg6[%get3A_945, %get3A_946] {strides = array<i32>} : memref<16x1024xf32, #tpu.memory_space<vmem>>, vector<1x16xf32>,
        %get3A_948 = vector.shape_cast %get3A_947 : vector<1x16xf32> to vector<16xf32>
        %add3A_949 = arith.addi %mul3A_144, %scan3A_256 : i32
        %get3A_950 = arith.index_cast %add3A_949 : i32 to index
        %get3A_951 = arith.constant 736 : index
        %get3A_952 = tpu.vector_load %arg5[%get3A_950, %get3A_951] {strides = array<i32>} : memref<32x1024xf32, #tpu.memory_space<vmem>>, vector<1x16xf32>,
        %get3A_953 = vector.shape_cast %get3A_952 : vector<1x16xf32> to vector<16xf32>
        %add3A_954 = arith.addf %get3A_948, %get3A_953 : vector<16xf32>
        %swap3A_955 = arith.index_cast %scan3A_256 : i32 to index
        %swap3A_956 = arith.constant 736 : index
        %swap3A_957 = tpu.vector_load %arg8[%swap3A_955, %swap3A_956] {strides = array<i32>} : memref<16x1024xf32, #tpu.memory_space<vmem>>, vector<1x16xf32>,
        %swap3A_958 = vector.shape_cast %swap3A_957 : vector<1x16xf32> to vector<16xf32>
        %swap3A_959 = vector.shape_cast %add3A_954 : vector<16xf32> to vector<1x16xf32>
        tpu.vector_store %arg8[%swap3A_955, %swap3A_956], %swap3A_959 {strides = array<i32>} : memref<16x1024xf32, #tpu.memory_space<vmem>>, vector<1x16xf32>,
        %get3A_960 = arith.index_cast %scan3A_256 : i32 to index
        %get3A_961 = arith.constant 752 : index
        %get3A_962 = tpu.vector_load %arg6[%get3A_960, %get3A_961] {strides = array<i32>} : memref<16x1024xf32, #tpu.memory_space<vmem>>, vector<1x16xf32>,
        %get3A_963 = vector.shape_cast %get3A_962 : vector<1x16xf32> to vector<16xf32>
        %add3A_964 = arith.addi %mul3A_144, %scan3A_256 : i32
        %get3A_965 = arith.index_cast %add3A_964 : i32 to index
        %get3A_966 = arith.constant 752 : index
        %get3A_967 = tpu.vector_load %arg5[%get3A_965, %get3A_966] {strides = array<i32>} : memref<32x1024xf32, #tpu.memory_space<vmem>>, vector<1x16xf32>,
        %get3A_968 = vector.shape_cast %get3A_967 : vector<1x16xf32> to vector<16xf32>
        %add3A_969 = arith.addf %get3A_963, %get3A_968 : vector<16xf32>
        %swap3A_970 = arith.index_cast %scan3A_256 : i32 to index
        %swap3A_971 = arith.constant 752 : index
        %swap3A_972 = tpu.vector_load %arg8[%swap3A_970, %swap3A_971] {strides = array<i32>} : memref<16x1024xf32, #tpu.memory_space<vmem>>, vector<1x16xf32>,
        %swap3A_973 = vector.shape_cast %swap3A_972 : vector<1x16xf32> to vector<16xf32>
        %swap3A_974 = vector.shape_cast %add3A_969 : vector<16xf32> to vector<1x16xf32>
        tpu.vector_store %arg8[%swap3A_970, %swap3A_971], %swap3A_974 {strides = array<i32>} : memref<16x1024xf32, #tpu.memory_space<vmem>>, vector<1x16xf32>,
        %get3A_975 = arith.index_cast %scan3A_256 : i32 to index
        %get3A_976 = arith.constant 768 : index
        %get3A_977 = tpu.vector_load %arg6[%get3A_975, %get3A_976] {strides = array<i32>} : memref<16x1024xf32, #tpu.memory_space<vmem>>, vector<1x16xf32>,
        %get3A_978 = vector.shape_cast %get3A_977 : vector<1x16xf32> to vector<16xf32>
        %add3A_979 = arith.addi %mul3A_144, %scan3A_256 : i32
        %get3A_980 = arith.index_cast %add3A_979 : i32 to index
        %get3A_981 = arith.constant 768 : index
        %get3A_982 = tpu.vector_load %arg5[%get3A_980, %get3A_981] {strides = array<i32>} : memref<32x1024xf32, #tpu.memory_space<vmem>>, vector<1x16xf32>,
        %get3A_983 = vector.shape_cast %get3A_982 : vector<1x16xf32> to vector<16xf32>
        %add3A_984 = arith.addf %get3A_978, %get3A_983 : vector<16xf32>
        %swap3A_985 = arith.index_cast %scan3A_256 : i32 to index
        %swap3A_986 = arith.constant 768 : index
        %swap3A_987 = tpu.vector_load %arg8[%swap3A_985, %swap3A_986] {strides = array<i32>} : memref<16x1024xf32, #tpu.memory_space<vmem>>, vector<1x16xf32>,
        %swap3A_988 = vector.shape_cast %swap3A_987 : vector<1x16xf32> to vector<16xf32>
        %swap3A_989 = vector.shape_cast %add3A_984 : vector<16xf32> to vector<1x16xf32>
        tpu.vector_store %arg8[%swap3A_985, %swap3A_986], %swap3A_989 {strides = array<i32>} : memref<16x1024xf32, #tpu.memory_space<vmem>>, vector<1x16xf32>,
        %get3A_990 = arith.index_cast %scan3A_256 : i32 to index
        %get3A_991 = arith.constant 784 : index
        %get3A_992 = tpu.vector_load %arg6[%get3A_990, %get3A_991] {strides = array<i32>} : memref<16x1024xf32, #tpu.memory_space<vmem>>, vector<1x16xf32>,
        %get3A_993 = vector.shape_cast %get3A_992 : vector<1x16xf32> to vector<16xf32>
        %add3A_994 = arith.addi %mul3A_144, %scan3A_256 : i32
        %get3A_995 = arith.index_cast %add3A_994 : i32 to index
        %get3A_996 = arith.constant 784 : index
        %get3A_997 = tpu.vector_load %arg5[%get3A_995, %get3A_996] {strides = array<i32>} : memref<32x1024xf32, #tpu.memory_space<vmem>>, vector<1x16xf32>,
        %get3A_998 = vector.shape_cast %get3A_997 : vector<1x16xf32> to vector<16xf32>
        %add3A_999 = arith.addf %get3A_993, %get3A_998 : vector<16xf32>
        %swap3A_1000 = arith.index_cast %scan3A_256 : i32 to index
        %swap3A_1001 = arith.constant 784 : index
        %swap3A_1002 = tpu.vector_load %arg8[%swap3A_1000, %swap3A_1001] {strides = array<i32>} : memref<16x1024xf32, #tpu.memory_space<vmem>>, vector<1x16xf32>,
        %swap3A_1003 = vector.shape_cast %swap3A_1002 : vector<1x16xf32> to vector<16xf32>
        %swap3A_1004 = vector.shape_cast %add3A_999 : vector<16xf32> to vector<1x16xf32>
        tpu.vector_store %arg8[%swap3A_1000, %swap3A_1001], %swap3A_1004 {strides = array<i32>} : memref<16x1024xf32, #tpu.memory_space<vmem>>, vector<1x16xf32>,
        %get3A_1005 = arith.index_cast %scan3A_256 : i32 to index
        %get3A_1006 = arith.constant 800 : index
        %get3A_1007 = tpu.vector_load %arg6[%get3A_1005, %get3A_1006] {strides = array<i32>} : memref<16x1024xf32, #tpu.memory_space<vmem>>, vector<1x16xf32>,
        %get3A_1008 = vector.shape_cast %get3A_1007 : vector<1x16xf32> to vector<16xf32>
        %add3A_1009 = arith.addi %mul3A_144, %scan3A_256 : i32
        %get3A_1010 = arith.index_cast %add3A_1009 : i32 to index
        %get3A_1011 = arith.constant 800 : index
        %get3A_1012 = tpu.vector_load %arg5[%get3A_1010, %get3A_1011] {strides = array<i32>} : memref<32x1024xf32, #tpu.memory_space<vmem>>, vector<1x16xf32>,
        %get3A_1013 = vector.shape_cast %get3A_1012 : vector<1x16xf32> to vector<16xf32>
        %add3A_1014 = arith.addf %get3A_1008, %get3A_1013 : vector<16xf32>
        %swap3A_1015 = arith.index_cast %scan3A_256 : i32 to index
        %swap3A_1016 = arith.constant 800 : index
        %swap3A_1017 = tpu.vector_load %arg8[%swap3A_1015, %swap3A_1016] {strides = array<i32>} : memref<16x1024xf32, #tpu.memory_space<vmem>>, vector<1x16xf32>,
        %swap3A_1018 = vector.shape_cast %swap3A_1017 : vector<1x16xf32> to vector<16xf32>
        %swap3A_1019 = vector.shape_cast %add3A_1014 : vector<16xf32> to vector<1x16xf32>
        tpu.vector_store %arg8[%swap3A_1015, %swap3A_1016], %swap3A_1019 {strides = array<i32>} : memref<16x1024xf32, #tpu.memory_space<vmem>>, vector<1x16xf32>,
        %get3A_1020 = arith.index_cast %scan3A_256 : i32 to index
        %get3A_1021 = arith.constant 816 : index
        %get3A_1022 = tpu.vector_load %arg6[%get3A_1020, %get3A_1021] {strides = array<i32>} : memref<16x1024xf32, #tpu.memory_space<vmem>>, vector<1x16xf32>,
        %get3A_1023 = vector.shape_cast %get3A_1022 : vector<1x16xf32> to vector<16xf32>
        %add3A_1024 = arith.addi %mul3A_144, %scan3A_256 : i32
        %get3A_1025 = arith.index_cast %add3A_1024 : i32 to index
        %get3A_1026 = arith.constant 816 : index
        %get3A_1027 = tpu.vector_load %arg5[%get3A_1025, %get3A_1026] {strides = array<i32>} : memref<32x1024xf32, #tpu.memory_space<vmem>>, vector<1x16xf32>,
        %get3A_1028 = vector.shape_cast %get3A_1027 : vector<1x16xf32> to vector<16xf32>
        %add3A_1029 = arith.addf %get3A_1023, %get3A_1028 : vector<16xf32>
        %swap3A_1030 = arith.index_cast %scan3A_256 : i32 to index
        %swap3A_1031 = arith.constant 816 : index
        %swap3A_1032 = tpu.vector_load %arg8[%swap3A_1030, %swap3A_1031] {strides = array<i32>} : memref<16x1024xf32, #tpu.memory_space<vmem>>, vector<1x16xf32>,
        %swap3A_1033 = vector.shape_cast %swap3A_1032 : vector<1x16xf32> to vector<16xf32>
        %swap3A_1034 = vector.shape_cast %add3A_1029 : vector<16xf32> to vector<1x16xf32>
        tpu.vector_store %arg8[%swap3A_1030, %swap3A_1031], %swap3A_1034 {strides = array<i32>} : memref<16x1024xf32, #tpu.memory_space<vmem>>, vector<1x16xf32>,
        %get3A_1035 = arith.index_cast %scan3A_256 : i32 to index
        %get3A_1036 = arith.constant 832 : index
        %get3A_1037 = tpu.vector_load %arg6[%get3A_1035, %get3A_1036] {strides = array<i32>} : memref<16x1024xf32, #tpu.memory_space<vmem>>, vector<1x16xf32>,
        %get3A_1038 = vector.shape_cast %get3A_1037 : vector<1x16xf32> to vector<16xf32>
        %add3A_1039 = arith.addi %mul3A_144, %scan3A_256 : i32
        %get3A_1040 = arith.index_cast %add3A_1039 : i32 to index
        %get3A_1041 = arith.constant 832 : index
        %get3A_1042 = tpu.vector_load %arg5[%get3A_1040, %get3A_1041] {strides = array<i32>} : memref<32x1024xf32, #tpu.memory_space<vmem>>, vector<1x16xf32>,
        %get3A_1043 = vector.shape_cast %get3A_1042 : vector<1x16xf32> to vector<16xf32>
        %add3A_1044 = arith.addf %get3A_1038, %get3A_1043 : vector<16xf32>
        %swap3A_1045 = arith.index_cast %scan3A_256 : i32 to index
        %swap3A_1046 = arith.constant 832 : index
        %swap3A_1047 = tpu.vector_load %arg8[%swap3A_1045, %swap3A_1046] {strides = array<i32>} : memref<16x1024xf32, #tpu.memory_space<vmem>>, vector<1x16xf32>,
        %swap3A_1048 = vector.shape_cast %swap3A_1047 : vector<1x16xf32> to vector<16xf32>
        %swap3A_1049 = vector.shape_cast %add3A_1044 : vector<16xf32> to vector<1x16xf32>
        tpu.vector_store %arg8[%swap3A_1045, %swap3A_1046], %swap3A_1049 {strides = array<i32>} : memref<16x1024xf32, #tpu.memory_space<vmem>>, vector<1x16xf32>,
        %get3A_1050 = arith.index_cast %scan3A_256 : i32 to index
        %get3A_1051 = arith.constant 848 : index
        %get3A_1052 = tpu.vector_load %arg6[%get3A_1050, %get3A_1051] {strides = array<i32>} : memref<16x1024xf32, #tpu.memory_space<vmem>>, vector<1x16xf32>,
        %get3A_1053 = vector.shape_cast %get3A_1052 : vector<1x16xf32> to vector<16xf32>
        %add3A_1054 = arith.addi %mul3A_144, %scan3A_256 : i32
        %get3A_1055 = arith.index_cast %add3A_1054 : i32 to index
        %get3A_1056 = arith.constant 848 : index
        %get3A_1057 = tpu.vector_load %arg5[%get3A_1055, %get3A_1056] {strides = array<i32>} : memref<32x1024xf32, #tpu.memory_space<vmem>>, vector<1x16xf32>,
        %get3A_1058 = vector.shape_cast %get3A_1057 : vector<1x16xf32> to vector<16xf32>
        %add3A_1059 = arith.addf %get3A_1053, %get3A_1058 : vector<16xf32>
        %swap3A_1060 = arith.index_cast %scan3A_256 : i32 to index
        %swap3A_1061 = arith.constant 848 : index
        %swap3A_1062 = tpu.vector_load %arg8[%swap3A_1060, %swap3A_1061] {strides = array<i32>} : memref<16x1024xf32, #tpu.memory_space<vmem>>, vector<1x16xf32>,
        %swap3A_1063 = vector.shape_cast %swap3A_1062 : vector<1x16xf32> to vector<16xf32>
        %swap3A_1064 = vector.shape_cast %add3A_1059 : vector<16xf32> to vector<1x16xf32>
        tpu.vector_store %arg8[%swap3A_1060, %swap3A_1061], %swap3A_1064 {strides = array<i32>} : memref<16x1024xf32, #tpu.memory_space<vmem>>, vector<1x16xf32>,
        %get3A_1065 = arith.index_cast %scan3A_256 : i32 to index
        %get3A_1066 = arith.constant 864 : index
        %get3A_1067 = tpu.vector_load %arg6[%get3A_1065, %get3A_1066] {strides = array<i32>} : memref<16x1024xf32, #tpu.memory_space<vmem>>, vector<1x16xf32>,
        %get3A_1068 = vector.shape_cast %get3A_1067 : vector<1x16xf32> to vector<16xf32>
        %add3A_1069 = arith.addi %mul3A_144, %scan3A_256 : i32
        %get3A_1070 = arith.index_cast %add3A_1069 : i32 to index
        %get3A_1071 = arith.constant 864 : index
        %get3A_1072 = tpu.vector_load %arg5[%get3A_1070, %get3A_1071] {strides = array<i32>} : memref<32x1024xf32, #tpu.memory_space<vmem>>, vector<1x16xf32>,
        %get3A_1073 = vector.shape_cast %get3A_1072 : vector<1x16xf32> to vector<16xf32>
        %add3A_1074 = arith.addf %get3A_1068, %get3A_1073 : vector<16xf32>
        %swap3A_1075 = arith.index_cast %scan3A_256 : i32 to index
        %swap3A_1076 = arith.constant 864 : index
        %swap3A_1077 = tpu.vector_load %arg8[%swap3A_1075, %swap3A_1076] {strides = array<i32>} : memref<16x1024xf32, #tpu.memory_space<vmem>>, vector<1x16xf32>,
        %swap3A_1078 = vector.shape_cast %swap3A_1077 : vector<1x16xf32> to vector<16xf32>
        %swap3A_1079 = vector.shape_cast %add3A_1074 : vector<16xf32> to vector<1x16xf32>
        tpu.vector_store %arg8[%swap3A_1075, %swap3A_1076], %swap3A_1079 {strides = array<i32>} : memref<16x1024xf32, #tpu.memory_space<vmem>>, vector<1x16xf32>,
        %get3A_1080 = arith.index_cast %scan3A_256 : i32 to index
        %get3A_1081 = arith.constant 880 : index
        %get3A_1082 = tpu.vector_load %arg6[%get3A_1080, %get3A_1081] {strides = array<i32>} : memref<16x1024xf32, #tpu.memory_space<vmem>>, vector<1x16xf32>,
        %get3A_1083 = vector.shape_cast %get3A_1082 : vector<1x16xf32> to vector<16xf32>
        %add3A_1084 = arith.addi %mul3A_144, %scan3A_256 : i32
        %get3A_1085 = arith.index_cast %add3A_1084 : i32 to index
        %get3A_1086 = arith.constant 880 : index
        %get3A_1087 = tpu.vector_load %arg5[%get3A_1085, %get3A_1086] {strides = array<i32>} : memref<32x1024xf32, #tpu.memory_space<vmem>>, vector<1x16xf32>,
        %get3A_1088 = vector.shape_cast %get3A_1087 : vector<1x16xf32> to vector<16xf32>
        %add3A_1089 = arith.addf %get3A_1083, %get3A_1088 : vector<16xf32>
        %swap3A_1090 = arith.index_cast %scan3A_256 : i32 to index
        %swap3A_1091 = arith.constant 880 : index
        %swap3A_1092 = tpu.vector_load %arg8[%swap3A_1090, %swap3A_1091] {strides = array<i32>} : memref<16x1024xf32, #tpu.memory_space<vmem>>, vector<1x16xf32>,
        %swap3A_1093 = vector.shape_cast %swap3A_1092 : vector<1x16xf32> to vector<16xf32>
        %swap3A_1094 = vector.shape_cast %add3A_1089 : vector<16xf32> to vector<1x16xf32>
        tpu.vector_store %arg8[%swap3A_1090, %swap3A_1091], %swap3A_1094 {strides = array<i32>} : memref<16x1024xf32, #tpu.memory_space<vmem>>, vector<1x16xf32>,
        %get3A_1095 = arith.index_cast %scan3A_256 : i32 to index
        %get3A_1096 = arith.constant 896 : index
        %get3A_1097 = tpu.vector_load %arg6[%get3A_1095, %get3A_1096] {strides = array<i32>} : memref<16x1024xf32, #tpu.memory_space<vmem>>, vector<1x16xf32>,
        %get3A_1098 = vector.shape_cast %get3A_1097 : vector<1x16xf32> to vector<16xf32>
        %add3A_1099 = arith.addi %mul3A_144, %scan3A_256 : i32
        %get3A_1100 = arith.index_cast %add3A_1099 : i32 to index
        %get3A_1101 = arith.constant 896 : index
        %get3A_1102 = tpu.vector_load %arg5[%get3A_1100, %get3A_1101] {strides = array<i32>} : memref<32x1024xf32, #tpu.memory_space<vmem>>, vector<1x16xf32>,
        %get3A_1103 = vector.shape_cast %get3A_1102 : vector<1x16xf32> to vector<16xf32>
        %add3A_1104 = arith.addf %get3A_1098, %get3A_1103 : vector<16xf32>
        %swap3A_1105 = arith.index_cast %scan3A_256 : i32 to index
        %swap3A_1106 = arith.constant 896 : index
        %swap3A_1107 = tpu.vector_load %arg8[%swap3A_1105, %swap3A_1106] {strides = array<i32>} : memref<16x1024xf32, #tpu.memory_space<vmem>>, vector<1x16xf32>,
        %swap3A_1108 = vector.shape_cast %swap3A_1107 : vector<1x16xf32> to vector<16xf32>
        %swap3A_1109 = vector.shape_cast %add3A_1104 : vector<16xf32> to vector<1x16xf32>
        tpu.vector_store %arg8[%swap3A_1105, %swap3A_1106], %swap3A_1109 {strides = array<i32>} : memref<16x1024xf32, #tpu.memory_space<vmem>>, vector<1x16xf32>,
        %get3A_1110 = arith.index_cast %scan3A_256 : i32 to index
        %get3A_1111 = arith.constant 912 : index
        %get3A_1112 = tpu.vector_load %arg6[%get3A_1110, %get3A_1111] {strides = array<i32>} : memref<16x1024xf32, #tpu.memory_space<vmem>>, vector<1x16xf32>,
        %get3A_1113 = vector.shape_cast %get3A_1112 : vector<1x16xf32> to vector<16xf32>
        %add3A_1114 = arith.addi %mul3A_144, %scan3A_256 : i32
        %get3A_1115 = arith.index_cast %add3A_1114 : i32 to index
        %get3A_1116 = arith.constant 912 : index
        %get3A_1117 = tpu.vector_load %arg5[%get3A_1115, %get3A_1116] {strides = array<i32>} : memref<32x1024xf32, #tpu.memory_space<vmem>>, vector<1x16xf32>,
        %get3A_1118 = vector.shape_cast %get3A_1117 : vector<1x16xf32> to vector<16xf32>
        %add3A_1119 = arith.addf %get3A_1113, %get3A_1118 : vector<16xf32>
        %swap3A_1120 = arith.index_cast %scan3A_256 : i32 to index
        %swap3A_1121 = arith.constant 912 : index
        %swap3A_1122 = tpu.vector_load %arg8[%swap3A_1120, %swap3A_1121] {strides = array<i32>} : memref<16x1024xf32, #tpu.memory_space<vmem>>, vector<1x16xf32>,
        %swap3A_1123 = vector.shape_cast %swap3A_1122 : vector<1x16xf32> to vector<16xf32>
        %swap3A_1124 = vector.shape_cast %add3A_1119 : vector<16xf32> to vector<1x16xf32>
        tpu.vector_store %arg8[%swap3A_1120, %swap3A_1121], %swap3A_1124 {strides = array<i32>} : memref<16x1024xf32, #tpu.memory_space<vmem>>, vector<1x16xf32>,
        %get3A_1125 = arith.index_cast %scan3A_256 : i32 to index
        %get3A_1126 = arith.constant 928 : index
        %get3A_1127 = tpu.vector_load %arg6[%get3A_1125, %get3A_1126] {strides = array<i32>} : memref<16x1024xf32, #tpu.memory_space<vmem>>, vector<1x16xf32>,
        %get3A_1128 = vector.shape_cast %get3A_1127 : vector<1x16xf32> to vector<16xf32>
        %add3A_1129 = arith.addi %mul3A_144, %scan3A_256 : i32
        %get3A_1130 = arith.index_cast %add3A_1129 : i32 to index
        %get3A_1131 = arith.constant 928 : index
        %get3A_1132 = tpu.vector_load %arg5[%get3A_1130, %get3A_1131] {strides = array<i32>} : memref<32x1024xf32, #tpu.memory_space<vmem>>, vector<1x16xf32>,
        %get3A_1133 = vector.shape_cast %get3A_1132 : vector<1x16xf32> to vector<16xf32>
        %add3A_1134 = arith.addf %get3A_1128, %get3A_1133 : vector<16xf32>
        %swap3A_1135 = arith.index_cast %scan3A_256 : i32 to index
        %swap3A_1136 = arith.constant 928 : index
        %swap3A_1137 = tpu.vector_load %arg8[%swap3A_1135, %swap3A_1136] {strides = array<i32>} : memref<16x1024xf32, #tpu.memory_space<vmem>>, vector<1x16xf32>,
        %swap3A_1138 = vector.shape_cast %swap3A_1137 : vector<1x16xf32> to vector<16xf32>
        %swap3A_1139 = vector.shape_cast %add3A_1134 : vector<16xf32> to vector<1x16xf32>
        tpu.vector_store %arg8[%swap3A_1135, %swap3A_1136], %swap3A_1139 {strides = array<i32>} : memref<16x1024xf32, #tpu.memory_space<vmem>>, vector<1x16xf32>,
        %get3A_1140 = arith.index_cast %scan3A_256 : i32 to index
        %get3A_1141 = arith.constant 944 : index
        %get3A_1142 = tpu.vector_load %arg6[%get3A_1140, %get3A_1141] {strides = array<i32>} : memref<16x1024xf32, #tpu.memory_space<vmem>>, vector<1x16xf32>,
        %get3A_1143 = vector.shape_cast %get3A_1142 : vector<1x16xf32> to vector<16xf32>
        %add3A_1144 = arith.addi %mul3A_144, %scan3A_256 : i32
        %get3A_1145 = arith.index_cast %add3A_1144 : i32 to index
        %get3A_1146 = arith.constant 944 : index
        %get3A_1147 = tpu.vector_load %arg5[%get3A_1145, %get3A_1146] {strides = array<i32>} : memref<32x1024xf32, #tpu.memory_space<vmem>>, vector<1x16xf32>,
        %get3A_1148 = vector.shape_cast %get3A_1147 : vector<1x16xf32> to vector<16xf32>
        %add3A_1149 = arith.addf %get3A_1143, %get3A_1148 : vector<16xf32>
        %swap3A_1150 = arith.index_cast %scan3A_256 : i32 to index
        %swap3A_1151 = arith.constant 944 : index
        %swap3A_1152 = tpu.vector_load %arg8[%swap3A_1150, %swap3A_1151] {strides = array<i32>} : memref<16x1024xf32, #tpu.memory_space<vmem>>, vector<1x16xf32>,
        %swap3A_1153 = vector.shape_cast %swap3A_1152 : vector<1x16xf32> to vector<16xf32>
        %swap3A_1154 = vector.shape_cast %add3A_1149 : vector<16xf32> to vector<1x16xf32>
        tpu.vector_store %arg8[%swap3A_1150, %swap3A_1151], %swap3A_1154 {strides = array<i32>} : memref<16x1024xf32, #tpu.memory_space<vmem>>, vector<1x16xf32>,
        %get3A_1155 = arith.index_cast %scan3A_256 : i32 to index
        %get3A_1156 = arith.constant 960 : index
        %get3A_1157 = tpu.vector_load %arg6[%get3A_1155, %get3A_1156] {strides = array<i32>} : memref<16x1024xf32, #tpu.memory_space<vmem>>, vector<1x16xf32>,
        %get3A_1158 = vector.shape_cast %get3A_1157 : vector<1x16xf32> to vector<16xf32>
        %add3A_1159 = arith.addi %mul3A_144, %scan3A_256 : i32
        %get3A_1160 = arith.index_cast %add3A_1159 : i32 to index
        %get3A_1161 = arith.constant 960 : index
        %get3A_1162 = tpu.vector_load %arg5[%get3A_1160, %get3A_1161] {strides = array<i32>} : memref<32x1024xf32, #tpu.memory_space<vmem>>, vector<1x16xf32>,
        %get3A_1163 = vector.shape_cast %get3A_1162 : vector<1x16xf32> to vector<16xf32>
        %add3A_1164 = arith.addf %get3A_1158, %get3A_1163 : vector<16xf32>
        %swap3A_1165 = arith.index_cast %scan3A_256 : i32 to index
        %swap3A_1166 = arith.constant 960 : index
        %swap3A_1167 = tpu.vector_load %arg8[%swap3A_1165, %swap3A_1166] {strides = array<i32>} : memref<16x1024xf32, #tpu.memory_space<vmem>>, vector<1x16xf32>,
        %swap3A_1168 = vector.shape_cast %swap3A_1167 : vector<1x16xf32> to vector<16xf32>
        %swap3A_1169 = vector.shape_cast %add3A_1164 : vector<16xf32> to vector<1x16xf32>
        tpu.vector_store %arg8[%swap3A_1165, %swap3A_1166], %swap3A_1169 {strides = array<i32>} : memref<16x1024xf32, #tpu.memory_space<vmem>>, vector<1x16xf32>,
        %get3A_1170 = arith.index_cast %scan3A_256 : i32 to index
        %get3A_1171 = arith.constant 976 : index
        %get3A_1172 = tpu.vector_load %arg6[%get3A_1170, %get3A_1171] {strides = array<i32>} : memref<16x1024xf32, #tpu.memory_space<vmem>>, vector<1x16xf32>,
        %get3A_1173 = vector.shape_cast %get3A_1172 : vector<1x16xf32> to vector<16xf32>
        %add3A_1174 = arith.addi %mul3A_144, %scan3A_256 : i32
        %get3A_1175 = arith.index_cast %add3A_1174 : i32 to index
        %get3A_1176 = arith.constant 976 : index
        %get3A_1177 = tpu.vector_load %arg5[%get3A_1175, %get3A_1176] {strides = array<i32>} : memref<32x1024xf32, #tpu.memory_space<vmem>>, vector<1x16xf32>,
        %get3A_1178 = vector.shape_cast %get3A_1177 : vector<1x16xf32> to vector<16xf32>
        %add3A_1179 = arith.addf %get3A_1173, %get3A_1178 : vector<16xf32>
        %swap3A_1180 = arith.index_cast %scan3A_256 : i32 to index
        %swap3A_1181 = arith.constant 976 : index
        %swap3A_1182 = tpu.vector_load %arg8[%swap3A_1180, %swap3A_1181] {strides = array<i32>} : memref<16x1024xf32, #tpu.memory_space<vmem>>, vector<1x16xf32>,
        %swap3A_1183 = vector.shape_cast %swap3A_1182 : vector<1x16xf32> to vector<16xf32>
        %swap3A_1184 = vector.shape_cast %add3A_1179 : vector<16xf32> to vector<1x16xf32>
        tpu.vector_store %arg8[%swap3A_1180, %swap3A_1181], %swap3A_1184 {strides = array<i32>} : memref<16x1024xf32, #tpu.memory_space<vmem>>, vector<1x16xf32>,
        %get3A_1185 = arith.index_cast %scan3A_256 : i32 to index
        %get3A_1186 = arith.constant 992 : index
        %get3A_1187 = tpu.vector_load %arg6[%get3A_1185, %get3A_1186] {strides = array<i32>} : memref<16x1024xf32, #tpu.memory_space<vmem>>, vector<1x16xf32>,
        %get3A_1188 = vector.shape_cast %get3A_1187 : vector<1x16xf32> to vector<16xf32>
        %add3A_1189 = arith.addi %mul3A_144, %scan3A_256 : i32
        %get3A_1190 = arith.index_cast %add3A_1189 : i32 to index
        %get3A_1191 = arith.constant 992 : index
        %get3A_1192 = tpu.vector_load %arg5[%get3A_1190, %get3A_1191] {strides = array<i32>} : memref<32x1024xf32, #tpu.memory_space<vmem>>, vector<1x16xf32>,
        %get3A_1193 = vector.shape_cast %get3A_1192 : vector<1x16xf32> to vector<16xf32>
        %add3A_1194 = arith.addf %get3A_1188, %get3A_1193 : vector<16xf32>
        %swap3A_1195 = arith.index_cast %scan3A_256 : i32 to index
        %swap3A_1196 = arith.constant 992 : index
        %swap3A_1197 = tpu.vector_load %arg8[%swap3A_1195, %swap3A_1196] {strides = array<i32>} : memref<16x1024xf32, #tpu.memory_space<vmem>>, vector<1x16xf32>,
        %swap3A_1198 = vector.shape_cast %swap3A_1197 : vector<1x16xf32> to vector<16xf32>
        %swap3A_1199 = vector.shape_cast %add3A_1194 : vector<16xf32> to vector<1x16xf32>
        tpu.vector_store %arg8[%swap3A_1195, %swap3A_1196], %swap3A_1199 {strides = array<i32>} : memref<16x1024xf32, #tpu.memory_space<vmem>>, vector<1x16xf32>,
        %get3A_1200 = arith.index_cast %scan3A_256 : i32 to index
        %get3A_1201 = arith.constant 1008 : index
        %get3A_1202 = tpu.vector_load %arg6[%get3A_1200, %get3A_1201] {strides = array<i32>} : memref<16x1024xf32, #tpu.memory_space<vmem>>, vector<1x16xf32>,
        %get3A_1203 = vector.shape_cast %get3A_1202 : vector<1x16xf32> to vector<16xf32>
        %add3A_1204 = arith.addi %mul3A_144, %scan3A_256 : i32
        %get3A_1205 = arith.index_cast %add3A_1204 : i32 to index
        %get3A_1206 = arith.constant 1008 : index
        %get3A_1207 = tpu.vector_load %arg5[%get3A_1205, %get3A_1206] {strides = array<i32>} : memref<32x1024xf32, #tpu.memory_space<vmem>>, vector<1x16xf32>,
        %get3A_1208 = vector.shape_cast %get3A_1207 : vector<1x16xf32> to vector<16xf32>
        %add3A_1209 = arith.addf %get3A_1203, %get3A_1208 : vector<16xf32>
        %swap3A_1210 = arith.index_cast %scan3A_256 : i32 to index
        %swap3A_1211 = arith.constant 1008 : index
        %swap3A_1212 = tpu.vector_load %arg8[%swap3A_1210, %swap3A_1211] {strides = array<i32>} : memref<16x1024xf32, #tpu.memory_space<vmem>>, vector<1x16xf32>,
        %swap3A_1213 = vector.shape_cast %swap3A_1212 : vector<1x16xf32> to vector<16xf32>
        %swap3A_1214 = vector.shape_cast %add3A_1209 : vector<16xf32> to vector<1x16xf32>
        tpu.vector_store %arg8[%swap3A_1210, %swap3A_1211], %swap3A_1214 {strides = array<i32>} : memref<16x1024xf32, #tpu.memory_space<vmem>>, vector<1x16xf32>,
      }
      %scan3A_150 = arith.constant 16 : i32
      %dma_start3A_151 = arith.constant 0 : i32
      %dma_start3A_152 = tpu.memref_slice %arg4[%add3A_120, %dma_start3A_151] : memref<8192x1024xf32, #tpu.memory_space<hbm>> -> memref<16x1024xf32, #tpu.memory_space<hbm>>
      %dma_start3A_153 = arith.constant 0 : i32
      %dma_start3A_154 = tpu.memref_slice %arg4[%add3A_120, %dma_start3A_153] : memref<8192x1024xf32, #tpu.memory_space<hbm>> -> memref<16x1024xf32, #tpu.memory_space<hbm>>
      tpu.enqueue_dma source(%arg8 : memref<16x1024xf32, #tpu.memory_space<vmem>>) target(%dma_start3A_154 : memref<16x1024xf32, #tpu.memory_space<hbm>>) target_semaphore(%arg12 : memref<!tpu.dma_semaphore, #tpu.memory_space<semaphore_mem>>)
      %add3A_155 = arith.constant 2 : i32
      %add3A_156 = arith.addi %add3A_84, %add3A_155 : i32
      %lt3A_157 = arith.constant 8 : i32
      %lt3A_158 = arith.cmpi slt, %add3A_156, %lt3A_157 : i32
      %convert_element_type3A_159 = arith.extui %lt3A_158 : i1 to i32
      %cond3A_160 = arith.constant 0 : i32
      %cond3A_161 = arith.cmpi ne, %convert_element_type3A_159, %cond3A_160 : i32
      scf.if %cond3A_161 {
        %jit3A_256 = arith.constant 2 : i32
        %div3A_257 = arith.divsi %add3A_156, %jit3A_256 : i32
        %sign3A_258 = arith.constant 0 : i32
        %sign3A_259 = arith.cmpi sgt, %add3A_156, %sign3A_258 : i32
        %sign3A_260 = arith.extui %sign3A_259 : i1 to i32
        %sign3A_261 = arith.constant 0 : i32
        %sign3A_262 = arith.cmpi slt, %add3A_156, %sign3A_261 : i32
        %sign3A_263 = arith.extui %sign3A_262 : i1 to i32
        %sign3A_264 = arith.subi %sign3A_260, %sign3A_263 : i32
        %sign3A_265 = arith.constant 0 : i32
        %sign3A_266 = arith.cmpi sgt, %jit3A_256, %sign3A_265 : i32
        %sign3A_267 = arith.extui %sign3A_266 : i1 to i32
        %sign3A_268 = arith.constant 0 : i32
        %sign3A_269 = arith.cmpi slt, %jit3A_256, %sign3A_268 : i32
        %sign3A_270 = arith.extui %sign3A_269 : i1 to i32
        %sign3A_271 = arith.subi %sign3A_267, %sign3A_270 : i32
        %ne3A_272 = arith.cmpi ne, %sign3A_264, %sign3A_271 : i32
        %rem3A_273 = arith.remsi %add3A_156, %jit3A_256 : i32
        %ne3A_274 = arith.constant 0 : i32
        %ne3A_275 = arith.cmpi ne, %rem3A_273, %ne3A_274 : i32
        %and3A_276 = arith.andi %ne3A_272, %ne3A_275 : i1
        %sub3A_277 = arith.constant 1 : i32
        %sub3A_278 = arith.subi %div3A_257, %sub3A_277 : i32
        %select_n3A_279 = arith.select %and3A_276, %sub3A_278, %div3A_257 : i32
        %jit3A_280 = arith.constant 2 : i32
        %eq3A_281 = arith.constant 0 : i32
        %eq3A_282 = arith.cmpi eq, %jit3A_280, %eq3A_281 : i32
        %jit3A_283 = arith.constant 1 : i32
        %select_n3A_284 = arith.select %eq3A_282, %jit3A_283, %jit3A_280 : i32
        %rem3A_285 = arith.remsi %add3A_156, %select_n3A_284 : i32
        %ne3A_286 = arith.constant 0 : i32
        %ne3A_287 = arith.cmpi ne, %rem3A_285, %ne3A_286 : i32
        %lt3A_288 = arith.constant 0 : i32
        %lt3A_289 = arith.cmpi slt, %rem3A_285, %lt3A_288 : i32
        %lt3A_290 = arith.constant 0 : i32
        %lt3A_291 = arith.cmpi slt, %select_n3A_284, %lt3A_290 : i32
        %ne3A_292 = arith.xori %lt3A_289, %lt3A_291 : i1
        %and3A_293 = arith.andi %ne3A_292, %ne3A_287 : i1
        %add3A_294 = arith.addi %rem3A_285, %select_n3A_284 : i32
        %select_n3A_295 = arith.select %and3A_293, %add3A_294, %rem3A_285 : i32
        %mul3A_296 = arith.constant 2048 : i32
        %mul3A_297 = arith.muli %select_n3A_279, %mul3A_296 : i32
        %add3A_298 = arith.addi %mul3A_297, %add3A_41 : i32
        %mul3A_299 = arith.constant 16 : i32
        %mul3A_300 = arith.muli %select_n3A_295, %mul3A_299 : i32
        %add3A_301 = arith.addi %add3A_298, %mul3A_300 : i32
        %dma_start3A_302 = arith.constant 0 : i32
        %dma_start3A_303 = tpu.memref_slice %arg2[%add3A_301, %dma_start3A_302] : memref<8192x1024xf32, #tpu.memory_space<hbm>> -> memref<16x1024xf32, #tpu.memory_space<hbm>>
        %dma_start3A_304 = arith.constant 0 : i32
        %dma_start3A_305 = tpu.memref_slice %arg2[%add3A_301, %dma_start3A_304] : memref<8192x1024xf32, #tpu.memory_space<hbm>> -> memref<16x1024xf32, #tpu.memory_space<hbm>>
        tpu.enqueue_dma source(%dma_start3A_305 : memref<16x1024xf32, #tpu.memory_space<hbm>>) target(%arg6 : memref<16x1024xf32, #tpu.memory_space<vmem>>) target_semaphore(%arg10 : memref<!tpu.dma_semaphore, #tpu.memory_space<semaphore_mem>>)
      } else {
      }
      %mul3A_162 = arith.constant 2 : i32
      %mul3A_163 = arith.muli %scan3A_80, %mul3A_162 : i32
      %add3A_164 = arith.constant 1 : i32
      %add3A_165 = arith.addi %mul3A_163, %add3A_164 : i32
      %jit3A_166 = arith.constant 2 : i32
      %div3A_167 = arith.divsi %add3A_165, %jit3A_166 : i32
      %sign3A_168 = arith.constant 0 : i32
      %sign3A_169 = arith.cmpi sgt, %add3A_165, %sign3A_168 : i32
      %sign3A_170 = arith.extui %sign3A_169 : i1 to i32
      %sign3A_171 = arith.constant 0 : i32
      %sign3A_172 = arith.cmpi slt, %add3A_165, %sign3A_171 : i32
      %sign3A_173 = arith.extui %sign3A_172 : i1 to i32
      %sign3A_174 = arith.subi %sign3A_170, %sign3A_173 : i32
      %sign3A_175 = arith.constant 0 : i32
      %sign3A_176 = arith.cmpi sgt, %jit3A_166, %sign3A_175 : i32
      %sign3A_177 = arith.extui %sign3A_176 : i1 to i32
      %sign3A_178 = arith.constant 0 : i32
      %sign3A_179 = arith.cmpi slt, %jit3A_166, %sign3A_178 : i32
      %sign3A_180 = arith.extui %sign3A_179 : i1 to i32
      %sign3A_181 = arith.subi %sign3A_177, %sign3A_180 : i32
      %ne3A_182 = arith.cmpi ne, %sign3A_174, %sign3A_181 : i32
      %rem3A_183 = arith.remsi %add3A_165, %jit3A_166 : i32
      %ne3A_184 = arith.constant 0 : i32
      %ne3A_185 = arith.cmpi ne, %rem3A_183, %ne3A_184 : i32
      %and3A_186 = arith.andi %ne3A_182, %ne3A_185 : i1
      %sub3A_187 = arith.constant 1 : i32
      %sub3A_188 = arith.subi %div3A_167, %sub3A_187 : i32
      %select_n3A_189 = arith.select %and3A_186, %sub3A_188, %div3A_167 : i32
      %jit3A_190 = arith.constant 2 : i32
      %eq3A_191 = arith.constant 0 : i32
      %eq3A_192 = arith.cmpi eq, %jit3A_190, %eq3A_191 : i32
      %jit3A_193 = arith.constant 1 : i32
      %select_n3A_194 = arith.select %eq3A_192, %jit3A_193, %jit3A_190 : i32
      %rem3A_195 = arith.remsi %add3A_165, %select_n3A_194 : i32
      %ne3A_196 = arith.constant 0 : i32
      %ne3A_197 = arith.cmpi ne, %rem3A_195, %ne3A_196 : i32
      %lt3A_198 = arith.constant 0 : i32
      %lt3A_199 = arith.cmpi slt, %rem3A_195, %lt3A_198 : i32
      %lt3A_200 = arith.constant 0 : i32
      %lt3A_201 = arith.cmpi slt, %select_n3A_194, %lt3A_200 : i32
      %ne3A_202 = arith.xori %lt3A_199, %lt3A_201 : i1
      %and3A_203 = arith.andi %ne3A_202, %ne3A_197 : i1
      %add3A_204 = arith.addi %rem3A_195, %select_n3A_194 : i32
      %select_n3A_205 = arith.select %and3A_203, %add3A_204, %rem3A_195 : i32
      %mul3A_206 = arith.constant 2048 : i32
      %mul3A_207 = arith.muli %select_n3A_189, %mul3A_206 : i32
      %add3A_208 = arith.addi %mul3A_207, %add3A_41 : i32
      %mul3A_209 = arith.constant 16 : i32
      %mul3A_210 = arith.muli %select_n3A_205, %mul3A_209 : i32
      %add3A_211 = arith.addi %add3A_208, %mul3A_210 : i32
      %dma_wait3A_212 = arith.constant 0 : i32
      %dma_wait3A_213 = tpu.memref_slice %arg2[%add3A_211, %dma_wait3A_212] : memref<8192x1024xf32, #tpu.memory_space<hbm>> -> memref<16x1024xf32, #tpu.memory_space<hbm>>
      %dma_wait3A_214 = arith.constant 0 : i32
      %dma_wait3A_215 = tpu.memref_slice %arg2[%add3A_211, %dma_wait3A_214] : memref<8192x1024xf32, #tpu.memory_space<hbm>> -> memref<16x1024xf32, #tpu.memory_space<hbm>>
      tpu.wait_dma2 semaphore(%arg11 : memref<!tpu.dma_semaphore, #tpu.memory_space<semaphore_mem>>) src(%dma_wait3A_215 : memref<16x1024xf32, #tpu.memory_space<hbm>>) dst(%arg7 : memref<16x1024xf32, #tpu.memory_space<vmem>>)
      %ge3A_216 = arith.constant 2 : i32
      %ge3A_217 = arith.cmpi sge, %add3A_165, %ge3A_216 : i32
      %convert_element_type3A_218 = arith.extui %ge3A_217 : i1 to i32
      %cond3A_219 = arith.constant 0 : i32
      %cond3A_220 = arith.cmpi ne, %convert_element_type3A_218, %cond3A_219 : i32
      scf.if %cond3A_220 {
        %dma_wait3A_256 = arith.constant 0 : i32
        %dma_wait3A_257 = tpu.memref_slice %arg4[%add3A_211, %dma_wait3A_256] : memref<8192x1024xf32, #tpu.memory_space<hbm>> -> memref<16x1024xf32, #tpu.memory_space<hbm>>
        %dma_wait3A_258 = arith.constant 0 : i32
        %dma_wait3A_259 = tpu.memref_slice %arg4[%add3A_211, %dma_wait3A_258] : memref<8192x1024xf32, #tpu.memory_space<hbm>> -> memref<16x1024xf32, #tpu.memory_space<hbm>>
        tpu.wait_dma2 semaphore(%arg13 : memref<!tpu.dma_semaphore, #tpu.memory_space<semaphore_mem>>) src(%arg9 : memref<16x1024xf32, #tpu.memory_space<vmem>>) dst(%dma_wait3A_259 : memref<16x1024xf32, #tpu.memory_space<hbm>>)
      } else {
      }
      %jit3A_221 = arith.constant 2 : i32
      %eq3A_222 = arith.constant 0 : i32
      %eq3A_223 = arith.cmpi eq, %jit3A_221, %eq3A_222 : i32
      %jit3A_224 = arith.constant 1 : i32
      %select_n3A_225 = arith.select %eq3A_223, %jit3A_224, %jit3A_221 : i32
      %rem3A_226 = arith.remsi %add3A_165, %select_n3A_225 : i32
      %ne3A_227 = arith.constant 0 : i32
      %ne3A_228 = arith.cmpi ne, %rem3A_226, %ne3A_227 : i32
      %lt3A_229 = arith.constant 0 : i32
      %lt3A_230 = arith.cmpi slt, %rem3A_226, %lt3A_229 : i32
      %lt3A_231 = arith.constant 0 : i32
      %lt3A_232 = arith.cmpi slt, %select_n3A_225, %lt3A_231 : i32
      %ne3A_233 = arith.xori %lt3A_230, %lt3A_232 : i1
      %and3A_234 = arith.andi %ne3A_233, %ne3A_228 : i1
      %add3A_235 = arith.addi %rem3A_226, %select_n3A_225 : i32
      %select_n3A_236 = arith.select %and3A_234, %add3A_235, %rem3A_226 : i32
      %mul3A_237 = arith.constant 16 : i32
      %mul3A_238 = arith.muli %select_n3A_236, %mul3A_237 : i32
      %scan3A_239 = arith.constant 0 : i32
      %scan3A_240 = arith.constant 0 : i32
      %scan3A_241 = arith.constant 16 : i32
      %scan3A_242 = arith.addi %scan3A_240, %scan3A_241 : i32
      %scan3A_243 = arith.constant 1 : i32
      scf.for %scan3A_256 = %scan3A_240 to %scan3A_242 step %scan3A_243  : i32 {
        %get3A = arith.index_cast %scan3A_256 : i32 to index
        %get3A_257 = arith.constant 0 : index
        %get3A_258 = tpu.vector_load %arg7[%get3A, %get3A_257] {strides = array<i32>} : memref<16x1024xf32, #tpu.memory_space<vmem>>, vector<1x16xf32>,
        %get3A_259 = vector.shape_cast %get3A_258 : vector<1x16xf32> to vector<16xf32>
        %add3A_260 = arith.addi %mul3A_238, %scan3A_256 : i32
        %get3A_261 = arith.index_cast %add3A_260 : i32 to index
        %get3A_262 = arith.constant 0 : index
        %get3A_263 = tpu.vector_load %arg5[%get3A_261, %get3A_262] {strides = array<i32>} : memref<32x1024xf32, #tpu.memory_space<vmem>>, vector<1x16xf32>,
        %get3A_264 = vector.shape_cast %get3A_263 : vector<1x16xf32> to vector<16xf32>
        %add3A_265 = arith.addf %get3A_259, %get3A_264 : vector<16xf32>
        %swap3A = arith.index_cast %scan3A_256 : i32 to index
        %swap3A_266 = arith.constant 0 : index
        %swap3A_267 = tpu.vector_load %arg9[%swap3A, %swap3A_266] {strides = array<i32>} : memref<16x1024xf32, #tpu.memory_space<vmem>>, vector<1x16xf32>,
        %swap3A_268 = vector.shape_cast %swap3A_267 : vector<1x16xf32> to vector<16xf32>
        %swap3A_269 = vector.shape_cast %add3A_265 : vector<16xf32> to vector<1x16xf32>
        tpu.vector_store %arg9[%swap3A, %swap3A_266], %swap3A_269 {strides = array<i32>} : memref<16x1024xf32, #tpu.memory_space<vmem>>, vector<1x16xf32>,
        %get3A_270 = arith.index_cast %scan3A_256 : i32 to index
        %get3A_271 = arith.constant 16 : index
        %get3A_272 = tpu.vector_load %arg7[%get3A_270, %get3A_271] {strides = array<i32>} : memref<16x1024xf32, #tpu.memory_space<vmem>>, vector<1x16xf32>,
        %get3A_273 = vector.shape_cast %get3A_272 : vector<1x16xf32> to vector<16xf32>
        %add3A_274 = arith.addi %mul3A_238, %scan3A_256 : i32
        %get3A_275 = arith.index_cast %add3A_274 : i32 to index
        %get3A_276 = arith.constant 16 : index
        %get3A_277 = tpu.vector_load %arg5[%get3A_275, %get3A_276] {strides = array<i32>} : memref<32x1024xf32, #tpu.memory_space<vmem>>, vector<1x16xf32>,
        %get3A_278 = vector.shape_cast %get3A_277 : vector<1x16xf32> to vector<16xf32>
        %add3A_279 = arith.addf %get3A_273, %get3A_278 : vector<16xf32>
        %swap3A_280 = arith.index_cast %scan3A_256 : i32 to index
        %swap3A_281 = arith.constant 16 : index
        %swap3A_282 = tpu.vector_load %arg9[%swap3A_280, %swap3A_281] {strides = array<i32>} : memref<16x1024xf32, #tpu.memory_space<vmem>>, vector<1x16xf32>,
        %swap3A_283 = vector.shape_cast %swap3A_282 : vector<1x16xf32> to vector<16xf32>
        %swap3A_284 = vector.shape_cast %add3A_279 : vector<16xf32> to vector<1x16xf32>
        tpu.vector_store %arg9[%swap3A_280, %swap3A_281], %swap3A_284 {strides = array<i32>} : memref<16x1024xf32, #tpu.memory_space<vmem>>, vector<1x16xf32>,
        %get3A_285 = arith.index_cast %scan3A_256 : i32 to index
        %get3A_286 = arith.constant 32 : index
        %get3A_287 = tpu.vector_load %arg7[%get3A_285, %get3A_286] {strides = array<i32>} : memref<16x1024xf32, #tpu.memory_space<vmem>>, vector<1x16xf32>,
        %get3A_288 = vector.shape_cast %get3A_287 : vector<1x16xf32> to vector<16xf32>
        %add3A_289 = arith.addi %mul3A_238, %scan3A_256 : i32
        %get3A_290 = arith.index_cast %add3A_289 : i32 to index
        %get3A_291 = arith.constant 32 : index
        %get3A_292 = tpu.vector_load %arg5[%get3A_290, %get3A_291] {strides = array<i32>} : memref<32x1024xf32, #tpu.memory_space<vmem>>, vector<1x16xf32>,
        %get3A_293 = vector.shape_cast %get3A_292 : vector<1x16xf32> to vector<16xf32>
        %add3A_294 = arith.addf %get3A_288, %get3A_293 : vector<16xf32>
        %swap3A_295 = arith.index_cast %scan3A_256 : i32 to index
        %swap3A_296 = arith.constant 32 : index
        %swap3A_297 = tpu.vector_load %arg9[%swap3A_295, %swap3A_296] {strides = array<i32>} : memref<16x1024xf32, #tpu.memory_space<vmem>>, vector<1x16xf32>,
        %swap3A_298 = vector.shape_cast %swap3A_297 : vector<1x16xf32> to vector<16xf32>
        %swap3A_299 = vector.shape_cast %add3A_294 : vector<16xf32> to vector<1x16xf32>
        tpu.vector_store %arg9[%swap3A_295, %swap3A_296], %swap3A_299 {strides = array<i32>} : memref<16x1024xf32, #tpu.memory_space<vmem>>, vector<1x16xf32>,
        %get3A_300 = arith.index_cast %scan3A_256 : i32 to index
        %get3A_301 = arith.constant 48 : index
        %get3A_302 = tpu.vector_load %arg7[%get3A_300, %get3A_301] {strides = array<i32>} : memref<16x1024xf32, #tpu.memory_space<vmem>>, vector<1x16xf32>,
        %get3A_303 = vector.shape_cast %get3A_302 : vector<1x16xf32> to vector<16xf32>
        %add3A_304 = arith.addi %mul3A_238, %scan3A_256 : i32
        %get3A_305 = arith.index_cast %add3A_304 : i32 to index
        %get3A_306 = arith.constant 48 : index
        %get3A_307 = tpu.vector_load %arg5[%get3A_305, %get3A_306] {strides = array<i32>} : memref<32x1024xf32, #tpu.memory_space<vmem>>, vector<1x16xf32>,
        %get3A_308 = vector.shape_cast %get3A_307 : vector<1x16xf32> to vector<16xf32>
        %add3A_309 = arith.addf %get3A_303, %get3A_308 : vector<16xf32>
        %swap3A_310 = arith.index_cast %scan3A_256 : i32 to index
        %swap3A_311 = arith.constant 48 : index
        %swap3A_312 = tpu.vector_load %arg9[%swap3A_310, %swap3A_311] {strides = array<i32>} : memref<16x1024xf32, #tpu.memory_space<vmem>>, vector<1x16xf32>,
        %swap3A_313 = vector.shape_cast %swap3A_312 : vector<1x16xf32> to vector<16xf32>
        %swap3A_314 = vector.shape_cast %add3A_309 : vector<16xf32> to vector<1x16xf32>
        tpu.vector_store %arg9[%swap3A_310, %swap3A_311], %swap3A_314 {strides = array<i32>} : memref<16x1024xf32, #tpu.memory_space<vmem>>, vector<1x16xf32>,
        %get3A_315 = arith.index_cast %scan3A_256 : i32 to index
        %get3A_316 = arith.constant 64 : index
        %get3A_317 = tpu.vector_load %arg7[%get3A_315, %get3A_316] {strides = array<i32>} : memref<16x1024xf32, #tpu.memory_space<vmem>>, vector<1x16xf32>,
        %get3A_318 = vector.shape_cast %get3A_317 : vector<1x16xf32> to vector<16xf32>
        %add3A_319 = arith.addi %mul3A_238, %scan3A_256 : i32
        %get3A_320 = arith.index_cast %add3A_319 : i32 to index
        %get3A_321 = arith.constant 64 : index
        %get3A_322 = tpu.vector_load %arg5[%get3A_320, %get3A_321] {strides = array<i32>} : memref<32x1024xf32, #tpu.memory_space<vmem>>, vector<1x16xf32>,
        %get3A_323 = vector.shape_cast %get3A_322 : vector<1x16xf32> to vector<16xf32>
        %add3A_324 = arith.addf %get3A_318, %get3A_323 : vector<16xf32>
        %swap3A_325 = arith.index_cast %scan3A_256 : i32 to index
        %swap3A_326 = arith.constant 64 : index
        %swap3A_327 = tpu.vector_load %arg9[%swap3A_325, %swap3A_326] {strides = array<i32>} : memref<16x1024xf32, #tpu.memory_space<vmem>>, vector<1x16xf32>,
        %swap3A_328 = vector.shape_cast %swap3A_327 : vector<1x16xf32> to vector<16xf32>
        %swap3A_329 = vector.shape_cast %add3A_324 : vector<16xf32> to vector<1x16xf32>
        tpu.vector_store %arg9[%swap3A_325, %swap3A_326], %swap3A_329 {strides = array<i32>} : memref<16x1024xf32, #tpu.memory_space<vmem>>, vector<1x16xf32>,
        %get3A_330 = arith.index_cast %scan3A_256 : i32 to index
        %get3A_331 = arith.constant 80 : index
        %get3A_332 = tpu.vector_load %arg7[%get3A_330, %get3A_331] {strides = array<i32>} : memref<16x1024xf32, #tpu.memory_space<vmem>>, vector<1x16xf32>,
        %get3A_333 = vector.shape_cast %get3A_332 : vector<1x16xf32> to vector<16xf32>
        %add3A_334 = arith.addi %mul3A_238, %scan3A_256 : i32
        %get3A_335 = arith.index_cast %add3A_334 : i32 to index
        %get3A_336 = arith.constant 80 : index
        %get3A_337 = tpu.vector_load %arg5[%get3A_335, %get3A_336] {strides = array<i32>} : memref<32x1024xf32, #tpu.memory_space<vmem>>, vector<1x16xf32>,
        %get3A_338 = vector.shape_cast %get3A_337 : vector<1x16xf32> to vector<16xf32>
        %add3A_339 = arith.addf %get3A_333, %get3A_338 : vector<16xf32>
        %swap3A_340 = arith.index_cast %scan3A_256 : i32 to index
        %swap3A_341 = arith.constant 80 : index
        %swap3A_342 = tpu.vector_load %arg9[%swap3A_340, %swap3A_341] {strides = array<i32>} : memref<16x1024xf32, #tpu.memory_space<vmem>>, vector<1x16xf32>,
        %swap3A_343 = vector.shape_cast %swap3A_342 : vector<1x16xf32> to vector<16xf32>
        %swap3A_344 = vector.shape_cast %add3A_339 : vector<16xf32> to vector<1x16xf32>
        tpu.vector_store %arg9[%swap3A_340, %swap3A_341], %swap3A_344 {strides = array<i32>} : memref<16x1024xf32, #tpu.memory_space<vmem>>, vector<1x16xf32>,
        %get3A_345 = arith.index_cast %scan3A_256 : i32 to index
        %get3A_346 = arith.constant 96 : index
        %get3A_347 = tpu.vector_load %arg7[%get3A_345, %get3A_346] {strides = array<i32>} : memref<16x1024xf32, #tpu.memory_space<vmem>>, vector<1x16xf32>,
        %get3A_348 = vector.shape_cast %get3A_347 : vector<1x16xf32> to vector<16xf32>
        %add3A_349 = arith.addi %mul3A_238, %scan3A_256 : i32
        %get3A_350 = arith.index_cast %add3A_349 : i32 to index
        %get3A_351 = arith.constant 96 : index
        %get3A_352 = tpu.vector_load %arg5[%get3A_350, %get3A_351] {strides = array<i32>} : memref<32x1024xf32, #tpu.memory_space<vmem>>, vector<1x16xf32>,
        %get3A_353 = vector.shape_cast %get3A_352 : vector<1x16xf32> to vector<16xf32>
        %add3A_354 = arith.addf %get3A_348, %get3A_353 : vector<16xf32>
        %swap3A_355 = arith.index_cast %scan3A_256 : i32 to index
        %swap3A_356 = arith.constant 96 : index
        %swap3A_357 = tpu.vector_load %arg9[%swap3A_355, %swap3A_356] {strides = array<i32>} : memref<16x1024xf32, #tpu.memory_space<vmem>>, vector<1x16xf32>,
        %swap3A_358 = vector.shape_cast %swap3A_357 : vector<1x16xf32> to vector<16xf32>
        %swap3A_359 = vector.shape_cast %add3A_354 : vector<16xf32> to vector<1x16xf32>
        tpu.vector_store %arg9[%swap3A_355, %swap3A_356], %swap3A_359 {strides = array<i32>} : memref<16x1024xf32, #tpu.memory_space<vmem>>, vector<1x16xf32>,
        %get3A_360 = arith.index_cast %scan3A_256 : i32 to index
        %get3A_361 = arith.constant 112 : index
        %get3A_362 = tpu.vector_load %arg7[%get3A_360, %get3A_361] {strides = array<i32>} : memref<16x1024xf32, #tpu.memory_space<vmem>>, vector<1x16xf32>,
        %get3A_363 = vector.shape_cast %get3A_362 : vector<1x16xf32> to vector<16xf32>
        %add3A_364 = arith.addi %mul3A_238, %scan3A_256 : i32
        %get3A_365 = arith.index_cast %add3A_364 : i32 to index
        %get3A_366 = arith.constant 112 : index
        %get3A_367 = tpu.vector_load %arg5[%get3A_365, %get3A_366] {strides = array<i32>} : memref<32x1024xf32, #tpu.memory_space<vmem>>, vector<1x16xf32>,
        %get3A_368 = vector.shape_cast %get3A_367 : vector<1x16xf32> to vector<16xf32>
        %add3A_369 = arith.addf %get3A_363, %get3A_368 : vector<16xf32>
        %swap3A_370 = arith.index_cast %scan3A_256 : i32 to index
        %swap3A_371 = arith.constant 112 : index
        %swap3A_372 = tpu.vector_load %arg9[%swap3A_370, %swap3A_371] {strides = array<i32>} : memref<16x1024xf32, #tpu.memory_space<vmem>>, vector<1x16xf32>,
        %swap3A_373 = vector.shape_cast %swap3A_372 : vector<1x16xf32> to vector<16xf32>
        %swap3A_374 = vector.shape_cast %add3A_369 : vector<16xf32> to vector<1x16xf32>
        tpu.vector_store %arg9[%swap3A_370, %swap3A_371], %swap3A_374 {strides = array<i32>} : memref<16x1024xf32, #tpu.memory_space<vmem>>, vector<1x16xf32>,
        %get3A_375 = arith.index_cast %scan3A_256 : i32 to index
        %get3A_376 = arith.constant 128 : index
        %get3A_377 = tpu.vector_load %arg7[%get3A_375, %get3A_376] {strides = array<i32>} : memref<16x1024xf32, #tpu.memory_space<vmem>>, vector<1x16xf32>,
        %get3A_378 = vector.shape_cast %get3A_377 : vector<1x16xf32> to vector<16xf32>
        %add3A_379 = arith.addi %mul3A_238, %scan3A_256 : i32
        %get3A_380 = arith.index_cast %add3A_379 : i32 to index
        %get3A_381 = arith.constant 128 : index
        %get3A_382 = tpu.vector_load %arg5[%get3A_380, %get3A_381] {strides = array<i32>} : memref<32x1024xf32, #tpu.memory_space<vmem>>, vector<1x16xf32>,
        %get3A_383 = vector.shape_cast %get3A_382 : vector<1x16xf32> to vector<16xf32>
        %add3A_384 = arith.addf %get3A_378, %get3A_383 : vector<16xf32>
        %swap3A_385 = arith.index_cast %scan3A_256 : i32 to index
        %swap3A_386 = arith.constant 128 : index
        %swap3A_387 = tpu.vector_load %arg9[%swap3A_385, %swap3A_386] {strides = array<i32>} : memref<16x1024xf32, #tpu.memory_space<vmem>>, vector<1x16xf32>,
        %swap3A_388 = vector.shape_cast %swap3A_387 : vector<1x16xf32> to vector<16xf32>
        %swap3A_389 = vector.shape_cast %add3A_384 : vector<16xf32> to vector<1x16xf32>
        tpu.vector_store %arg9[%swap3A_385, %swap3A_386], %swap3A_389 {strides = array<i32>} : memref<16x1024xf32, #tpu.memory_space<vmem>>, vector<1x16xf32>,
        %get3A_390 = arith.index_cast %scan3A_256 : i32 to index
        %get3A_391 = arith.constant 144 : index
        %get3A_392 = tpu.vector_load %arg7[%get3A_390, %get3A_391] {strides = array<i32>} : memref<16x1024xf32, #tpu.memory_space<vmem>>, vector<1x16xf32>,
        %get3A_393 = vector.shape_cast %get3A_392 : vector<1x16xf32> to vector<16xf32>
        %add3A_394 = arith.addi %mul3A_238, %scan3A_256 : i32
        %get3A_395 = arith.index_cast %add3A_394 : i32 to index
        %get3A_396 = arith.constant 144 : index
        %get3A_397 = tpu.vector_load %arg5[%get3A_395, %get3A_396] {strides = array<i32>} : memref<32x1024xf32, #tpu.memory_space<vmem>>, vector<1x16xf32>,
        %get3A_398 = vector.shape_cast %get3A_397 : vector<1x16xf32> to vector<16xf32>
        %add3A_399 = arith.addf %get3A_393, %get3A_398 : vector<16xf32>
        %swap3A_400 = arith.index_cast %scan3A_256 : i32 to index
        %swap3A_401 = arith.constant 144 : index
        %swap3A_402 = tpu.vector_load %arg9[%swap3A_400, %swap3A_401] {strides = array<i32>} : memref<16x1024xf32, #tpu.memory_space<vmem>>, vector<1x16xf32>,
        %swap3A_403 = vector.shape_cast %swap3A_402 : vector<1x16xf32> to vector<16xf32>
        %swap3A_404 = vector.shape_cast %add3A_399 : vector<16xf32> to vector<1x16xf32>
        tpu.vector_store %arg9[%swap3A_400, %swap3A_401], %swap3A_404 {strides = array<i32>} : memref<16x1024xf32, #tpu.memory_space<vmem>>, vector<1x16xf32>,
        %get3A_405 = arith.index_cast %scan3A_256 : i32 to index
        %get3A_406 = arith.constant 160 : index
        %get3A_407 = tpu.vector_load %arg7[%get3A_405, %get3A_406] {strides = array<i32>} : memref<16x1024xf32, #tpu.memory_space<vmem>>, vector<1x16xf32>,
        %get3A_408 = vector.shape_cast %get3A_407 : vector<1x16xf32> to vector<16xf32>
        %add3A_409 = arith.addi %mul3A_238, %scan3A_256 : i32
        %get3A_410 = arith.index_cast %add3A_409 : i32 to index
        %get3A_411 = arith.constant 160 : index
        %get3A_412 = tpu.vector_load %arg5[%get3A_410, %get3A_411] {strides = array<i32>} : memref<32x1024xf32, #tpu.memory_space<vmem>>, vector<1x16xf32>,
        %get3A_413 = vector.shape_cast %get3A_412 : vector<1x16xf32> to vector<16xf32>
        %add3A_414 = arith.addf %get3A_408, %get3A_413 : vector<16xf32>
        %swap3A_415 = arith.index_cast %scan3A_256 : i32 to index
        %swap3A_416 = arith.constant 160 : index
        %swap3A_417 = tpu.vector_load %arg9[%swap3A_415, %swap3A_416] {strides = array<i32>} : memref<16x1024xf32, #tpu.memory_space<vmem>>, vector<1x16xf32>,
        %swap3A_418 = vector.shape_cast %swap3A_417 : vector<1x16xf32> to vector<16xf32>
        %swap3A_419 = vector.shape_cast %add3A_414 : vector<16xf32> to vector<1x16xf32>
        tpu.vector_store %arg9[%swap3A_415, %swap3A_416], %swap3A_419 {strides = array<i32>} : memref<16x1024xf32, #tpu.memory_space<vmem>>, vector<1x16xf32>,
        %get3A_420 = arith.index_cast %scan3A_256 : i32 to index
        %get3A_421 = arith.constant 176 : index
        %get3A_422 = tpu.vector_load %arg7[%get3A_420, %get3A_421] {strides = array<i32>} : memref<16x1024xf32, #tpu.memory_space<vmem>>, vector<1x16xf32>,
        %get3A_423 = vector.shape_cast %get3A_422 : vector<1x16xf32> to vector<16xf32>
        %add3A_424 = arith.addi %mul3A_238, %scan3A_256 : i32
        %get3A_425 = arith.index_cast %add3A_424 : i32 to index
        %get3A_426 = arith.constant 176 : index
        %get3A_427 = tpu.vector_load %arg5[%get3A_425, %get3A_426] {strides = array<i32>} : memref<32x1024xf32, #tpu.memory_space<vmem>>, vector<1x16xf32>,
        %get3A_428 = vector.shape_cast %get3A_427 : vector<1x16xf32> to vector<16xf32>
        %add3A_429 = arith.addf %get3A_423, %get3A_428 : vector<16xf32>
        %swap3A_430 = arith.index_cast %scan3A_256 : i32 to index
        %swap3A_431 = arith.constant 176 : index
        %swap3A_432 = tpu.vector_load %arg9[%swap3A_430, %swap3A_431] {strides = array<i32>} : memref<16x1024xf32, #tpu.memory_space<vmem>>, vector<1x16xf32>,
        %swap3A_433 = vector.shape_cast %swap3A_432 : vector<1x16xf32> to vector<16xf32>
        %swap3A_434 = vector.shape_cast %add3A_429 : vector<16xf32> to vector<1x16xf32>
        tpu.vector_store %arg9[%swap3A_430, %swap3A_431], %swap3A_434 {strides = array<i32>} : memref<16x1024xf32, #tpu.memory_space<vmem>>, vector<1x16xf32>,
        %get3A_435 = arith.index_cast %scan3A_256 : i32 to index
        %get3A_436 = arith.constant 192 : index
        %get3A_437 = tpu.vector_load %arg7[%get3A_435, %get3A_436] {strides = array<i32>} : memref<16x1024xf32, #tpu.memory_space<vmem>>, vector<1x16xf32>,
        %get3A_438 = vector.shape_cast %get3A_437 : vector<1x16xf32> to vector<16xf32>
        %add3A_439 = arith.addi %mul3A_238, %scan3A_256 : i32
        %get3A_440 = arith.index_cast %add3A_439 : i32 to index
        %get3A_441 = arith.constant 192 : index
        %get3A_442 = tpu.vector_load %arg5[%get3A_440, %get3A_441] {strides = array<i32>} : memref<32x1024xf32, #tpu.memory_space<vmem>>, vector<1x16xf32>,
        %get3A_443 = vector.shape_cast %get3A_442 : vector<1x16xf32> to vector<16xf32>
        %add3A_444 = arith.addf %get3A_438, %get3A_443 : vector<16xf32>
        %swap3A_445 = arith.index_cast %scan3A_256 : i32 to index
        %swap3A_446 = arith.constant 192 : index
        %swap3A_447 = tpu.vector_load %arg9[%swap3A_445, %swap3A_446] {strides = array<i32>} : memref<16x1024xf32, #tpu.memory_space<vmem>>, vector<1x16xf32>,
        %swap3A_448 = vector.shape_cast %swap3A_447 : vector<1x16xf32> to vector<16xf32>
        %swap3A_449 = vector.shape_cast %add3A_444 : vector<16xf32> to vector<1x16xf32>
        tpu.vector_store %arg9[%swap3A_445, %swap3A_446], %swap3A_449 {strides = array<i32>} : memref<16x1024xf32, #tpu.memory_space<vmem>>, vector<1x16xf32>,
        %get3A_450 = arith.index_cast %scan3A_256 : i32 to index
        %get3A_451 = arith.constant 208 : index
        %get3A_452 = tpu.vector_load %arg7[%get3A_450, %get3A_451] {strides = array<i32>} : memref<16x1024xf32, #tpu.memory_space<vmem>>, vector<1x16xf32>,
        %get3A_453 = vector.shape_cast %get3A_452 : vector<1x16xf32> to vector<16xf32>
        %add3A_454 = arith.addi %mul3A_238, %scan3A_256 : i32
        %get3A_455 = arith.index_cast %add3A_454 : i32 to index
        %get3A_456 = arith.constant 208 : index
        %get3A_457 = tpu.vector_load %arg5[%get3A_455, %get3A_456] {strides = array<i32>} : memref<32x1024xf32, #tpu.memory_space<vmem>>, vector<1x16xf32>,
        %get3A_458 = vector.shape_cast %get3A_457 : vector<1x16xf32> to vector<16xf32>
        %add3A_459 = arith.addf %get3A_453, %get3A_458 : vector<16xf32>
        %swap3A_460 = arith.index_cast %scan3A_256 : i32 to index
        %swap3A_461 = arith.constant 208 : index
        %swap3A_462 = tpu.vector_load %arg9[%swap3A_460, %swap3A_461] {strides = array<i32>} : memref<16x1024xf32, #tpu.memory_space<vmem>>, vector<1x16xf32>,
        %swap3A_463 = vector.shape_cast %swap3A_462 : vector<1x16xf32> to vector<16xf32>
        %swap3A_464 = vector.shape_cast %add3A_459 : vector<16xf32> to vector<1x16xf32>
        tpu.vector_store %arg9[%swap3A_460, %swap3A_461], %swap3A_464 {strides = array<i32>} : memref<16x1024xf32, #tpu.memory_space<vmem>>, vector<1x16xf32>,
        %get3A_465 = arith.index_cast %scan3A_256 : i32 to index
        %get3A_466 = arith.constant 224 : index
        %get3A_467 = tpu.vector_load %arg7[%get3A_465, %get3A_466] {strides = array<i32>} : memref<16x1024xf32, #tpu.memory_space<vmem>>, vector<1x16xf32>,
        %get3A_468 = vector.shape_cast %get3A_467 : vector<1x16xf32> to vector<16xf32>
        %add3A_469 = arith.addi %mul3A_238, %scan3A_256 : i32
        %get3A_470 = arith.index_cast %add3A_469 : i32 to index
        %get3A_471 = arith.constant 224 : index
        %get3A_472 = tpu.vector_load %arg5[%get3A_470, %get3A_471] {strides = array<i32>} : memref<32x1024xf32, #tpu.memory_space<vmem>>, vector<1x16xf32>,
        %get3A_473 = vector.shape_cast %get3A_472 : vector<1x16xf32> to vector<16xf32>
        %add3A_474 = arith.addf %get3A_468, %get3A_473 : vector<16xf32>
        %swap3A_475 = arith.index_cast %scan3A_256 : i32 to index
        %swap3A_476 = arith.constant 224 : index
        %swap3A_477 = tpu.vector_load %arg9[%swap3A_475, %swap3A_476] {strides = array<i32>} : memref<16x1024xf32, #tpu.memory_space<vmem>>, vector<1x16xf32>,
        %swap3A_478 = vector.shape_cast %swap3A_477 : vector<1x16xf32> to vector<16xf32>
        %swap3A_479 = vector.shape_cast %add3A_474 : vector<16xf32> to vector<1x16xf32>
        tpu.vector_store %arg9[%swap3A_475, %swap3A_476], %swap3A_479 {strides = array<i32>} : memref<16x1024xf32, #tpu.memory_space<vmem>>, vector<1x16xf32>,
        %get3A_480 = arith.index_cast %scan3A_256 : i32 to index
        %get3A_481 = arith.constant 240 : index
        %get3A_482 = tpu.vector_load %arg7[%get3A_480, %get3A_481] {strides = array<i32>} : memref<16x1024xf32, #tpu.memory_space<vmem>>, vector<1x16xf32>,
        %get3A_483 = vector.shape_cast %get3A_482 : vector<1x16xf32> to vector<16xf32>
        %add3A_484 = arith.addi %mul3A_238, %scan3A_256 : i32
        %get3A_485 = arith.index_cast %add3A_484 : i32 to index
        %get3A_486 = arith.constant 240 : index
        %get3A_487 = tpu.vector_load %arg5[%get3A_485, %get3A_486] {strides = array<i32>} : memref<32x1024xf32, #tpu.memory_space<vmem>>, vector<1x16xf32>,
        %get3A_488 = vector.shape_cast %get3A_487 : vector<1x16xf32> to vector<16xf32>
        %add3A_489 = arith.addf %get3A_483, %get3A_488 : vector<16xf32>
        %swap3A_490 = arith.index_cast %scan3A_256 : i32 to index
        %swap3A_491 = arith.constant 240 : index
        %swap3A_492 = tpu.vector_load %arg9[%swap3A_490, %swap3A_491] {strides = array<i32>} : memref<16x1024xf32, #tpu.memory_space<vmem>>, vector<1x16xf32>,
        %swap3A_493 = vector.shape_cast %swap3A_492 : vector<1x16xf32> to vector<16xf32>
        %swap3A_494 = vector.shape_cast %add3A_489 : vector<16xf32> to vector<1x16xf32>
        tpu.vector_store %arg9[%swap3A_490, %swap3A_491], %swap3A_494 {strides = array<i32>} : memref<16x1024xf32, #tpu.memory_space<vmem>>, vector<1x16xf32>,
        %get3A_495 = arith.index_cast %scan3A_256 : i32 to index
        %get3A_496 = arith.constant 256 : index
        %get3A_497 = tpu.vector_load %arg7[%get3A_495, %get3A_496] {strides = array<i32>} : memref<16x1024xf32, #tpu.memory_space<vmem>>, vector<1x16xf32>,
        %get3A_498 = vector.shape_cast %get3A_497 : vector<1x16xf32> to vector<16xf32>
        %add3A_499 = arith.addi %mul3A_238, %scan3A_256 : i32
        %get3A_500 = arith.index_cast %add3A_499 : i32 to index
        %get3A_501 = arith.constant 256 : index
        %get3A_502 = tpu.vector_load %arg5[%get3A_500, %get3A_501] {strides = array<i32>} : memref<32x1024xf32, #tpu.memory_space<vmem>>, vector<1x16xf32>,
        %get3A_503 = vector.shape_cast %get3A_502 : vector<1x16xf32> to vector<16xf32>
        %add3A_504 = arith.addf %get3A_498, %get3A_503 : vector<16xf32>
        %swap3A_505 = arith.index_cast %scan3A_256 : i32 to index
        %swap3A_506 = arith.constant 256 : index
        %swap3A_507 = tpu.vector_load %arg9[%swap3A_505, %swap3A_506] {strides = array<i32>} : memref<16x1024xf32, #tpu.memory_space<vmem>>, vector<1x16xf32>,
        %swap3A_508 = vector.shape_cast %swap3A_507 : vector<1x16xf32> to vector<16xf32>
        %swap3A_509 = vector.shape_cast %add3A_504 : vector<16xf32> to vector<1x16xf32>
        tpu.vector_store %arg9[%swap3A_505, %swap3A_506], %swap3A_509 {strides = array<i32>} : memref<16x1024xf32, #tpu.memory_space<vmem>>, vector<1x16xf32>,
        %get3A_510 = arith.index_cast %scan3A_256 : i32 to index
        %get3A_511 = arith.constant 272 : index
        %get3A_512 = tpu.vector_load %arg7[%get3A_510, %get3A_511] {strides = array<i32>} : memref<16x1024xf32, #tpu.memory_space<vmem>>, vector<1x16xf32>,
        %get3A_513 = vector.shape_cast %get3A_512 : vector<1x16xf32> to vector<16xf32>
        %add3A_514 = arith.addi %mul3A_238, %scan3A_256 : i32
        %get3A_515 = arith.index_cast %add3A_514 : i32 to index
        %get3A_516 = arith.constant 272 : index
        %get3A_517 = tpu.vector_load %arg5[%get3A_515, %get3A_516] {strides = array<i32>} : memref<32x1024xf32, #tpu.memory_space<vmem>>, vector<1x16xf32>,
        %get3A_518 = vector.shape_cast %get3A_517 : vector<1x16xf32> to vector<16xf32>
        %add3A_519 = arith.addf %get3A_513, %get3A_518 : vector<16xf32>
        %swap3A_520 = arith.index_cast %scan3A_256 : i32 to index
        %swap3A_521 = arith.constant 272 : index
        %swap3A_522 = tpu.vector_load %arg9[%swap3A_520, %swap3A_521] {strides = array<i32>} : memref<16x1024xf32, #tpu.memory_space<vmem>>, vector<1x16xf32>,
        %swap3A_523 = vector.shape_cast %swap3A_522 : vector<1x16xf32> to vector<16xf32>
        %swap3A_524 = vector.shape_cast %add3A_519 : vector<16xf32> to vector<1x16xf32>
        tpu.vector_store %arg9[%swap3A_520, %swap3A_521], %swap3A_524 {strides = array<i32>} : memref<16x1024xf32, #tpu.memory_space<vmem>>, vector<1x16xf32>,
        %get3A_525 = arith.index_cast %scan3A_256 : i32 to index
        %get3A_526 = arith.constant 288 : index
        %get3A_527 = tpu.vector_load %arg7[%get3A_525, %get3A_526] {strides = array<i32>} : memref<16x1024xf32, #tpu.memory_space<vmem>>, vector<1x16xf32>,
        %get3A_528 = vector.shape_cast %get3A_527 : vector<1x16xf32> to vector<16xf32>
        %add3A_529 = arith.addi %mul3A_238, %scan3A_256 : i32
        %get3A_530 = arith.index_cast %add3A_529 : i32 to index
        %get3A_531 = arith.constant 288 : index
        %get3A_532 = tpu.vector_load %arg5[%get3A_530, %get3A_531] {strides = array<i32>} : memref<32x1024xf32, #tpu.memory_space<vmem>>, vector<1x16xf32>,
        %get3A_533 = vector.shape_cast %get3A_532 : vector<1x16xf32> to vector<16xf32>
        %add3A_534 = arith.addf %get3A_528, %get3A_533 : vector<16xf32>
        %swap3A_535 = arith.index_cast %scan3A_256 : i32 to index
        %swap3A_536 = arith.constant 288 : index
        %swap3A_537 = tpu.vector_load %arg9[%swap3A_535, %swap3A_536] {strides = array<i32>} : memref<16x1024xf32, #tpu.memory_space<vmem>>, vector<1x16xf32>,
        %swap3A_538 = vector.shape_cast %swap3A_537 : vector<1x16xf32> to vector<16xf32>
        %swap3A_539 = vector.shape_cast %add3A_534 : vector<16xf32> to vector<1x16xf32>
        tpu.vector_store %arg9[%swap3A_535, %swap3A_536], %swap3A_539 {strides = array<i32>} : memref<16x1024xf32, #tpu.memory_space<vmem>>, vector<1x16xf32>,
        %get3A_540 = arith.index_cast %scan3A_256 : i32 to index
        %get3A_541 = arith.constant 304 : index
        %get3A_542 = tpu.vector_load %arg7[%get3A_540, %get3A_541] {strides = array<i32>} : memref<16x1024xf32, #tpu.memory_space<vmem>>, vector<1x16xf32>,
        %get3A_543 = vector.shape_cast %get3A_542 : vector<1x16xf32> to vector<16xf32>
        %add3A_544 = arith.addi %mul3A_238, %scan3A_256 : i32
        %get3A_545 = arith.index_cast %add3A_544 : i32 to index
        %get3A_546 = arith.constant 304 : index
        %get3A_547 = tpu.vector_load %arg5[%get3A_545, %get3A_546] {strides = array<i32>} : memref<32x1024xf32, #tpu.memory_space<vmem>>, vector<1x16xf32>,
        %get3A_548 = vector.shape_cast %get3A_547 : vector<1x16xf32> to vector<16xf32>
        %add3A_549 = arith.addf %get3A_543, %get3A_548 : vector<16xf32>
        %swap3A_550 = arith.index_cast %scan3A_256 : i32 to index
        %swap3A_551 = arith.constant 304 : index
        %swap3A_552 = tpu.vector_load %arg9[%swap3A_550, %swap3A_551] {strides = array<i32>} : memref<16x1024xf32, #tpu.memory_space<vmem>>, vector<1x16xf32>,
        %swap3A_553 = vector.shape_cast %swap3A_552 : vector<1x16xf32> to vector<16xf32>
        %swap3A_554 = vector.shape_cast %add3A_549 : vector<16xf32> to vector<1x16xf32>
        tpu.vector_store %arg9[%swap3A_550, %swap3A_551], %swap3A_554 {strides = array<i32>} : memref<16x1024xf32, #tpu.memory_space<vmem>>, vector<1x16xf32>,
        %get3A_555 = arith.index_cast %scan3A_256 : i32 to index
        %get3A_556 = arith.constant 320 : index
        %get3A_557 = tpu.vector_load %arg7[%get3A_555, %get3A_556] {strides = array<i32>} : memref<16x1024xf32, #tpu.memory_space<vmem>>, vector<1x16xf32>,
        %get3A_558 = vector.shape_cast %get3A_557 : vector<1x16xf32> to vector<16xf32>
        %add3A_559 = arith.addi %mul3A_238, %scan3A_256 : i32
        %get3A_560 = arith.index_cast %add3A_559 : i32 to index
        %get3A_561 = arith.constant 320 : index
        %get3A_562 = tpu.vector_load %arg5[%get3A_560, %get3A_561] {strides = array<i32>} : memref<32x1024xf32, #tpu.memory_space<vmem>>, vector<1x16xf32>,
        %get3A_563 = vector.shape_cast %get3A_562 : vector<1x16xf32> to vector<16xf32>
        %add3A_564 = arith.addf %get3A_558, %get3A_563 : vector<16xf32>
        %swap3A_565 = arith.index_cast %scan3A_256 : i32 to index
        %swap3A_566 = arith.constant 320 : index
        %swap3A_567 = tpu.vector_load %arg9[%swap3A_565, %swap3A_566] {strides = array<i32>} : memref<16x1024xf32, #tpu.memory_space<vmem>>, vector<1x16xf32>,
        %swap3A_568 = vector.shape_cast %swap3A_567 : vector<1x16xf32> to vector<16xf32>
        %swap3A_569 = vector.shape_cast %add3A_564 : vector<16xf32> to vector<1x16xf32>
        tpu.vector_store %arg9[%swap3A_565, %swap3A_566], %swap3A_569 {strides = array<i32>} : memref<16x1024xf32, #tpu.memory_space<vmem>>, vector<1x16xf32>,
        %get3A_570 = arith.index_cast %scan3A_256 : i32 to index
        %get3A_571 = arith.constant 336 : index
        %get3A_572 = tpu.vector_load %arg7[%get3A_570, %get3A_571] {strides = array<i32>} : memref<16x1024xf32, #tpu.memory_space<vmem>>, vector<1x16xf32>,
        %get3A_573 = vector.shape_cast %get3A_572 : vector<1x16xf32> to vector<16xf32>
        %add3A_574 = arith.addi %mul3A_238, %scan3A_256 : i32
        %get3A_575 = arith.index_cast %add3A_574 : i32 to index
        %get3A_576 = arith.constant 336 : index
        %get3A_577 = tpu.vector_load %arg5[%get3A_575, %get3A_576] {strides = array<i32>} : memref<32x1024xf32, #tpu.memory_space<vmem>>, vector<1x16xf32>,
        %get3A_578 = vector.shape_cast %get3A_577 : vector<1x16xf32> to vector<16xf32>
        %add3A_579 = arith.addf %get3A_573, %get3A_578 : vector<16xf32>
        %swap3A_580 = arith.index_cast %scan3A_256 : i32 to index
        %swap3A_581 = arith.constant 336 : index
        %swap3A_582 = tpu.vector_load %arg9[%swap3A_580, %swap3A_581] {strides = array<i32>} : memref<16x1024xf32, #tpu.memory_space<vmem>>, vector<1x16xf32>,
        %swap3A_583 = vector.shape_cast %swap3A_582 : vector<1x16xf32> to vector<16xf32>
        %swap3A_584 = vector.shape_cast %add3A_579 : vector<16xf32> to vector<1x16xf32>
        tpu.vector_store %arg9[%swap3A_580, %swap3A_581], %swap3A_584 {strides = array<i32>} : memref<16x1024xf32, #tpu.memory_space<vmem>>, vector<1x16xf32>,
        %get3A_585 = arith.index_cast %scan3A_256 : i32 to index
        %get3A_586 = arith.constant 352 : index
        %get3A_587 = tpu.vector_load %arg7[%get3A_585, %get3A_586] {strides = array<i32>} : memref<16x1024xf32, #tpu.memory_space<vmem>>, vector<1x16xf32>,
        %get3A_588 = vector.shape_cast %get3A_587 : vector<1x16xf32> to vector<16xf32>
        %add3A_589 = arith.addi %mul3A_238, %scan3A_256 : i32
        %get3A_590 = arith.index_cast %add3A_589 : i32 to index
        %get3A_591 = arith.constant 352 : index
        %get3A_592 = tpu.vector_load %arg5[%get3A_590, %get3A_591] {strides = array<i32>} : memref<32x1024xf32, #tpu.memory_space<vmem>>, vector<1x16xf32>,
        %get3A_593 = vector.shape_cast %get3A_592 : vector<1x16xf32> to vector<16xf32>
        %add3A_594 = arith.addf %get3A_588, %get3A_593 : vector<16xf32>
        %swap3A_595 = arith.index_cast %scan3A_256 : i32 to index
        %swap3A_596 = arith.constant 352 : index
        %swap3A_597 = tpu.vector_load %arg9[%swap3A_595, %swap3A_596] {strides = array<i32>} : memref<16x1024xf32, #tpu.memory_space<vmem>>, vector<1x16xf32>,
        %swap3A_598 = vector.shape_cast %swap3A_597 : vector<1x16xf32> to vector<16xf32>
        %swap3A_599 = vector.shape_cast %add3A_594 : vector<16xf32> to vector<1x16xf32>
        tpu.vector_store %arg9[%swap3A_595, %swap3A_596], %swap3A_599 {strides = array<i32>} : memref<16x1024xf32, #tpu.memory_space<vmem>>, vector<1x16xf32>,
        %get3A_600 = arith.index_cast %scan3A_256 : i32 to index
        %get3A_601 = arith.constant 368 : index
        %get3A_602 = tpu.vector_load %arg7[%get3A_600, %get3A_601] {strides = array<i32>} : memref<16x1024xf32, #tpu.memory_space<vmem>>, vector<1x16xf32>,
        %get3A_603 = vector.shape_cast %get3A_602 : vector<1x16xf32> to vector<16xf32>
        %add3A_604 = arith.addi %mul3A_238, %scan3A_256 : i32
        %get3A_605 = arith.index_cast %add3A_604 : i32 to index
        %get3A_606 = arith.constant 368 : index
        %get3A_607 = tpu.vector_load %arg5[%get3A_605, %get3A_606] {strides = array<i32>} : memref<32x1024xf32, #tpu.memory_space<vmem>>, vector<1x16xf32>,
        %get3A_608 = vector.shape_cast %get3A_607 : vector<1x16xf32> to vector<16xf32>
        %add3A_609 = arith.addf %get3A_603, %get3A_608 : vector<16xf32>
        %swap3A_610 = arith.index_cast %scan3A_256 : i32 to index
        %swap3A_611 = arith.constant 368 : index
        %swap3A_612 = tpu.vector_load %arg9[%swap3A_610, %swap3A_611] {strides = array<i32>} : memref<16x1024xf32, #tpu.memory_space<vmem>>, vector<1x16xf32>,
        %swap3A_613 = vector.shape_cast %swap3A_612 : vector<1x16xf32> to vector<16xf32>
        %swap3A_614 = vector.shape_cast %add3A_609 : vector<16xf32> to vector<1x16xf32>
        tpu.vector_store %arg9[%swap3A_610, %swap3A_611], %swap3A_614 {strides = array<i32>} : memref<16x1024xf32, #tpu.memory_space<vmem>>, vector<1x16xf32>,
        %get3A_615 = arith.index_cast %scan3A_256 : i32 to index
        %get3A_616 = arith.constant 384 : index
        %get3A_617 = tpu.vector_load %arg7[%get3A_615, %get3A_616] {strides = array<i32>} : memref<16x1024xf32, #tpu.memory_space<vmem>>, vector<1x16xf32>,
        %get3A_618 = vector.shape_cast %get3A_617 : vector<1x16xf32> to vector<16xf32>
        %add3A_619 = arith.addi %mul3A_238, %scan3A_256 : i32
        %get3A_620 = arith.index_cast %add3A_619 : i32 to index
        %get3A_621 = arith.constant 384 : index
        %get3A_622 = tpu.vector_load %arg5[%get3A_620, %get3A_621] {strides = array<i32>} : memref<32x1024xf32, #tpu.memory_space<vmem>>, vector<1x16xf32>,
        %get3A_623 = vector.shape_cast %get3A_622 : vector<1x16xf32> to vector<16xf32>
        %add3A_624 = arith.addf %get3A_618, %get3A_623 : vector<16xf32>
        %swap3A_625 = arith.index_cast %scan3A_256 : i32 to index
        %swap3A_626 = arith.constant 384 : index
        %swap3A_627 = tpu.vector_load %arg9[%swap3A_625, %swap3A_626] {strides = array<i32>} : memref<16x1024xf32, #tpu.memory_space<vmem>>, vector<1x16xf32>,
        %swap3A_628 = vector.shape_cast %swap3A_627 : vector<1x16xf32> to vector<16xf32>
        %swap3A_629 = vector.shape_cast %add3A_624 : vector<16xf32> to vector<1x16xf32>
        tpu.vector_store %arg9[%swap3A_625, %swap3A_626], %swap3A_629 {strides = array<i32>} : memref<16x1024xf32, #tpu.memory_space<vmem>>, vector<1x16xf32>,
        %get3A_630 = arith.index_cast %scan3A_256 : i32 to index
        %get3A_631 = arith.constant 400 : index
        %get3A_632 = tpu.vector_load %arg7[%get3A_630, %get3A_631] {strides = array<i32>} : memref<16x1024xf32, #tpu.memory_space<vmem>>, vector<1x16xf32>,
        %get3A_633 = vector.shape_cast %get3A_632 : vector<1x16xf32> to vector<16xf32>
        %add3A_634 = arith.addi %mul3A_238, %scan3A_256 : i32
        %get3A_635 = arith.index_cast %add3A_634 : i32 to index
        %get3A_636 = arith.constant 400 : index
        %get3A_637 = tpu.vector_load %arg5[%get3A_635, %get3A_636] {strides = array<i32>} : memref<32x1024xf32, #tpu.memory_space<vmem>>, vector<1x16xf32>,
        %get3A_638 = vector.shape_cast %get3A_637 : vector<1x16xf32> to vector<16xf32>
        %add3A_639 = arith.addf %get3A_633, %get3A_638 : vector<16xf32>
        %swap3A_640 = arith.index_cast %scan3A_256 : i32 to index
        %swap3A_641 = arith.constant 400 : index
        %swap3A_642 = tpu.vector_load %arg9[%swap3A_640, %swap3A_641] {strides = array<i32>} : memref<16x1024xf32, #tpu.memory_space<vmem>>, vector<1x16xf32>,
        %swap3A_643 = vector.shape_cast %swap3A_642 : vector<1x16xf32> to vector<16xf32>
        %swap3A_644 = vector.shape_cast %add3A_639 : vector<16xf32> to vector<1x16xf32>
        tpu.vector_store %arg9[%swap3A_640, %swap3A_641], %swap3A_644 {strides = array<i32>} : memref<16x1024xf32, #tpu.memory_space<vmem>>, vector<1x16xf32>,
        %get3A_645 = arith.index_cast %scan3A_256 : i32 to index
        %get3A_646 = arith.constant 416 : index
        %get3A_647 = tpu.vector_load %arg7[%get3A_645, %get3A_646] {strides = array<i32>} : memref<16x1024xf32, #tpu.memory_space<vmem>>, vector<1x16xf32>,
        %get3A_648 = vector.shape_cast %get3A_647 : vector<1x16xf32> to vector<16xf32>
        %add3A_649 = arith.addi %mul3A_238, %scan3A_256 : i32
        %get3A_650 = arith.index_cast %add3A_649 : i32 to index
        %get3A_651 = arith.constant 416 : index
        %get3A_652 = tpu.vector_load %arg5[%get3A_650, %get3A_651] {strides = array<i32>} : memref<32x1024xf32, #tpu.memory_space<vmem>>, vector<1x16xf32>,
        %get3A_653 = vector.shape_cast %get3A_652 : vector<1x16xf32> to vector<16xf32>
        %add3A_654 = arith.addf %get3A_648, %get3A_653 : vector<16xf32>
        %swap3A_655 = arith.index_cast %scan3A_256 : i32 to index
        %swap3A_656 = arith.constant 416 : index
        %swap3A_657 = tpu.vector_load %arg9[%swap3A_655, %swap3A_656] {strides = array<i32>} : memref<16x1024xf32, #tpu.memory_space<vmem>>, vector<1x16xf32>,
        %swap3A_658 = vector.shape_cast %swap3A_657 : vector<1x16xf32> to vector<16xf32>
        %swap3A_659 = vector.shape_cast %add3A_654 : vector<16xf32> to vector<1x16xf32>
        tpu.vector_store %arg9[%swap3A_655, %swap3A_656], %swap3A_659 {strides = array<i32>} : memref<16x1024xf32, #tpu.memory_space<vmem>>, vector<1x16xf32>,
        %get3A_660 = arith.index_cast %scan3A_256 : i32 to index
        %get3A_661 = arith.constant 432 : index
        %get3A_662 = tpu.vector_load %arg7[%get3A_660, %get3A_661] {strides = array<i32>} : memref<16x1024xf32, #tpu.memory_space<vmem>>, vector<1x16xf32>,
        %get3A_663 = vector.shape_cast %get3A_662 : vector<1x16xf32> to vector<16xf32>
        %add3A_664 = arith.addi %mul3A_238, %scan3A_256 : i32
        %get3A_665 = arith.index_cast %add3A_664 : i32 to index
        %get3A_666 = arith.constant 432 : index
        %get3A_667 = tpu.vector_load %arg5[%get3A_665, %get3A_666] {strides = array<i32>} : memref<32x1024xf32, #tpu.memory_space<vmem>>, vector<1x16xf32>,
        %get3A_668 = vector.shape_cast %get3A_667 : vector<1x16xf32> to vector<16xf32>
        %add3A_669 = arith.addf %get3A_663, %get3A_668 : vector<16xf32>
        %swap3A_670 = arith.index_cast %scan3A_256 : i32 to index
        %swap3A_671 = arith.constant 432 : index
        %swap3A_672 = tpu.vector_load %arg9[%swap3A_670, %swap3A_671] {strides = array<i32>} : memref<16x1024xf32, #tpu.memory_space<vmem>>, vector<1x16xf32>,
        %swap3A_673 = vector.shape_cast %swap3A_672 : vector<1x16xf32> to vector<16xf32>
        %swap3A_674 = vector.shape_cast %add3A_669 : vector<16xf32> to vector<1x16xf32>
        tpu.vector_store %arg9[%swap3A_670, %swap3A_671], %swap3A_674 {strides = array<i32>} : memref<16x1024xf32, #tpu.memory_space<vmem>>, vector<1x16xf32>,
        %get3A_675 = arith.index_cast %scan3A_256 : i32 to index
        %get3A_676 = arith.constant 448 : index
        %get3A_677 = tpu.vector_load %arg7[%get3A_675, %get3A_676] {strides = array<i32>} : memref<16x1024xf32, #tpu.memory_space<vmem>>, vector<1x16xf32>,
        %get3A_678 = vector.shape_cast %get3A_677 : vector<1x16xf32> to vector<16xf32>
        %add3A_679 = arith.addi %mul3A_238, %scan3A_256 : i32
        %get3A_680 = arith.index_cast %add3A_679 : i32 to index
        %get3A_681 = arith.constant 448 : index
        %get3A_682 = tpu.vector_load %arg5[%get3A_680, %get3A_681] {strides = array<i32>} : memref<32x1024xf32, #tpu.memory_space<vmem>>, vector<1x16xf32>,
        %get3A_683 = vector.shape_cast %get3A_682 : vector<1x16xf32> to vector<16xf32>
        %add3A_684 = arith.addf %get3A_678, %get3A_683 : vector<16xf32>
        %swap3A_685 = arith.index_cast %scan3A_256 : i32 to index
        %swap3A_686 = arith.constant 448 : index
        %swap3A_687 = tpu.vector_load %arg9[%swap3A_685, %swap3A_686] {strides = array<i32>} : memref<16x1024xf32, #tpu.memory_space<vmem>>, vector<1x16xf32>,
        %swap3A_688 = vector.shape_cast %swap3A_687 : vector<1x16xf32> to vector<16xf32>
        %swap3A_689 = vector.shape_cast %add3A_684 : vector<16xf32> to vector<1x16xf32>
        tpu.vector_store %arg9[%swap3A_685, %swap3A_686], %swap3A_689 {strides = array<i32>} : memref<16x1024xf32, #tpu.memory_space<vmem>>, vector<1x16xf32>,
        %get3A_690 = arith.index_cast %scan3A_256 : i32 to index
        %get3A_691 = arith.constant 464 : index
        %get3A_692 = tpu.vector_load %arg7[%get3A_690, %get3A_691] {strides = array<i32>} : memref<16x1024xf32, #tpu.memory_space<vmem>>, vector<1x16xf32>,
        %get3A_693 = vector.shape_cast %get3A_692 : vector<1x16xf32> to vector<16xf32>
        %add3A_694 = arith.addi %mul3A_238, %scan3A_256 : i32
        %get3A_695 = arith.index_cast %add3A_694 : i32 to index
        %get3A_696 = arith.constant 464 : index
        %get3A_697 = tpu.vector_load %arg5[%get3A_695, %get3A_696] {strides = array<i32>} : memref<32x1024xf32, #tpu.memory_space<vmem>>, vector<1x16xf32>,
        %get3A_698 = vector.shape_cast %get3A_697 : vector<1x16xf32> to vector<16xf32>
        %add3A_699 = arith.addf %get3A_693, %get3A_698 : vector<16xf32>
        %swap3A_700 = arith.index_cast %scan3A_256 : i32 to index
        %swap3A_701 = arith.constant 464 : index
        %swap3A_702 = tpu.vector_load %arg9[%swap3A_700, %swap3A_701] {strides = array<i32>} : memref<16x1024xf32, #tpu.memory_space<vmem>>, vector<1x16xf32>,
        %swap3A_703 = vector.shape_cast %swap3A_702 : vector<1x16xf32> to vector<16xf32>
        %swap3A_704 = vector.shape_cast %add3A_699 : vector<16xf32> to vector<1x16xf32>
        tpu.vector_store %arg9[%swap3A_700, %swap3A_701], %swap3A_704 {strides = array<i32>} : memref<16x1024xf32, #tpu.memory_space<vmem>>, vector<1x16xf32>,
        %get3A_705 = arith.index_cast %scan3A_256 : i32 to index
        %get3A_706 = arith.constant 480 : index
        %get3A_707 = tpu.vector_load %arg7[%get3A_705, %get3A_706] {strides = array<i32>} : memref<16x1024xf32, #tpu.memory_space<vmem>>, vector<1x16xf32>,
        %get3A_708 = vector.shape_cast %get3A_707 : vector<1x16xf32> to vector<16xf32>
        %add3A_709 = arith.addi %mul3A_238, %scan3A_256 : i32
        %get3A_710 = arith.index_cast %add3A_709 : i32 to index
        %get3A_711 = arith.constant 480 : index
        %get3A_712 = tpu.vector_load %arg5[%get3A_710, %get3A_711] {strides = array<i32>} : memref<32x1024xf32, #tpu.memory_space<vmem>>, vector<1x16xf32>,
        %get3A_713 = vector.shape_cast %get3A_712 : vector<1x16xf32> to vector<16xf32>
        %add3A_714 = arith.addf %get3A_708, %get3A_713 : vector<16xf32>
        %swap3A_715 = arith.index_cast %scan3A_256 : i32 to index
        %swap3A_716 = arith.constant 480 : index
        %swap3A_717 = tpu.vector_load %arg9[%swap3A_715, %swap3A_716] {strides = array<i32>} : memref<16x1024xf32, #tpu.memory_space<vmem>>, vector<1x16xf32>,
        %swap3A_718 = vector.shape_cast %swap3A_717 : vector<1x16xf32> to vector<16xf32>
        %swap3A_719 = vector.shape_cast %add3A_714 : vector<16xf32> to vector<1x16xf32>
        tpu.vector_store %arg9[%swap3A_715, %swap3A_716], %swap3A_719 {strides = array<i32>} : memref<16x1024xf32, #tpu.memory_space<vmem>>, vector<1x16xf32>,
        %get3A_720 = arith.index_cast %scan3A_256 : i32 to index
        %get3A_721 = arith.constant 496 : index
        %get3A_722 = tpu.vector_load %arg7[%get3A_720, %get3A_721] {strides = array<i32>} : memref<16x1024xf32, #tpu.memory_space<vmem>>, vector<1x16xf32>,
        %get3A_723 = vector.shape_cast %get3A_722 : vector<1x16xf32> to vector<16xf32>
        %add3A_724 = arith.addi %mul3A_238, %scan3A_256 : i32
        %get3A_725 = arith.index_cast %add3A_724 : i32 to index
        %get3A_726 = arith.constant 496 : index
        %get3A_727 = tpu.vector_load %arg5[%get3A_725, %get3A_726] {strides = array<i32>} : memref<32x1024xf32, #tpu.memory_space<vmem>>, vector<1x16xf32>,
        %get3A_728 = vector.shape_cast %get3A_727 : vector<1x16xf32> to vector<16xf32>
        %add3A_729 = arith.addf %get3A_723, %get3A_728 : vector<16xf32>
        %swap3A_730 = arith.index_cast %scan3A_256 : i32 to index
        %swap3A_731 = arith.constant 496 : index
        %swap3A_732 = tpu.vector_load %arg9[%swap3A_730, %swap3A_731] {strides = array<i32>} : memref<16x1024xf32, #tpu.memory_space<vmem>>, vector<1x16xf32>,
        %swap3A_733 = vector.shape_cast %swap3A_732 : vector<1x16xf32> to vector<16xf32>
        %swap3A_734 = vector.shape_cast %add3A_729 : vector<16xf32> to vector<1x16xf32>
        tpu.vector_store %arg9[%swap3A_730, %swap3A_731], %swap3A_734 {strides = array<i32>} : memref<16x1024xf32, #tpu.memory_space<vmem>>, vector<1x16xf32>,
        %get3A_735 = arith.index_cast %scan3A_256 : i32 to index
        %get3A_736 = arith.constant 512 : index
        %get3A_737 = tpu.vector_load %arg7[%get3A_735, %get3A_736] {strides = array<i32>} : memref<16x1024xf32, #tpu.memory_space<vmem>>, vector<1x16xf32>,
        %get3A_738 = vector.shape_cast %get3A_737 : vector<1x16xf32> to vector<16xf32>
        %add3A_739 = arith.addi %mul3A_238, %scan3A_256 : i32
        %get3A_740 = arith.index_cast %add3A_739 : i32 to index
        %get3A_741 = arith.constant 512 : index
        %get3A_742 = tpu.vector_load %arg5[%get3A_740, %get3A_741] {strides = array<i32>} : memref<32x1024xf32, #tpu.memory_space<vmem>>, vector<1x16xf32>,
        %get3A_743 = vector.shape_cast %get3A_742 : vector<1x16xf32> to vector<16xf32>
        %add3A_744 = arith.addf %get3A_738, %get3A_743 : vector<16xf32>
        %swap3A_745 = arith.index_cast %scan3A_256 : i32 to index
        %swap3A_746 = arith.constant 512 : index
        %swap3A_747 = tpu.vector_load %arg9[%swap3A_745, %swap3A_746] {strides = array<i32>} : memref<16x1024xf32, #tpu.memory_space<vmem>>, vector<1x16xf32>,
        %swap3A_748 = vector.shape_cast %swap3A_747 : vector<1x16xf32> to vector<16xf32>
        %swap3A_749 = vector.shape_cast %add3A_744 : vector<16xf32> to vector<1x16xf32>
        tpu.vector_store %arg9[%swap3A_745, %swap3A_746], %swap3A_749 {strides = array<i32>} : memref<16x1024xf32, #tpu.memory_space<vmem>>, vector<1x16xf32>,
        %get3A_750 = arith.index_cast %scan3A_256 : i32 to index
        %get3A_751 = arith.constant 528 : index
        %get3A_752 = tpu.vector_load %arg7[%get3A_750, %get3A_751] {strides = array<i32>} : memref<16x1024xf32, #tpu.memory_space<vmem>>, vector<1x16xf32>,
        %get3A_753 = vector.shape_cast %get3A_752 : vector<1x16xf32> to vector<16xf32>
        %add3A_754 = arith.addi %mul3A_238, %scan3A_256 : i32
        %get3A_755 = arith.index_cast %add3A_754 : i32 to index
        %get3A_756 = arith.constant 528 : index
        %get3A_757 = tpu.vector_load %arg5[%get3A_755, %get3A_756] {strides = array<i32>} : memref<32x1024xf32, #tpu.memory_space<vmem>>, vector<1x16xf32>,
        %get3A_758 = vector.shape_cast %get3A_757 : vector<1x16xf32> to vector<16xf32>
        %add3A_759 = arith.addf %get3A_753, %get3A_758 : vector<16xf32>
        %swap3A_760 = arith.index_cast %scan3A_256 : i32 to index
        %swap3A_761 = arith.constant 528 : index
        %swap3A_762 = tpu.vector_load %arg9[%swap3A_760, %swap3A_761] {strides = array<i32>} : memref<16x1024xf32, #tpu.memory_space<vmem>>, vector<1x16xf32>,
        %swap3A_763 = vector.shape_cast %swap3A_762 : vector<1x16xf32> to vector<16xf32>
        %swap3A_764 = vector.shape_cast %add3A_759 : vector<16xf32> to vector<1x16xf32>
        tpu.vector_store %arg9[%swap3A_760, %swap3A_761], %swap3A_764 {strides = array<i32>} : memref<16x1024xf32, #tpu.memory_space<vmem>>, vector<1x16xf32>,
        %get3A_765 = arith.index_cast %scan3A_256 : i32 to index
        %get3A_766 = arith.constant 544 : index
        %get3A_767 = tpu.vector_load %arg7[%get3A_765, %get3A_766] {strides = array<i32>} : memref<16x1024xf32, #tpu.memory_space<vmem>>, vector<1x16xf32>,
        %get3A_768 = vector.shape_cast %get3A_767 : vector<1x16xf32> to vector<16xf32>
        %add3A_769 = arith.addi %mul3A_238, %scan3A_256 : i32
        %get3A_770 = arith.index_cast %add3A_769 : i32 to index
        %get3A_771 = arith.constant 544 : index
        %get3A_772 = tpu.vector_load %arg5[%get3A_770, %get3A_771] {strides = array<i32>} : memref<32x1024xf32, #tpu.memory_space<vmem>>, vector<1x16xf32>,
        %get3A_773 = vector.shape_cast %get3A_772 : vector<1x16xf32> to vector<16xf32>
        %add3A_774 = arith.addf %get3A_768, %get3A_773 : vector<16xf32>
        %swap3A_775 = arith.index_cast %scan3A_256 : i32 to index
        %swap3A_776 = arith.constant 544 : index
        %swap3A_777 = tpu.vector_load %arg9[%swap3A_775, %swap3A_776] {strides = array<i32>} : memref<16x1024xf32, #tpu.memory_space<vmem>>, vector<1x16xf32>,
        %swap3A_778 = vector.shape_cast %swap3A_777 : vector<1x16xf32> to vector<16xf32>
        %swap3A_779 = vector.shape_cast %add3A_774 : vector<16xf32> to vector<1x16xf32>
        tpu.vector_store %arg9[%swap3A_775, %swap3A_776], %swap3A_779 {strides = array<i32>} : memref<16x1024xf32, #tpu.memory_space<vmem>>, vector<1x16xf32>,
        %get3A_780 = arith.index_cast %scan3A_256 : i32 to index
        %get3A_781 = arith.constant 560 : index
        %get3A_782 = tpu.vector_load %arg7[%get3A_780, %get3A_781] {strides = array<i32>} : memref<16x1024xf32, #tpu.memory_space<vmem>>, vector<1x16xf32>,
        %get3A_783 = vector.shape_cast %get3A_782 : vector<1x16xf32> to vector<16xf32>
        %add3A_784 = arith.addi %mul3A_238, %scan3A_256 : i32
        %get3A_785 = arith.index_cast %add3A_784 : i32 to index
        %get3A_786 = arith.constant 560 : index
        %get3A_787 = tpu.vector_load %arg5[%get3A_785, %get3A_786] {strides = array<i32>} : memref<32x1024xf32, #tpu.memory_space<vmem>>, vector<1x16xf32>,
        %get3A_788 = vector.shape_cast %get3A_787 : vector<1x16xf32> to vector<16xf32>
        %add3A_789 = arith.addf %get3A_783, %get3A_788 : vector<16xf32>
        %swap3A_790 = arith.index_cast %scan3A_256 : i32 to index
        %swap3A_791 = arith.constant 560 : index
        %swap3A_792 = tpu.vector_load %arg9[%swap3A_790, %swap3A_791] {strides = array<i32>} : memref<16x1024xf32, #tpu.memory_space<vmem>>, vector<1x16xf32>,
        %swap3A_793 = vector.shape_cast %swap3A_792 : vector<1x16xf32> to vector<16xf32>
        %swap3A_794 = vector.shape_cast %add3A_789 : vector<16xf32> to vector<1x16xf32>
        tpu.vector_store %arg9[%swap3A_790, %swap3A_791], %swap3A_794 {strides = array<i32>} : memref<16x1024xf32, #tpu.memory_space<vmem>>, vector<1x16xf32>,
        %get3A_795 = arith.index_cast %scan3A_256 : i32 to index
        %get3A_796 = arith.constant 576 : index
        %get3A_797 = tpu.vector_load %arg7[%get3A_795, %get3A_796] {strides = array<i32>} : memref<16x1024xf32, #tpu.memory_space<vmem>>, vector<1x16xf32>,
        %get3A_798 = vector.shape_cast %get3A_797 : vector<1x16xf32> to vector<16xf32>
        %add3A_799 = arith.addi %mul3A_238, %scan3A_256 : i32
        %get3A_800 = arith.index_cast %add3A_799 : i32 to index
        %get3A_801 = arith.constant 576 : index
        %get3A_802 = tpu.vector_load %arg5[%get3A_800, %get3A_801] {strides = array<i32>} : memref<32x1024xf32, #tpu.memory_space<vmem>>, vector<1x16xf32>,
        %get3A_803 = vector.shape_cast %get3A_802 : vector<1x16xf32> to vector<16xf32>
        %add3A_804 = arith.addf %get3A_798, %get3A_803 : vector<16xf32>
        %swap3A_805 = arith.index_cast %scan3A_256 : i32 to index
        %swap3A_806 = arith.constant 576 : index
        %swap3A_807 = tpu.vector_load %arg9[%swap3A_805, %swap3A_806] {strides = array<i32>} : memref<16x1024xf32, #tpu.memory_space<vmem>>, vector<1x16xf32>,
        %swap3A_808 = vector.shape_cast %swap3A_807 : vector<1x16xf32> to vector<16xf32>
        %swap3A_809 = vector.shape_cast %add3A_804 : vector<16xf32> to vector<1x16xf32>
        tpu.vector_store %arg9[%swap3A_805, %swap3A_806], %swap3A_809 {strides = array<i32>} : memref<16x1024xf32, #tpu.memory_space<vmem>>, vector<1x16xf32>,
        %get3A_810 = arith.index_cast %scan3A_256 : i32 to index
        %get3A_811 = arith.constant 592 : index
        %get3A_812 = tpu.vector_load %arg7[%get3A_810, %get3A_811] {strides = array<i32>} : memref<16x1024xf32, #tpu.memory_space<vmem>>, vector<1x16xf32>,
        %get3A_813 = vector.shape_cast %get3A_812 : vector<1x16xf32> to vector<16xf32>
        %add3A_814 = arith.addi %mul3A_238, %scan3A_256 : i32
        %get3A_815 = arith.index_cast %add3A_814 : i32 to index
        %get3A_816 = arith.constant 592 : index
        %get3A_817 = tpu.vector_load %arg5[%get3A_815, %get3A_816] {strides = array<i32>} : memref<32x1024xf32, #tpu.memory_space<vmem>>, vector<1x16xf32>,
        %get3A_818 = vector.shape_cast %get3A_817 : vector<1x16xf32> to vector<16xf32>
        %add3A_819 = arith.addf %get3A_813, %get3A_818 : vector<16xf32>
        %swap3A_820 = arith.index_cast %scan3A_256 : i32 to index
        %swap3A_821 = arith.constant 592 : index
        %swap3A_822 = tpu.vector_load %arg9[%swap3A_820, %swap3A_821] {strides = array<i32>} : memref<16x1024xf32, #tpu.memory_space<vmem>>, vector<1x16xf32>,
        %swap3A_823 = vector.shape_cast %swap3A_822 : vector<1x16xf32> to vector<16xf32>
        %swap3A_824 = vector.shape_cast %add3A_819 : vector<16xf32> to vector<1x16xf32>
        tpu.vector_store %arg9[%swap3A_820, %swap3A_821], %swap3A_824 {strides = array<i32>} : memref<16x1024xf32, #tpu.memory_space<vmem>>, vector<1x16xf32>,
        %get3A_825 = arith.index_cast %scan3A_256 : i32 to index
        %get3A_826 = arith.constant 608 : index
        %get3A_827 = tpu.vector_load %arg7[%get3A_825, %get3A_826] {strides = array<i32>} : memref<16x1024xf32, #tpu.memory_space<vmem>>, vector<1x16xf32>,
        %get3A_828 = vector.shape_cast %get3A_827 : vector<1x16xf32> to vector<16xf32>
        %add3A_829 = arith.addi %mul3A_238, %scan3A_256 : i32
        %get3A_830 = arith.index_cast %add3A_829 : i32 to index
        %get3A_831 = arith.constant 608 : index
        %get3A_832 = tpu.vector_load %arg5[%get3A_830, %get3A_831] {strides = array<i32>} : memref<32x1024xf32, #tpu.memory_space<vmem>>, vector<1x16xf32>,
        %get3A_833 = vector.shape_cast %get3A_832 : vector<1x16xf32> to vector<16xf32>
        %add3A_834 = arith.addf %get3A_828, %get3A_833 : vector<16xf32>
        %swap3A_835 = arith.index_cast %scan3A_256 : i32 to index
        %swap3A_836 = arith.constant 608 : index
        %swap3A_837 = tpu.vector_load %arg9[%swap3A_835, %swap3A_836] {strides = array<i32>} : memref<16x1024xf32, #tpu.memory_space<vmem>>, vector<1x16xf32>,
        %swap3A_838 = vector.shape_cast %swap3A_837 : vector<1x16xf32> to vector<16xf32>
        %swap3A_839 = vector.shape_cast %add3A_834 : vector<16xf32> to vector<1x16xf32>
        tpu.vector_store %arg9[%swap3A_835, %swap3A_836], %swap3A_839 {strides = array<i32>} : memref<16x1024xf32, #tpu.memory_space<vmem>>, vector<1x16xf32>,
        %get3A_840 = arith.index_cast %scan3A_256 : i32 to index
        %get3A_841 = arith.constant 624 : index
        %get3A_842 = tpu.vector_load %arg7[%get3A_840, %get3A_841] {strides = array<i32>} : memref<16x1024xf32, #tpu.memory_space<vmem>>, vector<1x16xf32>,
        %get3A_843 = vector.shape_cast %get3A_842 : vector<1x16xf32> to vector<16xf32>
        %add3A_844 = arith.addi %mul3A_238, %scan3A_256 : i32
        %get3A_845 = arith.index_cast %add3A_844 : i32 to index
        %get3A_846 = arith.constant 624 : index
        %get3A_847 = tpu.vector_load %arg5[%get3A_845, %get3A_846] {strides = array<i32>} : memref<32x1024xf32, #tpu.memory_space<vmem>>, vector<1x16xf32>,
        %get3A_848 = vector.shape_cast %get3A_847 : vector<1x16xf32> to vector<16xf32>
        %add3A_849 = arith.addf %get3A_843, %get3A_848 : vector<16xf32>
        %swap3A_850 = arith.index_cast %scan3A_256 : i32 to index
        %swap3A_851 = arith.constant 624 : index
        %swap3A_852 = tpu.vector_load %arg9[%swap3A_850, %swap3A_851] {strides = array<i32>} : memref<16x1024xf32, #tpu.memory_space<vmem>>, vector<1x16xf32>,
        %swap3A_853 = vector.shape_cast %swap3A_852 : vector<1x16xf32> to vector<16xf32>
        %swap3A_854 = vector.shape_cast %add3A_849 : vector<16xf32> to vector<1x16xf32>
        tpu.vector_store %arg9[%swap3A_850, %swap3A_851], %swap3A_854 {strides = array<i32>} : memref<16x1024xf32, #tpu.memory_space<vmem>>, vector<1x16xf32>,
        %get3A_855 = arith.index_cast %scan3A_256 : i32 to index
        %get3A_856 = arith.constant 640 : index
        %get3A_857 = tpu.vector_load %arg7[%get3A_855, %get3A_856] {strides = array<i32>} : memref<16x1024xf32, #tpu.memory_space<vmem>>, vector<1x16xf32>,
        %get3A_858 = vector.shape_cast %get3A_857 : vector<1x16xf32> to vector<16xf32>
        %add3A_859 = arith.addi %mul3A_238, %scan3A_256 : i32
        %get3A_860 = arith.index_cast %add3A_859 : i32 to index
        %get3A_861 = arith.constant 640 : index
        %get3A_862 = tpu.vector_load %arg5[%get3A_860, %get3A_861] {strides = array<i32>} : memref<32x1024xf32, #tpu.memory_space<vmem>>, vector<1x16xf32>,
        %get3A_863 = vector.shape_cast %get3A_862 : vector<1x16xf32> to vector<16xf32>
        %add3A_864 = arith.addf %get3A_858, %get3A_863 : vector<16xf32>
        %swap3A_865 = arith.index_cast %scan3A_256 : i32 to index
        %swap3A_866 = arith.constant 640 : index
        %swap3A_867 = tpu.vector_load %arg9[%swap3A_865, %swap3A_866] {strides = array<i32>} : memref<16x1024xf32, #tpu.memory_space<vmem>>, vector<1x16xf32>,
        %swap3A_868 = vector.shape_cast %swap3A_867 : vector<1x16xf32> to vector<16xf32>
        %swap3A_869 = vector.shape_cast %add3A_864 : vector<16xf32> to vector<1x16xf32>
        tpu.vector_store %arg9[%swap3A_865, %swap3A_866], %swap3A_869 {strides = array<i32>} : memref<16x1024xf32, #tpu.memory_space<vmem>>, vector<1x16xf32>,
        %get3A_870 = arith.index_cast %scan3A_256 : i32 to index
        %get3A_871 = arith.constant 656 : index
        %get3A_872 = tpu.vector_load %arg7[%get3A_870, %get3A_871] {strides = array<i32>} : memref<16x1024xf32, #tpu.memory_space<vmem>>, vector<1x16xf32>,
        %get3A_873 = vector.shape_cast %get3A_872 : vector<1x16xf32> to vector<16xf32>
        %add3A_874 = arith.addi %mul3A_238, %scan3A_256 : i32
        %get3A_875 = arith.index_cast %add3A_874 : i32 to index
        %get3A_876 = arith.constant 656 : index
        %get3A_877 = tpu.vector_load %arg5[%get3A_875, %get3A_876] {strides = array<i32>} : memref<32x1024xf32, #tpu.memory_space<vmem>>, vector<1x16xf32>,
        %get3A_878 = vector.shape_cast %get3A_877 : vector<1x16xf32> to vector<16xf32>
        %add3A_879 = arith.addf %get3A_873, %get3A_878 : vector<16xf32>
        %swap3A_880 = arith.index_cast %scan3A_256 : i32 to index
        %swap3A_881 = arith.constant 656 : index
        %swap3A_882 = tpu.vector_load %arg9[%swap3A_880, %swap3A_881] {strides = array<i32>} : memref<16x1024xf32, #tpu.memory_space<vmem>>, vector<1x16xf32>,
        %swap3A_883 = vector.shape_cast %swap3A_882 : vector<1x16xf32> to vector<16xf32>
        %swap3A_884 = vector.shape_cast %add3A_879 : vector<16xf32> to vector<1x16xf32>
        tpu.vector_store %arg9[%swap3A_880, %swap3A_881], %swap3A_884 {strides = array<i32>} : memref<16x1024xf32, #tpu.memory_space<vmem>>, vector<1x16xf32>,
        %get3A_885 = arith.index_cast %scan3A_256 : i32 to index
        %get3A_886 = arith.constant 672 : index
        %get3A_887 = tpu.vector_load %arg7[%get3A_885, %get3A_886] {strides = array<i32>} : memref<16x1024xf32, #tpu.memory_space<vmem>>, vector<1x16xf32>,
        %get3A_888 = vector.shape_cast %get3A_887 : vector<1x16xf32> to vector<16xf32>
        %add3A_889 = arith.addi %mul3A_238, %scan3A_256 : i32
        %get3A_890 = arith.index_cast %add3A_889 : i32 to index
        %get3A_891 = arith.constant 672 : index
        %get3A_892 = tpu.vector_load %arg5[%get3A_890, %get3A_891] {strides = array<i32>} : memref<32x1024xf32, #tpu.memory_space<vmem>>, vector<1x16xf32>,
        %get3A_893 = vector.shape_cast %get3A_892 : vector<1x16xf32> to vector<16xf32>
        %add3A_894 = arith.addf %get3A_888, %get3A_893 : vector<16xf32>
        %swap3A_895 = arith.index_cast %scan3A_256 : i32 to index
        %swap3A_896 = arith.constant 672 : index
        %swap3A_897 = tpu.vector_load %arg9[%swap3A_895, %swap3A_896] {strides = array<i32>} : memref<16x1024xf32, #tpu.memory_space<vmem>>, vector<1x16xf32>,
        %swap3A_898 = vector.shape_cast %swap3A_897 : vector<1x16xf32> to vector<16xf32>
        %swap3A_899 = vector.shape_cast %add3A_894 : vector<16xf32> to vector<1x16xf32>
        tpu.vector_store %arg9[%swap3A_895, %swap3A_896], %swap3A_899 {strides = array<i32>} : memref<16x1024xf32, #tpu.memory_space<vmem>>, vector<1x16xf32>,
        %get3A_900 = arith.index_cast %scan3A_256 : i32 to index
        %get3A_901 = arith.constant 688 : index
        %get3A_902 = tpu.vector_load %arg7[%get3A_900, %get3A_901] {strides = array<i32>} : memref<16x1024xf32, #tpu.memory_space<vmem>>, vector<1x16xf32>,
        %get3A_903 = vector.shape_cast %get3A_902 : vector<1x16xf32> to vector<16xf32>
        %add3A_904 = arith.addi %mul3A_238, %scan3A_256 : i32
        %get3A_905 = arith.index_cast %add3A_904 : i32 to index
        %get3A_906 = arith.constant 688 : index
        %get3A_907 = tpu.vector_load %arg5[%get3A_905, %get3A_906] {strides = array<i32>} : memref<32x1024xf32, #tpu.memory_space<vmem>>, vector<1x16xf32>,
        %get3A_908 = vector.shape_cast %get3A_907 : vector<1x16xf32> to vector<16xf32>
        %add3A_909 = arith.addf %get3A_903, %get3A_908 : vector<16xf32>
        %swap3A_910 = arith.index_cast %scan3A_256 : i32 to index
        %swap3A_911 = arith.constant 688 : index
        %swap3A_912 = tpu.vector_load %arg9[%swap3A_910, %swap3A_911] {strides = array<i32>} : memref<16x1024xf32, #tpu.memory_space<vmem>>, vector<1x16xf32>,
        %swap3A_913 = vector.shape_cast %swap3A_912 : vector<1x16xf32> to vector<16xf32>
        %swap3A_914 = vector.shape_cast %add3A_909 : vector<16xf32> to vector<1x16xf32>
        tpu.vector_store %arg9[%swap3A_910, %swap3A_911], %swap3A_914 {strides = array<i32>} : memref<16x1024xf32, #tpu.memory_space<vmem>>, vector<1x16xf32>,
        %get3A_915 = arith.index_cast %scan3A_256 : i32 to index
        %get3A_916 = arith.constant 704 : index
        %get3A_917 = tpu.vector_load %arg7[%get3A_915, %get3A_916] {strides = array<i32>} : memref<16x1024xf32, #tpu.memory_space<vmem>>, vector<1x16xf32>,
        %get3A_918 = vector.shape_cast %get3A_917 : vector<1x16xf32> to vector<16xf32>
        %add3A_919 = arith.addi %mul3A_238, %scan3A_256 : i32
        %get3A_920 = arith.index_cast %add3A_919 : i32 to index
        %get3A_921 = arith.constant 704 : index
        %get3A_922 = tpu.vector_load %arg5[%get3A_920, %get3A_921] {strides = array<i32>} : memref<32x1024xf32, #tpu.memory_space<vmem>>, vector<1x16xf32>,
        %get3A_923 = vector.shape_cast %get3A_922 : vector<1x16xf32> to vector<16xf32>
        %add3A_924 = arith.addf %get3A_918, %get3A_923 : vector<16xf32>
        %swap3A_925 = arith.index_cast %scan3A_256 : i32 to index
        %swap3A_926 = arith.constant 704 : index
        %swap3A_927 = tpu.vector_load %arg9[%swap3A_925, %swap3A_926] {strides = array<i32>} : memref<16x1024xf32, #tpu.memory_space<vmem>>, vector<1x16xf32>,
        %swap3A_928 = vector.shape_cast %swap3A_927 : vector<1x16xf32> to vector<16xf32>
        %swap3A_929 = vector.shape_cast %add3A_924 : vector<16xf32> to vector<1x16xf32>
        tpu.vector_store %arg9[%swap3A_925, %swap3A_926], %swap3A_929 {strides = array<i32>} : memref<16x1024xf32, #tpu.memory_space<vmem>>, vector<1x16xf32>,
        %get3A_930 = arith.index_cast %scan3A_256 : i32 to index
        %get3A_931 = arith.constant 720 : index
        %get3A_932 = tpu.vector_load %arg7[%get3A_930, %get3A_931] {strides = array<i32>} : memref<16x1024xf32, #tpu.memory_space<vmem>>, vector<1x16xf32>,
        %get3A_933 = vector.shape_cast %get3A_932 : vector<1x16xf32> to vector<16xf32>
        %add3A_934 = arith.addi %mul3A_238, %scan3A_256 : i32
        %get3A_935 = arith.index_cast %add3A_934 : i32 to index
        %get3A_936 = arith.constant 720 : index
        %get3A_937 = tpu.vector_load %arg5[%get3A_935, %get3A_936] {strides = array<i32>} : memref<32x1024xf32, #tpu.memory_space<vmem>>, vector<1x16xf32>,
        %get3A_938 = vector.shape_cast %get3A_937 : vector<1x16xf32> to vector<16xf32>
        %add3A_939 = arith.addf %get3A_933, %get3A_938 : vector<16xf32>
        %swap3A_940 = arith.index_cast %scan3A_256 : i32 to index
        %swap3A_941 = arith.constant 720 : index
        %swap3A_942 = tpu.vector_load %arg9[%swap3A_940, %swap3A_941] {strides = array<i32>} : memref<16x1024xf32, #tpu.memory_space<vmem>>, vector<1x16xf32>,
        %swap3A_943 = vector.shape_cast %swap3A_942 : vector<1x16xf32> to vector<16xf32>
        %swap3A_944 = vector.shape_cast %add3A_939 : vector<16xf32> to vector<1x16xf32>
        tpu.vector_store %arg9[%swap3A_940, %swap3A_941], %swap3A_944 {strides = array<i32>} : memref<16x1024xf32, #tpu.memory_space<vmem>>, vector<1x16xf32>,
        %get3A_945 = arith.index_cast %scan3A_256 : i32 to index
        %get3A_946 = arith.constant 736 : index
        %get3A_947 = tpu.vector_load %arg7[%get3A_945, %get3A_946] {strides = array<i32>} : memref<16x1024xf32, #tpu.memory_space<vmem>>, vector<1x16xf32>,
        %get3A_948 = vector.shape_cast %get3A_947 : vector<1x16xf32> to vector<16xf32>
        %add3A_949 = arith.addi %mul3A_238, %scan3A_256 : i32
        %get3A_950 = arith.index_cast %add3A_949 : i32 to index
        %get3A_951 = arith.constant 736 : index
        %get3A_952 = tpu.vector_load %arg5[%get3A_950, %get3A_951] {strides = array<i32>} : memref<32x1024xf32, #tpu.memory_space<vmem>>, vector<1x16xf32>,
        %get3A_953 = vector.shape_cast %get3A_952 : vector<1x16xf32> to vector<16xf32>
        %add3A_954 = arith.addf %get3A_948, %get3A_953 : vector<16xf32>
        %swap3A_955 = arith.index_cast %scan3A_256 : i32 to index
        %swap3A_956 = arith.constant 736 : index
        %swap3A_957 = tpu.vector_load %arg9[%swap3A_955, %swap3A_956] {strides = array<i32>} : memref<16x1024xf32, #tpu.memory_space<vmem>>, vector<1x16xf32>,
        %swap3A_958 = vector.shape_cast %swap3A_957 : vector<1x16xf32> to vector<16xf32>
        %swap3A_959 = vector.shape_cast %add3A_954 : vector<16xf32> to vector<1x16xf32>
        tpu.vector_store %arg9[%swap3A_955, %swap3A_956], %swap3A_959 {strides = array<i32>} : memref<16x1024xf32, #tpu.memory_space<vmem>>, vector<1x16xf32>,
        %get3A_960 = arith.index_cast %scan3A_256 : i32 to index
        %get3A_961 = arith.constant 752 : index
        %get3A_962 = tpu.vector_load %arg7[%get3A_960, %get3A_961] {strides = array<i32>} : memref<16x1024xf32, #tpu.memory_space<vmem>>, vector<1x16xf32>,
        %get3A_963 = vector.shape_cast %get3A_962 : vector<1x16xf32> to vector<16xf32>
        %add3A_964 = arith.addi %mul3A_238, %scan3A_256 : i32
        %get3A_965 = arith.index_cast %add3A_964 : i32 to index
        %get3A_966 = arith.constant 752 : index
        %get3A_967 = tpu.vector_load %arg5[%get3A_965, %get3A_966] {strides = array<i32>} : memref<32x1024xf32, #tpu.memory_space<vmem>>, vector<1x16xf32>,
        %get3A_968 = vector.shape_cast %get3A_967 : vector<1x16xf32> to vector<16xf32>
        %add3A_969 = arith.addf %get3A_963, %get3A_968 : vector<16xf32>
        %swap3A_970 = arith.index_cast %scan3A_256 : i32 to index
        %swap3A_971 = arith.constant 752 : index
        %swap3A_972 = tpu.vector_load %arg9[%swap3A_970, %swap3A_971] {strides = array<i32>} : memref<16x1024xf32, #tpu.memory_space<vmem>>, vector<1x16xf32>,
        %swap3A_973 = vector.shape_cast %swap3A_972 : vector<1x16xf32> to vector<16xf32>
        %swap3A_974 = vector.shape_cast %add3A_969 : vector<16xf32> to vector<1x16xf32>
        tpu.vector_store %arg9[%swap3A_970, %swap3A_971], %swap3A_974 {strides = array<i32>} : memref<16x1024xf32, #tpu.memory_space<vmem>>, vector<1x16xf32>,
        %get3A_975 = arith.index_cast %scan3A_256 : i32 to index
        %get3A_976 = arith.constant 768 : index
        %get3A_977 = tpu.vector_load %arg7[%get3A_975, %get3A_976] {strides = array<i32>} : memref<16x1024xf32, #tpu.memory_space<vmem>>, vector<1x16xf32>,
        %get3A_978 = vector.shape_cast %get3A_977 : vector<1x16xf32> to vector<16xf32>
        %add3A_979 = arith.addi %mul3A_238, %scan3A_256 : i32
        %get3A_980 = arith.index_cast %add3A_979 : i32 to index
        %get3A_981 = arith.constant 768 : index
        %get3A_982 = tpu.vector_load %arg5[%get3A_980, %get3A_981] {strides = array<i32>} : memref<32x1024xf32, #tpu.memory_space<vmem>>, vector<1x16xf32>,
        %get3A_983 = vector.shape_cast %get3A_982 : vector<1x16xf32> to vector<16xf32>
        %add3A_984 = arith.addf %get3A_978, %get3A_983 : vector<16xf32>
        %swap3A_985 = arith.index_cast %scan3A_256 : i32 to index
        %swap3A_986 = arith.constant 768 : index
        %swap3A_987 = tpu.vector_load %arg9[%swap3A_985, %swap3A_986] {strides = array<i32>} : memref<16x1024xf32, #tpu.memory_space<vmem>>, vector<1x16xf32>,
        %swap3A_988 = vector.shape_cast %swap3A_987 : vector<1x16xf32> to vector<16xf32>
        %swap3A_989 = vector.shape_cast %add3A_984 : vector<16xf32> to vector<1x16xf32>
        tpu.vector_store %arg9[%swap3A_985, %swap3A_986], %swap3A_989 {strides = array<i32>} : memref<16x1024xf32, #tpu.memory_space<vmem>>, vector<1x16xf32>,
        %get3A_990 = arith.index_cast %scan3A_256 : i32 to index
        %get3A_991 = arith.constant 784 : index
        %get3A_992 = tpu.vector_load %arg7[%get3A_990, %get3A_991] {strides = array<i32>} : memref<16x1024xf32, #tpu.memory_space<vmem>>, vector<1x16xf32>,
        %get3A_993 = vector.shape_cast %get3A_992 : vector<1x16xf32> to vector<16xf32>
        %add3A_994 = arith.addi %mul3A_238, %scan3A_256 : i32
        %get3A_995 = arith.index_cast %add3A_994 : i32 to index
        %get3A_996 = arith.constant 784 : index
        %get3A_997 = tpu.vector_load %arg5[%get3A_995, %get3A_996] {strides = array<i32>} : memref<32x1024xf32, #tpu.memory_space<vmem>>, vector<1x16xf32>,
        %get3A_998 = vector.shape_cast %get3A_997 : vector<1x16xf32> to vector<16xf32>
        %add3A_999 = arith.addf %get3A_993, %get3A_998 : vector<16xf32>
        %swap3A_1000 = arith.index_cast %scan3A_256 : i32 to index
        %swap3A_1001 = arith.constant 784 : index
        %swap3A_1002 = tpu.vector_load %arg9[%swap3A_1000, %swap3A_1001] {strides = array<i32>} : memref<16x1024xf32, #tpu.memory_space<vmem>>, vector<1x16xf32>,
        %swap3A_1003 = vector.shape_cast %swap3A_1002 : vector<1x16xf32> to vector<16xf32>
        %swap3A_1004 = vector.shape_cast %add3A_999 : vector<16xf32> to vector<1x16xf32>
        tpu.vector_store %arg9[%swap3A_1000, %swap3A_1001], %swap3A_1004 {strides = array<i32>} : memref<16x1024xf32, #tpu.memory_space<vmem>>, vector<1x16xf32>,
        %get3A_1005 = arith.index_cast %scan3A_256 : i32 to index
        %get3A_1006 = arith.constant 800 : index
        %get3A_1007 = tpu.vector_load %arg7[%get3A_1005, %get3A_1006] {strides = array<i32>} : memref<16x1024xf32, #tpu.memory_space<vmem>>, vector<1x16xf32>,
        %get3A_1008 = vector.shape_cast %get3A_1007 : vector<1x16xf32> to vector<16xf32>
        %add3A_1009 = arith.addi %mul3A_238, %scan3A_256 : i32
        %get3A_1010 = arith.index_cast %add3A_1009 : i32 to index
        %get3A_1011 = arith.constant 800 : index
        %get3A_1012 = tpu.vector_load %arg5[%get3A_1010, %get3A_1011] {strides = array<i32>} : memref<32x1024xf32, #tpu.memory_space<vmem>>, vector<1x16xf32>,
        %get3A_1013 = vector.shape_cast %get3A_1012 : vector<1x16xf32> to vector<16xf32>
        %add3A_1014 = arith.addf %get3A_1008, %get3A_1013 : vector<16xf32>
        %swap3A_1015 = arith.index_cast %scan3A_256 : i32 to index
        %swap3A_1016 = arith.constant 800 : index
        %swap3A_1017 = tpu.vector_load %arg9[%swap3A_1015, %swap3A_1016] {strides = array<i32>} : memref<16x1024xf32, #tpu.memory_space<vmem>>, vector<1x16xf32>,
        %swap3A_1018 = vector.shape_cast %swap3A_1017 : vector<1x16xf32> to vector<16xf32>
        %swap3A_1019 = vector.shape_cast %add3A_1014 : vector<16xf32> to vector<1x16xf32>
        tpu.vector_store %arg9[%swap3A_1015, %swap3A_1016], %swap3A_1019 {strides = array<i32>} : memref<16x1024xf32, #tpu.memory_space<vmem>>, vector<1x16xf32>,
        %get3A_1020 = arith.index_cast %scan3A_256 : i32 to index
        %get3A_1021 = arith.constant 816 : index
        %get3A_1022 = tpu.vector_load %arg7[%get3A_1020, %get3A_1021] {strides = array<i32>} : memref<16x1024xf32, #tpu.memory_space<vmem>>, vector<1x16xf32>,
        %get3A_1023 = vector.shape_cast %get3A_1022 : vector<1x16xf32> to vector<16xf32>
        %add3A_1024 = arith.addi %mul3A_238, %scan3A_256 : i32
        %get3A_1025 = arith.index_cast %add3A_1024 : i32 to index
        %get3A_1026 = arith.constant 816 : index
        %get3A_1027 = tpu.vector_load %arg5[%get3A_1025, %get3A_1026] {strides = array<i32>} : memref<32x1024xf32, #tpu.memory_space<vmem>>, vector<1x16xf32>,
        %get3A_1028 = vector.shape_cast %get3A_1027 : vector<1x16xf32> to vector<16xf32>
        %add3A_1029 = arith.addf %get3A_1023, %get3A_1028 : vector<16xf32>
        %swap3A_1030 = arith.index_cast %scan3A_256 : i32 to index
        %swap3A_1031 = arith.constant 816 : index
        %swap3A_1032 = tpu.vector_load %arg9[%swap3A_1030, %swap3A_1031] {strides = array<i32>} : memref<16x1024xf32, #tpu.memory_space<vmem>>, vector<1x16xf32>,
        %swap3A_1033 = vector.shape_cast %swap3A_1032 : vector<1x16xf32> to vector<16xf32>
        %swap3A_1034 = vector.shape_cast %add3A_1029 : vector<16xf32> to vector<1x16xf32>
        tpu.vector_store %arg9[%swap3A_1030, %swap3A_1031], %swap3A_1034 {strides = array<i32>} : memref<16x1024xf32, #tpu.memory_space<vmem>>, vector<1x16xf32>,
        %get3A_1035 = arith.index_cast %scan3A_256 : i32 to index
        %get3A_1036 = arith.constant 832 : index
        %get3A_1037 = tpu.vector_load %arg7[%get3A_1035, %get3A_1036] {strides = array<i32>} : memref<16x1024xf32, #tpu.memory_space<vmem>>, vector<1x16xf32>,
        %get3A_1038 = vector.shape_cast %get3A_1037 : vector<1x16xf32> to vector<16xf32>
        %add3A_1039 = arith.addi %mul3A_238, %scan3A_256 : i32
        %get3A_1040 = arith.index_cast %add3A_1039 : i32 to index
        %get3A_1041 = arith.constant 832 : index
        %get3A_1042 = tpu.vector_load %arg5[%get3A_1040, %get3A_1041] {strides = array<i32>} : memref<32x1024xf32, #tpu.memory_space<vmem>>, vector<1x16xf32>,
        %get3A_1043 = vector.shape_cast %get3A_1042 : vector<1x16xf32> to vector<16xf32>
        %add3A_1044 = arith.addf %get3A_1038, %get3A_1043 : vector<16xf32>
        %swap3A_1045 = arith.index_cast %scan3A_256 : i32 to index
        %swap3A_1046 = arith.constant 832 : index
        %swap3A_1047 = tpu.vector_load %arg9[%swap3A_1045, %swap3A_1046] {strides = array<i32>} : memref<16x1024xf32, #tpu.memory_space<vmem>>, vector<1x16xf32>,
        %swap3A_1048 = vector.shape_cast %swap3A_1047 : vector<1x16xf32> to vector<16xf32>
        %swap3A_1049 = vector.shape_cast %add3A_1044 : vector<16xf32> to vector<1x16xf32>
        tpu.vector_store %arg9[%swap3A_1045, %swap3A_1046], %swap3A_1049 {strides = array<i32>} : memref<16x1024xf32, #tpu.memory_space<vmem>>, vector<1x16xf32>,
        %get3A_1050 = arith.index_cast %scan3A_256 : i32 to index
        %get3A_1051 = arith.constant 848 : index
        %get3A_1052 = tpu.vector_load %arg7[%get3A_1050, %get3A_1051] {strides = array<i32>} : memref<16x1024xf32, #tpu.memory_space<vmem>>, vector<1x16xf32>,
        %get3A_1053 = vector.shape_cast %get3A_1052 : vector<1x16xf32> to vector<16xf32>
        %add3A_1054 = arith.addi %mul3A_238, %scan3A_256 : i32
        %get3A_1055 = arith.index_cast %add3A_1054 : i32 to index
        %get3A_1056 = arith.constant 848 : index
        %get3A_1057 = tpu.vector_load %arg5[%get3A_1055, %get3A_1056] {strides = array<i32>} : memref<32x1024xf32, #tpu.memory_space<vmem>>, vector<1x16xf32>,
        %get3A_1058 = vector.shape_cast %get3A_1057 : vector<1x16xf32> to vector<16xf32>
        %add3A_1059 = arith.addf %get3A_1053, %get3A_1058 : vector<16xf32>
        %swap3A_1060 = arith.index_cast %scan3A_256 : i32 to index
        %swap3A_1061 = arith.constant 848 : index
        %swap3A_1062 = tpu.vector_load %arg9[%swap3A_1060, %swap3A_1061] {strides = array<i32>} : memref<16x1024xf32, #tpu.memory_space<vmem>>, vector<1x16xf32>,
        %swap3A_1063 = vector.shape_cast %swap3A_1062 : vector<1x16xf32> to vector<16xf32>
        %swap3A_1064 = vector.shape_cast %add3A_1059 : vector<16xf32> to vector<1x16xf32>
        tpu.vector_store %arg9[%swap3A_1060, %swap3A_1061], %swap3A_1064 {strides = array<i32>} : memref<16x1024xf32, #tpu.memory_space<vmem>>, vector<1x16xf32>,
        %get3A_1065 = arith.index_cast %scan3A_256 : i32 to index
        %get3A_1066 = arith.constant 864 : index
        %get3A_1067 = tpu.vector_load %arg7[%get3A_1065, %get3A_1066] {strides = array<i32>} : memref<16x1024xf32, #tpu.memory_space<vmem>>, vector<1x16xf32>,
        %get3A_1068 = vector.shape_cast %get3A_1067 : vector<1x16xf32> to vector<16xf32>
        %add3A_1069 = arith.addi %mul3A_238, %scan3A_256 : i32
        %get3A_1070 = arith.index_cast %add3A_1069 : i32 to index
        %get3A_1071 = arith.constant 864 : index
        %get3A_1072 = tpu.vector_load %arg5[%get3A_1070, %get3A_1071] {strides = array<i32>} : memref<32x1024xf32, #tpu.memory_space<vmem>>, vector<1x16xf32>,
        %get3A_1073 = vector.shape_cast %get3A_1072 : vector<1x16xf32> to vector<16xf32>
        %add3A_1074 = arith.addf %get3A_1068, %get3A_1073 : vector<16xf32>
        %swap3A_1075 = arith.index_cast %scan3A_256 : i32 to index
        %swap3A_1076 = arith.constant 864 : index
        %swap3A_1077 = tpu.vector_load %arg9[%swap3A_1075, %swap3A_1076] {strides = array<i32>} : memref<16x1024xf32, #tpu.memory_space<vmem>>, vector<1x16xf32>,
        %swap3A_1078 = vector.shape_cast %swap3A_1077 : vector<1x16xf32> to vector<16xf32>
        %swap3A_1079 = vector.shape_cast %add3A_1074 : vector<16xf32> to vector<1x16xf32>
        tpu.vector_store %arg9[%swap3A_1075, %swap3A_1076], %swap3A_1079 {strides = array<i32>} : memref<16x1024xf32, #tpu.memory_space<vmem>>, vector<1x16xf32>,
        %get3A_1080 = arith.index_cast %scan3A_256 : i32 to index
        %get3A_1081 = arith.constant 880 : index
        %get3A_1082 = tpu.vector_load %arg7[%get3A_1080, %get3A_1081] {strides = array<i32>} : memref<16x1024xf32, #tpu.memory_space<vmem>>, vector<1x16xf32>,
        %get3A_1083 = vector.shape_cast %get3A_1082 : vector<1x16xf32> to vector<16xf32>
        %add3A_1084 = arith.addi %mul3A_238, %scan3A_256 : i32
        %get3A_1085 = arith.index_cast %add3A_1084 : i32 to index
        %get3A_1086 = arith.constant 880 : index
        %get3A_1087 = tpu.vector_load %arg5[%get3A_1085, %get3A_1086] {strides = array<i32>} : memref<32x1024xf32, #tpu.memory_space<vmem>>, vector<1x16xf32>,
        %get3A_1088 = vector.shape_cast %get3A_1087 : vector<1x16xf32> to vector<16xf32>
        %add3A_1089 = arith.addf %get3A_1083, %get3A_1088 : vector<16xf32>
        %swap3A_1090 = arith.index_cast %scan3A_256 : i32 to index
        %swap3A_1091 = arith.constant 880 : index
        %swap3A_1092 = tpu.vector_load %arg9[%swap3A_1090, %swap3A_1091] {strides = array<i32>} : memref<16x1024xf32, #tpu.memory_space<vmem>>, vector<1x16xf32>,
        %swap3A_1093 = vector.shape_cast %swap3A_1092 : vector<1x16xf32> to vector<16xf32>
        %swap3A_1094 = vector.shape_cast %add3A_1089 : vector<16xf32> to vector<1x16xf32>
        tpu.vector_store %arg9[%swap3A_1090, %swap3A_1091], %swap3A_1094 {strides = array<i32>} : memref<16x1024xf32, #tpu.memory_space<vmem>>, vector<1x16xf32>,
        %get3A_1095 = arith.index_cast %scan3A_256 : i32 to index
        %get3A_1096 = arith.constant 896 : index
        %get3A_1097 = tpu.vector_load %arg7[%get3A_1095, %get3A_1096] {strides = array<i32>} : memref<16x1024xf32, #tpu.memory_space<vmem>>, vector<1x16xf32>,
        %get3A_1098 = vector.shape_cast %get3A_1097 : vector<1x16xf32> to vector<16xf32>
        %add3A_1099 = arith.addi %mul3A_238, %scan3A_256 : i32
        %get3A_1100 = arith.index_cast %add3A_1099 : i32 to index
        %get3A_1101 = arith.constant 896 : index
        %get3A_1102 = tpu.vector_load %arg5[%get3A_1100, %get3A_1101] {strides = array<i32>} : memref<32x1024xf32, #tpu.memory_space<vmem>>, vector<1x16xf32>,
        %get3A_1103 = vector.shape_cast %get3A_1102 : vector<1x16xf32> to vector<16xf32>
        %add3A_1104 = arith.addf %get3A_1098, %get3A_1103 : vector<16xf32>
        %swap3A_1105 = arith.index_cast %scan3A_256 : i32 to index
        %swap3A_1106 = arith.constant 896 : index
        %swap3A_1107 = tpu.vector_load %arg9[%swap3A_1105, %swap3A_1106] {strides = array<i32>} : memref<16x1024xf32, #tpu.memory_space<vmem>>, vector<1x16xf32>,
        %swap3A_1108 = vector.shape_cast %swap3A_1107 : vector<1x16xf32> to vector<16xf32>
        %swap3A_1109 = vector.shape_cast %add3A_1104 : vector<16xf32> to vector<1x16xf32>
        tpu.vector_store %arg9[%swap3A_1105, %swap3A_1106], %swap3A_1109 {strides = array<i32>} : memref<16x1024xf32, #tpu.memory_space<vmem>>, vector<1x16xf32>,
        %get3A_1110 = arith.index_cast %scan3A_256 : i32 to index
        %get3A_1111 = arith.constant 912 : index
        %get3A_1112 = tpu.vector_load %arg7[%get3A_1110, %get3A_1111] {strides = array<i32>} : memref<16x1024xf32, #tpu.memory_space<vmem>>, vector<1x16xf32>,
        %get3A_1113 = vector.shape_cast %get3A_1112 : vector<1x16xf32> to vector<16xf32>
        %add3A_1114 = arith.addi %mul3A_238, %scan3A_256 : i32
        %get3A_1115 = arith.index_cast %add3A_1114 : i32 to index
        %get3A_1116 = arith.constant 912 : index
        %get3A_1117 = tpu.vector_load %arg5[%get3A_1115, %get3A_1116] {strides = array<i32>} : memref<32x1024xf32, #tpu.memory_space<vmem>>, vector<1x16xf32>,
        %get3A_1118 = vector.shape_cast %get3A_1117 : vector<1x16xf32> to vector<16xf32>
        %add3A_1119 = arith.addf %get3A_1113, %get3A_1118 : vector<16xf32>
        %swap3A_1120 = arith.index_cast %scan3A_256 : i32 to index
        %swap3A_1121 = arith.constant 912 : index
        %swap3A_1122 = tpu.vector_load %arg9[%swap3A_1120, %swap3A_1121] {strides = array<i32>} : memref<16x1024xf32, #tpu.memory_space<vmem>>, vector<1x16xf32>,
        %swap3A_1123 = vector.shape_cast %swap3A_1122 : vector<1x16xf32> to vector<16xf32>
        %swap3A_1124 = vector.shape_cast %add3A_1119 : vector<16xf32> to vector<1x16xf32>
        tpu.vector_store %arg9[%swap3A_1120, %swap3A_1121], %swap3A_1124 {strides = array<i32>} : memref<16x1024xf32, #tpu.memory_space<vmem>>, vector<1x16xf32>,
        %get3A_1125 = arith.index_cast %scan3A_256 : i32 to index
        %get3A_1126 = arith.constant 928 : index
        %get3A_1127 = tpu.vector_load %arg7[%get3A_1125, %get3A_1126] {strides = array<i32>} : memref<16x1024xf32, #tpu.memory_space<vmem>>, vector<1x16xf32>,
        %get3A_1128 = vector.shape_cast %get3A_1127 : vector<1x16xf32> to vector<16xf32>
        %add3A_1129 = arith.addi %mul3A_238, %scan3A_256 : i32
        %get3A_1130 = arith.index_cast %add3A_1129 : i32 to index
        %get3A_1131 = arith.constant 928 : index
        %get3A_1132 = tpu.vector_load %arg5[%get3A_1130, %get3A_1131] {strides = array<i32>} : memref<32x1024xf32, #tpu.memory_space<vmem>>, vector<1x16xf32>,
        %get3A_1133 = vector.shape_cast %get3A_1132 : vector<1x16xf32> to vector<16xf32>
        %add3A_1134 = arith.addf %get3A_1128, %get3A_1133 : vector<16xf32>
        %swap3A_1135 = arith.index_cast %scan3A_256 : i32 to index
        %swap3A_1136 = arith.constant 928 : index
        %swap3A_1137 = tpu.vector_load %arg9[%swap3A_1135, %swap3A_1136] {strides = array<i32>} : memref<16x1024xf32, #tpu.memory_space<vmem>>, vector<1x16xf32>,
        %swap3A_1138 = vector.shape_cast %swap3A_1137 : vector<1x16xf32> to vector<16xf32>
        %swap3A_1139 = vector.shape_cast %add3A_1134 : vector<16xf32> to vector<1x16xf32>
        tpu.vector_store %arg9[%swap3A_1135, %swap3A_1136], %swap3A_1139 {strides = array<i32>} : memref<16x1024xf32, #tpu.memory_space<vmem>>, vector<1x16xf32>,
        %get3A_1140 = arith.index_cast %scan3A_256 : i32 to index
        %get3A_1141 = arith.constant 944 : index
        %get3A_1142 = tpu.vector_load %arg7[%get3A_1140, %get3A_1141] {strides = array<i32>} : memref<16x1024xf32, #tpu.memory_space<vmem>>, vector<1x16xf32>,
        %get3A_1143 = vector.shape_cast %get3A_1142 : vector<1x16xf32> to vector<16xf32>
        %add3A_1144 = arith.addi %mul3A_238, %scan3A_256 : i32
        %get3A_1145 = arith.index_cast %add3A_1144 : i32 to index
        %get3A_1146 = arith.constant 944 : index
        %get3A_1147 = tpu.vector_load %arg5[%get3A_1145, %get3A_1146] {strides = array<i32>} : memref<32x1024xf32, #tpu.memory_space<vmem>>, vector<1x16xf32>,
        %get3A_1148 = vector.shape_cast %get3A_1147 : vector<1x16xf32> to vector<16xf32>
        %add3A_1149 = arith.addf %get3A_1143, %get3A_1148 : vector<16xf32>
        %swap3A_1150 = arith.index_cast %scan3A_256 : i32 to index
        %swap3A_1151 = arith.constant 944 : index
        %swap3A_1152 = tpu.vector_load %arg9[%swap3A_1150, %swap3A_1151] {strides = array<i32>} : memref<16x1024xf32, #tpu.memory_space<vmem>>, vector<1x16xf32>,
        %swap3A_1153 = vector.shape_cast %swap3A_1152 : vector<1x16xf32> to vector<16xf32>
        %swap3A_1154 = vector.shape_cast %add3A_1149 : vector<16xf32> to vector<1x16xf32>
        tpu.vector_store %arg9[%swap3A_1150, %swap3A_1151], %swap3A_1154 {strides = array<i32>} : memref<16x1024xf32, #tpu.memory_space<vmem>>, vector<1x16xf32>,
        %get3A_1155 = arith.index_cast %scan3A_256 : i32 to index
        %get3A_1156 = arith.constant 960 : index
        %get3A_1157 = tpu.vector_load %arg7[%get3A_1155, %get3A_1156] {strides = array<i32>} : memref<16x1024xf32, #tpu.memory_space<vmem>>, vector<1x16xf32>,
        %get3A_1158 = vector.shape_cast %get3A_1157 : vector<1x16xf32> to vector<16xf32>
        %add3A_1159 = arith.addi %mul3A_238, %scan3A_256 : i32
        %get3A_1160 = arith.index_cast %add3A_1159 : i32 to index
        %get3A_1161 = arith.constant 960 : index
        %get3A_1162 = tpu.vector_load %arg5[%get3A_1160, %get3A_1161] {strides = array<i32>} : memref<32x1024xf32, #tpu.memory_space<vmem>>, vector<1x16xf32>,
        %get3A_1163 = vector.shape_cast %get3A_1162 : vector<1x16xf32> to vector<16xf32>
        %add3A_1164 = arith.addf %get3A_1158, %get3A_1163 : vector<16xf32>
        %swap3A_1165 = arith.index_cast %scan3A_256 : i32 to index
        %swap3A_1166 = arith.constant 960 : index
        %swap3A_1167 = tpu.vector_load %arg9[%swap3A_1165, %swap3A_1166] {strides = array<i32>} : memref<16x1024xf32, #tpu.memory_space<vmem>>, vector<1x16xf32>,
        %swap3A_1168 = vector.shape_cast %swap3A_1167 : vector<1x16xf32> to vector<16xf32>
        %swap3A_1169 = vector.shape_cast %add3A_1164 : vector<16xf32> to vector<1x16xf32>
        tpu.vector_store %arg9[%swap3A_1165, %swap3A_1166], %swap3A_1169 {strides = array<i32>} : memref<16x1024xf32, #tpu.memory_space<vmem>>, vector<1x16xf32>,
        %get3A_1170 = arith.index_cast %scan3A_256 : i32 to index
        %get3A_1171 = arith.constant 976 : index
        %get3A_1172 = tpu.vector_load %arg7[%get3A_1170, %get3A_1171] {strides = array<i32>} : memref<16x1024xf32, #tpu.memory_space<vmem>>, vector<1x16xf32>,
        %get3A_1173 = vector.shape_cast %get3A_1172 : vector<1x16xf32> to vector<16xf32>
        %add3A_1174 = arith.addi %mul3A_238, %scan3A_256 : i32
        %get3A_1175 = arith.index_cast %add3A_1174 : i32 to index
        %get3A_1176 = arith.constant 976 : index
        %get3A_1177 = tpu.vector_load %arg5[%get3A_1175, %get3A_1176] {strides = array<i32>} : memref<32x1024xf32, #tpu.memory_space<vmem>>, vector<1x16xf32>,
        %get3A_1178 = vector.shape_cast %get3A_1177 : vector<1x16xf32> to vector<16xf32>
        %add3A_1179 = arith.addf %get3A_1173, %get3A_1178 : vector<16xf32>
        %swap3A_1180 = arith.index_cast %scan3A_256 : i32 to index
        %swap3A_1181 = arith.constant 976 : index
        %swap3A_1182 = tpu.vector_load %arg9[%swap3A_1180, %swap3A_1181] {strides = array<i32>} : memref<16x1024xf32, #tpu.memory_space<vmem>>, vector<1x16xf32>,
        %swap3A_1183 = vector.shape_cast %swap3A_1182 : vector<1x16xf32> to vector<16xf32>
        %swap3A_1184 = vector.shape_cast %add3A_1179 : vector<16xf32> to vector<1x16xf32>
        tpu.vector_store %arg9[%swap3A_1180, %swap3A_1181], %swap3A_1184 {strides = array<i32>} : memref<16x1024xf32, #tpu.memory_space<vmem>>, vector<1x16xf32>,
        %get3A_1185 = arith.index_cast %scan3A_256 : i32 to index
        %get3A_1186 = arith.constant 992 : index
        %get3A_1187 = tpu.vector_load %arg7[%get3A_1185, %get3A_1186] {strides = array<i32>} : memref<16x1024xf32, #tpu.memory_space<vmem>>, vector<1x16xf32>,
        %get3A_1188 = vector.shape_cast %get3A_1187 : vector<1x16xf32> to vector<16xf32>
        %add3A_1189 = arith.addi %mul3A_238, %scan3A_256 : i32
        %get3A_1190 = arith.index_cast %add3A_1189 : i32 to index
        %get3A_1191 = arith.constant 992 : index
        %get3A_1192 = tpu.vector_load %arg5[%get3A_1190, %get3A_1191] {strides = array<i32>} : memref<32x1024xf32, #tpu.memory_space<vmem>>, vector<1x16xf32>,
        %get3A_1193 = vector.shape_cast %get3A_1192 : vector<1x16xf32> to vector<16xf32>
        %add3A_1194 = arith.addf %get3A_1188, %get3A_1193 : vector<16xf32>
        %swap3A_1195 = arith.index_cast %scan3A_256 : i32 to index
        %swap3A_1196 = arith.constant 992 : index
        %swap3A_1197 = tpu.vector_load %arg9[%swap3A_1195, %swap3A_1196] {strides = array<i32>} : memref<16x1024xf32, #tpu.memory_space<vmem>>, vector<1x16xf32>,
        %swap3A_1198 = vector.shape_cast %swap3A_1197 : vector<1x16xf32> to vector<16xf32>
        %swap3A_1199 = vector.shape_cast %add3A_1194 : vector<16xf32> to vector<1x16xf32>
        tpu.vector_store %arg9[%swap3A_1195, %swap3A_1196], %swap3A_1199 {strides = array<i32>} : memref<16x1024xf32, #tpu.memory_space<vmem>>, vector<1x16xf32>,
        %get3A_1200 = arith.index_cast %scan3A_256 : i32 to index
        %get3A_1201 = arith.constant 1008 : index
        %get3A_1202 = tpu.vector_load %arg7[%get3A_1200, %get3A_1201] {strides = array<i32>} : memref<16x1024xf32, #tpu.memory_space<vmem>>, vector<1x16xf32>,
        %get3A_1203 = vector.shape_cast %get3A_1202 : vector<1x16xf32> to vector<16xf32>
        %add3A_1204 = arith.addi %mul3A_238, %scan3A_256 : i32
        %get3A_1205 = arith.index_cast %add3A_1204 : i32 to index
        %get3A_1206 = arith.constant 1008 : index
        %get3A_1207 = tpu.vector_load %arg5[%get3A_1205, %get3A_1206] {strides = array<i32>} : memref<32x1024xf32, #tpu.memory_space<vmem>>, vector<1x16xf32>,
        %get3A_1208 = vector.shape_cast %get3A_1207 : vector<1x16xf32> to vector<16xf32>
        %add3A_1209 = arith.addf %get3A_1203, %get3A_1208 : vector<16xf32>
        %swap3A_1210 = arith.index_cast %scan3A_256 : i32 to index
        %swap3A_1211 = arith.constant 1008 : index
        %swap3A_1212 = tpu.vector_load %arg9[%swap3A_1210, %swap3A_1211] {strides = array<i32>} : memref<16x1024xf32, #tpu.memory_space<vmem>>, vector<1x16xf32>,
        %swap3A_1213 = vector.shape_cast %swap3A_1212 : vector<1x16xf32> to vector<16xf32>
        %swap3A_1214 = vector.shape_cast %add3A_1209 : vector<16xf32> to vector<1x16xf32>
        tpu.vector_store %arg9[%swap3A_1210, %swap3A_1211], %swap3A_1214 {strides = array<i32>} : memref<16x1024xf32, #tpu.memory_space<vmem>>, vector<1x16xf32>,
      }
      %scan3A_244 = arith.constant 16 : i32
      %dma_start3A_245 = arith.constant 0 : i32
      %dma_start3A_246 = tpu.memref_slice %arg4[%add3A_211, %dma_start3A_245] : memref<8192x1024xf32, #tpu.memory_space<hbm>> -> memref<16x1024xf32, #tpu.memory_space<hbm>>
      %dma_start3A_247 = arith.constant 0 : i32
      %dma_start3A_248 = tpu.memref_slice %arg4[%add3A_211, %dma_start3A_247] : memref<8192x1024xf32, #tpu.memory_space<hbm>> -> memref<16x1024xf32, #tpu.memory_space<hbm>>
      tpu.enqueue_dma source(%arg9 : memref<16x1024xf32, #tpu.memory_space<vmem>>) target(%dma_start3A_248 : memref<16x1024xf32, #tpu.memory_space<hbm>>) target_semaphore(%arg13 : memref<!tpu.dma_semaphore, #tpu.memory_space<semaphore_mem>>)
      %add3A_249 = arith.constant 2 : i32
      %add3A_250 = arith.addi %add3A_165, %add3A_249 : i32
      %lt3A_251 = arith.constant 8 : i32
      %lt3A_252 = arith.cmpi slt, %add3A_250, %lt3A_251 : i32
      %convert_element_type3A_253 = arith.extui %lt3A_252 : i1 to i32
      %cond3A_254 = arith.constant 0 : i32
      %cond3A_255 = arith.cmpi ne, %convert_element_type3A_253, %cond3A_254 : i32
      scf.if %cond3A_255 {
        %jit3A_256 = arith.constant 2 : i32
        %div3A_257 = arith.divsi %add3A_250, %jit3A_256 : i32
        %sign3A_258 = arith.constant 0 : i32
        %sign3A_259 = arith.cmpi sgt, %add3A_250, %sign3A_258 : i32
        %sign3A_260 = arith.extui %sign3A_259 : i1 to i32
        %sign3A_261 = arith.constant 0 : i32
        %sign3A_262 = arith.cmpi slt, %add3A_250, %sign3A_261 : i32
        %sign3A_263 = arith.extui %sign3A_262 : i1 to i32
        %sign3A_264 = arith.subi %sign3A_260, %sign3A_263 : i32
        %sign3A_265 = arith.constant 0 : i32
        %sign3A_266 = arith.cmpi sgt, %jit3A_256, %sign3A_265 : i32
        %sign3A_267 = arith.extui %sign3A_266 : i1 to i32
        %sign3A_268 = arith.constant 0 : i32
        %sign3A_269 = arith.cmpi slt, %jit3A_256, %sign3A_268 : i32
        %sign3A_270 = arith.extui %sign3A_269 : i1 to i32
        %sign3A_271 = arith.subi %sign3A_267, %sign3A_270 : i32
        %ne3A_272 = arith.cmpi ne, %sign3A_264, %sign3A_271 : i32
        %rem3A_273 = arith.remsi %add3A_250, %jit3A_256 : i32
        %ne3A_274 = arith.constant 0 : i32
        %ne3A_275 = arith.cmpi ne, %rem3A_273, %ne3A_274 : i32
        %and3A_276 = arith.andi %ne3A_272, %ne3A_275 : i1
        %sub3A_277 = arith.constant 1 : i32
        %sub3A_278 = arith.subi %div3A_257, %sub3A_277 : i32
        %select_n3A_279 = arith.select %and3A_276, %sub3A_278, %div3A_257 : i32
        %jit3A_280 = arith.constant 2 : i32
        %eq3A_281 = arith.constant 0 : i32
        %eq3A_282 = arith.cmpi eq, %jit3A_280, %eq3A_281 : i32
        %jit3A_283 = arith.constant 1 : i32
        %select_n3A_284 = arith.select %eq3A_282, %jit3A_283, %jit3A_280 : i32
        %rem3A_285 = arith.remsi %add3A_250, %select_n3A_284 : i32
        %ne3A_286 = arith.constant 0 : i32
        %ne3A_287 = arith.cmpi ne, %rem3A_285, %ne3A_286 : i32
        %lt3A_288 = arith.constant 0 : i32
        %lt3A_289 = arith.cmpi slt, %rem3A_285, %lt3A_288 : i32
        %lt3A_290 = arith.constant 0 : i32
        %lt3A_291 = arith.cmpi slt, %select_n3A_284, %lt3A_290 : i32
        %ne3A_292 = arith.xori %lt3A_289, %lt3A_291 : i1
        %and3A_293 = arith.andi %ne3A_292, %ne3A_287 : i1
        %add3A_294 = arith.addi %rem3A_285, %select_n3A_284 : i32
        %select_n3A_295 = arith.select %and3A_293, %add3A_294, %rem3A_285 : i32
        %mul3A_296 = arith.constant 2048 : i32
        %mul3A_297 = arith.muli %select_n3A_279, %mul3A_296 : i32
        %add3A_298 = arith.addi %mul3A_297, %add3A_41 : i32
        %mul3A_299 = arith.constant 16 : i32
        %mul3A_300 = arith.muli %select_n3A_295, %mul3A_299 : i32
        %add3A_301 = arith.addi %add3A_298, %mul3A_300 : i32
        %dma_start3A_302 = arith.constant 0 : i32
        %dma_start3A_303 = tpu.memref_slice %arg2[%add3A_301, %dma_start3A_302] : memref<8192x1024xf32, #tpu.memory_space<hbm>> -> memref<16x1024xf32, #tpu.memory_space<hbm>>
        %dma_start3A_304 = arith.constant 0 : i32
        %dma_start3A_305 = tpu.memref_slice %arg2[%add3A_301, %dma_start3A_304] : memref<8192x1024xf32, #tpu.memory_space<hbm>> -> memref<16x1024xf32, #tpu.memory_space<hbm>>
        tpu.enqueue_dma source(%dma_start3A_305 : memref<16x1024xf32, #tpu.memory_space<hbm>>) target(%arg7 : memref<16x1024xf32, #tpu.memory_space<vmem>>) target_semaphore(%arg11 : memref<!tpu.dma_semaphore, #tpu.memory_space<semaphore_mem>>)
      } else {
      }
    }
    %scan3A_63 = arith.constant 4 : i32
    %add3A_64 = arith.constant 6144 : i32
    %add3A_65 = arith.addi %add3A_64, %add3A_41 : i32
    %add3A_66 = arith.constant 0 : i32
    %add3A_67 = arith.addi %add3A_65, %add3A_66 : i32
    %dma_wait3A_68 = arith.constant 0 : i32
    %dma_wait3A_69 = tpu.memref_slice %arg4[%add3A_67, %dma_wait3A_68] : memref<8192x1024xf32, #tpu.memory_space<hbm>> -> memref<16x1024xf32, #tpu.memory_space<hbm>>
    %dma_wait3A_70 = arith.constant 0 : i32
    %dma_wait3A_71 = tpu.memref_slice %arg4[%add3A_67, %dma_wait3A_70] : memref<8192x1024xf32, #tpu.memory_space<hbm>> -> memref<16x1024xf32, #tpu.memory_space<hbm>>
    tpu.wait_dma2 semaphore(%arg12 : memref<!tpu.dma_semaphore, #tpu.memory_space<semaphore_mem>>) src(%arg8 : memref<16x1024xf32, #tpu.memory_space<vmem>>) dst(%dma_wait3A_71 : memref<16x1024xf32, #tpu.memory_space<hbm>>)
    %add3A_72 = arith.constant 6144 : i32
    %add3A_73 = arith.addi %add3A_72, %add3A_41 : i32
    %add3A_74 = arith.constant 16 : i32
    %add3A_75 = arith.addi %add3A_73, %add3A_74 : i32
    %dma_wait3A_76 = arith.constant 0 : i32
    %dma_wait3A_77 = tpu.memref_slice %arg4[%add3A_75, %dma_wait3A_76] : memref<8192x1024xf32, #tpu.memory_space<hbm>> -> memref<16x1024xf32, #tpu.memory_space<hbm>>
    %dma_wait3A_78 = arith.constant 0 : i32
    %dma_wait3A_79 = tpu.memref_slice %arg4[%add3A_75, %dma_wait3A_78] : memref<8192x1024xf32, #tpu.memory_space<hbm>> -> memref<16x1024xf32, #tpu.memory_space<hbm>>
    tpu.wait_dma2 semaphore(%arg13 : memref<!tpu.dma_semaphore, #tpu.memory_space<semaphore_mem>>) src(%arg9 : memref<16x1024xf32, #tpu.memory_space<vmem>>) dst(%dma_wait3A_79 : memref<16x1024xf32, #tpu.memory_space<hbm>>)
    return
  }
}

</mosaic_0001>

<sc_bundles>
// kernel: kernel.3.cloned.1.call-start
scs
__scs_entry_jumppad:
0x0: {  	(pc) =	sbr.rel $0x88, $3  }
0x1: {  	(tag) =	ssettag $0x0;
	lr =	simm.s32 $0x1  }
0x2: {  	[smem:$0x3F9F] =	sst lr;
	_ =	strace $0xD0000000  }
0x3: {  	_ = 	snop  }
0x4: {  	_ = 	snop  }
0x5: {  	_ = 	snop  }
0x6: {  	_ = 	snop  }
0x7: {  	_ = 	snop  }
__scs_overlays_trampoline_lowered:
0x8: {  	[smem:$0x3FAE] =	sst s0  }
0x9: {  	[smem:$0x3FAF] =	sst s1  }
0xa: {  	[smem:$0x3FB0] =	sst s2  }
0xb: {  	[smem:$0x3FB1] =	sst s3  }
0xc: {  	[smem:$0x3FB2] =	sst s4  }
0xd: {  	[smem:$0x3FB3] =	sst s5  }
0xe: {  	[smem:$0x3FB4] =	sst s6  }
0xf: {  	[smem:$0x3FB5] =	sst s7  }
0x10: {  	[smem:$0x3FB6] =	sst s8  }
0x11: {  	[smem:$0x3FB7] =	sst s9;
	s0 =	simm.s32 @!p0 $0x0  }
0x12: {  	s1 =	sld [smem:$0x3F9D];
	s0 =	simm.s32 @p0 $0x1  }
0x13: {  	[smem:$0x3FB8] =	sst s0;
	s0 =	simm.s32 @!p1 $0x0  }
0x14: {  	s2 =	sld [smem:$0x3F9C];
	s0 =	simm.s32 @p1 $0x1  }
0x15: {  	[smem:$0x3FB9] =	sst s0;
	s0 =	simm.s32 @!p2 $0x0  }
0x16: {  	s3 =	sld [smem:$0x3FDB];
	s0 =	simm.s32 @p2 $0x1  }
0x17: {  	s4 =	simm.s32 $0x1BF5;
	[smem:$0x3FBB] =	sst s0  }
0x18: {  	s0 =	sld [smem:$0x3F9E];
	_ =	swait.ge [sflag:s4], $0x0  }
0x19: {  	s7 =	sld [smem:$0x3F9F]  }
0x1a: {  	s8 =	sadd.s32 $0xFFFFE003, lr  }
0x1b: {  	s9 =	sadd.s32 $0xFFFFFEF7, lr;
	s5 =	simm.s32 $0xFFFFFFFF;
	p2 =	slt.u32 s8, $0xFFFFF086  }
0x1c: {  	p1 =	slt.u32 s9, $0xF7A;
	s5 =	simm.s32 @!p2 $0x0  }
0x1d: {  	s5 =	simm.s32 @p1 $0x1;
	p0 =	seq.s32 s7, s2  }
0x1e: {  	s7 =	smul.u32 @!p0 $0xF7A, s2;
	p2 =	seq.s32 @!p0 s5, $0x0  }
0x1f: {  	s9 =	smul.u32 $0xF7A, s1;
	s8 =	simm.s32 @!p0 $0x1BF5;
	p2 =	por !p2, p0  }
0x20: {  	[sflag:s8] =	ssyncset.s32 @!p0 $0xFFFFF086;
	s6 =	sadd.s32 @!p0 s3, s7;
	s7 =	simm.s32 @!p0 $0x108  }
0x21: {  	s3 =	sadd.s32 s3, s9;
	s6 =	sadd.s32 @!p0 $0x88, s6;
	s7 =	simm.s32 @p2 $0x1082  }
0x22: {  	[simem:s7], [sflag:s8] =	dma.local @!p0 [hbm:s6], $0xF7A  }
0x23: {  	s9 =	sor.u32 $0xD0000000, s2;
	s6 =	simm.s32 $0x108;
	_ =	swait.ge @!p0 [sflag:s8], $0x0  }
0x24: {  	s3 =	sadd.s32 $0x88, s3;
	s6 =	simm.s32 @!p1 $0x1082;
	[sflag:s4] =	ssyncset.s32 $0xFFFFF086  }
0x25: {  	[simem:s6], [sflag:s4] =	dma.local [hbm:s3], $0xF7A  }
0x26: {  	[smem:$0x3F9F] =	sst s1;
	(tag) =	ssettag s2;
	_ =	strace s9  }
0x27: {  	s1 =	sld [smem:$0x3FAF]  }
0x28: {  	s2 =	sld [smem:$0x3FB0]  }
0x29: {  	s4 =	sld [smem:$0x3FB2]  }
0x2a: {  	p0 =	seq.s32 s5, $0x0;
	s5 =	sld [smem:$0x3FB3]  }
0x2b: {  	s6 =	sld [smem:$0x3FB4]  }
0x2c: {  	s7 =	sld [smem:$0x3FB5]  }
0x2d: {  	s3 =	simm.s32 $0x108;
	s8 =	sld [smem:$0x3FB6]  }
0x2e: {  	s3 =	simm.s32 @!p0 $0x1082;
	s9 =	sld [smem:$0x3FB7]  }
0x2f: {  	lr =	sadd.s32 s0, s3;
	s0 =	sld [smem:$0x3FAE]  }
0x30: {  	s3 =	sld [smem:$0x3FB1]  }
0x31: {  	[smem:$0x3FBA] =	sst s10  }
0x32: {  	s10 =	sld [smem:$0x3FB8];
	_ =	sdelay $0x3  }
0x33: {  	p0 =	seq.s32 s10, $0x1;
	s10 =	sld [smem:$0x3FBA];
	_ =	sdelay $0x3  }
0x34: {  	[smem:$0x3FBA] =	sst s10  }
0x35: {  	s10 =	sld [smem:$0x3FB9];
	_ =	sdelay $0x3  }
0x36: {  	p1 =	seq.s32 s10, $0x1;
	s10 =	sld [smem:$0x3FBA];
	_ =	sdelay $0x3  }
0x37: {  	[smem:$0x3FBA] =	sst s10  }
0x38: {  	s10 =	sld [smem:$0x3FBB]  }
0x39: {  	_ = 	snop;
	(pc) =	sbr.ind lr, $3  }
0x3a: {  	_ = 	snop  }
0x3b: {  	_ = 	snop  }
0x3c: {  	p2 =	seq.s32 s10, $0x1;
	s10 =	sld [smem:$0x3FBA]  }
0x3d: {  	_ =	shalt  }
0x3e: {  	_ =	shalt  }
0x3f: {  	_ =	shalt  }
0x40: {  	_ =	shalt  }
0x41: {  	_ =	shalt  }
0x42: {  	_ =	shalt  }
0x43: {  	_ =	shalt  }
0x44: {  	_ =	shalt  }
0x45: {  	_ =	shalt  }
0x46: {  	_ =	shalt  }
0x47: {  	_ =	shalt  }
0x48: {  	_ =	shalt  }
0x49: {  	_ =	shalt  }
0x4a: {  	_ =	shalt  }
0x4b: {  	_ =	shalt  }
0x4c: {  	_ =	shalt  }
0x4d: {  	_ =	shalt  }
0x4e: {  	_ =	shalt  }
0x4f: {  	_ =	shalt  }
0x50: {  	_ =	shalt  }
0x51: {  	_ =	shalt  }
0x52: {  	_ =	shalt  }
0x53: {  	_ =	shalt  }
0x54: {  	_ =	shalt  }
0x55: {  	_ =	shalt  }
0x56: {  	_ =	shalt  }
0x57: {  	_ =	shalt  }
0x58: {  	_ =	shalt  }
0x59: {  	_ =	shalt  }
0x5a: {  	_ =	shalt  }
0x5b: {  	_ =	shalt  }
0x5c: {  	_ =	shalt  }
0x5d: {  	_ =	shalt  }
0x5e: {  	_ =	shalt  }
0x5f: {  	_ =	shalt  }
0x60: {  	_ =	shalt  }
0x61: {  	_ =	shalt  }
0x62: {  	_ =	shalt  }
0x63: {  	_ =	shalt  }
0x64: {  	_ =	shalt  }
0x65: {  	_ =	shalt  }
0x66: {  	_ =	shalt  }
0x67: {  	_ =	shalt  }
0x68: {  	_ =	shalt  }
0x69: {  	_ =	shalt  }
0x6a: {  	_ =	shalt  }
0x6b: {  	_ =	shalt  }
0x6c: {  	_ =	shalt  }
0x6d: {  	_ =	shalt  }
0x6e: {  	_ =	shalt  }
0x6f: {  	_ =	shalt  }
0x70: {  	_ =	shalt  }
0x71: {  	_ =	shalt  }
0x72: {  	_ =	shalt  }
0x73: {  	_ =	shalt  }
0x74: {  	_ =	shalt  }
0x75: {  	_ =	shalt  }
0x76: {  	_ =	shalt  }
0x77: {  	_ =	shalt  }
0x78: {  	_ =	shalt  }
0x79: {  	_ =	shalt  }
0x7a: {  	_ =	shalt  }
0x7b: {  	_ =	shalt  }
0x7c: {  	_ =	shalt  }
0x7d: {  	_ =	shalt  }
0x7e: {  	_ =	shalt  }
0x7f: {  	_ =	shalt  }
0x80: {  	_ =	shalt  }
0x81: {  	_ =	shalt  }
0x82: {  	_ =	shalt  }
0x83: {  	_ =	shalt  }
0x84: {  	_ =	shalt  }
0x85: {  	_ =	shalt  }
0x86: {  	_ =	shalt  }
0x87: {  	_ =	shalt  }
.Lfunc_end0:
.L_simem_size_0:
called_computation_lowered:
.L_overlay_start_0:
0x88: {  	s2 =	sld [smem:$0x3FD9]  }
0x89: {  	s3 =	sld [smem:$0x3FFE];
	_ =	sdelay $0x1  }
0x8a: {  	s1 =	srdreg.scid  }
0x8b: {  	s0 =	sand.u32 $0x1, s1  }
0x8c: {  	s18 =	sshll.u32 s0, $0xA;
	s2 =	sadd.s32 s3, s2  }
0x8d: {  	s2 =	sadd.s32 s2, s18  }
0x8e: {  	[smem:$0x3FC6] =	sst s2  }
0x8f: {  	_ = 	snop  }
0x90: {  	s2 =	sld [smem:$0x3FC9]  }
0x91: {  	s19 =	sld [smem:$0x3FC8]  }
0x92: {  	s4 =	sld [smem:$0x3FD0];
	(tm) =	ssettm $0x1  }
0x93: {  	s5 =	sld [smem:$0x3FFB];
	_ =	sdelay $0x3  }
0x94: {  	_ =	strace s5  }
0x95: {  	s5 =	sld [smem:$0x3FFC];
	_ =	sdelay $0x3  }
0x96: {  	_ =	strace s5  }
0x97: {  	s5 =	sld [smem:$0x3FFD];
	_ =	sdelay $0x3  }
0x98: {  	_ =	strace s5  }
0x99: {  	_ =	strace $0x8FFFFFFF  }
0x9a: {  	s20 =	sld [smem:$0x3FDB];
	_ =	sdelay $0x1  }
0x9b: {  	s6 =	simm.s32 $_scs_section_size  }
0x9c: {  	s7 =	simm.s32 $_size__tile_overlayer_lowered;
	s8 =	simm.s32 $_tile_overlayer_lowered  }
0x9d: {  	s23 =	simm.s32 $0x1BFF;
	s22 =	sshll.u32 s8, $0x1;
	s5 =	sadd.s32 s6, s20  }
0x9e: {  	s9 =	simm.s32 $0x0;
	s21 =	sshll.u32 s7, $0x1;
	s7 =	sadd.s32 s22, s5  }
0x9f: {  	[timem:s9], [sflag:s23] =	dma.local [hbm:s7], s21  }
0xa0: {  	_ =	swait.ge [sflag:s23], s21  }
0xa1: {  	s6 =	ssub.s32 $0x0, s21;
	[sflag:s23] =	ssyncset.done $0x0  }
0xa2: {  	[sflag:s23] =	ssyncadd.s32 s6;
	_ =	sdelay $0x1  }
0xa3: {  	s24 =	simm.s32 $0x1B8B  }
0xa4: {  	_ =	swait.ge [sflag:s24], $0x1  }
0xa5: {  	[sflag:s24] =	ssyncset.done $0x0  }
0xa6: {  	s25 =	simm.s32 $0x1B8E;
	[sflag:s24] =	ssyncadd.s32 $0xFFFFFFFF  }
0xa7: {  	s26 =	simm.s32 $execute0_lowered;
	[smem:$0x3FD2] =	sst s25  }
0xa8: {  	s6 =	sshll.u32 s26, $0x1;
	_ =	strace $0x80000046;
	[dreg:$0x1] =	wrdreg $0xFFFFFFFF  }
0xa9: {  	s28 =	simm.s32 $_size_execute0_lowered;
	s5 =	sadd.s32 s5, s6;
	[dreg:$0x0] =	wrdreg $0x0  }
0xaa: {  	s6 =	sshll.u32 s28, $0x1;
	[dreg:$0x2] =	wrdreg s5  }
0xab: {  	[dreg:$0x3] =	wrdreg s6  }
0xac: {  	[dreg:$0x4] =	wrdreg $0xC0  }
0xad: {  	_ =	task [dreg:s9], $0x5FFFF  }
0xae: {  	[dreg:$0x1] =	wrdreg $0xFFFFFFFF  }
0xaf: {  	[dreg:$0x0] =	wrdreg $0x60  }
0xb0: {  	[dreg:$0x2] =	wrdreg s2  }
0xb1: {  	[dreg:$0x3] =	wrdreg s19  }
0xb2: {  	[dreg:$0x4] =	wrdreg s4  }
0xb3: {  	[dreg:$0x5] =	wrdreg $0x9  }
0xb4: {  	_ =	task.clear_ibuf [dreg:s9], $0x6FFFF;
	_ =	strace $0x90000046  }
0xb5: {  	s29 =	simm.s32 $0x9;
	_ =	strace $0x80000048  }
0xb6: {  	_ =	swait.ge [sflag:s29], $0x1  }
0xb7: {  	[sflag:s29] =	ssyncadd.s32 $0xFFFFFFFF  }
0xb8: {  	_ =	strace $0x90000048  }
0xb9: {  	_ =	sfence  }
0xba: {  	s30 =	sld [smem:$0x0];
	_ =	sdelay $0x2  }
0xbb: {  	s31 =	sshll.u32 s1, $0xD;
	s1 =	sshrl.u32 s1, $0x2  }
0xbc: {  	s3 =	sand.u32 $0x4000, s31;
	s1 =	sadd.s32 s1, s30  }
0xbd: {  	s0 =	sor.u32 s3, s0;
	s1 =	sshll.u32 s1, $0x11  }
0xbe: {  	s0 =	sor.u32 s1, s0  }
0xbf: {  	s0 =	sadd.s32 $0x8F2B, s0  }
0xc0: {  	[sflag:s0] =	ssyncadd.remote.s32 $0x1  }
0xc1: {  	_ =	sfence.sel $0xFFFF  }
0xc2: {  	[dreg:$0x0] =	wrdreg $0xFFFFFFFF;
	(pc) =	sbr.abs _section_cstart, $3  }
0xc3: {  	[dreg:$0x1] =	wrdreg $0xFFFFFFFF  }
0xc4: {  	_ =	task.clear_ibuf [dreg:s9], $0x2FFFF;
	_ =	strace $0x9FFFFFFF  }
0xc5: {  	(tm) =	ssettm $0x7FFFFFFF  }
tec
execute0_lowered:
.L_overlay_start_1:
0x0: {  	(tag) =	ssettag $0x1  }
0x1: {  	s0 =	rddreg [dreg:$0x0]  }
0x2: {  	s1 =	rddreg [dreg:$0x1]  }
0x3: {  	s2 =	rddreg [dreg:$0x2];
	s4 =	srdreg.scid  }
0x4: {  	s3 =	simm.s32 $0x0;
	s6 =	stileid.u32;
	s18 =	simm.s32 $0x5  }
0x5: {  	s19 =	simm.s32 $0x8000;
	s20 =	simm.s32 $0xC000;
	s21 =	simm.s32 $0x1  }
0x6: {  	s22 =	simm.s32 $0x10000;
	s23 =	simm.s32 $0x2;
	s24 =	simm.s32 $0x4  }
0x7: {  	s28 =	simm.s32 $0x0;
	s4 =	sand.u32 $0x1, s4;
	s6 =	sshll.u32 s6, $0xE  }
0x8: {  	[smem:$0x7FF] =	sst s3;
	s30 =	sadd.s32 $0x40000, s0;
	s12 =	sadd.s32 $0x40800, s0  }
0x9: {  	s10 =	sadd.s32 $0x800, s2;
	s5 =	ssub.s32 $0x2, s4;
	s4 =	sshll.u32 s4, $0xD  }
0xa: {  	_ =	strace $0x80000047;
	s7 =	sshrl.u32 s5, $0x1;
	s4 =	sor.u32 s4, s6  }
0xb: {  	s25 =	ssub.s32 s5, s7;
	s5 =	sadd.s32 s0, s4;
	s26 =	sadd.s32 s1, s4  }
0xc: {  	s8 =	sadd.s32 s4, s30;
	s9 =	sor.u32 $0x1000, s4;
	s11 =	sadd.s32 s4, s12  }
.Ltmp0:
0xd: {  	[dreg:$0x4] =	wrdreg s26;
	s29 =	sadd.s32 $0x800, s5;
	(pc) =	sbr.rel .LBB2_1-.Ltmp0, $4  }
0xe: {  	s1 =	sadd.s32 s1, s9;
	s0 =	sadd.s32 s0, s9;
	[dreg:$0x5] =	wrdreg s29  }
0xf: {  	s31 =	sadd.s32 $0x1800, s5;
	s15 =	sadd.s32 s9, s30;
	[dreg:$0x6] =	wrdreg s1  }
0x10: {  	s16 =	sadd.s32 s9, s12;
	s17 =	smax.u32 s25, $0x1;
	[dreg:$0x7] =	wrdreg s0  }
0x11: {  	s25 =	simm.s32 $0x14000;
	s26 =	simm.s32 $0x3;
	[dreg:$0x8] =	wrdreg s31  }
.LBB2_23:
0x12: {  	s28 =	sadd.s32 $0x1, s28  }
0x13: {  	_ =	swait.ge [sflag:s26], $0x4000;
	p0 =	sne.s32 s28, s17  }
.Ltmp1:
0x14: {  	[sflag:s26] =	ssyncset.done $0x0;
	(pc) =	sbr.rel @!p0 .LBB2_24-.Ltmp1, $4  }
0x15: {  	[sflag:s26] =	ssyncadd.s32 $0xFFFFC000  }
0x16: {  	_ =	swait.ge [sflag:s24], $0x4000  }
0x17: {  	[sflag:s24] =	ssyncset.done $0x0  }
0x18: {  	[sflag:s24] =	ssyncadd.s32 $0xFFFFC000  }
.LBB2_1:
0x19: {  	s0 =	rddreg [dreg:$0x4]  }
0x1a: {  	[tilespmem:s3], [sflag:$0x5] =	stream.linear.gather [hbm4b:s0+s3], $0x8000, $0x38;
	[tilespmem:$0x18000] =	vst v63  }
0x1b: {  	_ =	swait.ge [sflag:s18], $0x8000  }
0x1c: {  	[sflag:s18] =	ssyncset.done $0x0  }
0x1d: {  	[sflag:s18] =	ssyncadd.s32 $0xFFFF8000  }
0x1e: {  	[tilespmem:s19], [sflag:$0x1] =	stream.linear.gather [hbm4b:s5+s3], $0x4000, $0x38;
	[tilespmem:$0x18000] =	vst v63  }
0x1f: {  	s29 =	simm.s32 $0x0;
	s31 =	rddreg [dreg:$0x5]  }
0x20: {  	[tilespmem:s20], [sflag:$0x2] =	stream.linear.gather [hbm4b:s31+s3], $0x4000, $0x38;
	[tilespmem:$0x18000] =	vst v63  }
.LBB2_2:
0x21: {  	_ =	swait.ge [sflag:s21], $0x4000  }
0x22: {  	p0 =	seq.s32 s29, $0x0;
	[sflag:s21] =	ssyncset.done $0x0  }
0x23: {  	s0 =	simm.s32 @!p0 $0x3;
	[sflag:s21] =	ssyncadd.s32 $0xFFFFC000  }
0x24: {  	_ =	swait.ge @!p0 [sflag:s0], $0x4000  }
0x25: {  	s1 =	simm.s32 $0xFFFFC000;
	s6 =	simm.s32 $0x0;
	[sflag:s0] =	ssyncset.done @!p0 $0x0  }
0x26: {  	s7 =	simm.s32 $0x0;
	[sflag:s0] =	ssyncadd.s32 @!p0 $0xFFFFC000;
	s0 =	simm.s32 $0x0  }
.LBB2_3:
0x27: {  	s12 =	sadd.s32 $0x4000, s1  }
0x28: {  	s13 =	sand.u32 $0x380, s7;
	s12 =	sand.u32 $0x2000, s12  }
0x29: {  	s12 =	sor.u32 s13, s12  }
0x2a: {  	v0 =	vld [tilespmem:s12+$0x8000]  }
0x2b: {  	v1 =	vld [tilespmem:s12+$0x0]  }
0x2c: {  	v2 =	vld [tilespmem:s12+$0x8010]  }
0x2d: {  	v3 =	vld [tilespmem:s12+$0x10]  }
0x2e: {  	v4 =	vld [tilespmem:s12+$0x8020]  }
0x2f: {  	v5 =	vld [tilespmem:s12+$0x20]  }
0x30: {  	v6 =	vld [tilespmem:s12+$0x8030]  }
0x31: {  	v7 =	vld [tilespmem:s12+$0x30]  }
0x32: {  	v8 =	vld [tilespmem:s12+$0x8040]  }
0x33: {  	v9 =	vld [tilespmem:s12+$0x40]  }
0x34: {  	v10 =	vld [tilespmem:s12+$0x8050]  }
0x35: {  	v11 =	vld [tilespmem:s12+$0x50]  }
0x36: {  	v12 =	vld [tilespmem:s12+$0x8060]  }
0x37: {  	v13 =	vld [tilespmem:s12+$0x60]  }
0x38: {  	v14 =	vld [tilespmem:s12+$0x8070]  }
0x39: {  	v15 =	vld [tilespmem:s12+$0x70]  }
0x3a: {  	v16 =	vld [tilespmem:s12+$0x8400]  }
0x3b: {  	v17 =	vld [tilespmem:s12+$0x400]  }
0x3c: {  	v18 =	vld [tilespmem:s12+$0x8410]  }
0x3d: {  	v19 =	vld [tilespmem:s12+$0x410]  }
0x3e: {  	v20 =	vld [tilespmem:s12+$0x8420]  }
0x3f: {  	v21 =	vld [tilespmem:s12+$0x420]  }
0x40: {  	v22 =	vld [tilespmem:s12+$0x8430]  }
0x41: {  	v23 =	vld [tilespmem:s12+$0x430]  }
0x42: {  	v24 =	vld [tilespmem:s12+$0x8440]  }
0x43: {  	v25 =	vld [tilespmem:s12+$0x440]  }
0x44: {  	v26 =	vld [tilespmem:s12+$0x8450]  }
0x45: {  	v27 =	vld [tilespmem:s12+$0x450]  }
0x46: {  	v28 =	vld [tilespmem:s12+$0x8460]  }
0x47: {  	v29 =	vld [tilespmem:s12+$0x460]  }
0x48: {  	v30 =	vld [tilespmem:s12+$0x8470]  }
0x49: {  	v31 =	vld [tilespmem:s12+$0x470]  }
0x4a: {  	v32 =	vld [tilespmem:s12+$0x8800]  }
0x4b: {  	v33 =	vld [tilespmem:s12+$0x800]  }
0x4c: {  	v34 =	vld [tilespmem:s12+$0x8810]  }
0x4d: {  	v35 =	vld [tilespmem:s12+$0x810]  }
0x4e: {  	v36 =	vld [tilespmem:s12+$0x8820]  }
0x4f: {  	v37 =	vld [tilespmem:s12+$0x820]  }
0x50: {  	v38 =	vld [tilespmem:s12+$0x8830]  }
0x51: {  	v39 =	vld [tilespmem:s12+$0x830]  }
0x52: {  	v40 =	vld [tilespmem:s12+$0x8840]  }
0x53: {  	v41 =	vld [tilespmem:s12+$0x840]  }
0x54: {  	v42 =	vld [tilespmem:s12+$0x8850]  }
0x55: {  	v43 =	vld [tilespmem:s12+$0x850]  }
0x56: {  	v44 =	vld [tilespmem:s12+$0x8860]  }
0x57: {  	v45 =	vld [tilespmem:s12+$0x860]  }
0x58: {  	v46 =	vld [tilespmem:s12+$0x8870]  }
0x59: {  	v47 =	vld [tilespmem:s12+$0x870]  }
0x5a: {  	v48 =	vld [tilespmem:s12+$0x8C00]  }
0x5b: {  	v49 =	vld [tilespmem:s12+$0xC00]  }
0x5c: {  	v50 =	vld [tilespmem:s12+$0x8C10]  }
0x5d: {  	v51 =	vld [tilespmem:s12+$0xC10]  }
0x5e: {  	v52 =	vld [tilespmem:s12+$0x8C20]  }
0x5f: {  	v53 =	vld [tilespmem:s12+$0xC20]  }
0x60: {  	v54 =	vld [tilespmem:s12+$0x8C30]  }
0x61: {  	v55 =	vld [tilespmem:s12+$0xC30]  }
0x62: {  	v56 =	vld [tilespmem:s12+$0x8C40]  }
0x63: {  	v57 =	vld [tilespmem:s12+$0xC40]  }
0x64: {  	v58 =	vld [tilespmem:s12+$0x8C50]  }
0x65: {  	v59 =	vld [tilespmem:s12+$0xC50]  }
0x66: {  	v60 =	vld [tilespmem:s12+$0x8C60]  }
0x67: {  	v0 =	vadd.f32 v1, v0;
	v1 =	vld [tilespmem:s12+$0xC60]  }
0x68: {  	v2 =	vadd.f32 v3, v2;
	v3 =	vld [tilespmem:s12+$0x8C70]  }
0x69: {  	v63 =	vadd.f32 v5, v4;
	v4 =	vld [tilespmem:s12+$0xC70];
	[tilespmem:s12+$0x10000] =	vst v0  }
0x6a: {  	v61 =	vadd.f32 v7, v6;
	v5 =	vld [tilespmem:s12+$0x9000];
	[tilespmem:s12+$0x10010] =	vst v2  }
0x6b: {  	v62 =	vadd.f32 v9, v8;
	v6 =	vld [tilespmem:s12+$0x1000];
	[tilespmem:s12+$0x10020] =	vst v63  }
0x6c: {  	v7 =	vld [tilespmem:s12+$0x9010];
	v13 =	vadd.f32 v13, v12;
	[tilespmem:s12+$0x10030] =	vst v61  }
0x6d: {  	v8 =	vld [tilespmem:s12+$0x1010];
	v15 =	vadd.f32 v15, v14;
	[tilespmem:s12+$0x10040] =	vst v62  }
0x6e: {  	v9 =	vld [tilespmem:s12+$0x9020];
	v17 =	vadd.f32 v17, v16;
	[tilespmem:s12+$0x10060] =	vst v13  }
0x6f: {  	v19 =	vadd.f32 v19, v18;
	v12 =	vld [tilespmem:s12+$0x1030];
	[tilespmem:s12+$0x10070] =	vst v15  }
0x70: {  	v21 =	vadd.f32 v21, v20;
	v14 =	vld [tilespmem:s12+$0x1040];
	[tilespmem:s12+$0x10400] =	vst v17  }
0x71: {  	v23 =	vadd.f32 v23, v22;
	v16 =	vld [tilespmem:s12+$0x1050];
	[tilespmem:s12+$0x10410] =	vst v19  }
0x72: {  	v25 =	vadd.f32 v25, v24;
	v20 =	vld [tilespmem:s12+$0x1070];
	[tilespmem:s12+$0x10420] =	vst v21  }
0x73: {  	v27 =	vadd.f32 v27, v26;
	v22 =	vld [tilespmem:s12+$0x1400];
	[tilespmem:s12+$0x10430] =	vst v23  }
0x74: {  	v29 =	vadd.f32 v29, v28;
	v24 =	vld [tilespmem:s12+$0x1410];
	[tilespmem:s12+$0x10440] =	vst v25  }
0x75: {  	v28 =	vadd.f32 v37, v36;
	v37 =	vld [tilespmem:s12+$0x9430];
	[tilespmem:s12+$0x10450] =	vst v27  }
0x76: {  	v36 =	vadd.f32 v51, v50;
	v51 =	vld [tilespmem:s12+$0x1460];
	[tilespmem:s12+$0x10460] =	vst v29  }
0x77: {  	v63 =	vadd.f32 v11, v10;
	v10 =	vld [tilespmem:s12+$0x1020];
	[tilespmem:s12+$0x10820] =	vst v28  }
0x78: {  	v11 =	vld [tilespmem:s12+$0x9030];
	v61 =	vadd.f32 v31, v30;
	[tilespmem:s12+$0x10C10] =	vst v36  }
0x79: {  	v13 =	vld [tilespmem:s12+$0x9040];
	v62 =	vadd.f32 v33, v32;
	[tilespmem:s12+$0x10050] =	vst v63  }
0x7a: {  	v15 =	vld [tilespmem:s12+$0x9050];
	v27 =	vadd.f32 v35, v34;
	[tilespmem:s12+$0x10470] =	vst v61  }
0x7b: {  	v17 =	vld [tilespmem:s12+$0x9060];
	v29 =	vadd.f32 v39, v38;
	[tilespmem:s12+$0x10800] =	vst v62  }
0x7c: {  	v19 =	vld [tilespmem:s12+$0x9070];
	v30 =	vadd.f32 v41, v40;
	[tilespmem:s12+$0x10810] =	vst v27  }
0x7d: {  	v21 =	vld [tilespmem:s12+$0x9400];
	v31 =	vadd.f32 v43, v42;
	[tilespmem:s12+$0x10830] =	vst v29  }
0x7e: {  	v23 =	vld [tilespmem:s12+$0x9410];
	v32 =	vadd.f32 v45, v44;
	[tilespmem:s12+$0x10840] =	vst v30  }
0x7f: {  	v33 =	vadd.f32 v47, v46;
	v25 =	vld [tilespmem:s12+$0x9420];
	[tilespmem:s12+$0x10850] =	vst v31  }
0x80: {  	v34 =	vadd.f32 v49, v48;
	v35 =	vld [tilespmem:s12+$0x1420];
	[tilespmem:s12+$0x10860] =	vst v32  }
0x81: {  	v38 =	vadd.f32 v53, v52;
	v39 =	vld [tilespmem:s12+$0x1430];
	[tilespmem:s12+$0x10870] =	vst v33  }
0x82: {  	v40 =	vadd.f32 v55, v54;
	v41 =	vld [tilespmem:s12+$0x9440];
	[tilespmem:s12+$0x10C00] =	vst v34  }
0x83: {  	v42 =	vadd.f32 v57, v56;
	v43 =	vld [tilespmem:s12+$0x1440];
	[tilespmem:s12+$0x10C20] =	vst v38  }
0x84: {  	v44 =	vadd.f32 v59, v58;
	v45 =	vld [tilespmem:s12+$0x9450];
	[tilespmem:s12+$0x10C30] =	vst v40  }
0x85: {  	v47 =	vld [tilespmem:s12+$0x1450];
	[tilespmem:s12+$0x10C40] =	vst v42;
	v46 =	vadd.f32 v1, v60  }
0x86: {  	v49 =	vld [tilespmem:s12+$0x9460];
	[tilespmem:s12+$0x10C50] =	vst v44;
	v48 =	vadd.f32 v4, v3  }
0x87: {  	v53 =	vld [tilespmem:s12+$0x9470];
	v50 =	vadd.f32 v6, v5;
	[tilespmem:s12+$0x10C60] =	vst v46  }
0x88: {  	v55 =	vld [tilespmem:s12+$0x1470];
	v52 =	vadd.f32 v8, v7;
	[tilespmem:s12+$0x10C70] =	vst v48  }
0x89: {  	v57 =	vld [tilespmem:s12+$0x9800];
	[tilespmem:s12+$0x11000] =	vst v50;
	v54 =	vadd.f32 v10, v9  }
0x8a: {  	v59 =	vld [tilespmem:s12+$0x1800];
	[tilespmem:s12+$0x11010] =	vst v52;
	v56 =	vadd.f32 v12, v11  }
0x8b: {  	v36 =	vld [tilespmem:s12+$0x1830];
	v58 =	vadd.f32 v14, v13;
	[tilespmem:s12+$0x11020] =	vst v54  }
0x8c: {  	v63 =	vld [tilespmem:s12+$0x1060];
	v60 =	vadd.f32 v16, v15;
	[tilespmem:s12+$0x11030] =	vst v56  }
0x8d: {  	v61 =	vld [tilespmem:s12+$0x9810];
	v19 =	vadd.f32 v20, v19;
	[tilespmem:s12+$0x11040] =	vst v58  }
0x8e: {  	v32 =	vld [tilespmem:s12+$0x1820];
	v22 =	vadd.f32 v22, v21;
	[tilespmem:s12+$0x11050] =	vst v60  }
0x8f: {  	v34 =	vld [tilespmem:s12+$0x9830];
	v33 =	vadd.f32 v24, v23;
	[tilespmem:s12+$0x11070] =	vst v19  }
0x90: {  	v38 =	vld [tilespmem:s12+$0x9840];
	v35 =	vadd.f32 v35, v25;
	[tilespmem:s12+$0x11400] =	vst v22  }
0x91: {  	v40 =	vld [tilespmem:s12+$0x1840];
	v37 =	vadd.f32 v39, v37;
	[tilespmem:s12+$0x11410] =	vst v33  }
0x92: {  	v20 =	vld [tilespmem:s12+$0x9820];
	v39 =	vadd.f32 v43, v41;
	[tilespmem:s12+$0x11420] =	vst v35  }
0x93: {  	v1 =	vadd.f32 v47, v45;
	v41 =	vld [tilespmem:s12+$0x9850];
	[tilespmem:s12+$0x11430] =	vst v37  }
0x94: {  	v42 =	vadd.f32 v51, v49;
	v43 =	vld [tilespmem:s12+$0x1850];
	[tilespmem:s12+$0x11440] =	vst v39  }
0x95: {  	v44 =	vadd.f32 v55, v53;
	v45 =	vld [tilespmem:s12+$0x9860];
	[tilespmem:s12+$0x11450] =	vst v1  }
0x96: {  	v46 =	vadd.f32 v59, v57;
	v47 =	vld [tilespmem:s12+$0x1860];
	[tilespmem:s12+$0x11460] =	vst v42  }
0x97: {  	v49 =	vld [tilespmem:s12+$0x9870];
	v62 =	vadd.f32 v63, v17;
	[tilespmem:s12+$0x11470] =	vst v44  }
0x98: {  	v51 =	vld [tilespmem:s12+$0x1870];
	[tilespmem:s12+$0x11800] =	vst v46;
	v52 =	vadd.f32 v36, v34  }
0x99: {  	v63 =	vld [tilespmem:s12+$0x1810];
	v53 =	vadd.f32 v40, v38;
	[tilespmem:s12+$0x11060] =	vst v62  }
0x9a: {  	[tilespmem:s12+$0x11830] =	vst v52;
	v50 =	vadd.f32 v32, v20  }
0x9b: {  	[tilespmem:s12+$0x11840] =	vst v53;
	v54 =	vadd.f32 v43, v41  }
0x9c: {  	v55 =	vadd.f32 v47, v45;
	[tilespmem:s12+$0x11820] =	vst v50  }
0x9d: {  	s14 =	sand.u32 $0x7, s0;
	v56 =	vadd.f32 v51, v49;
	[tilespmem:s12+$0x11850] =	vst v54  }
0x9e: {  	s13 =	sshll.u32 s14, $0x7;
	v48 =	vadd.f32 v63, v61;
	[tilespmem:s12+$0x11860] =	vst v55  }
0x9f: {  	s13 =	sadd.s32 s13, s6;
	[tilespmem:s12+$0x11870] =	vst v56  }
0xa0: {  	s30 =	sor.u32 $0x1C00, s13;
	[tilespmem:s12+$0x11810] =	vst v48  }
0xa1: {  	v0 =	vld [tilespmem:s30+$0x8000]  }
0xa2: {  	v1 =	vld [tilespmem:s30+$0x0];
	_ =	sdelay $0x4  }
0xa3: {  	v0 =	vadd.f32 v1, v0;
	_ =	sdelay $0x1  }
0xa4: {  	s31 =	sor.u32 $0x1C10, s13;
	[tilespmem:s30+$0x10000] =	vst v0  }
0xa5: {  	v0 =	vld [tilespmem:s31+$0x8000]  }
0xa6: {  	v57 =	vld [tilespmem:s31+$0x0];
	_ =	sdelay $0x4  }
0xa7: {  	v0 =	vadd.f32 v57, v0;
	_ =	sdelay $0x1  }
0xa8: {  	s14 =	sor.u32 $0x1C20, s13;
	[tilespmem:s31+$0x10000] =	vst v0  }
0xa9: {  	v0 =	vld [tilespmem:s14+$0x8000]  }
0xaa: {  	v58 =	vld [tilespmem:s14+$0x0];
	_ =	sdelay $0x4  }
0xab: {  	v0 =	vadd.f32 v58, v0;
	_ =	sdelay $0x1  }
0xac: {  	s30 =	sor.u32 $0x1C30, s13;
	[tilespmem:s14+$0x10000] =	vst v0  }
0xad: {  	v0 =	vld [tilespmem:s30+$0x8000]  }
0xae: {  	v59 =	vld [tilespmem:s30+$0x0];
	_ =	sdelay $0x4  }
0xaf: {  	v0 =	vadd.f32 v59, v0;
	_ =	sdelay $0x1  }
0xb0: {  	s31 =	sor.u32 $0x1C40, s13;
	[tilespmem:s30+$0x10000] =	vst v0  }
0xb1: {  	v0 =	vld [tilespmem:s31+$0x8000]  }
0xb2: {  	v60 =	vld [tilespmem:s31+$0x0];
	_ =	sdelay $0x4  }
0xb3: {  	v0 =	vadd.f32 v60, v0;
	_ =	sdelay $0x1  }
0xb4: {  	s14 =	sor.u32 $0x1C50, s13;
	[tilespmem:s31+$0x10000] =	vst v0  }
0xb5: {  	v0 =	vld [tilespmem:s14+$0x8000]  }
0xb6: {  	v61 =	vld [tilespmem:s14+$0x0];
	_ =	sdelay $0x4  }
0xb7: {  	v0 =	vadd.f32 v61, v0;
	_ =	sdelay $0x1  }
0xb8: {  	s30 =	sor.u32 $0x1C60, s13;
	[tilespmem:s14+$0x10000] =	vst v0  }
0xb9: {  	v0 =	vld [tilespmem:s30+$0x8000]  }
0xba: {  	v62 =	vld [tilespmem:s30+$0x0];
	_ =	sdelay $0x4  }
0xbb: {  	v0 =	vadd.f32 v62, v0;
	_ =	sdelay $0x1  }
0xbc: {  	s31 =	sor.u32 $0x1C70, s13;
	[tilespmem:s30+$0x10000] =	vst v0  }
0xbd: {  	v0 =	vld [tilespmem:s31+$0x8000]  }
0xbe: {  	v63 =	vld [tilespmem:s31+$0x0];
	_ =	sdelay $0x1  }
0xbf: {  	p1 =	sne.s32 s7, $0x780  }
.Ltmp2:
0xc0: {  	_ = 	snop;
	(pc) =	sbr.rel @p1 .LBB2_3-.Ltmp2, $4  }
0xc1: {  	_ = 	snop  }
0xc2: {  	v0 =	vadd.f32 v63, v0  }
0xc3: {  	s0 =	sadd.s32 $0x1, s0  }
0xc4: {  	s1 =	sadd.s32 $0x400, s1;
	s7 =	sadd.s32 $0x80, s7;
	s6 =	sadd.s32 $0x400, s6;
	[tilespmem:s31+$0x10000] =	vst v0  }
0xc5: {  	p1 =	sne.s32 s29, $0x3  }
.Ltmp3:
0xc6: {  	_ = 	snop;
	(pc) =	sbr.rel @p1 .LBB2_6-.Ltmp3, $4  }
0xc7: {  	s30 =	sshll.u32 s29, $0x12  }
0xc8: {  	s31 =	sor.u32 s4, s30  }
0xc9: {  	s0 =	sadd.s32 s2, s31  }
0xca: {  	[hbm4b:s0+s3] =	stream.linear.scatter [tilespmem:s22], [sflag:$0x3], $0x4000, $0x38;
	[tilespmem:$0x18000] =	vst v63  }
.Ltmp4:
0xcb: {  	(pc) =	sbr.rel .LBB2_7-.Ltmp4, $4  }
0xcc: {  	_ = 	snop  }
0xcd: {  	_ =	swait.ge [sflag:s23], $0x4000  }
0xce: {  	[sflag:s23] =	ssyncset.done $0x0  }
0xcf: {  	[sflag:s23] =	ssyncadd.s32 $0xFFFFC000  }
.LBB2_6:
.Ltmp5:
0xd0: {  	s0 =	sadd.s32 s30, s8;
	(pc) =	sbr.rel @p0 .LBB2_8-.Ltmp5, $4  }
0xd1: {  	[tilespmem:s19], [sflag:$0x1] =	stream.linear.gather [hbm4b:s0+s3], $0x4000, $0x38;
	[tilespmem:$0x18000] =	vst v63  }
0xd2: {  	_ =	swait.ge [sflag:s23], $0x4000  }
0xd3: {  	[sflag:s23] =	ssyncset.done $0x0  }
0xd4: {  	[sflag:s23] =	ssyncadd.s32 $0xFFFFC000  }
.LBB2_7:
0xd5: {  	_ =	swait.ge [sflag:s24], $0x4000  }
0xd6: {  	[sflag:s24] =	ssyncset.done $0x0  }
0xd7: {  	[sflag:s24] =	ssyncadd.s32 $0xFFFFC000  }
.LBB2_8:
0xd8: {  	s0 =	simm.s32 $0x0  }
0xd9: {  	s1 =	sand.u32 $0x2000, s0;
	s6 =	sand.u32 $0x380, s0  }
0xda: {  	s1 =	sor.u32 s6, s1  }
0xdb: {  	v0 =	vld [tilespmem:s1+$0x4070]  }
0xdc: {  	v1 =	vld [tilespmem:s1+$0xC000]  }
0xdd: {  	v2 =	vld [tilespmem:s1+$0x4050]  }
0xde: {  	v3 =	vld [tilespmem:s1+$0x4020]  }
0xdf: {  	v4 =	vld [tilespmem:s1+$0x4060]  }
0xe0: {  	v5 =	vld [tilespmem:s1+$0x4000]  }
0xe1: {  	v6 =	vld [tilespmem:s1+$0xC030]  }
0xe2: {  	v7 =	vld [tilespmem:s1+$0xC020]  }
0xe3: {  	v8 =	vld [tilespmem:s1+$0x4040]  }
0xe4: {  	v9 =	vld [tilespmem:s1+$0x4010]  }
0xe5: {  	v11 =	vld [tilespmem:s1+$0xC070]  }
0xe6: {  	v10 =	vld [tilespmem:s1+$0xC010]  }
0xe7: {  	v18 =	vld [tilespmem:s1+$0xC060]  }
0xe8: {  	v12 =	vld [tilespmem:s1+$0xC040];
	v1 =	vadd.f32 v5, v1  }
0xe9: {  	v13 =	vld [tilespmem:s1+$0x4030];
	v3 =	vadd.f32 v3, v7  }
0xea: {  	v19 =	vld [tilespmem:s1+$0xC050];
	v0 =	vadd.f32 v0, v11;
	[tilespmem:s1+$0x14000] =	vst v1  }
0xeb: {  	v1 =	vadd.f32 v9, v10;
	[tilespmem:s1+$0x14020] =	vst v3  }
0xec: {  	v3 =	vadd.f32 v4, v18;
	[tilespmem:s1+$0x14070] =	vst v0  }
0xed: {  	[tilespmem:s1+$0x14010] =	vst v1;
	v1 =	vadd.f32 v8, v12  }
0xee: {  	v0 =	vadd.f32 v13, v6;
	[tilespmem:s1+$0x14060] =	vst v3  }
0xef: {  	s12 =	sand.u32 $0xFFFFE000, s0;
	[tilespmem:s1+$0x14040] =	vst v1;
	v1 =	vadd.f32 v2, v19  }
0xf0: {  	s6 =	sadd.s32 $0x0, s12;
	[tilespmem:s1+$0x14030] =	vst v0  }
0xf1: {  	s7 =	sor.u32 $0x4400, s6;
	v0 =	vld [tilespmem:s1+$0xC400];
	[tilespmem:s1+$0x14050] =	vst v1  }
0xf2: {  	v1 =	vld [tilespmem:s7+$0x0];
	_ =	sdelay $0x4  }
0xf3: {  	v0 =	vadd.f32 v1, v0;
	_ =	sdelay $0x1  }
0xf4: {  	[tilespmem:s1+$0x14400] =	vst v0;
	v0 =	vld [tilespmem:s1+$0xC410]  }
0xf5: {  	v1 =	vld [tilespmem:s7+$0x10];
	_ =	sdelay $0x4  }
0xf6: {  	v0 =	vadd.f32 v1, v0;
	_ =	sdelay $0x1  }
0xf7: {  	[tilespmem:s1+$0x14410] =	vst v0;
	v0 =	vld [tilespmem:s1+$0xC420]  }
0xf8: {  	v1 =	vld [tilespmem:s7+$0x20];
	_ =	sdelay $0x4  }
0xf9: {  	v0 =	vadd.f32 v1, v0;
	_ =	sdelay $0x1  }
0xfa: {  	[tilespmem:s1+$0x14420] =	vst v0;
	v0 =	vld [tilespmem:s1+$0xC430]  }
0xfb: {  	v1 =	vld [tilespmem:s7+$0x30];
	_ =	sdelay $0x4  }
0xfc: {  	v0 =	vadd.f32 v1, v0;
	_ =	sdelay $0x1  }
0xfd: {  	[tilespmem:s1+$0x14430] =	vst v0;
	v0 =	vld [tilespmem:s1+$0xC440]  }
0xfe: {  	v1 =	vld [tilespmem:s7+$0x40];
	_ =	sdelay $0x3  }
0xff: {  	v20 =	vld [tilespmem:s1+$0xC800]  }
0x100: {  	v21 =	vld [tilespmem:s1+$0x4820];
	v0 =	vadd.f32 v1, v0  }
0x101: {  	v22 =	vld [tilespmem:s1+$0x4840]  }
0x102: {  	[tilespmem:s1+$0x14440] =	vst v0;
	v0 =	vld [tilespmem:s1+$0xC450]  }
0x103: {  	v3 =	vld [tilespmem:s7+$0x50]  }
0x104: {  	v23 =	vld [tilespmem:s1+$0x4860]  }
0x105: {  	v24 =	vld [tilespmem:s1+$0x4850]  }
0x106: {  	v26 =	vld [tilespmem:s1+$0x4870]  }
0x107: {  	v27 =	vld [tilespmem:s1+$0xC870]  }
0x108: {  	v28 =	vld [tilespmem:s1+$0xC850];
	v0 =	vadd.f32 v3, v0  }
0x109: {  	v29 =	vld [tilespmem:s1+$0xC830]  }
0x10a: {  	[tilespmem:s1+$0x14450] =	vst v0;
	v0 =	vld [tilespmem:s1+$0xC460]  }
0x10b: {  	v25 =	vld [tilespmem:s7+$0x60]  }
0x10c: {  	v30 =	vld [tilespmem:s1+$0xC860]  }
0x10d: {  	v14 =	vld [tilespmem:s1+$0xC840]  }
0x10e: {  	v3 =	vld [tilespmem:s1+$0x4830]  }
0x10f: {  	v32 =	vld [tilespmem:s1+$0xC810]  }
0x110: {  	v1 =	vld [tilespmem:s1+$0x4800];
	v0 =	vadd.f32 v25, v0  }
0x111: {  	v10 =	vadd.f32 v26, v27;
	v2 =	vld [tilespmem:s1+$0x4810]  }
0x112: {  	v8 =	vadd.f32 v24, v28;
	[tilespmem:s1+$0x14460] =	vst v0;
	v0 =	vld [tilespmem:s1+$0xC820]  }
0x113: {  	v3 =	vadd.f32 v3, v29;
	v31 =	vld [tilespmem:s7+$0x70];
	[tilespmem:s1+$0x14870] =	vst v10  }
0x114: {  	v33 =	vld [tilespmem:s1+$0xC470];
	v7 =	vadd.f32 v23, v30;
	[tilespmem:s1+$0x14850] =	vst v8  }
0x115: {  	v1 =	vadd.f32 v1, v20;
	[tilespmem:s1+$0x14830] =	vst v3  }
0x116: {  	v2 =	vadd.f32 v2, v32;
	[tilespmem:s1+$0x14860] =	vst v7  }
0x117: {  	[tilespmem:s1+$0x14800] =	vst v1;
	v0 =	vadd.f32 v21, v0  }
0x118: {  	v3 =	vadd.f32 v22, v14;
	[tilespmem:s1+$0x14810] =	vst v2  }
0x119: {  	[tilespmem:s1+$0x14820] =	vst v0;
	v0 =	vadd.f32 v31, v33  }
0x11a: {  	[tilespmem:s1+$0x14840] =	vst v3  }
0x11b: {  	s13 =	sor.u32 $0x4C00, s6;
	[tilespmem:s1+$0x14470] =	vst v0;
	v0 =	vld [tilespmem:s1+$0xCC00]  }
0x11c: {  	v1 =	vld [tilespmem:s13+$0x0];
	_ =	sdelay $0x4  }
0x11d: {  	v0 =	vadd.f32 v1, v0;
	_ =	sdelay $0x1  }
0x11e: {  	[tilespmem:s1+$0x14C00] =	vst v0;
	v0 =	vld [tilespmem:s1+$0xCC10]  }
0x11f: {  	v1 =	vld [tilespmem:s13+$0x10];
	_ =	sdelay $0x4  }
0x120: {  	v0 =	vadd.f32 v1, v0;
	_ =	sdelay $0x1  }
0x121: {  	[tilespmem:s1+$0x14C10] =	vst v0;
	v0 =	vld [tilespmem:s1+$0xCC20]  }
0x122: {  	v1 =	vld [tilespmem:s13+$0x20];
	_ =	sdelay $0x4  }
0x123: {  	v0 =	vadd.f32 v1, v0;
	_ =	sdelay $0x1  }
0x124: {  	[tilespmem:s1+$0x14C20] =	vst v0;
	v0 =	vld [tilespmem:s1+$0xCC30]  }
0x125: {  	v1 =	vld [tilespmem:s13+$0x30];
	_ =	sdelay $0x4  }
0x126: {  	v0 =	vadd.f32 v1, v0;
	_ =	sdelay $0x1  }
0x127: {  	[tilespmem:s1+$0x14C30] =	vst v0;
	v0 =	vld [tilespmem:s1+$0xCC40]  }
0x128: {  	v1 =	vld [tilespmem:s13+$0x40];
	_ =	sdelay $0x3  }
0x129: {  	v34 =	vld [tilespmem:s1+$0xCC70]  }
0x12a: {  	v35 =	vld [tilespmem:s1+$0x5040];
	v0 =	vadd.f32 v1, v0  }
0x12b: {  	v36 =	vld [tilespmem:s1+$0x5030]  }
0x12c: {  	[tilespmem:s1+$0x14C40] =	vst v0;
	v0 =	vld [tilespmem:s1+$0xCC50]  }
0x12d: {  	v3 =	vld [tilespmem:s13+$0x50]  }
0x12e: {  	v37 =	vld [tilespmem:s1+$0x5020]  }
0x12f: {  	v38 =	vld [tilespmem:s1+$0x5000]  }
0x130: {  	v40 =	vld [tilespmem:s1+$0x5050]  }
0x131: {  	v41 =	vld [tilespmem:s1+$0xD050]  }
0x132: {  	v42 =	vld [tilespmem:s1+$0xD000];
	v0 =	vadd.f32 v3, v0  }
0x133: {  	v43 =	vld [tilespmem:s1+$0xD010]  }
0x134: {  	[tilespmem:s1+$0x14C50] =	vst v0;
	v0 =	vld [tilespmem:s1+$0xCC60]  }
0x135: {  	v39 =	vld [tilespmem:s13+$0x60]  }
0x136: {  	v44 =	vld [tilespmem:s1+$0xD020]  }
0x137: {  	v45 =	vld [tilespmem:s1+$0xD030]  }
0x138: {  	v3 =	vld [tilespmem:s1+$0x5010]  }
0x139: {  	v48 =	vld [tilespmem:s1+$0xD060]  }
0x13a: {  	v1 =	vld [tilespmem:s1+$0x5060];
	v0 =	vadd.f32 v39, v0  }
0x13b: {  	v47 =	vld [tilespmem:s1+$0xD070];
	v10 =	vadd.f32 v40, v41  }
0x13c: {  	v8 =	vadd.f32 v38, v42;
	[tilespmem:s1+$0x14C60] =	vst v0;
	v0 =	vld [tilespmem:s1+$0xD040]  }
0x13d: {  	v3 =	vadd.f32 v3, v43;
	v46 =	vld [tilespmem:s13+$0x70];
	[tilespmem:s1+$0x15050] =	vst v10  }
0x13e: {  	v2 =	vld [tilespmem:s1+$0x5070];
	v7 =	vadd.f32 v37, v44;
	[tilespmem:s1+$0x15000] =	vst v8  }
0x13f: {  	v1 =	vadd.f32 v1, v48;
	[tilespmem:s1+$0x15010] =	vst v3  }
0x140: {  	v3 =	vadd.f32 v36, v45;
	[tilespmem:s1+$0x15020] =	vst v7  }
0x141: {  	[tilespmem:s1+$0x15060] =	vst v1;
	v0 =	vadd.f32 v35, v0  }
0x142: {  	[tilespmem:s1+$0x15030] =	vst v3;
	v4 =	vadd.f32 v46, v34  }
0x143: {  	[tilespmem:s1+$0x15040] =	vst v0;
	v0 =	vadd.f32 v2, v47  }
0x144: {  	[tilespmem:s1+$0x14C70] =	vst v4  }
0x145: {  	s6 =	sor.u32 $0x5400, s6;
	[tilespmem:s1+$0x15070] =	vst v0;
	v0 =	vld [tilespmem:s1+$0xD400]  }
0x146: {  	v1 =	vld [tilespmem:s6+$0x0];
	_ =	sdelay $0x4  }
0x147: {  	v0 =	vadd.f32 v1, v0;
	_ =	sdelay $0x1  }
0x148: {  	[tilespmem:s1+$0x15400] =	vst v0;
	v0 =	vld [tilespmem:s1+$0xD410]  }
0x149: {  	v1 =	vld [tilespmem:s6+$0x10];
	_ =	sdelay $0x4  }
0x14a: {  	v0 =	vadd.f32 v1, v0;
	_ =	sdelay $0x1  }
0x14b: {  	[tilespmem:s1+$0x15410] =	vst v0;
	v0 =	vld [tilespmem:s1+$0xD420]  }
0x14c: {  	v1 =	vld [tilespmem:s6+$0x20];
	_ =	sdelay $0x4  }
0x14d: {  	v0 =	vadd.f32 v1, v0;
	_ =	sdelay $0x1  }
0x14e: {  	[tilespmem:s1+$0x15420] =	vst v0;
	v0 =	vld [tilespmem:s1+$0xD430]  }
0x14f: {  	v1 =	vld [tilespmem:s6+$0x30];
	_ =	sdelay $0x4  }
0x150: {  	v0 =	vadd.f32 v1, v0;
	_ =	sdelay $0x1  }
0x151: {  	[tilespmem:s1+$0x15430] =	vst v0;
	v0 =	vld [tilespmem:s1+$0xD440]  }
0x152: {  	v1 =	vld [tilespmem:s6+$0x40];
	_ =	sdelay $0x3  }
0x153: {  	v49 =	vld [tilespmem:s1+$0xD470]  }
0x154: {  	v50 =	vld [tilespmem:s1+$0x5860];
	v0 =	vadd.f32 v1, v0  }
0x155: {  	v51 =	vld [tilespmem:s1+$0x5870]  }
0x156: {  	[tilespmem:s1+$0x15440] =	vst v0;
	v0 =	vld [tilespmem:s1+$0xD450]  }
0x157: {  	v3 =	vld [tilespmem:s6+$0x50]  }
0x158: {  	v52 =	vld [tilespmem:s1+$0x5800]  }
0x159: {  	v53 =	vld [tilespmem:s1+$0x5810]  }
0x15a: {  	v55 =	vld [tilespmem:s1+$0x5840]  }
0x15b: {  	v56 =	vld [tilespmem:s1+$0xD840]  }
0x15c: {  	v57 =	vld [tilespmem:s1+$0xD810];
	v0 =	vadd.f32 v3, v0  }
0x15d: {  	v58 =	vld [tilespmem:s1+$0xD830]  }
0x15e: {  	[tilespmem:s1+$0x15450] =	vst v0;
	v0 =	vld [tilespmem:s1+$0xD460]  }
0x15f: {  	v54 =	vld [tilespmem:s6+$0x60]  }
0x160: {  	v59 =	vld [tilespmem:s1+$0xD800]  }
0x161: {  	v60 =	vld [tilespmem:s1+$0xD870]  }
0x162: {  	v3 =	vld [tilespmem:s1+$0x5830]  }
0x163: {  	v61 =	vld [tilespmem:s1+$0xD860]  }
0x164: {  	v63 =	vld [tilespmem:s1+$0xD820];
	v0 =	vadd.f32 v54, v0  }
0x165: {  	v8 =	vadd.f32 v53, v57;
	v1 =	vld [tilespmem:s1+$0x5820]  }
0x166: {  	v2 =	vld [tilespmem:s1+$0x5850];
	[tilespmem:s1+$0x15460] =	vst v0;
	v0 =	vadd.f32 v55, v56  }
0x167: {  	v3 =	vadd.f32 v3, v58;
	v62 =	vld [tilespmem:s6+$0x70];
	[tilespmem:s1+$0x15810] =	vst v8  }
0x168: {  	v7 =	vadd.f32 v52, v59;
	[tilespmem:s1+$0x15840] =	vst v0;
	v0 =	vld [tilespmem:s1+$0xD850]  }
0x169: {  	v5 =	vadd.f32 v50, v61;
	[tilespmem:s1+$0x15830] =	vst v3  }
0x16a: {  	v1 =	vadd.f32 v1, v63;
	[tilespmem:s1+$0x15800] =	vst v7  }
0x16b: {  	v3 =	vadd.f32 v51, v60;
	[tilespmem:s1+$0x15860] =	vst v5  }
0x16c: {  	s14 =	sand.u32 $0x7, s0;
	[tilespmem:s1+$0x15820] =	vst v1;
	v4 =	vadd.f32 v62, v49  }
0x16d: {  	s6 =	sshll.u32 s14, $0x7;
	[tilespmem:s1+$0x15870] =	vst v3;
	v0 =	vadd.f32 v2, v0  }
0x16e: {  	s13 =	sadd.s32 $0x0, s6;
	[tilespmem:s1+$0x15470] =	vst v4  }
0x16f: {  	s14 =	sor.u32 s0, s0;
	s7 =	sor.u32 $0x1C00, s13;
	[tilespmem:s1+$0x15850] =	vst v0  }
0x170: {  	s12 =	sor.u32 $0x5C00, s14;
	v0 =	vld [tilespmem:s7+$0xC000]  }
0x171: {  	v1 =	vld [tilespmem:s12+$0x0];
	_ =	sdelay $0x4  }
0x172: {  	v0 =	vadd.f32 v1, v0;
	_ =	sdelay $0x1  }
0x173: {  	s6 =	sor.u32 $0x1C10, s13;
	[tilespmem:s7+$0x14000] =	vst v0  }
0x174: {  	v0 =	vld [tilespmem:s6+$0xC000]  }
0x175: {  	v1 =	vld [tilespmem:s12+$0x10];
	_ =	sdelay $0x4  }
0x176: {  	v0 =	vadd.f32 v1, v0;
	_ =	sdelay $0x1  }
0x177: {  	s7 =	sor.u32 $0x1C20, s13;
	[tilespmem:s6+$0x14000] =	vst v0  }
0x178: {  	v0 =	vld [tilespmem:s7+$0xC000]  }
0x179: {  	v1 =	vld [tilespmem:s12+$0x20];
	_ =	sdelay $0x4  }
0x17a: {  	v0 =	vadd.f32 v1, v0;
	_ =	sdelay $0x1  }
0x17b: {  	s14 =	sor.u32 $0x1C30, s13;
	[tilespmem:s7+$0x14000] =	vst v0  }
0x17c: {  	v0 =	vld [tilespmem:s14+$0xC000]  }
0x17d: {  	v1 =	vld [tilespmem:s12+$0x30];
	_ =	sdelay $0x4  }
0x17e: {  	v0 =	vadd.f32 v1, v0;
	_ =	sdelay $0x1  }
0x17f: {  	[tilespmem:s14+$0x14000] =	vst v0;
	s14 =	sor.u32 $0x1C40, s13  }
0x180: {  	v0 =	vld [tilespmem:s14+$0xC000]  }
0x181: {  	s1 =	simm.s32 $0x400;
	s6 =	simm.s32 $0x0;
	v1 =	vld [tilespmem:s12+$0x40]  }
.LBB2_9:
0x182: {  	_ =	sdelay $0x1  }
0x183: {  	p0 =	sne.s32 s1, $0x3C00;
	s0 =	sadd.s32 $0x80, s0;
	s6 =	sadd.s32 $0x1, s6  }
0x184: {  	s7 =	smov.u32 s1;
	s1 =	sadd.s32 $0x400, s1  }
0x185: {  	v0 =	vadd.f32 v1, v0;
	_ =	sdelay $0x1  }
0x186: {  	[tilespmem:s14+$0x14000] =	vst v0;
	s14 =	sor.u32 $0x1C50, s13  }
0x187: {  	v0 =	vld [tilespmem:s14+$0xC000]  }
0x188: {  	v1 =	vld [tilespmem:s12+$0x50];
	_ =	sdelay $0x4  }
0x189: {  	v0 =	vadd.f32 v1, v0;
	_ =	sdelay $0x1  }
0x18a: {  	[tilespmem:s14+$0x14000] =	vst v0;
	s14 =	sor.u32 $0x1C60, s13  }
0x18b: {  	v0 =	vld [tilespmem:s14+$0xC000]  }
0x18c: {  	v1 =	vld [tilespmem:s12+$0x60];
	_ =	sdelay $0x4  }
0x18d: {  	v0 =	vadd.f32 v1, v0;
	_ =	sdelay $0x1  }
0x18e: {  	s13 =	sor.u32 $0x1C70, s13;
	[tilespmem:s14+$0x14000] =	vst v0  }
0x18f: {  	v0 =	vld [tilespmem:s13+$0xC000]  }
0x190: {  	v1 =	vld [tilespmem:s12+$0x70];
	_ =	sdelay $0x4  }
0x191: {  	v0 =	vadd.f32 v1, v0  }
0x192: {  	s14 =	sand.u32 $0x380, s0;
	s12 =	sand.u32 $0x2000, s7  }
0x193: {  	s12 =	sor.u32 s14, s12;
	[tilespmem:s13+$0x14000] =	vst v0  }
0x194: {  	v0 =	vld [tilespmem:s12+$0x4070]  }
0x195: {  	v1 =	vld [tilespmem:s12+$0xC000]  }
0x196: {  	v2 =	vld [tilespmem:s12+$0x4050]  }
0x197: {  	v3 =	vld [tilespmem:s12+$0x4020]  }
0x198: {  	v4 =	vld [tilespmem:s12+$0x4060]  }
0x199: {  	v5 =	vld [tilespmem:s12+$0xC050]  }
0x19a: {  	v6 =	vld [tilespmem:s12+$0x4000]  }
0x19b: {  	v7 =	vld [tilespmem:s12+$0xC030]  }
0x19c: {  	v8 =	vld [tilespmem:s12+$0xC020]  }
0x19d: {  	v9 =	vld [tilespmem:s12+$0x4030]  }
0x19e: {  	v10 =	vld [tilespmem:s12+$0x4040]  }
0x19f: {  	v11 =	vld [tilespmem:s12+$0x4010]  }
0x1a0: {  	v12 =	vld [tilespmem:s12+$0xC010]  }
0x1a1: {  	v1 =	vadd.f32 v6, v1;
	v6 =	vld [tilespmem:s12+$0xC070]  }
0x1a2: {  	v13 =	vld [tilespmem:s12+$0xC040]  }
0x1a3: {  	v3 =	vadd.f32 v3, v8;
	v8 =	vld [tilespmem:s12+$0xC060];
	_ =	sdelay $0x1  }
0x1a4: {  	[tilespmem:s12+$0x14000] =	vst v1;
	v1 =	vadd.f32 v11, v12  }
0x1a5: {  	v2 =	vadd.f32 v2, v5;
	[tilespmem:s12+$0x14020] =	vst v3;
	v0 =	vadd.f32 v0, v6  }
0x1a6: {  	[tilespmem:s12+$0x14010] =	vst v1;
	v1 =	vadd.f32 v9, v7;
	v3 =	vadd.f32 v10, v13  }
0x1a7: {  	v4 =	vadd.f32 v4, v8;
	[tilespmem:s12+$0x14070] =	vst v0  }
0x1a8: {  	[tilespmem:s12+$0x14040] =	vst v3  }
0x1a9: {  	s13 =	sand.u32 $0xFFFFE000, s7;
	[tilespmem:s12+$0x14060] =	vst v4  }
0x1aa: {  	s13 =	sadd.s32 s13, s0;
	[tilespmem:s12+$0x14030] =	vst v1  }
0x1ab: {  	s14 =	sor.u32 $0x4400, s13;
	[tilespmem:s12+$0x14050] =	vst v2;
	v0 =	vld [tilespmem:s12+$0xC400]  }
0x1ac: {  	v1 =	vld [tilespmem:s14+$0x0];
	_ =	sdelay $0x4  }
0x1ad: {  	v0 =	vadd.f32 v1, v0;
	_ =	sdelay $0x1  }
0x1ae: {  	[tilespmem:s12+$0x14400] =	vst v0;
	v0 =	vld [tilespmem:s12+$0xC410]  }
0x1af: {  	v1 =	vld [tilespmem:s14+$0x10];
	_ =	sdelay $0x4  }
0x1b0: {  	v0 =	vadd.f32 v1, v0;
	_ =	sdelay $0x1  }
0x1b1: {  	[tilespmem:s12+$0x14410] =	vst v0;
	v0 =	vld [tilespmem:s12+$0xC420]  }
0x1b2: {  	v1 =	vld [tilespmem:s14+$0x20];
	_ =	sdelay $0x4  }
0x1b3: {  	v0 =	vadd.f32 v1, v0;
	_ =	sdelay $0x1  }
0x1b4: {  	[tilespmem:s12+$0x14420] =	vst v0;
	v0 =	vld [tilespmem:s12+$0xC430]  }
0x1b5: {  	v1 =	vld [tilespmem:s14+$0x30];
	_ =	sdelay $0x4  }
0x1b6: {  	v0 =	vadd.f32 v1, v0;
	_ =	sdelay $0x1  }
0x1b7: {  	[tilespmem:s12+$0x14430] =	vst v0;
	v0 =	vld [tilespmem:s12+$0xC440]  }
0x1b8: {  	v1 =	vld [tilespmem:s14+$0x40];
	_ =	sdelay $0x3  }
0x1b9: {  	v2 =	vld [tilespmem:s12+$0x4810]  }
0x1ba: {  	v0 =	vadd.f32 v1, v0;
	v1 =	vld [tilespmem:s12+$0x4800]  }
0x1bb: {  	v3 =	vld [tilespmem:s12+$0xC800]  }
0x1bc: {  	[tilespmem:s12+$0x14440] =	vst v0;
	v0 =	vld [tilespmem:s12+$0xC450]  }
0x1bd: {  	v4 =	vld [tilespmem:s14+$0x50]  }
0x1be: {  	v5 =	vld [tilespmem:s12+$0xC470]  }
0x1bf: {  	v6 =	vld [tilespmem:s12+$0x4820]  }
0x1c0: {  	v7 =	vld [tilespmem:s12+$0x4840]  }
0x1c1: {  	v8 =	vld [tilespmem:s12+$0x4860]  }
0x1c2: {  	v0 =	vadd.f32 v4, v0;
	v4 =	vld [tilespmem:s12+$0x4830]  }
0x1c3: {  	v9 =	vld [tilespmem:s12+$0x4850]  }
0x1c4: {  	[tilespmem:s12+$0x14450] =	vst v0;
	v0 =	vld [tilespmem:s12+$0xC460]  }
0x1c5: {  	v10 =	vld [tilespmem:s14+$0x60]  }
0x1c6: {  	v11 =	vld [tilespmem:s12+$0x4870]  }
0x1c7: {  	v12 =	vld [tilespmem:s12+$0xC870]  }
0x1c8: {  	v13 =	vld [tilespmem:s12+$0xC850]  }
0x1c9: {  	v14 =	vld [tilespmem:s12+$0xC830]  }
0x1ca: {  	v0 =	vadd.f32 v10, v0;
	v10 =	vld [tilespmem:s12+$0xC860]  }
0x1cb: {  	v15 =	vld [tilespmem:s12+$0xC840]  }
0x1cc: {  	[tilespmem:s12+$0x14460] =	vst v0;
	v0 =	vld [tilespmem:s12+$0xC820];
	v11 =	vadd.f32 v11, v12  }
0x1cd: {  	v12 =	vld [tilespmem:s14+$0x70];
	v9 =	vadd.f32 v9, v13  }
0x1ce: {  	v13 =	vld [tilespmem:s12+$0xC810];
	v4 =	vadd.f32 v4, v14;
	[tilespmem:s12+$0x14870] =	vst v11  }
0x1cf: {  	[tilespmem:s12+$0x14850] =	vst v9;
	v8 =	vadd.f32 v8, v10  }
0x1d0: {  	[tilespmem:s12+$0x14830] =	vst v4;
	v4 =	vadd.f32 v7, v15  }
0x1d1: {  	v0 =	vadd.f32 v6, v0;
	[tilespmem:s12+$0x14860] =	vst v8  }
0x1d2: {  	v1 =	vadd.f32 v1, v3;
	v5 =	vadd.f32 v12, v5;
	[tilespmem:s12+$0x14840] =	vst v4  }
0x1d3: {  	v2 =	vadd.f32 v2, v13;
	[tilespmem:s12+$0x14820] =	vst v0  }
0x1d4: {  	[tilespmem:s12+$0x14800] =	vst v1  }
0x1d5: {  	[tilespmem:s12+$0x14810] =	vst v2  }
0x1d6: {  	s14 =	sor.u32 $0x4C00, s13;
	[tilespmem:s12+$0x14470] =	vst v5;
	v0 =	vld [tilespmem:s12+$0xCC00]  }
0x1d7: {  	v1 =	vld [tilespmem:s14+$0x0];
	_ =	sdelay $0x4  }
0x1d8: {  	v0 =	vadd.f32 v1, v0;
	_ =	sdelay $0x1  }
0x1d9: {  	[tilespmem:s12+$0x14C00] =	vst v0;
	v0 =	vld [tilespmem:s12+$0xCC10]  }
0x1da: {  	v1 =	vld [tilespmem:s14+$0x10];
	_ =	sdelay $0x4  }
0x1db: {  	v0 =	vadd.f32 v1, v0;
	_ =	sdelay $0x1  }
0x1dc: {  	[tilespmem:s12+$0x14C10] =	vst v0;
	v0 =	vld [tilespmem:s12+$0xCC20]  }
0x1dd: {  	v1 =	vld [tilespmem:s14+$0x20];
	_ =	sdelay $0x4  }
0x1de: {  	v0 =	vadd.f32 v1, v0;
	_ =	sdelay $0x1  }
0x1df: {  	[tilespmem:s12+$0x14C20] =	vst v0;
	v0 =	vld [tilespmem:s12+$0xCC30]  }
0x1e0: {  	v1 =	vld [tilespmem:s14+$0x30];
	_ =	sdelay $0x4  }
0x1e1: {  	v0 =	vadd.f32 v1, v0;
	_ =	sdelay $0x1  }
0x1e2: {  	[tilespmem:s12+$0x14C30] =	vst v0;
	v0 =	vld [tilespmem:s12+$0xCC40]  }
0x1e3: {  	v1 =	vld [tilespmem:s14+$0x40];
	_ =	sdelay $0x4  }
0x1e4: {  	v0 =	vadd.f32 v1, v0;
	v1 =	vld [tilespmem:s12+$0x5060]  }
0x1e5: {  	v2 =	vld [tilespmem:s12+$0x5070]  }
0x1e6: {  	[tilespmem:s12+$0x14C40] =	vst v0;
	v0 =	vld [tilespmem:s12+$0xCC50]  }
0x1e7: {  	v3 =	vld [tilespmem:s14+$0x50]  }
0x1e8: {  	v4 =	vld [tilespmem:s12+$0xCC70]  }
0x1e9: {  	v5 =	vld [tilespmem:s12+$0x5040]  }
0x1ea: {  	v6 =	vld [tilespmem:s12+$0x5030]  }
0x1eb: {  	v7 =	vld [tilespmem:s12+$0x5020]  }
0x1ec: {  	v0 =	vadd.f32 v3, v0;
	v3 =	vld [tilespmem:s12+$0x5010]  }
0x1ed: {  	v8 =	vld [tilespmem:s12+$0x5000]  }
0x1ee: {  	[tilespmem:s12+$0x14C50] =	vst v0;
	v0 =	vld [tilespmem:s12+$0xCC60]  }
0x1ef: {  	v9 =	vld [tilespmem:s14+$0x60]  }
0x1f0: {  	v10 =	vld [tilespmem:s12+$0x5050]  }
0x1f1: {  	v11 =	vld [tilespmem:s12+$0xD050]  }
0x1f2: {  	v12 =	vld [tilespmem:s12+$0xD000]  }
0x1f3: {  	v13 =	vld [tilespmem:s12+$0xD010]  }
0x1f4: {  	v0 =	vadd.f32 v9, v0;
	v9 =	vld [tilespmem:s12+$0xD020]  }
0x1f5: {  	v14 =	vld [tilespmem:s12+$0xD030]  }
0x1f6: {  	[tilespmem:s12+$0x14C60] =	vst v0;
	v0 =	vld [tilespmem:s12+$0xD040];
	v10 =	vadd.f32 v10, v11  }
0x1f7: {  	v11 =	vld [tilespmem:s14+$0x70];
	v8 =	vadd.f32 v8, v12  }
0x1f8: {  	v3 =	vadd.f32 v3, v13;
	[tilespmem:s12+$0x15050] =	vst v10;
	v10 =	vld [tilespmem:s12+$0xD070]  }
0x1f9: {  	[tilespmem:s12+$0x15000] =	vst v8;
	v7 =	vadd.f32 v7, v9;
	v8 =	vld [tilespmem:s12+$0xD060]  }
0x1fa: {  	[tilespmem:s12+$0x15010] =	vst v3;
	v3 =	vadd.f32 v6, v14  }
0x1fb: {  	[tilespmem:s12+$0x15020] =	vst v7;
	v0 =	vadd.f32 v5, v0  }
0x1fc: {  	v4 =	vadd.f32 v11, v4;
	[tilespmem:s12+$0x15030] =	vst v3  }
0x1fd: {  	[tilespmem:s12+$0x15040] =	vst v0;
	v0 =	vadd.f32 v2, v10  }
0x1fe: {  	[tilespmem:s12+$0x14C70] =	vst v4;
	v1 =	vadd.f32 v1, v8  }
0x1ff: {  	[tilespmem:s12+$0x15070] =	vst v0  }
0x200: {  	s13 =	sor.u32 $0x5400, s13;
	[tilespmem:s12+$0x15060] =	vst v1;
	v0 =	vld [tilespmem:s12+$0xD400]  }
0x201: {  	v1 =	vld [tilespmem:s13+$0x0];
	_ =	sdelay $0x4  }
0x202: {  	v0 =	vadd.f32 v1, v0;
	_ =	sdelay $0x1  }
0x203: {  	[tilespmem:s12+$0x15400] =	vst v0;
	v0 =	vld [tilespmem:s12+$0xD410]  }
0x204: {  	v1 =	vld [tilespmem:s13+$0x10];
	_ =	sdelay $0x4  }
0x205: {  	v0 =	vadd.f32 v1, v0;
	_ =	sdelay $0x1  }
0x206: {  	[tilespmem:s12+$0x15410] =	vst v0;
	v0 =	vld [tilespmem:s12+$0xD420]  }
0x207: {  	v1 =	vld [tilespmem:s13+$0x20];
	_ =	sdelay $0x4  }
0x208: {  	v0 =	vadd.f32 v1, v0;
	_ =	sdelay $0x1  }
0x209: {  	[tilespmem:s12+$0x15420] =	vst v0;
	v0 =	vld [tilespmem:s12+$0xD430]  }
0x20a: {  	v1 =	vld [tilespmem:s13+$0x30];
	_ =	sdelay $0x4  }
0x20b: {  	v0 =	vadd.f32 v1, v0;
	_ =	sdelay $0x1  }
0x20c: {  	[tilespmem:s12+$0x15430] =	vst v0;
	v0 =	vld [tilespmem:s12+$0xD440]  }
0x20d: {  	v1 =	vld [tilespmem:s13+$0x40];
	_ =	sdelay $0x4  }
0x20e: {  	v0 =	vadd.f32 v1, v0;
	v1 =	vld [tilespmem:s12+$0x5820]  }
0x20f: {  	v2 =	vld [tilespmem:s12+$0x5850]  }
0x210: {  	[tilespmem:s12+$0x15440] =	vst v0;
	v0 =	vld [tilespmem:s12+$0xD450]  }
0x211: {  	v3 =	vld [tilespmem:s13+$0x50]  }
0x212: {  	v4 =	vld [tilespmem:s12+$0xD470]  }
0x213: {  	v5 =	vld [tilespmem:s12+$0x5860]  }
0x214: {  	v6 =	vld [tilespmem:s12+$0x5870]  }
0x215: {  	v7 =	vld [tilespmem:s12+$0x5800]  }
0x216: {  	v0 =	vadd.f32 v3, v0;
	v3 =	vld [tilespmem:s12+$0x5830]  }
0x217: {  	v8 =	vld [tilespmem:s12+$0x5810]  }
0x218: {  	[tilespmem:s12+$0x15450] =	vst v0;
	v0 =	vld [tilespmem:s12+$0xD460]  }
0x219: {  	v9 =	vld [tilespmem:s13+$0x60]  }
0x21a: {  	v10 =	vld [tilespmem:s12+$0x5840]  }
0x21b: {  	v11 =	vld [tilespmem:s12+$0xD840]  }
0x21c: {  	v12 =	vld [tilespmem:s12+$0xD810]  }
0x21d: {  	v13 =	vld [tilespmem:s12+$0xD830]  }
0x21e: {  	v0 =	vadd.f32 v9, v0;
	v9 =	vld [tilespmem:s12+$0xD800]  }
0x21f: {  	v14 =	vld [tilespmem:s12+$0xD870]  }
0x220: {  	[tilespmem:s12+$0x15460] =	vst v0;
	v0 =	vadd.f32 v10, v11;
	v10 =	vld [tilespmem:s12+$0xD860]  }
0x221: {  	v11 =	vld [tilespmem:s13+$0x70];
	v8 =	vadd.f32 v8, v12  }
0x222: {  	v3 =	vadd.f32 v3, v13;
	[tilespmem:s12+$0x15840] =	vst v0;
	v0 =	vld [tilespmem:s12+$0xD850]  }
0x223: {  	v7 =	vadd.f32 v7, v9;
	[tilespmem:s12+$0x15810] =	vst v8;
	v8 =	vld [tilespmem:s12+$0xD820]  }
0x224: {  	[tilespmem:s12+$0x15830] =	vst v3;
	v3 =	vadd.f32 v6, v14  }
0x225: {  	[tilespmem:s12+$0x15800] =	vst v7;
	v5 =	vadd.f32 v5, v10  }
0x226: {  	v4 =	vadd.f32 v11, v4;
	[tilespmem:s12+$0x15870] =	vst v3  }
0x227: {  	s13 =	sand.u32 $0x7, s6;
	v0 =	vadd.f32 v2, v0;
	[tilespmem:s12+$0x15860] =	vst v5  }
0x228: {  	s13 =	sshll.u32 s13, $0x7;
	[tilespmem:s12+$0x15470] =	vst v4;
	v1 =	vadd.f32 v1, v8  }
0x229: {  	s13 =	sadd.s32 s13, s7;
	[tilespmem:s12+$0x15850] =	vst v0  }
0x22a: {  	s7 =	sor.u32 s7, s0;
	s14 =	sor.u32 $0x1C00, s13;
	[tilespmem:s12+$0x15820] =	vst v1  }
0x22b: {  	s12 =	sor.u32 $0x5C00, s7;
	v0 =	vld [tilespmem:s14+$0xC000]  }
0x22c: {  	v1 =	vld [tilespmem:s12+$0x0];
	_ =	sdelay $0x4  }
0x22d: {  	v0 =	vadd.f32 v1, v0;
	_ =	sdelay $0x1  }
0x22e: {  	s7 =	sor.u32 $0x1C10, s13;
	[tilespmem:s14+$0x14000] =	vst v0  }
0x22f: {  	v0 =	vld [tilespmem:s7+$0xC000]  }
0x230: {  	v1 =	vld [tilespmem:s12+$0x10];
	_ =	sdelay $0x4  }
0x231: {  	v0 =	vadd.f32 v1, v0;
	_ =	sdelay $0x1  }
0x232: {  	[tilespmem:s7+$0x14000] =	vst v0;
	s7 =	sor.u32 $0x1C20, s13  }
0x233: {  	v0 =	vld [tilespmem:s7+$0xC000]  }
0x234: {  	v1 =	vld [tilespmem:s12+$0x20];
	_ =	sdelay $0x4  }
0x235: {  	v0 =	vadd.f32 v1, v0;
	_ =	sdelay $0x1  }
0x236: {  	[tilespmem:s7+$0x14000] =	vst v0;
	s7 =	sor.u32 $0x1C30, s13  }
0x237: {  	v0 =	vld [tilespmem:s7+$0xC000]  }
0x238: {  	v1 =	vld [tilespmem:s12+$0x30];
	_ =	sdelay $0x4  }
.Ltmp6:
0x239: {  	v0 =	vadd.f32 v1, v0;
	(pc) =	sbr.rel @p0 .LBB2_9-.Ltmp6, $4  }
0x23a: {  	_ = 	snop  }
0x23b: {  	s14 =	sor.u32 $0x1C40, s13;
	[tilespmem:s7+$0x14000] =	vst v0  }
0x23c: {  	v0 =	vld [tilespmem:s14+$0xC000]  }
0x23d: {  	v1 =	vld [tilespmem:s12+$0x40]  }
0x23e: {  	_ =	sdelay $0x3  }
0x23f: {  	v0 =	vadd.f32 v1, v0;
	_ =	sdelay $0x1  }
0x240: {  	s0 =	sor.u32 $0x1C50, s13;
	[tilespmem:s14+$0x14000] =	vst v0  }
0x241: {  	v0 =	vld [tilespmem:s0+$0xC000]  }
0x242: {  	v61 =	vld [tilespmem:s12+$0x50];
	_ =	sdelay $0x4  }
0x243: {  	v0 =	vadd.f32 v61, v0;
	_ =	sdelay $0x1  }
0x244: {  	s7 =	sor.u32 $0x1C60, s13;
	[tilespmem:s0+$0x14000] =	vst v0  }
0x245: {  	v0 =	vld [tilespmem:s7+$0xC000]  }
0x246: {  	v62 =	vld [tilespmem:s12+$0x60];
	_ =	sdelay $0x4  }
0x247: {  	v0 =	vadd.f32 v62, v0;
	_ =	sdelay $0x1  }
0x248: {  	s14 =	sor.u32 $0x1C70, s13;
	[tilespmem:s7+$0x14000] =	vst v0  }
0x249: {  	v0 =	vld [tilespmem:s14+$0xC000]  }
0x24a: {  	v63 =	vld [tilespmem:s12+$0x70];
	_ =	sdelay $0x2  }
0x24b: {  	p0 =	seq.s32 s29, $0x3  }
.Ltmp7:
0x24c: {  	_ = 	snop;
	(pc) =	sbr.rel @p0 .LBB2_12-.Ltmp7, $3  }
0x24d: {  	v0 =	vadd.f32 v63, v0;
	_ =	sdelay $0x1  }
0x24e: {  	s31 =	sadd.s32 s31, s10;
	[tilespmem:s14+$0x14000] =	vst v0  }
0x24f: {  	[hbm4b:s31+s3] =	stream.linear.scatter [tilespmem:s25], [sflag:$0x4], $0x4000, $0x38;
	[tilespmem:$0x18000] =	vst v63  }
.Ltmp8:
0x250: {  	(pc) =	sbr.rel .LBB2_2-.Ltmp8, $3  }
0x251: {  	_ =	sdelay $0x1  }
0x252: {  	s0 =	sadd.s32 s30, s11;
	s29 =	sadd.s32 $0x1, s29  }
0x253: {  	[tilespmem:s20], [sflag:$0x2] =	stream.linear.gather [hbm4b:s0+s3], $0x4000, $0x38;
	[tilespmem:$0x18000] =	vst v63  }
.LBB2_12:
0x254: {  	_ =	swait.ge [sflag:s26], $0x4000  }
0x255: {  	[sflag:s26] =	ssyncset.done $0x0  }
0x256: {  	[sflag:s26] =	ssyncadd.s32 $0xFFFFC000  }
0x257: {  	_ =	swait.ge [sflag:s24], $0x4000  }
0x258: {  	[sflag:s24] =	ssyncset.done $0x0  }
0x259: {  	s29 =	simm.s32 $0x0;
	s0 =	rddreg [dreg:$0x6];
	[sflag:s24] =	ssyncadd.s32 $0xFFFFC000  }
0x25a: {  	[tilespmem:s29], [sflag:$0x5] =	stream.linear.gather [hbm4b:s0+s29], $0x8000, $0x38;
	[tilespmem:$0x18000] =	vst v63  }
0x25b: {  	_ =	swait.ge [sflag:s18], $0x8000  }
0x25c: {  	[sflag:s18] =	ssyncset.done $0x0  }
0x25d: {  	s30 =	rddreg [dreg:$0x7];
	[sflag:s18] =	ssyncadd.s32 $0xFFFF8000  }
0x25e: {  	[tilespmem:s19], [sflag:$0x1] =	stream.linear.gather [hbm4b:s30+s29], $0x4000, $0x38;
	[tilespmem:$0x18000] =	vst v63  }
0x25f: {  	s31 =	rddreg [dreg:$0x8]  }
0x260: {  	[tilespmem:s20], [sflag:$0x2] =	stream.linear.gather [hbm4b:s31+s29], $0x4000, $0x38;
	[tilespmem:$0x18000] =	vst v63  }
.LBB2_13:
0x261: {  	_ =	swait.ge [sflag:s21], $0x4000  }
0x262: {  	p0 =	seq.s32 s29, $0x0;
	[sflag:s21] =	ssyncset.done $0x0  }
0x263: {  	s0 =	simm.s32 @!p0 $0x3;
	[sflag:s21] =	ssyncadd.s32 $0xFFFFC000  }
0x264: {  	_ =	swait.ge @!p0 [sflag:s0], $0x4000  }
0x265: {  	s1 =	simm.s32 $0x0;
	s6 =	simm.s32 $0x0;
	[sflag:s0] =	ssyncset.done @!p0 $0x0  }
0x266: {  	s7 =	simm.s32 $0x0;
	[sflag:s0] =	ssyncadd.s32 @!p0 $0xFFFFC000;
	s0 =	simm.s32 $0xFFFFC000  }
.LBB2_14:
0x267: {  	s12 =	sadd.s32 $0x4000, s0  }
0x268: {  	s13 =	sand.u32 $0x380, s7;
	s12 =	sand.u32 $0x2000, s12  }
0x269: {  	s12 =	sor.u32 s13, s12  }
0x26a: {  	v0 =	vld [tilespmem:s12+$0x8000]  }
0x26b: {  	v1 =	vld [tilespmem:s12+$0x0]  }
0x26c: {  	v2 =	vld [tilespmem:s12+$0x8010]  }
0x26d: {  	v3 =	vld [tilespmem:s12+$0x10]  }
0x26e: {  	v4 =	vld [tilespmem:s12+$0x8020]  }
0x26f: {  	v5 =	vld [tilespmem:s12+$0x20]  }
0x270: {  	v6 =	vld [tilespmem:s12+$0x8030]  }
0x271: {  	v7 =	vld [tilespmem:s12+$0x30]  }
0x272: {  	v8 =	vld [tilespmem:s12+$0x8040]  }
0x273: {  	v9 =	vld [tilespmem:s12+$0x40]  }
0x274: {  	v10 =	vld [tilespmem:s12+$0x8050]  }
0x275: {  	v11 =	vld [tilespmem:s12+$0x50]  }
0x276: {  	v12 =	vld [tilespmem:s12+$0x8060]  }
0x277: {  	v13 =	vld [tilespmem:s12+$0x60]  }
0x278: {  	v14 =	vld [tilespmem:s12+$0x8070]  }
0x279: {  	v15 =	vld [tilespmem:s12+$0x70]  }
0x27a: {  	v16 =	vld [tilespmem:s12+$0x8400]  }
0x27b: {  	v17 =	vld [tilespmem:s12+$0x400]  }
0x27c: {  	v18 =	vld [tilespmem:s12+$0x8410]  }
0x27d: {  	v19 =	vld [tilespmem:s12+$0x410]  }
0x27e: {  	v20 =	vld [tilespmem:s12+$0x8420]  }
0x27f: {  	v21 =	vld [tilespmem:s12+$0x420]  }
0x280: {  	v22 =	vld [tilespmem:s12+$0x8430]  }
0x281: {  	v23 =	vld [tilespmem:s12+$0x430]  }
0x282: {  	v24 =	vld [tilespmem:s12+$0x8440]  }
0x283: {  	v25 =	vld [tilespmem:s12+$0x440]  }
0x284: {  	v26 =	vld [tilespmem:s12+$0x8450]  }
0x285: {  	v27 =	vld [tilespmem:s12+$0x450]  }
0x286: {  	v28 =	vld [tilespmem:s12+$0x8460]  }
0x287: {  	v29 =	vld [tilespmem:s12+$0x460]  }
0x288: {  	v30 =	vld [tilespmem:s12+$0x8470]  }
0x289: {  	v31 =	vld [tilespmem:s12+$0x470]  }
0x28a: {  	v32 =	vld [tilespmem:s12+$0x8800]  }
0x28b: {  	v33 =	vld [tilespmem:s12+$0x800]  }
0x28c: {  	v34 =	vld [tilespmem:s12+$0x8810]  }
0x28d: {  	v35 =	vld [tilespmem:s12+$0x810]  }
0x28e: {  	v36 =	vld [tilespmem:s12+$0x8820]  }
0x28f: {  	v37 =	vld [tilespmem:s12+$0x820]  }
0x290: {  	v38 =	vld [tilespmem:s12+$0x8830]  }
0x291: {  	v39 =	vld [tilespmem:s12+$0x830]  }
0x292: {  	v40 =	vld [tilespmem:s12+$0x8840]  }
0x293: {  	v41 =	vld [tilespmem:s12+$0x840]  }
0x294: {  	v42 =	vld [tilespmem:s12+$0x8850]  }
0x295: {  	v43 =	vld [tilespmem:s12+$0x850]  }
0x296: {  	v44 =	vld [tilespmem:s12+$0x8860]  }
0x297: {  	v45 =	vld [tilespmem:s12+$0x860]  }
0x298: {  	v46 =	vld [tilespmem:s12+$0x8870]  }
0x299: {  	v47 =	vld [tilespmem:s12+$0x870]  }
0x29a: {  	v48 =	vld [tilespmem:s12+$0x8C00]  }
0x29b: {  	v49 =	vld [tilespmem:s12+$0xC00]  }
0x29c: {  	v50 =	vld [tilespmem:s12+$0x8C10]  }
0x29d: {  	v51 =	vld [tilespmem:s12+$0xC10]  }
0x29e: {  	v52 =	vld [tilespmem:s12+$0x8C20]  }
0x29f: {  	v53 =	vld [tilespmem:s12+$0xC20]  }
0x2a0: {  	v54 =	vld [tilespmem:s12+$0x8C30]  }
0x2a1: {  	v55 =	vld [tilespmem:s12+$0xC30]  }
0x2a2: {  	v56 =	vld [tilespmem:s12+$0x8C40]  }
0x2a3: {  	v57 =	vld [tilespmem:s12+$0xC40]  }
0x2a4: {  	v58 =	vld [tilespmem:s12+$0x8C50]  }
0x2a5: {  	v59 =	vld [tilespmem:s12+$0xC50]  }
0x2a6: {  	v60 =	vld [tilespmem:s12+$0x8C60]  }
0x2a7: {  	v0 =	vadd.f32 v1, v0;
	v1 =	vld [tilespmem:s12+$0xC60]  }
0x2a8: {  	v2 =	vadd.f32 v3, v2;
	v3 =	vld [tilespmem:s12+$0x8C70]  }
0x2a9: {  	v63 =	vadd.f32 v5, v4;
	v4 =	vld [tilespmem:s12+$0xC70];
	[tilespmem:s12+$0x10000] =	vst v0  }
0x2aa: {  	v61 =	vadd.f32 v7, v6;
	v5 =	vld [tilespmem:s12+$0x9000];
	[tilespmem:s12+$0x10010] =	vst v2  }
0x2ab: {  	v62 =	vadd.f32 v9, v8;
	v6 =	vld [tilespmem:s12+$0x1000];
	[tilespmem:s12+$0x10020] =	vst v63  }
0x2ac: {  	v7 =	vld [tilespmem:s12+$0x9010];
	v13 =	vadd.f32 v13, v12;
	[tilespmem:s12+$0x10030] =	vst v61  }
0x2ad: {  	v8 =	vld [tilespmem:s12+$0x1010];
	v15 =	vadd.f32 v15, v14;
	[tilespmem:s12+$0x10040] =	vst v62  }
0x2ae: {  	v9 =	vld [tilespmem:s12+$0x9020];
	v17 =	vadd.f32 v17, v16;
	[tilespmem:s12+$0x10060] =	vst v13  }
0x2af: {  	v19 =	vadd.f32 v19, v18;
	v12 =	vld [tilespmem:s12+$0x1030];
	[tilespmem:s12+$0x10070] =	vst v15  }
0x2b0: {  	v21 =	vadd.f32 v21, v20;
	v14 =	vld [tilespmem:s12+$0x1040];
	[tilespmem:s12+$0x10400] =	vst v17  }
0x2b1: {  	v23 =	vadd.f32 v23, v22;
	v16 =	vld [tilespmem:s12+$0x1050];
	[tilespmem:s12+$0x10410] =	vst v19  }
0x2b2: {  	v25 =	vadd.f32 v25, v24;
	v20 =	vld [tilespmem:s12+$0x1070];
	[tilespmem:s12+$0x10420] =	vst v21  }
0x2b3: {  	v27 =	vadd.f32 v27, v26;
	v22 =	vld [tilespmem:s12+$0x1400];
	[tilespmem:s12+$0x10430] =	vst v23  }
0x2b4: {  	v29 =	vadd.f32 v29, v28;
	v24 =	vld [tilespmem:s12+$0x1410];
	[tilespmem:s12+$0x10440] =	vst v25  }
0x2b5: {  	v28 =	vadd.f32 v37, v36;
	v37 =	vld [tilespmem:s12+$0x9430];
	[tilespmem:s12+$0x10450] =	vst v27  }
0x2b6: {  	v36 =	vadd.f32 v51, v50;
	v51 =	vld [tilespmem:s12+$0x1460];
	[tilespmem:s12+$0x10460] =	vst v29  }
0x2b7: {  	v63 =	vadd.f32 v11, v10;
	v10 =	vld [tilespmem:s12+$0x1020];
	[tilespmem:s12+$0x10820] =	vst v28  }
0x2b8: {  	v11 =	vld [tilespmem:s12+$0x9030];
	v61 =	vadd.f32 v31, v30;
	[tilespmem:s12+$0x10C10] =	vst v36  }
0x2b9: {  	v13 =	vld [tilespmem:s12+$0x9040];
	v62 =	vadd.f32 v33, v32;
	[tilespmem:s12+$0x10050] =	vst v63  }
0x2ba: {  	v15 =	vld [tilespmem:s12+$0x9050];
	v27 =	vadd.f32 v35, v34;
	[tilespmem:s12+$0x10470] =	vst v61  }
0x2bb: {  	v17 =	vld [tilespmem:s12+$0x9060];
	v29 =	vadd.f32 v39, v38;
	[tilespmem:s12+$0x10800] =	vst v62  }
0x2bc: {  	v19 =	vld [tilespmem:s12+$0x9070];
	v30 =	vadd.f32 v41, v40;
	[tilespmem:s12+$0x10810] =	vst v27  }
0x2bd: {  	v21 =	vld [tilespmem:s12+$0x9400];
	v31 =	vadd.f32 v43, v42;
	[tilespmem:s12+$0x10830] =	vst v29  }
0x2be: {  	v23 =	vld [tilespmem:s12+$0x9410];
	v32 =	vadd.f32 v45, v44;
	[tilespmem:s12+$0x10840] =	vst v30  }
0x2bf: {  	v33 =	vadd.f32 v47, v46;
	v25 =	vld [tilespmem:s12+$0x9420];
	[tilespmem:s12+$0x10850] =	vst v31  }
0x2c0: {  	v34 =	vadd.f32 v49, v48;
	v35 =	vld [tilespmem:s12+$0x1420];
	[tilespmem:s12+$0x10860] =	vst v32  }
0x2c1: {  	v38 =	vadd.f32 v53, v52;
	v39 =	vld [tilespmem:s12+$0x1430];
	[tilespmem:s12+$0x10870] =	vst v33  }
0x2c2: {  	v40 =	vadd.f32 v55, v54;
	v41 =	vld [tilespmem:s12+$0x9440];
	[tilespmem:s12+$0x10C00] =	vst v34  }
0x2c3: {  	v42 =	vadd.f32 v57, v56;
	v43 =	vld [tilespmem:s12+$0x1440];
	[tilespmem:s12+$0x10C20] =	vst v38  }
0x2c4: {  	v44 =	vadd.f32 v59, v58;
	v45 =	vld [tilespmem:s12+$0x9450];
	[tilespmem:s12+$0x10C30] =	vst v40  }
0x2c5: {  	v47 =	vld [tilespmem:s12+$0x1450];
	[tilespmem:s12+$0x10C40] =	vst v42;
	v46 =	vadd.f32 v1, v60  }
0x2c6: {  	v49 =	vld [tilespmem:s12+$0x9460];
	[tilespmem:s12+$0x10C50] =	vst v44;
	v48 =	vadd.f32 v4, v3  }
0x2c7: {  	v53 =	vld [tilespmem:s12+$0x9470];
	v50 =	vadd.f32 v6, v5;
	[tilespmem:s12+$0x10C60] =	vst v46  }
0x2c8: {  	v55 =	vld [tilespmem:s12+$0x1470];
	v52 =	vadd.f32 v8, v7;
	[tilespmem:s12+$0x10C70] =	vst v48  }
0x2c9: {  	v57 =	vld [tilespmem:s12+$0x9800];
	[tilespmem:s12+$0x11000] =	vst v50;
	v54 =	vadd.f32 v10, v9  }
0x2ca: {  	v59 =	vld [tilespmem:s12+$0x1800];
	[tilespmem:s12+$0x11010] =	vst v52;
	v56 =	vadd.f32 v12, v11  }
0x2cb: {  	v36 =	vld [tilespmem:s12+$0x1830];
	v58 =	vadd.f32 v14, v13;
	[tilespmem:s12+$0x11020] =	vst v54  }
0x2cc: {  	v63 =	vld [tilespmem:s12+$0x1060];
	v60 =	vadd.f32 v16, v15;
	[tilespmem:s12+$0x11030] =	vst v56  }
0x2cd: {  	v61 =	vld [tilespmem:s12+$0x9810];
	v19 =	vadd.f32 v20, v19;
	[tilespmem:s12+$0x11040] =	vst v58  }
0x2ce: {  	v32 =	vld [tilespmem:s12+$0x1820];
	v22 =	vadd.f32 v22, v21;
	[tilespmem:s12+$0x11050] =	vst v60  }
0x2cf: {  	v34 =	vld [tilespmem:s12+$0x9830];
	v33 =	vadd.f32 v24, v23;
	[tilespmem:s12+$0x11070] =	vst v19  }
0x2d0: {  	v38 =	vld [tilespmem:s12+$0x9840];
	v35 =	vadd.f32 v35, v25;
	[tilespmem:s12+$0x11400] =	vst v22  }
0x2d1: {  	v40 =	vld [tilespmem:s12+$0x1840];
	v37 =	vadd.f32 v39, v37;
	[tilespmem:s12+$0x11410] =	vst v33  }
0x2d2: {  	v20 =	vld [tilespmem:s12+$0x9820];
	v39 =	vadd.f32 v43, v41;
	[tilespmem:s12+$0x11420] =	vst v35  }
0x2d3: {  	v1 =	vadd.f32 v47, v45;
	v41 =	vld [tilespmem:s12+$0x9850];
	[tilespmem:s12+$0x11430] =	vst v37  }
0x2d4: {  	v42 =	vadd.f32 v51, v49;
	v43 =	vld [tilespmem:s12+$0x1850];
	[tilespmem:s12+$0x11440] =	vst v39  }
0x2d5: {  	v44 =	vadd.f32 v55, v53;
	v45 =	vld [tilespmem:s12+$0x9860];
	[tilespmem:s12+$0x11450] =	vst v1  }
0x2d6: {  	v46 =	vadd.f32 v59, v57;
	v47 =	vld [tilespmem:s12+$0x1860];
	[tilespmem:s12+$0x11460] =	vst v42  }
0x2d7: {  	v49 =	vld [tilespmem:s12+$0x9870];
	v62 =	vadd.f32 v63, v17;
	[tilespmem:s12+$0x11470] =	vst v44  }
0x2d8: {  	v51 =	vld [tilespmem:s12+$0x1870];
	[tilespmem:s12+$0x11800] =	vst v46;
	v52 =	vadd.f32 v36, v34  }
0x2d9: {  	v63 =	vld [tilespmem:s12+$0x1810];
	v53 =	vadd.f32 v40, v38;
	[tilespmem:s12+$0x11060] =	vst v62  }
0x2da: {  	[tilespmem:s12+$0x11830] =	vst v52;
	v50 =	vadd.f32 v32, v20  }
0x2db: {  	[tilespmem:s12+$0x11840] =	vst v53;
	v54 =	vadd.f32 v43, v41  }
0x2dc: {  	v55 =	vadd.f32 v47, v45;
	[tilespmem:s12+$0x11820] =	vst v50  }
0x2dd: {  	s14 =	sand.u32 $0x7, s1;
	v56 =	vadd.f32 v51, v49;
	[tilespmem:s12+$0x11850] =	vst v54  }
0x2de: {  	s13 =	sshll.u32 s14, $0x7;
	v48 =	vadd.f32 v63, v61;
	[tilespmem:s12+$0x11860] =	vst v55  }
0x2df: {  	s13 =	sadd.s32 s13, s6;
	[tilespmem:s12+$0x11870] =	vst v56  }
0x2e0: {  	s30 =	sor.u32 $0x1C00, s13;
	[tilespmem:s12+$0x11810] =	vst v48  }
0x2e1: {  	v0 =	vld [tilespmem:s30+$0x8000]  }
0x2e2: {  	v1 =	vld [tilespmem:s30+$0x0];
	_ =	sdelay $0x4  }
0x2e3: {  	v0 =	vadd.f32 v1, v0;
	_ =	sdelay $0x1  }
0x2e4: {  	s31 =	sor.u32 $0x1C10, s13;
	[tilespmem:s30+$0x10000] =	vst v0  }
0x2e5: {  	v0 =	vld [tilespmem:s31+$0x8000]  }
0x2e6: {  	v57 =	vld [tilespmem:s31+$0x0];
	_ =	sdelay $0x4  }
0x2e7: {  	v0 =	vadd.f32 v57, v0;
	_ =	sdelay $0x1  }
0x2e8: {  	s14 =	sor.u32 $0x1C20, s13;
	[tilespmem:s31+$0x10000] =	vst v0  }
0x2e9: {  	v0 =	vld [tilespmem:s14+$0x8000]  }
0x2ea: {  	v58 =	vld [tilespmem:s14+$0x0];
	_ =	sdelay $0x4  }
0x2eb: {  	v0 =	vadd.f32 v58, v0;
	_ =	sdelay $0x1  }
0x2ec: {  	s30 =	sor.u32 $0x1C30, s13;
	[tilespmem:s14+$0x10000] =	vst v0  }
0x2ed: {  	v0 =	vld [tilespmem:s30+$0x8000]  }
0x2ee: {  	v59 =	vld [tilespmem:s30+$0x0];
	_ =	sdelay $0x4  }
0x2ef: {  	v0 =	vadd.f32 v59, v0;
	_ =	sdelay $0x1  }
0x2f0: {  	s31 =	sor.u32 $0x1C40, s13;
	[tilespmem:s30+$0x10000] =	vst v0  }
0x2f1: {  	v0 =	vld [tilespmem:s31+$0x8000]  }
0x2f2: {  	v60 =	vld [tilespmem:s31+$0x0];
	_ =	sdelay $0x4  }
0x2f3: {  	v0 =	vadd.f32 v60, v0;
	_ =	sdelay $0x1  }
0x2f4: {  	s14 =	sor.u32 $0x1C50, s13;
	[tilespmem:s31+$0x10000] =	vst v0  }
0x2f5: {  	v0 =	vld [tilespmem:s14+$0x8000]  }
0x2f6: {  	v61 =	vld [tilespmem:s14+$0x0];
	_ =	sdelay $0x4  }
0x2f7: {  	v0 =	vadd.f32 v61, v0;
	_ =	sdelay $0x1  }
0x2f8: {  	s30 =	sor.u32 $0x1C60, s13;
	[tilespmem:s14+$0x10000] =	vst v0  }
0x2f9: {  	v0 =	vld [tilespmem:s30+$0x8000]  }
0x2fa: {  	v62 =	vld [tilespmem:s30+$0x0];
	_ =	sdelay $0x4  }
0x2fb: {  	v0 =	vadd.f32 v62, v0;
	_ =	sdelay $0x1  }
0x2fc: {  	s31 =	sor.u32 $0x1C70, s13;
	[tilespmem:s30+$0x10000] =	vst v0  }
0x2fd: {  	v0 =	vld [tilespmem:s31+$0x8000]  }
0x2fe: {  	v63 =	vld [tilespmem:s31+$0x0];
	_ =	sdelay $0x1  }
0x2ff: {  	p1 =	sne.s32 s7, $0x780  }
.Ltmp9:
0x300: {  	_ = 	snop;
	(pc) =	sbr.rel @p1 .LBB2_14-.Ltmp9, $4  }
0x301: {  	_ = 	snop  }
0x302: {  	v0 =	vadd.f32 v63, v0  }
0x303: {  	s1 =	sadd.s32 $0x1, s1  }
0x304: {  	s0 =	sadd.s32 $0x400, s0;
	s7 =	sadd.s32 $0x80, s7;
	s6 =	sadd.s32 $0x400, s6;
	[tilespmem:s31+$0x10000] =	vst v0  }
0x305: {  	p1 =	sne.s32 s29, $0x3  }
.Ltmp10:
0x306: {  	_ = 	snop;
	(pc) =	sbr.rel @p1 .LBB2_17-.Ltmp10, $4  }
0x307: {  	s30 =	sshll.u32 s29, $0x12  }
0x308: {  	s31 =	sor.u32 s9, s30  }
0x309: {  	s0 =	sadd.s32 s2, s31  }
0x30a: {  	[hbm4b:s0+s3] =	stream.linear.scatter [tilespmem:s22], [sflag:$0x3], $0x4000, $0x38;
	[tilespmem:$0x18000] =	vst v63  }
.Ltmp11:
0x30b: {  	(pc) =	sbr.rel .LBB2_18-.Ltmp11, $4  }
0x30c: {  	_ = 	snop  }
0x30d: {  	_ =	swait.ge [sflag:s23], $0x4000  }
0x30e: {  	[sflag:s23] =	ssyncset.done $0x0  }
0x30f: {  	[sflag:s23] =	ssyncadd.s32 $0xFFFFC000  }
.LBB2_17:
.Ltmp12:
0x310: {  	s0 =	sadd.s32 s30, s15;
	(pc) =	sbr.rel @p0 .LBB2_19-.Ltmp12, $4  }
0x311: {  	[tilespmem:s19], [sflag:$0x1] =	stream.linear.gather [hbm4b:s0+s3], $0x4000, $0x38;
	[tilespmem:$0x18000] =	vst v63  }
0x312: {  	_ =	swait.ge [sflag:s23], $0x4000  }
0x313: {  	[sflag:s23] =	ssyncset.done $0x0  }
0x314: {  	[sflag:s23] =	ssyncadd.s32 $0xFFFFC000  }
.LBB2_18:
0x315: {  	_ =	swait.ge [sflag:s24], $0x4000  }
0x316: {  	[sflag:s24] =	ssyncset.done $0x0  }
0x317: {  	[sflag:s24] =	ssyncadd.s32 $0xFFFFC000  }
.LBB2_19:
0x318: {  	s0 =	simm.s32 $0x0  }
0x319: {  	s1 =	sand.u32 $0x2000, s0;
	s6 =	sand.u32 $0x380, s0  }
0x31a: {  	s1 =	sor.u32 s6, s1  }
0x31b: {  	v0 =	vld [tilespmem:s1+$0x4070]  }
0x31c: {  	v1 =	vld [tilespmem:s1+$0xC000]  }
0x31d: {  	v2 =	vld [tilespmem:s1+$0x4050]  }
0x31e: {  	v3 =	vld [tilespmem:s1+$0x4020]  }
0x31f: {  	v4 =	vld [tilespmem:s1+$0x4060]  }
0x320: {  	v5 =	vld [tilespmem:s1+$0x4000]  }
0x321: {  	v6 =	vld [tilespmem:s1+$0xC030]  }
0x322: {  	v7 =	vld [tilespmem:s1+$0xC020]  }
0x323: {  	v8 =	vld [tilespmem:s1+$0x4040]  }
0x324: {  	v9 =	vld [tilespmem:s1+$0x4010]  }
0x325: {  	v11 =	vld [tilespmem:s1+$0xC070]  }
0x326: {  	v10 =	vld [tilespmem:s1+$0xC010]  }
0x327: {  	v18 =	vld [tilespmem:s1+$0xC060]  }
0x328: {  	v12 =	vld [tilespmem:s1+$0xC040];
	v1 =	vadd.f32 v5, v1  }
0x329: {  	v13 =	vld [tilespmem:s1+$0x4030];
	v3 =	vadd.f32 v3, v7  }
0x32a: {  	v19 =	vld [tilespmem:s1+$0xC050];
	v0 =	vadd.f32 v0, v11;
	[tilespmem:s1+$0x14000] =	vst v1  }
0x32b: {  	v1 =	vadd.f32 v9, v10;
	[tilespmem:s1+$0x14020] =	vst v3  }
0x32c: {  	v3 =	vadd.f32 v4, v18;
	[tilespmem:s1+$0x14070] =	vst v0  }
0x32d: {  	[tilespmem:s1+$0x14010] =	vst v1;
	v1 =	vadd.f32 v8, v12  }
0x32e: {  	v0 =	vadd.f32 v13, v6;
	[tilespmem:s1+$0x14060] =	vst v3  }
0x32f: {  	s12 =	sand.u32 $0xFFFFE000, s0;
	[tilespmem:s1+$0x14040] =	vst v1;
	v1 =	vadd.f32 v2, v19  }
0x330: {  	s6 =	sadd.s32 $0x0, s12;
	[tilespmem:s1+$0x14030] =	vst v0  }
0x331: {  	s7 =	sor.u32 $0x4400, s6;
	v0 =	vld [tilespmem:s1+$0xC400];
	[tilespmem:s1+$0x14050] =	vst v1  }
0x332: {  	v1 =	vld [tilespmem:s7+$0x0];
	_ =	sdelay $0x4  }
0x333: {  	v0 =	vadd.f32 v1, v0;
	_ =	sdelay $0x1  }
0x334: {  	[tilespmem:s1+$0x14400] =	vst v0;
	v0 =	vld [tilespmem:s1+$0xC410]  }
0x335: {  	v1 =	vld [tilespmem:s7+$0x10];
	_ =	sdelay $0x4  }
0x336: {  	v0 =	vadd.f32 v1, v0;
	_ =	sdelay $0x1  }
0x337: {  	[tilespmem:s1+$0x14410] =	vst v0;
	v0 =	vld [tilespmem:s1+$0xC420]  }
0x338: {  	v1 =	vld [tilespmem:s7+$0x20];
	_ =	sdelay $0x4  }
0x339: {  	v0 =	vadd.f32 v1, v0;
	_ =	sdelay $0x1  }
0x33a: {  	[tilespmem:s1+$0x14420] =	vst v0;
	v0 =	vld [tilespmem:s1+$0xC430]  }
0x33b: {  	v1 =	vld [tilespmem:s7+$0x30];
	_ =	sdelay $0x4  }
0x33c: {  	v0 =	vadd.f32 v1, v0;
	_ =	sdelay $0x1  }
0x33d: {  	[tilespmem:s1+$0x14430] =	vst v0;
	v0 =	vld [tilespmem:s1+$0xC440]  }
0x33e: {  	v1 =	vld [tilespmem:s7+$0x40];
	_ =	sdelay $0x3  }
0x33f: {  	v20 =	vld [tilespmem:s1+$0xC800]  }
0x340: {  	v21 =	vld [tilespmem:s1+$0x4820];
	v0 =	vadd.f32 v1, v0  }
0x341: {  	v22 =	vld [tilespmem:s1+$0x4840]  }
0x342: {  	[tilespmem:s1+$0x14440] =	vst v0;
	v0 =	vld [tilespmem:s1+$0xC450]  }
0x343: {  	v3 =	vld [tilespmem:s7+$0x50]  }
0x344: {  	v23 =	vld [tilespmem:s1+$0x4860]  }
0x345: {  	v24 =	vld [tilespmem:s1+$0x4850]  }
0x346: {  	v26 =	vld [tilespmem:s1+$0x4870]  }
0x347: {  	v27 =	vld [tilespmem:s1+$0xC870]  }
0x348: {  	v28 =	vld [tilespmem:s1+$0xC850];
	v0 =	vadd.f32 v3, v0  }
0x349: {  	v29 =	vld [tilespmem:s1+$0xC830]  }
0x34a: {  	[tilespmem:s1+$0x14450] =	vst v0;
	v0 =	vld [tilespmem:s1+$0xC460]  }
0x34b: {  	v25 =	vld [tilespmem:s7+$0x60]  }
0x34c: {  	v30 =	vld [tilespmem:s1+$0xC860]  }
0x34d: {  	v14 =	vld [tilespmem:s1+$0xC840]  }
0x34e: {  	v3 =	vld [tilespmem:s1+$0x4830]  }
0x34f: {  	v32 =	vld [tilespmem:s1+$0xC810]  }
0x350: {  	v1 =	vld [tilespmem:s1+$0x4800];
	v0 =	vadd.f32 v25, v0  }
0x351: {  	v10 =	vadd.f32 v26, v27;
	v2 =	vld [tilespmem:s1+$0x4810]  }
0x352: {  	v8 =	vadd.f32 v24, v28;
	[tilespmem:s1+$0x14460] =	vst v0;
	v0 =	vld [tilespmem:s1+$0xC820]  }
0x353: {  	v3 =	vadd.f32 v3, v29;
	v31 =	vld [tilespmem:s7+$0x70];
	[tilespmem:s1+$0x14870] =	vst v10  }
0x354: {  	v33 =	vld [tilespmem:s1+$0xC470];
	v7 =	vadd.f32 v23, v30;
	[tilespmem:s1+$0x14850] =	vst v8  }
0x355: {  	v1 =	vadd.f32 v1, v20;
	[tilespmem:s1+$0x14830] =	vst v3  }
0x356: {  	v2 =	vadd.f32 v2, v32;
	[tilespmem:s1+$0x14860] =	vst v7  }
0x357: {  	[tilespmem:s1+$0x14800] =	vst v1;
	v0 =	vadd.f32 v21, v0  }
0x358: {  	v3 =	vadd.f32 v22, v14;
	[tilespmem:s1+$0x14810] =	vst v2  }
0x359: {  	[tilespmem:s1+$0x14820] =	vst v0;
	v0 =	vadd.f32 v31, v33  }
0x35a: {  	[tilespmem:s1+$0x14840] =	vst v3  }
0x35b: {  	s13 =	sor.u32 $0x4C00, s6;
	[tilespmem:s1+$0x14470] =	vst v0;
	v0 =	vld [tilespmem:s1+$0xCC00]  }
0x35c: {  	v1 =	vld [tilespmem:s13+$0x0];
	_ =	sdelay $0x4  }
0x35d: {  	v0 =	vadd.f32 v1, v0;
	_ =	sdelay $0x1  }
0x35e: {  	[tilespmem:s1+$0x14C00] =	vst v0;
	v0 =	vld [tilespmem:s1+$0xCC10]  }
0x35f: {  	v1 =	vld [tilespmem:s13+$0x10];
	_ =	sdelay $0x4  }
0x360: {  	v0 =	vadd.f32 v1, v0;
	_ =	sdelay $0x1  }
0x361: {  	[tilespmem:s1+$0x14C10] =	vst v0;
	v0 =	vld [tilespmem:s1+$0xCC20]  }
0x362: {  	v1 =	vld [tilespmem:s13+$0x20];
	_ =	sdelay $0x4  }
0x363: {  	v0 =	vadd.f32 v1, v0;
	_ =	sdelay $0x1  }
0x364: {  	[tilespmem:s1+$0x14C20] =	vst v0;
	v0 =	vld [tilespmem:s1+$0xCC30]  }
0x365: {  	v1 =	vld [tilespmem:s13+$0x30];
	_ =	sdelay $0x4  }
0x366: {  	v0 =	vadd.f32 v1, v0;
	_ =	sdelay $0x1  }
0x367: {  	[tilespmem:s1+$0x14C30] =	vst v0;
	v0 =	vld [tilespmem:s1+$0xCC40]  }
0x368: {  	v1 =	vld [tilespmem:s13+$0x40];
	_ =	sdelay $0x3  }
0x369: {  	v34 =	vld [tilespmem:s1+$0xCC70]  }
0x36a: {  	v35 =	vld [tilespmem:s1+$0x5040];
	v0 =	vadd.f32 v1, v0  }
0x36b: {  	v36 =	vld [tilespmem:s1+$0x5030]  }
0x36c: {  	[tilespmem:s1+$0x14C40] =	vst v0;
	v0 =	vld [tilespmem:s1+$0xCC50]  }
0x36d: {  	v3 =	vld [tilespmem:s13+$0x50]  }
0x36e: {  	v37 =	vld [tilespmem:s1+$0x5020]  }
0x36f: {  	v38 =	vld [tilespmem:s1+$0x5000]  }
0x370: {  	v40 =	vld [tilespmem:s1+$0x5050]  }
0x371: {  	v41 =	vld [tilespmem:s1+$0xD050]  }
0x372: {  	v42 =	vld [tilespmem:s1+$0xD000];
	v0 =	vadd.f32 v3, v0  }
0x373: {  	v43 =	vld [tilespmem:s1+$0xD010]  }
0x374: {  	[tilespmem:s1+$0x14C50] =	vst v0;
	v0 =	vld [tilespmem:s1+$0xCC60]  }
0x375: {  	v39 =	vld [tilespmem:s13+$0x60]  }
0x376: {  	v44 =	vld [tilespmem:s1+$0xD020]  }
0x377: {  	v45 =	vld [tilespmem:s1+$0xD030]  }
0x378: {  	v3 =	vld [tilespmem:s1+$0x5010]  }
0x379: {  	v48 =	vld [tilespmem:s1+$0xD060]  }
0x37a: {  	v1 =	vld [tilespmem:s1+$0x5060];
	v0 =	vadd.f32 v39, v0  }
0x37b: {  	v47 =	vld [tilespmem:s1+$0xD070];
	v10 =	vadd.f32 v40, v41  }
0x37c: {  	v8 =	vadd.f32 v38, v42;
	[tilespmem:s1+$0x14C60] =	vst v0;
	v0 =	vld [tilespmem:s1+$0xD040]  }
0x37d: {  	v3 =	vadd.f32 v3, v43;
	v46 =	vld [tilespmem:s13+$0x70];
	[tilespmem:s1+$0x15050] =	vst v10  }
0x37e: {  	v2 =	vld [tilespmem:s1+$0x5070];
	v7 =	vadd.f32 v37, v44;
	[tilespmem:s1+$0x15000] =	vst v8  }
0x37f: {  	v1 =	vadd.f32 v1, v48;
	[tilespmem:s1+$0x15010] =	vst v3  }
0x380: {  	v3 =	vadd.f32 v36, v45;
	[tilespmem:s1+$0x15020] =	vst v7  }
0x381: {  	[tilespmem:s1+$0x15060] =	vst v1;
	v0 =	vadd.f32 v35, v0  }
0x382: {  	[tilespmem:s1+$0x15030] =	vst v3;
	v4 =	vadd.f32 v46, v34  }
0x383: {  	[tilespmem:s1+$0x15040] =	vst v0;
	v0 =	vadd.f32 v2, v47  }
0x384: {  	[tilespmem:s1+$0x14C70] =	vst v4  }
0x385: {  	s6 =	sor.u32 $0x5400, s6;
	[tilespmem:s1+$0x15070] =	vst v0;
	v0 =	vld [tilespmem:s1+$0xD400]  }
0x386: {  	v1 =	vld [tilespmem:s6+$0x0];
	_ =	sdelay $0x4  }
0x387: {  	v0 =	vadd.f32 v1, v0;
	_ =	sdelay $0x1  }
0x388: {  	[tilespmem:s1+$0x15400] =	vst v0;
	v0 =	vld [tilespmem:s1+$0xD410]  }
0x389: {  	v1 =	vld [tilespmem:s6+$0x10];
	_ =	sdelay $0x4  }
0x38a: {  	v0 =	vadd.f32 v1, v0;
	_ =	sdelay $0x1  }
0x38b: {  	[tilespmem:s1+$0x15410] =	vst v0;
	v0 =	vld [tilespmem:s1+$0xD420]  }
0x38c: {  	v1 =	vld [tilespmem:s6+$0x20];
	_ =	sdelay $0x4  }
0x38d: {  	v0 =	vadd.f32 v1, v0;
	_ =	sdelay $0x1  }
0x38e: {  	[tilespmem:s1+$0x15420] =	vst v0;
	v0 =	vld [tilespmem:s1+$0xD430]  }
0x38f: {  	v1 =	vld [tilespmem:s6+$0x30];
	_ =	sdelay $0x4  }
0x390: {  	v0 =	vadd.f32 v1, v0;
	_ =	sdelay $0x1  }
0x391: {  	[tilespmem:s1+$0x15430] =	vst v0;
	v0 =	vld [tilespmem:s1+$0xD440]  }
0x392: {  	v1 =	vld [tilespmem:s6+$0x40];
	_ =	sdelay $0x3  }
0x393: {  	v49 =	vld [tilespmem:s1+$0xD470]  }
0x394: {  	v50 =	vld [tilespmem:s1+$0x5860];
	v0 =	vadd.f32 v1, v0  }
0x395: {  	v51 =	vld [tilespmem:s1+$0x5870]  }
0x396: {  	[tilespmem:s1+$0x15440] =	vst v0;
	v0 =	vld [tilespmem:s1+$0xD450]  }
0x397: {  	v3 =	vld [tilespmem:s6+$0x50]  }
0x398: {  	v52 =	vld [tilespmem:s1+$0x5800]  }
0x399: {  	v53 =	vld [tilespmem:s1+$0x5810]  }
0x39a: {  	v55 =	vld [tilespmem:s1+$0x5840]  }
0x39b: {  	v56 =	vld [tilespmem:s1+$0xD840]  }
0x39c: {  	v57 =	vld [tilespmem:s1+$0xD810];
	v0 =	vadd.f32 v3, v0  }
0x39d: {  	v58 =	vld [tilespmem:s1+$0xD830]  }
0x39e: {  	[tilespmem:s1+$0x15450] =	vst v0;
	v0 =	vld [tilespmem:s1+$0xD460]  }
0x39f: {  	v54 =	vld [tilespmem:s6+$0x60]  }
0x3a0: {  	v59 =	vld [tilespmem:s1+$0xD800]  }
0x3a1: {  	v60 =	vld [tilespmem:s1+$0xD870]  }
0x3a2: {  	v3 =	vld [tilespmem:s1+$0x5830]  }
0x3a3: {  	v61 =	vld [tilespmem:s1+$0xD860]  }
0x3a4: {  	v63 =	vld [tilespmem:s1+$0xD820];
	v0 =	vadd.f32 v54, v0  }
0x3a5: {  	v8 =	vadd.f32 v53, v57;
	v1 =	vld [tilespmem:s1+$0x5820]  }
0x3a6: {  	v2 =	vld [tilespmem:s1+$0x5850];
	[tilespmem:s1+$0x15460] =	vst v0;
	v0 =	vadd.f32 v55, v56  }
0x3a7: {  	v3 =	vadd.f32 v3, v58;
	v62 =	vld [tilespmem:s6+$0x70];
	[tilespmem:s1+$0x15810] =	vst v8  }
0x3a8: {  	v7 =	vadd.f32 v52, v59;
	[tilespmem:s1+$0x15840] =	vst v0;
	v0 =	vld [tilespmem:s1+$0xD850]  }
0x3a9: {  	v5 =	vadd.f32 v50, v61;
	[tilespmem:s1+$0x15830] =	vst v3  }
0x3aa: {  	v1 =	vadd.f32 v1, v63;
	[tilespmem:s1+$0x15800] =	vst v7  }
0x3ab: {  	v3 =	vadd.f32 v51, v60;
	[tilespmem:s1+$0x15860] =	vst v5  }
0x3ac: {  	s14 =	sand.u32 $0x7, s0;
	[tilespmem:s1+$0x15820] =	vst v1;
	v4 =	vadd.f32 v62, v49  }
0x3ad: {  	s6 =	sshll.u32 s14, $0x7;
	[tilespmem:s1+$0x15870] =	vst v3;
	v0 =	vadd.f32 v2, v0  }
0x3ae: {  	s13 =	sadd.s32 $0x0, s6;
	[tilespmem:s1+$0x15470] =	vst v4  }
0x3af: {  	s14 =	sor.u32 s0, s0;
	s7 =	sor.u32 $0x1C00, s13;
	[tilespmem:s1+$0x15850] =	vst v0  }
0x3b0: {  	s12 =	sor.u32 $0x5C00, s14;
	v0 =	vld [tilespmem:s7+$0xC000]  }
0x3b1: {  	v1 =	vld [tilespmem:s12+$0x0];
	_ =	sdelay $0x4  }
0x3b2: {  	v0 =	vadd.f32 v1, v0;
	_ =	sdelay $0x1  }
0x3b3: {  	s6 =	sor.u32 $0x1C10, s13;
	[tilespmem:s7+$0x14000] =	vst v0  }
0x3b4: {  	v0 =	vld [tilespmem:s6+$0xC000]  }
0x3b5: {  	v1 =	vld [tilespmem:s12+$0x10];
	_ =	sdelay $0x4  }
0x3b6: {  	v0 =	vadd.f32 v1, v0;
	_ =	sdelay $0x1  }
0x3b7: {  	s7 =	sor.u32 $0x1C20, s13;
	[tilespmem:s6+$0x14000] =	vst v0  }
0x3b8: {  	v0 =	vld [tilespmem:s7+$0xC000]  }
0x3b9: {  	v1 =	vld [tilespmem:s12+$0x20];
	_ =	sdelay $0x4  }
0x3ba: {  	v0 =	vadd.f32 v1, v0;
	_ =	sdelay $0x1  }
0x3bb: {  	s14 =	sor.u32 $0x1C30, s13;
	[tilespmem:s7+$0x14000] =	vst v0  }
0x3bc: {  	v0 =	vld [tilespmem:s14+$0xC000]  }
0x3bd: {  	v1 =	vld [tilespmem:s12+$0x30];
	_ =	sdelay $0x4  }
0x3be: {  	v0 =	vadd.f32 v1, v0;
	_ =	sdelay $0x1  }
0x3bf: {  	[tilespmem:s14+$0x14000] =	vst v0;
	s14 =	sor.u32 $0x1C40, s13  }
0x3c0: {  	v0 =	vld [tilespmem:s14+$0xC000]  }
0x3c1: {  	s1 =	simm.s32 $0x400;
	s6 =	simm.s32 $0x0;
	v1 =	vld [tilespmem:s12+$0x40]  }
.LBB2_20:
0x3c2: {  	_ =	sdelay $0x1  }
0x3c3: {  	p0 =	sne.s32 s1, $0x3C00;
	s0 =	sadd.s32 $0x80, s0;
	s6 =	sadd.s32 $0x1, s6  }
0x3c4: {  	s7 =	smov.u32 s1;
	s1 =	sadd.s32 $0x400, s1  }
0x3c5: {  	v0 =	vadd.f32 v1, v0;
	_ =	sdelay $0x1  }
0x3c6: {  	[tilespmem:s14+$0x14000] =	vst v0;
	s14 =	sor.u32 $0x1C50, s13  }
0x3c7: {  	v0 =	vld [tilespmem:s14+$0xC000]  }
0x3c8: {  	v1 =	vld [tilespmem:s12+$0x50];
	_ =	sdelay $0x4  }
0x3c9: {  	v0 =	vadd.f32 v1, v0;
	_ =	sdelay $0x1  }
0x3ca: {  	[tilespmem:s14+$0x14000] =	vst v0;
	s14 =	sor.u32 $0x1C60, s13  }
0x3cb: {  	v0 =	vld [tilespmem:s14+$0xC000]  }
0x3cc: {  	v1 =	vld [tilespmem:s12+$0x60];
	_ =	sdelay $0x4  }
0x3cd: {  	v0 =	vadd.f32 v1, v0;
	_ =	sdelay $0x1  }
0x3ce: {  	s13 =	sor.u32 $0x1C70, s13;
	[tilespmem:s14+$0x14000] =	vst v0  }
0x3cf: {  	v0 =	vld [tilespmem:s13+$0xC000]  }
0x3d0: {  	v1 =	vld [tilespmem:s12+$0x70];
	_ =	sdelay $0x4  }
0x3d1: {  	v0 =	vadd.f32 v1, v0  }
0x3d2: {  	s14 =	sand.u32 $0x380, s0;
	s12 =	sand.u32 $0x2000, s7  }
0x3d3: {  	s12 =	sor.u32 s14, s12;
	[tilespmem:s13+$0x14000] =	vst v0  }
0x3d4: {  	v0 =	vld [tilespmem:s12+$0x4070]  }
0x3d5: {  	v1 =	vld [tilespmem:s12+$0xC000]  }
0x3d6: {  	v2 =	vld [tilespmem:s12+$0x4050]  }
0x3d7: {  	v3 =	vld [tilespmem:s12+$0x4020]  }
0x3d8: {  	v4 =	vld [tilespmem:s12+$0x4060]  }
0x3d9: {  	v5 =	vld [tilespmem:s12+$0xC050]  }
0x3da: {  	v6 =	vld [tilespmem:s12+$0x4000]  }
0x3db: {  	v7 =	vld [tilespmem:s12+$0xC030]  }
0x3dc: {  	v8 =	vld [tilespmem:s12+$0xC020]  }
0x3dd: {  	v9 =	vld [tilespmem:s12+$0x4030]  }
0x3de: {  	v10 =	vld [tilespmem:s12+$0x4040]  }
0x3df: {  	v11 =	vld [tilespmem:s12+$0x4010]  }
0x3e0: {  	v12 =	vld [tilespmem:s12+$0xC010]  }
0x3e1: {  	v1 =	vadd.f32 v6, v1;
	v6 =	vld [tilespmem:s12+$0xC070]  }
0x3e2: {  	v13 =	vld [tilespmem:s12+$0xC040]  }
0x3e3: {  	v3 =	vadd.f32 v3, v8;
	v8 =	vld [tilespmem:s12+$0xC060];
	_ =	sdelay $0x1  }
0x3e4: {  	[tilespmem:s12+$0x14000] =	vst v1;
	v1 =	vadd.f32 v11, v12  }
0x3e5: {  	v2 =	vadd.f32 v2, v5;
	[tilespmem:s12+$0x14020] =	vst v3;
	v0 =	vadd.f32 v0, v6  }
0x3e6: {  	[tilespmem:s12+$0x14010] =	vst v1;
	v1 =	vadd.f32 v9, v7;
	v3 =	vadd.f32 v10, v13  }
0x3e7: {  	v4 =	vadd.f32 v4, v8;
	[tilespmem:s12+$0x14070] =	vst v0  }
0x3e8: {  	[tilespmem:s12+$0x14040] =	vst v3  }
0x3e9: {  	s13 =	sand.u32 $0xFFFFE000, s7;
	[tilespmem:s12+$0x14060] =	vst v4  }
0x3ea: {  	s13 =	sadd.s32 s13, s0;
	[tilespmem:s12+$0x14030] =	vst v1  }
0x3eb: {  	s14 =	sor.u32 $0x4400, s13;
	[tilespmem:s12+$0x14050] =	vst v2;
	v0 =	vld [tilespmem:s12+$0xC400]  }
0x3ec: {  	v1 =	vld [tilespmem:s14+$0x0];
	_ =	sdelay $0x4  }
0x3ed: {  	v0 =	vadd.f32 v1, v0;
	_ =	sdelay $0x1  }
0x3ee: {  	[tilespmem:s12+$0x14400] =	vst v0;
	v0 =	vld [tilespmem:s12+$0xC410]  }
0x3ef: {  	v1 =	vld [tilespmem:s14+$0x10];
	_ =	sdelay $0x4  }
0x3f0: {  	v0 =	vadd.f32 v1, v0;
	_ =	sdelay $0x1  }
0x3f1: {  	[tilespmem:s12+$0x14410] =	vst v0;
	v0 =	vld [tilespmem:s12+$0xC420]  }
0x3f2: {  	v1 =	vld [tilespmem:s14+$0x20];
	_ =	sdelay $0x4  }
0x3f3: {  	v0 =	vadd.f32 v1, v0;
	_ =	sdelay $0x1  }
0x3f4: {  	[tilespmem:s12+$0x14420] =	vst v0;
	v0 =	vld [tilespmem:s12+$0xC430]  }
0x3f5: {  	v1 =	vld [tilespmem:s14+$0x30];
	_ =	sdelay $0x4  }
0x3f6: {  	v0 =	vadd.f32 v1, v0;
	_ =	sdelay $0x1  }
0x3f7: {  	[tilespmem:s12+$0x14430] =	vst v0;
	v0 =	vld [tilespmem:s12+$0xC440]  }
0x3f8: {  	v1 =	vld [tilespmem:s14+$0x40];
	_ =	sdelay $0x3  }
0x3f9: {  	v2 =	vld [tilespmem:s12+$0x4810]  }
0x3fa: {  	v0 =	vadd.f32 v1, v0;
	v1 =	vld [tilespmem:s12+$0x4800]  }
0x3fb: {  	v3 =	vld [tilespmem:s12+$0xC800]  }
0x3fc: {  	[tilespmem:s12+$0x14440] =	vst v0;
	v0 =	vld [tilespmem:s12+$0xC450]  }
0x3fd: {  	v4 =	vld [tilespmem:s14+$0x50]  }
0x3fe: {  	v5 =	vld [tilespmem:s12+$0xC470]  }
0x3ff: {  	v6 =	vld [tilespmem:s12+$0x4820]  }
0x400: {  	v7 =	vld [tilespmem:s12+$0x4840]  }
0x401: {  	v8 =	vld [tilespmem:s12+$0x4860]  }
0x402: {  	v0 =	vadd.f32 v4, v0;
	v4 =	vld [tilespmem:s12+$0x4830]  }
0x403: {  	v9 =	vld [tilespmem:s12+$0x4850]  }
0x404: {  	[tilespmem:s12+$0x14450] =	vst v0;
	v0 =	vld [tilespmem:s12+$0xC460]  }
0x405: {  	v10 =	vld [tilespmem:s14+$0x60]  }
0x406: {  	v11 =	vld [tilespmem:s12+$0x4870]  }
0x407: {  	v12 =	vld [tilespmem:s12+$0xC870]  }
0x408: {  	v13 =	vld [tilespmem:s12+$0xC850]  }
0x409: {  	v14 =	vld [tilespmem:s12+$0xC830]  }
0x40a: {  	v0 =	vadd.f32 v10, v0;
	v10 =	vld [tilespmem:s12+$0xC860]  }
0x40b: {  	v15 =	vld [tilespmem:s12+$0xC840]  }
0x40c: {  	[tilespmem:s12+$0x14460] =	vst v0;
	v0 =	vld [tilespmem:s12+$0xC820];
	v11 =	vadd.f32 v11, v12  }
0x40d: {  	v12 =	vld [tilespmem:s14+$0x70];
	v9 =	vadd.f32 v9, v13  }
0x40e: {  	v13 =	vld [tilespmem:s12+$0xC810];
	v4 =	vadd.f32 v4, v14;
	[tilespmem:s12+$0x14870] =	vst v11  }
0x40f: {  	[tilespmem:s12+$0x14850] =	vst v9;
	v8 =	vadd.f32 v8, v10  }
0x410: {  	[tilespmem:s12+$0x14830] =	vst v4;
	v4 =	vadd.f32 v7, v15  }
0x411: {  	v0 =	vadd.f32 v6, v0;
	[tilespmem:s12+$0x14860] =	vst v8  }
0x412: {  	v1 =	vadd.f32 v1, v3;
	v5 =	vadd.f32 v12, v5;
	[tilespmem:s12+$0x14840] =	vst v4  }
0x413: {  	v2 =	vadd.f32 v2, v13;
	[tilespmem:s12+$0x14820] =	vst v0  }
0x414: {  	[tilespmem:s12+$0x14800] =	vst v1  }
0x415: {  	[tilespmem:s12+$0x14810] =	vst v2  }
0x416: {  	s14 =	sor.u32 $0x4C00, s13;
	[tilespmem:s12+$0x14470] =	vst v5;
	v0 =	vld [tilespmem:s12+$0xCC00]  }
0x417: {  	v1 =	vld [tilespmem:s14+$0x0];
	_ =	sdelay $0x4  }
0x418: {  	v0 =	vadd.f32 v1, v0;
	_ =	sdelay $0x1  }
0x419: {  	[tilespmem:s12+$0x14C00] =	vst v0;
	v0 =	vld [tilespmem:s12+$0xCC10]  }
0x41a: {  	v1 =	vld [tilespmem:s14+$0x10];
	_ =	sdelay $0x4  }
0x41b: {  	v0 =	vadd.f32 v1, v0;
	_ =	sdelay $0x1  }
0x41c: {  	[tilespmem:s12+$0x14C10] =	vst v0;
	v0 =	vld [tilespmem:s12+$0xCC20]  }
0x41d: {  	v1 =	vld [tilespmem:s14+$0x20];
	_ =	sdelay $0x4  }
0x41e: {  	v0 =	vadd.f32 v1, v0;
	_ =	sdelay $0x1  }
0x41f: {  	[tilespmem:s12+$0x14C20] =	vst v0;
	v0 =	vld [tilespmem:s12+$0xCC30]  }
0x420: {  	v1 =	vld [tilespmem:s14+$0x30];
	_ =	sdelay $0x4  }
0x421: {  	v0 =	vadd.f32 v1, v0;
	_ =	sdelay $0x1  }
0x422: {  	[tilespmem:s12+$0x14C30] =	vst v0;
	v0 =	vld [tilespmem:s12+$0xCC40]  }
0x423: {  	v1 =	vld [tilespmem:s14+$0x40];
	_ =	sdelay $0x4  }
0x424: {  	v0 =	vadd.f32 v1, v0;
	v1 =	vld [tilespmem:s12+$0x5060]  }
0x425: {  	v2 =	vld [tilespmem:s12+$0x5070]  }
0x426: {  	[tilespmem:s12+$0x14C40] =	vst v0;
	v0 =	vld [tilespmem:s12+$0xCC50]  }
0x427: {  	v3 =	vld [tilespmem:s14+$0x50]  }
0x428: {  	v4 =	vld [tilespmem:s12+$0xCC70]  }
0x429: {  	v5 =	vld [tilespmem:s12+$0x5040]  }
0x42a: {  	v6 =	vld [tilespmem:s12+$0x5030]  }
0x42b: {  	v7 =	vld [tilespmem:s12+$0x5020]  }
0x42c: {  	v0 =	vadd.f32 v3, v0;
	v3 =	vld [tilespmem:s12+$0x5010]  }
0x42d: {  	v8 =	vld [tilespmem:s12+$0x5000]  }
0x42e: {  	[tilespmem:s12+$0x14C50] =	vst v0;
	v0 =	vld [tilespmem:s12+$0xCC60]  }
0x42f: {  	v9 =	vld [tilespmem:s14+$0x60]  }
0x430: {  	v10 =	vld [tilespmem:s12+$0x5050]  }
0x431: {  	v11 =	vld [tilespmem:s12+$0xD050]  }
0x432: {  	v12 =	vld [tilespmem:s12+$0xD000]  }
0x433: {  	v13 =	vld [tilespmem:s12+$0xD010]  }
0x434: {  	v0 =	vadd.f32 v9, v0;
	v9 =	vld [tilespmem:s12+$0xD020]  }
0x435: {  	v14 =	vld [tilespmem:s12+$0xD030]  }
0x436: {  	[tilespmem:s12+$0x14C60] =	vst v0;
	v0 =	vld [tilespmem:s12+$0xD040];
	v10 =	vadd.f32 v10, v11  }
0x437: {  	v11 =	vld [tilespmem:s14+$0x70];
	v8 =	vadd.f32 v8, v12  }
0x438: {  	v3 =	vadd.f32 v3, v13;
	[tilespmem:s12+$0x15050] =	vst v10;
	v10 =	vld [tilespmem:s12+$0xD070]  }
0x439: {  	[tilespmem:s12+$0x15000] =	vst v8;
	v7 =	vadd.f32 v7, v9;
	v8 =	vld [tilespmem:s12+$0xD060]  }
0x43a: {  	[tilespmem:s12+$0x15010] =	vst v3;
	v3 =	vadd.f32 v6, v14  }
0x43b: {  	[tilespmem:s12+$0x15020] =	vst v7;
	v0 =	vadd.f32 v5, v0  }
0x43c: {  	v4 =	vadd.f32 v11, v4;
	[tilespmem:s12+$0x15030] =	vst v3  }
0x43d: {  	[tilespmem:s12+$0x15040] =	vst v0;
	v0 =	vadd.f32 v2, v10  }
0x43e: {  	[tilespmem:s12+$0x14C70] =	vst v4;
	v1 =	vadd.f32 v1, v8  }
0x43f: {  	[tilespmem:s12+$0x15070] =	vst v0  }
0x440: {  	s13 =	sor.u32 $0x5400, s13;
	[tilespmem:s12+$0x15060] =	vst v1;
	v0 =	vld [tilespmem:s12+$0xD400]  }
0x441: {  	v1 =	vld [tilespmem:s13+$0x0];
	_ =	sdelay $0x4  }
0x442: {  	v0 =	vadd.f32 v1, v0;
	_ =	sdelay $0x1  }
0x443: {  	[tilespmem:s12+$0x15400] =	vst v0;
	v0 =	vld [tilespmem:s12+$0xD410]  }
0x444: {  	v1 =	vld [tilespmem:s13+$0x10];
	_ =	sdelay $0x4  }
0x445: {  	v0 =	vadd.f32 v1, v0;
	_ =	sdelay $0x1  }
0x446: {  	[tilespmem:s12+$0x15410] =	vst v0;
	v0 =	vld [tilespmem:s12+$0xD420]  }
0x447: {  	v1 =	vld [tilespmem:s13+$0x20];
	_ =	sdelay $0x4  }
0x448: {  	v0 =	vadd.f32 v1, v0;
	_ =	sdelay $0x1  }
0x449: {  	[tilespmem:s12+$0x15420] =	vst v0;
	v0 =	vld [tilespmem:s12+$0xD430]  }
0x44a: {  	v1 =	vld [tilespmem:s13+$0x30];
	_ =	sdelay $0x4  }
0x44b: {  	v0 =	vadd.f32 v1, v0;
	_ =	sdelay $0x1  }
0x44c: {  	[tilespmem:s12+$0x15430] =	vst v0;
	v0 =	vld [tilespmem:s12+$0xD440]  }
0x44d: {  	v1 =	vld [tilespmem:s13+$0x40];
	_ =	sdelay $0x4  }
0x44e: {  	v0 =	vadd.f32 v1, v0;
	v1 =	vld [tilespmem:s12+$0x5820]  }
0x44f: {  	v2 =	vld [tilespmem:s12+$0x5850]  }
0x450: {  	[tilespmem:s12+$0x15440] =	vst v0;
	v0 =	vld [tilespmem:s12+$0xD450]  }
0x451: {  	v3 =	vld [tilespmem:s13+$0x50]  }
0x452: {  	v4 =	vld [tilespmem:s12+$0xD470]  }
0x453: {  	v5 =	vld [tilespmem:s12+$0x5860]  }
0x454: {  	v6 =	vld [tilespmem:s12+$0x5870]  }
0x455: {  	v7 =	vld [tilespmem:s12+$0x5800]  }
0x456: {  	v0 =	vadd.f32 v3, v0;
	v3 =	vld [tilespmem:s12+$0x5830]  }
0x457: {  	v8 =	vld [tilespmem:s12+$0x5810]  }
0x458: {  	[tilespmem:s12+$0x15450] =	vst v0;
	v0 =	vld [tilespmem:s12+$0xD460]  }
0x459: {  	v9 =	vld [tilespmem:s13+$0x60]  }
0x45a: {  	v10 =	vld [tilespmem:s12+$0x5840]  }
0x45b: {  	v11 =	vld [tilespmem:s12+$0xD840]  }
0x45c: {  	v12 =	vld [tilespmem:s12+$0xD810]  }
0x45d: {  	v13 =	vld [tilespmem:s12+$0xD830]  }
0x45e: {  	v0 =	vadd.f32 v9, v0;
	v9 =	vld [tilespmem:s12+$0xD800]  }
0x45f: {  	v14 =	vld [tilespmem:s12+$0xD870]  }
0x460: {  	[tilespmem:s12+$0x15460] =	vst v0;
	v0 =	vadd.f32 v10, v11;
	v10 =	vld [tilespmem:s12+$0xD860]  }
0x461: {  	v11 =	vld [tilespmem:s13+$0x70];
	v8 =	vadd.f32 v8, v12  }
0x462: {  	v3 =	vadd.f32 v3, v13;
	[tilespmem:s12+$0x15840] =	vst v0;
	v0 =	vld [tilespmem:s12+$0xD850]  }
0x463: {  	v7 =	vadd.f32 v7, v9;
	[tilespmem:s12+$0x15810] =	vst v8;
	v8 =	vld [tilespmem:s12+$0xD820]  }
0x464: {  	[tilespmem:s12+$0x15830] =	vst v3;
	v3 =	vadd.f32 v6, v14  }
0x465: {  	[tilespmem:s12+$0x15800] =	vst v7;
	v5 =	vadd.f32 v5, v10  }
0x466: {  	v4 =	vadd.f32 v11, v4;
	[tilespmem:s12+$0x15870] =	vst v3  }
0x467: {  	s13 =	sand.u32 $0x7, s6;
	v0 =	vadd.f32 v2, v0;
	[tilespmem:s12+$0x15860] =	vst v5  }
0x468: {  	s13 =	sshll.u32 s13, $0x7;
	[tilespmem:s12+$0x15470] =	vst v4;
	v1 =	vadd.f32 v1, v8  }
0x469: {  	s13 =	sadd.s32 s13, s7;
	[tilespmem:s12+$0x15850] =	vst v0  }
0x46a: {  	s7 =	sor.u32 s7, s0;
	s14 =	sor.u32 $0x1C00, s13;
	[tilespmem:s12+$0x15820] =	vst v1  }
0x46b: {  	s12 =	sor.u32 $0x5C00, s7;
	v0 =	vld [tilespmem:s14+$0xC000]  }
0x46c: {  	v1 =	vld [tilespmem:s12+$0x0];
	_ =	sdelay $0x4  }
0x46d: {  	v0 =	vadd.f32 v1, v0;
	_ =	sdelay $0x1  }
0x46e: {  	s7 =	sor.u32 $0x1C10, s13;
	[tilespmem:s14+$0x14000] =	vst v0  }
0x46f: {  	v0 =	vld [tilespmem:s7+$0xC000]  }
0x470: {  	v1 =	vld [tilespmem:s12+$0x10];
	_ =	sdelay $0x4  }
0x471: {  	v0 =	vadd.f32 v1, v0;
	_ =	sdelay $0x1  }
0x472: {  	[tilespmem:s7+$0x14000] =	vst v0;
	s7 =	sor.u32 $0x1C20, s13  }
0x473: {  	v0 =	vld [tilespmem:s7+$0xC000]  }
0x474: {  	v1 =	vld [tilespmem:s12+$0x20];
	_ =	sdelay $0x4  }
0x475: {  	v0 =	vadd.f32 v1, v0;
	_ =	sdelay $0x1  }
0x476: {  	[tilespmem:s7+$0x14000] =	vst v0;
	s7 =	sor.u32 $0x1C30, s13  }
0x477: {  	v0 =	vld [tilespmem:s7+$0xC000]  }
0x478: {  	v1 =	vld [tilespmem:s12+$0x30];
	_ =	sdelay $0x4  }
.Ltmp13:
0x479: {  	v0 =	vadd.f32 v1, v0;
	(pc) =	sbr.rel @p0 .LBB2_20-.Ltmp13, $4  }
0x47a: {  	_ = 	snop  }
0x47b: {  	s14 =	sor.u32 $0x1C40, s13;
	[tilespmem:s7+$0x14000] =	vst v0  }
0x47c: {  	v0 =	vld [tilespmem:s14+$0xC000]  }
0x47d: {  	v1 =	vld [tilespmem:s12+$0x40]  }
0x47e: {  	_ =	sdelay $0x3  }
0x47f: {  	v0 =	vadd.f32 v1, v0;
	_ =	sdelay $0x1  }
0x480: {  	s0 =	sor.u32 $0x1C50, s13;
	[tilespmem:s14+$0x14000] =	vst v0  }
0x481: {  	v0 =	vld [tilespmem:s0+$0xC000]  }
0x482: {  	v61 =	vld [tilespmem:s12+$0x50];
	_ =	sdelay $0x4  }
0x483: {  	v0 =	vadd.f32 v61, v0;
	_ =	sdelay $0x1  }
0x484: {  	s7 =	sor.u32 $0x1C60, s13;
	[tilespmem:s0+$0x14000] =	vst v0  }
0x485: {  	v0 =	vld [tilespmem:s7+$0xC000]  }
0x486: {  	v62 =	vld [tilespmem:s12+$0x60];
	_ =	sdelay $0x4  }
0x487: {  	v0 =	vadd.f32 v62, v0;
	_ =	sdelay $0x1  }
0x488: {  	s14 =	sor.u32 $0x1C70, s13;
	[tilespmem:s7+$0x14000] =	vst v0  }
0x489: {  	v0 =	vld [tilespmem:s14+$0xC000]  }
0x48a: {  	v63 =	vld [tilespmem:s12+$0x70];
	_ =	sdelay $0x2  }
0x48b: {  	p0 =	seq.s32 s29, $0x3  }
.Ltmp14:
0x48c: {  	_ = 	snop;
	(pc) =	sbr.rel @p0 .LBB2_23-.Ltmp14, $3  }
0x48d: {  	v0 =	vadd.f32 v63, v0;
	_ =	sdelay $0x1  }
0x48e: {  	s31 =	sadd.s32 s31, s10;
	[tilespmem:s14+$0x14000] =	vst v0  }
0x48f: {  	[hbm4b:s31+s3] =	stream.linear.scatter [tilespmem:s25], [sflag:$0x4], $0x4000, $0x38;
	[tilespmem:$0x18000] =	vst v63  }
.Ltmp15:
0x490: {  	(pc) =	sbr.rel .LBB2_13-.Ltmp15, $3  }
0x491: {  	_ =	sdelay $0x1  }
0x492: {  	s0 =	sadd.s32 s30, s16;
	s29 =	sadd.s32 $0x1, s29  }
0x493: {  	[tilespmem:s20], [sflag:$0x2] =	stream.linear.gather [hbm4b:s0+s3], $0x4000, $0x38;
	[tilespmem:$0x18000] =	vst v63  }
.LBB2_24:
0x494: {  	_ =	sfence.sel $0x180000  }
0x495: {  	[bflag:$0x0] =	sbarrier.arrive $0xFFFF  }
0x496: {  	_ =	strace $0x90000047  }
0x497: {  	s0 =	stileid.u32;
	[bflag:$0x2] =	sbarrier.arrive $0xFFFF  }
0x498: {  	p0 =	sne.s32 s0, $0x0;
	s0 =	rddreg [dreg:$0x3]  }
0x499: {  	s0 =	sadd.s32 @!p0 $0x100000, s0  }
0x49a: {  	[sflag:s0] =	ssyncadd.tile.s32 @!p0 $0x1;
	_ =	shalt  }
.Lfunc_end2:
_tile_overlayer_lowered:
.L_overlay_start_2:
0x49b: {  	(tag) =	ssettag $0x2  }
0x49c: {  	s0 =	rddreg [dreg:$0x0];
	s2 =	stileid.u32  }
0x49d: {  	s1 =	rddreg [dreg:$0x1];
	p0 =	sne.s32 s2, $0x0  }
0x49e: {  	s3 =	rddreg [dreg:$0x2];
	[bflag:$0x3] =	sbarrier.arrive $0xFFFF;
	s2 =	simm.s32 @!p0 $0x1C05  }
0x49f: {  	[timem:s3], [sflag:s2] =	dma.local @!p0 [hbm:s0], s1  }
0x4a0: {  	s0 =	simm.s32 @!p0 $0x5  }
0x4a1: {  	_ =	swait.ge @!p0 [sflag:s0], s1  }
0x4a2: {  	s1 =	ssub.s32 @!p0 $0x0, s1;
	[sflag:s0] =	ssyncset.done @!p0 $0x0  }
0x4a3: {  	[sflag:s0] =	ssyncadd.s32 @!p0 s1  }
0x4a4: {  	[bflag:$0x3] =	sbarrier.arrive $0xFFFF  }
0x4a5: {  	_ =	shalt  }

</sc_bundles>
